<compile_context>
chip_gen: v7x
topology: tpu7x:2x2x1
jax: 0.10.2.dev20260603
libtpu: 0.0.44.dev20260713+nightly
codegen_flags: <defaults>
</compile_context>

<pallas_src>
import dataclasses
import functools

import jax
import jax.numpy as jnp
from jax.experimental import pallas as pl
from jax.experimental.pallas import tpu as pltpu
from jax.experimental.pallas import tpu_sc as plsc

_B, _C, _H, _W = 16, 3, 512, 512

_NTC = 12
_DEPTH = 6
_NSC = _B - _NTC
_NCORES, _NSUB, _L = 2, 16, 16
_NW = _NCORES * _NSUB
_WPB = _NW // _NSC
_RW = _H // _WPB
_RC = 16
_CHUNKS = _RW // _RC


def _tc_kernel(x_hbm, acc_ref, bufs, sems):
    def copies(b):
        slot = b % _DEPTH
        return [pltpu.make_async_copy(x_hbm.at[b, c], bufs.at[slot, c],
                                      sems.at[slot])
                for c in range(_C)]

    for b in range(min(_DEPTH, _NTC)):
        for cp_ in copies(b):
            cp_.start()

    for b in range(_NTC):
        for cp_ in copies(b):
            cp_.wait()
        x = bufs[b % _DEPTH]
        c0, c1, c2 = x[0], x[1], x[2]

        d1 = c1 - c0
        d2 = c2 - c0
        r1 = jnp.exp(d1)
        r2 = jnp.exp(d2)
        inv = 1.0 / (1.0 + r1 + r2)
        p1sum = jnp.sum(r1 * inv)
        p2sum = jnp.sum(r2 * inv)

        a1 = (d1 > 0.0) & (d1 >= d2)
        a2 = (d2 > 0.0) & (d2 > d1)
        rowhas1 = jnp.any(a1, axis=1)
        rowhas2 = jnp.any(a2, axis=1)

        rows = jax.lax.iota(jnp.int32, _H).astype(jnp.float32)
        big = jnp.float32(_H)
        ymin1 = jnp.min(jnp.where(rowhas1, rows, big))
        ymax1 = jnp.max(jnp.where(rowhas1, rows, -1.0))
        ymin2 = jnp.min(jnp.where(rowhas2, rows, big))
        ymax2 = jnp.max(jnp.where(rowhas2, rows, -1.0))

        lane = jax.lax.broadcasted_iota(jnp.int32, (1, 128), 1)
        vals = jnp.zeros((1, 128), jnp.float32)
        vals = jnp.where(lane == 0, ymin1, vals)
        vals = jnp.where(lane == 1, ymax1, vals)
        vals = jnp.where(lane == 2, ymin2, vals)
        vals = jnp.where(lane == 3, ymax2, vals)
        vals = jnp.where(lane == 4, p1sum, vals)
        vals = jnp.where(lane == 5, p2sum, vals)
        acc_ref[b] = vals
        nb = b + _DEPTH
        if nb < _NTC:
            for cp_ in copies(nb):
                cp_.start()


def _sc_stats(x):
    mesh = plsc.VectorSubcoreMesh(core_axis_name="c", subcore_axis_name="s")
    cp = pltpu.CompilerParams()
    if "needs_layout_passes" in pltpu.CompilerParams.__dataclass_fields__:
        cp = dataclasses.replace(cp, needs_layout_passes=False)

    @functools.partial(
        pl.kernel, mesh=mesh, compiler_params=cp,
        out_type=jax.ShapeDtypeStruct((_NW, 16), jnp.float32),
        scratch_types=[
            pltpu.VMEM((3, _C, _RC, _W), jnp.float32),
            pltpu.VMEM((16,), jnp.float32),
            pltpu.SemaphoreType.DMA,
            pltpu.SemaphoreType.DMA,
            pltpu.SemaphoreType.DMA,
        ],
    )
    def sc_kernel(x_hbm, out_hbm, buf, outv, sem0, sem1, sem2):
        wid = jax.lax.axis_index("c") * _NSUB + jax.lax.axis_index("s")
        b = _NTC + wid // _WPB
        row0 = (wid % _WPB) * _RW
        sems = (sem0, sem1, sem2)

        def issue(k):
            slot = k % 3
            rs = row0 + k * _RC
            return [pltpu.async_copy(x_hbm.at[b, c, pl.ds(rs, _RC), :],
                                     buf.at[slot, c], sems[slot])
                    for c in range(_C)]

        zero = jnp.zeros((16,), jnp.float32)
        mzero = jnp.zeros((16,), jnp.bool_)
        carry = (zero, zero, jnp.float32(_H), jnp.float32(-1.0),
                 jnp.float32(_H), jnp.float32(-1.0))

        queue = [issue(0)]
        if _CHUNKS > 1:
            queue.append(issue(1))
        for k in range(_CHUNKS):
            for cp_ in queue.pop(0):
                cp_.wait()
            slot = k % 3
            rs = row0 + k * _RC

            def row_body(r, cr, slot=slot, rs=rs):
                p1, p2, y1n, y1x, y2n, y2x = cr

                def w_body(wi, cr2):
                    p1, p2, m1a, m2a = cr2
                    w0 = wi * _L
                    v0 = buf[slot, 0, r, pl.ds(w0, _L)]
                    v1 = buf[slot, 1, r, pl.ds(w0, _L)]
                    v2 = buf[slot, 2, r, pl.ds(w0, _L)]
                    d1 = v1 - v0
                    d2 = v2 - v0
                    e1 = jnp.exp(d1)
                    e2 = jnp.exp(d2)
                    inv = 1.0 / (1.0 + e1 + e2)
                    p1 = p1 + e1 * inv
                    p2 = p2 + e2 * inv
                    m1a = m1a | ((d1 > 0.0) & (d1 >= d2))
                    m2a = m2a | ((d2 > 0.0) & (d2 > d1))
                    return (p1, p2, m1a, m2a)

                p1, p2, m1a, m2a = jax.lax.fori_loop(
                    0, _W // _L, w_body, (p1, p2, mzero, mzero))
                rowf = (rs + r).astype(jnp.float32)
                has1 = jnp.any(m1a)
                has2 = jnp.any(m2a)
                y1n = jnp.where(has1, jnp.minimum(y1n, rowf), y1n)
                y1x = jnp.where(has1, rowf, y1x)
                y2n = jnp.where(has2, jnp.minimum(y2n, rowf), y2n)
                y2x = jnp.where(has2, rowf, y2x)
                return (p1, p2, y1n, y1x, y2n, y2x)

            carry = jax.lax.fori_loop(0, _RC, row_body, carry)
            if k + 2 < _CHUNKS:
                queue.append(issue(k + 2))

        p1, p2, y1n, y1x, y2n, y2x = carry
        lane = jax.lax.iota(jnp.int32, 16)
        res = zero
        res = jnp.where(lane == 0, y1n, res)
        res = jnp.where(lane == 1, y1x, res)
        res = jnp.where(lane == 2, y2n, res)
        res = jnp.where(lane == 3, y2x, res)
        res = jnp.where(lane == 4, jnp.sum(p1), res)
        res = jnp.where(lane == 5, jnp.sum(p2), res)
        outv[...] = res
        pltpu.sync_copy(outv, out_hbm.at[wid])

    return sc_kernel(x)


@jax.jit
def kernel(segmentation_mask):
    x = segmentation_mask

    acc = pl.pallas_call(
        _tc_kernel,
        in_specs=[pl.BlockSpec(memory_space=pl.ANY)],
        out_specs=pl.BlockSpec((_NTC, 1, 128), lambda: (0, 0, 0)),
        out_shape=jax.ShapeDtypeStruct((_NTC, 1, 128), jnp.float32),
        scratch_shapes=[
            pltpu.VMEM((_DEPTH, _C, _H, _W), jnp.float32),
            pltpu.SemaphoreType.DMA((_DEPTH,)),
        ],
    )(x)
    acc = acc[:, 0, :]

    sc = _sc_stats(x).reshape(_NSC, _WPB, 16)

    ymin1 = jnp.concatenate([acc[:, 0], jnp.min(sc[:, :, 0], axis=1)])
    ymax1 = jnp.concatenate([acc[:, 1], jnp.max(sc[:, :, 1], axis=1)])
    ymin2 = jnp.concatenate([acc[:, 2], jnp.min(sc[:, :, 2], axis=1)])
    ymax2 = jnp.concatenate([acc[:, 3], jnp.max(sc[:, :, 3], axis=1)])
    p1sum = jnp.concatenate([acc[:, 4], jnp.sum(sc[:, :, 4], axis=1)])
    p2sum = jnp.concatenate([acc[:, 5], jnp.sum(sc[:, :, 5], axis=1)])

    h1 = jnp.where(ymax1 >= 0.0, ymax1 - ymin1, 0.0)
    h2 = jnp.where(ymax2 >= 0.0, ymax2 - ymin2, 0.0)
    cdr = h1 / (h2 + 1e-06)
    scale = 1.0 / (_H * _W)
    cup_mean = p1sum * scale
    disc_mean = p2sum * scale
    return jnp.stack([cdr, disc_mean, cup_mean, disc_mean, cup_mean], axis=1)

# --- scband reference (transcript-rebuilt; emitter-appended) ---
"""Pipeline reference for scband-cdrextractor-38568806318244 (READ-ONLY COPY).

The authoritative reference and input builder live on the scoring server;
editing this copy changes nothing except your own understanding.
"""

import jax, jax.numpy as jnp
import numpy as np


def setup_inputs(seed: int = 0) -> dict:
    key = jax.random.key(seed)
    segmentation_mask = jax.random.normal(key, (16, 3, 512, 512), dtype=jnp.float32)
    return {"segmentation_mask": segmentation_mask}


def reference(segmentation_mask):
    B, C, H, W = segmentation_mask.shape
    pred_mask = jnp.argmax(segmentation_mask, axis=1)  # [B, H, W]

    def get_vertical_bounds(mask, label):
        eq = (mask == label)                      # [B, H, W]
        row_has = jnp.any(eq, axis=2)             # [B, H]
        rows = jnp.arange(H, dtype=jnp.int32)[None, :]
        ymin = jnp.min(jnp.where(row_has, rows, H), axis=1)
        ymax = jnp.max(jnp.where(row_has, rows, -1), axis=1)
        any_label = jnp.any(row_has, axis=1)      # [B]
        ymin = jnp.where(any_label, ymin, 0)
        ymax = jnp.where(any_label, ymax, 0)
        return jnp.stack([ymin, ymax], axis=1).astype(jnp.float32)  # [B, 2]

    cup_bounds = get_vertical_bounds(pred_mask, 1)
    disc_bounds = get_vertical_bounds(pred_mask, 2)
    cup_height = (cup_bounds[:, 1] - cup_bounds[:, 0])[:, None]
    disc_height = (disc_bounds[:, 1] - disc_bounds[:, 0])[:, None]
    cdr = cup_height / (disc_height + 1e-06)

    prob_map = jax.nn.softmax(segmentation_mask, axis=1)
    cup_prob = prob_map[:, 1]   # [B, H, W]
    disc_prob = prob_map[:, 2]  # [B, H, W]

    # cdr_pool = AdaptiveAvgPool2d(1) + Flatten == global mean over (H, W) -> [B, 1]
    disc_pool = jnp.mean(disc_prob, axis=(1, 2))[:, None]
    cup_pool = jnp.mean(cup_prob, axis=(1, 2))[:, None]
    disc_mean = jnp.mean(disc_prob, axis=(1, 2))[:, None]
    cup_mean = jnp.mean(cup_prob, axis=(1, 2))[:, None]

    shape_features = jnp.concatenate([disc_pool, cup_pool, disc_mean, cup_mean], axis=1)
    return jnp.concatenate([cdr, shape_features], axis=1)  # [B, 5]

if __name__ == "__main__":
    import jax
    _d = setup_inputs()
    print(jax.jit(kernel)(*tuple(_d.values())))

</pallas_src>

<mosaic_0001>
#map = affine_map<(d0, d1) -> (0, 0, 0, 0)>
#map1 = affine_map<(d0, d1) -> (0, 0)>
module attributes {stable_mosaic.version = 14 : i64} {
  func.func @sc_kernel(%arg0: i32, %arg1: i32, %arg2: memref<16x3x512x512xf32, #tpu.memory_space<hbm>>, %arg3: memref<32x16xf32, #tpu.memory_space<hbm>>, %arg4: memref<3x3x16x512xf32, #tpu.memory_space<vmem>>, %arg5: memref<16xf32, #tpu.memory_space<vmem>>, %arg6: memref<!tpu.dma_semaphore, #tpu.memory_space<semaphore_mem>>, %arg7: memref<!tpu.dma_semaphore, #tpu.memory_space<semaphore_mem>>, %arg8: memref<!tpu.dma_semaphore, #tpu.memory_space<semaphore_mem>>) attributes {dimension_semantics = [#tpu.dimension_semantics<core_parallel>, #tpu.dimension_semantics<subcore_parallel>], iteration_bounds = array<i64: 2, 16>, scalar_prefetch = 0 : i64, scratch_operands = 5 : i64, tpu.core_type = #tpu.core_type<sc_vector_subcore>, window_params = [{transform_indices = #map}, {transform_indices = #map1}]} {
    %mul3A = arith.constant 16 : i32
    %mul3A_0 = arith.muli %arg0, %mul3A : i32
    %add3A = arith.addi %mul3A_0, %arg1 : i32
    %jit3A = arith.constant 8 : i32
    %div3A = arith.divsi %add3A, %jit3A : i32
    %sign3A = arith.constant 0 : i32
    %sign3A_1 = arith.cmpi sgt, %add3A, %sign3A : i32
    %sign3A_2 = arith.extui %sign3A_1 : i1 to i32
    %sign3A_3 = arith.constant 0 : i32
    %sign3A_4 = arith.cmpi slt, %add3A, %sign3A_3 : i32
    %sign3A_5 = arith.extui %sign3A_4 : i1 to i32
    %sign3A_6 = arith.subi %sign3A_2, %sign3A_5 : i32
    %sign3A_7 = arith.constant 0 : i32
    %sign3A_8 = arith.cmpi sgt, %jit3A, %sign3A_7 : i32
    %sign3A_9 = arith.extui %sign3A_8 : i1 to i32
    %sign3A_10 = arith.constant 0 : i32
    %sign3A_11 = arith.cmpi slt, %jit3A, %sign3A_10 : i32
    %sign3A_12 = arith.extui %sign3A_11 : i1 to i32
    %sign3A_13 = arith.subi %sign3A_9, %sign3A_12 : i32
    %ne3A = arith.cmpi ne, %sign3A_6, %sign3A_13 : i32
    %rem3A = arith.remsi %add3A, %jit3A : i32
    %ne3A_14 = arith.constant 0 : i32
    %ne3A_15 = arith.cmpi ne, %rem3A, %ne3A_14 : i32
    %and3A = arith.andi %ne3A, %ne3A_15 : i1
    %sub3A = arith.constant 1 : i32
    %sub3A_16 = arith.subi %div3A, %sub3A : i32
    %select_n3A = arith.select %and3A, %sub3A_16, %div3A : i32
    %add3A_17 = arith.constant 12 : i32
    %add3A_18 = arith.addi %add3A_17, %select_n3A : i32
    %jit3A_19 = arith.constant 8 : i32
    %eq3A = arith.constant 0 : i32
    %eq3A_20 = arith.cmpi eq, %jit3A_19, %eq3A : i32
    %jit3A_21 = arith.constant 1 : i32
    %select_n3A_22 = arith.select %eq3A_20, %jit3A_21, %jit3A_19 : i32
    %rem3A_23 = arith.remsi %add3A, %select_n3A_22 : i32
    %ne3A_24 = arith.constant 0 : i32
    %ne3A_25 = arith.cmpi ne, %rem3A_23, %ne3A_24 : i32
    %lt3A = arith.constant 0 : i32
    %lt3A_26 = arith.cmpi slt, %rem3A_23, %lt3A : i32
    %lt3A_27 = arith.constant 0 : i32
    %lt3A_28 = arith.cmpi slt, %select_n3A_22, %lt3A_27 : i32
    %ne3A_29 = arith.xori %lt3A_26, %lt3A_28 : i1
    %and3A_30 = arith.andi %ne3A_29, %ne3A_25 : i1
    %add3A_31 = arith.addi %rem3A_23, %select_n3A_22 : i32
    %select_n3A_32 = arith.select %and3A_30, %add3A_31, %rem3A_23 : i32
    %mul3A_33 = arith.constant 64 : i32
    %mul3A_34 = arith.muli %select_n3A_32, %mul3A_33 : i32
    %broadcast_in_dim3A = arith.constant 0.000000e+00 : f32
    %broadcast_in_dim3A_35 = vector.broadcast %broadcast_in_dim3A : f32 to vector<16xf32>
    %broadcast_in_dim3A_36 = arith.constant false
    %broadcast_in_dim3A_37 = vector.broadcast %broadcast_in_dim3A_36 : i1 to vector<16xi1>
    %add3A_38 = arith.constant 0 : i32
    %add3A_39 = arith.addi %mul3A_34, %add3A_38 : i32
    %dma_start3A = arith.constant 0 : i32
    %dma_start3A_40 = arith.constant 0 : i32
    %dma_start3A_41 = arith.constant 0 : i32
    %dma_start3A_42 = arith.constant 0 : i32
    %dma_start3A_43 = arith.constant 0 : i32
    %dma_start3A_44 = tpu.memref_slice %arg4[%dma_start3A_40, %dma_start3A_41, %dma_start3A_42, %dma_start3A_43] : memref<3x3x16x512xf32, #tpu.memory_space<vmem>> -> memref<1x1x16x512xf32, #tpu.memory_space<vmem>>
    %dma_start3A_45 = tpu.memref_squeeze %dma_start3A_44 : memref<1x1x16x512xf32, #tpu.memory_space<vmem>> -> memref<16x512xf32, #tpu.memory_space<vmem>>
    %dma_start3A_46 = arith.constant 0 : i32
    %dma_start3A_47 = tpu.memref_slice %arg2[%add3A_18, %dma_start3A, %add3A_39, %dma_start3A_46] : memref<16x3x512x512xf32, #tpu.memory_space<hbm>> -> memref<1x1x16x512xf32, #tpu.memory_space<hbm>>
    %dma_start3A_48 = tpu.memref_squeeze %dma_start3A_47 : memref<1x1x16x512xf32, #tpu.memory_space<hbm>> -> memref<16x512xf32, #tpu.memory_space<hbm>>
    %dma_start3A_49 = arith.constant 0 : i32
    %dma_start3A_50 = arith.constant 0 : i32
    %dma_start3A_51 = tpu.memref_slice %arg4[%dma_start3A_40, %dma_start3A_41, %dma_start3A_49, %dma_start3A_50] : memref<3x3x16x512xf32, #tpu.memory_space<vmem>> -> memref<1x1x16x512xf32, #tpu.memory_space<vmem>>
    %dma_start3A_52 = tpu.memref_squeeze %dma_start3A_51 : memref<1x1x16x512xf32, #tpu.memory_space<vmem>> -> memref<16x512xf32, #tpu.memory_space<vmem>>
    %dma_start3A_53 = arith.constant 0 : i32
    %dma_start3A_54 = tpu.memref_slice %arg2[%add3A_18, %dma_start3A, %add3A_39, %dma_start3A_53] : memref<16x3x512x512xf32, #tpu.memory_space<hbm>> -> memref<1x1x16x512xf32, #tpu.memory_space<hbm>>
    %dma_start3A_55 = tpu.memref_squeeze %dma_start3A_54 : memref<1x1x16x512xf32, #tpu.memory_space<hbm>> -> memref<16x512xf32, #tpu.memory_space<hbm>>
    tpu.enqueue_dma source(%dma_start3A_55 : memref<16x512xf32, #tpu.memory_space<hbm>>) target(%dma_start3A_52 : memref<16x512xf32, #tpu.memory_space<vmem>>) target_semaphore(%arg6 : memref<!tpu.dma_semaphore, #tpu.memory_space<semaphore_mem>>)
    %dma_start3A_56 = arith.constant 1 : i32
    %dma_start3A_57 = arith.constant 0 : i32
    %dma_start3A_58 = arith.constant 1 : i32
    %dma_start3A_59 = arith.constant 0 : i32
    %dma_start3A_60 = arith.constant 0 : i32
    %dma_start3A_61 = tpu.memref_slice %arg4[%dma_start3A_57, %dma_start3A_58, %dma_start3A_59, %dma_start3A_60] : memref<3x3x16x512xf32, #tpu.memory_space<vmem>> -> memref<1x1x16x512xf32, #tpu.memory_space<vmem>>
    %dma_start3A_62 = tpu.memref_squeeze %dma_start3A_61 : memref<1x1x16x512xf32, #tpu.memory_space<vmem>> -> memref<16x512xf32, #tpu.memory_space<vmem>>
    %dma_start3A_63 = arith.constant 0 : i32
    %dma_start3A_64 = tpu.memref_slice %arg2[%add3A_18, %dma_start3A_56, %add3A_39, %dma_start3A_63] : memref<16x3x512x512xf32, #tpu.memory_space<hbm>> -> memref<1x1x16x512xf32, #tpu.memory_space<hbm>>
    %dma_start3A_65 = tpu.memref_squeeze %dma_start3A_64 : memref<1x1x16x512xf32, #tpu.memory_space<hbm>> -> memref<16x512xf32, #tpu.memory_space<hbm>>
    %dma_start3A_66 = arith.constant 0 : i32
    %dma_start3A_67 = arith.constant 0 : i32
    %dma_start3A_68 = tpu.memref_slice %arg4[%dma_start3A_57, %dma_start3A_58, %dma_start3A_66, %dma_start3A_67] : memref<3x3x16x512xf32, #tpu.memory_space<vmem>> -> memref<1x1x16x512xf32, #tpu.memory_space<vmem>>
    %dma_start3A_69 = tpu.memref_squeeze %dma_start3A_68 : memref<1x1x16x512xf32, #tpu.memory_space<vmem>> -> memref<16x512xf32, #tpu.memory_space<vmem>>
    %dma_start3A_70 = arith.constant 0 : i32
    %dma_start3A_71 = tpu.memref_slice %arg2[%add3A_18, %dma_start3A_56, %add3A_39, %dma_start3A_70] : memref<16x3x512x512xf32, #tpu.memory_space<hbm>> -> memref<1x1x16x512xf32, #tpu.memory_space<hbm>>
    %dma_start3A_72 = tpu.memref_squeeze %dma_start3A_71 : memref<1x1x16x512xf32, #tpu.memory_space<hbm>> -> memref<16x512xf32, #tpu.memory_space<hbm>>
    tpu.enqueue_dma source(%dma_start3A_72 : memref<16x512xf32, #tpu.memory_space<hbm>>) target(%dma_start3A_69 : memref<16x512xf32, #tpu.memory_space<vmem>>) target_semaphore(%arg6 : memref<!tpu.dma_semaphore, #tpu.memory_space<semaphore_mem>>)
    %dma_start3A_73 = arith.constant 2 : i32
    %dma_start3A_74 = arith.constant 0 : i32
    %dma_start3A_75 = arith.constant 2 : i32
    %dma_start3A_76 = arith.constant 0 : i32
    %dma_start3A_77 = arith.constant 0 : i32
    %dma_start3A_78 = tpu.memref_slice %arg4[%dma_start3A_74, %dma_start3A_75, %dma_start3A_76, %dma_start3A_77] : memref<3x3x16x512xf32, #tpu.memory_space<vmem>> -> memref<1x1x16x512xf32, #tpu.memory_space<vmem>>
    %dma_start3A_79 = tpu.memref_squeeze %dma_start3A_78 : memref<1x1x16x512xf32, #tpu.memory_space<vmem>> -> memref<16x512xf32, #tpu.memory_space<vmem>>
    %dma_start3A_80 = arith.constant 0 : i32
    %dma_start3A_81 = tpu.memref_slice %arg2[%add3A_18, %dma_start3A_73, %add3A_39, %dma_start3A_80] : memref<16x3x512x512xf32, #tpu.memory_space<hbm>> -> memref<1x1x16x512xf32, #tpu.memory_space<hbm>>
    %dma_start3A_82 = tpu.memref_squeeze %dma_start3A_81 : memref<1x1x16x512xf32, #tpu.memory_space<hbm>> -> memref<16x512xf32, #tpu.memory_space<hbm>>
    %dma_start3A_83 = arith.constant 0 : i32
    %dma_start3A_84 = arith.constant 0 : i32
    %dma_start3A_85 = tpu.memref_slice %arg4[%dma_start3A_74, %dma_start3A_75, %dma_start3A_83, %dma_start3A_84] : memref<3x3x16x512xf32, #tpu.memory_space<vmem>> -> memref<1x1x16x512xf32, #tpu.memory_space<vmem>>
    %dma_start3A_86 = tpu.memref_squeeze %dma_start3A_85 : memref<1x1x16x512xf32, #tpu.memory_space<vmem>> -> memref<16x512xf32, #tpu.memory_space<vmem>>
    %dma_start3A_87 = arith.constant 0 : i32
    %dma_start3A_88 = tpu.memref_slice %arg2[%add3A_18, %dma_start3A_73, %add3A_39, %dma_start3A_87] : memref<16x3x512x512xf32, #tpu.memory_space<hbm>> -> memref<1x1x16x512xf32, #tpu.memory_space<hbm>>
    %dma_start3A_89 = tpu.memref_squeeze %dma_start3A_88 : memref<1x1x16x512xf32, #tpu.memory_space<hbm>> -> memref<16x512xf32, #tpu.memory_space<hbm>>
    tpu.enqueue_dma source(%dma_start3A_89 : memref<16x512xf32, #tpu.memory_space<hbm>>) target(%dma_start3A_86 : memref<16x512xf32, #tpu.memory_space<vmem>>) target_semaphore(%arg6 : memref<!tpu.dma_semaphore, #tpu.memory_space<semaphore_mem>>)
    %add3A_90 = arith.constant 16 : i32
    %add3A_91 = arith.addi %mul3A_34, %add3A_90 : i32
    %dma_start3A_92 = arith.constant 0 : i32
    %dma_start3A_93 = arith.constant 1 : i32
    %dma_start3A_94 = arith.constant 0 : i32
    %dma_start3A_95 = arith.constant 0 : i32
    %dma_start3A_96 = arith.constant 0 : i32
    %dma_start3A_97 = tpu.memref_slice %arg4[%dma_start3A_93, %dma_start3A_94, %dma_start3A_95, %dma_start3A_96] : memref<3x3x16x512xf32, #tpu.memory_space<vmem>> -> memref<1x1x16x512xf32, #tpu.memory_space<vmem>>
    %dma_start3A_98 = tpu.memref_squeeze %dma_start3A_97 : memref<1x1x16x512xf32, #tpu.memory_space<vmem>> -> memref<16x512xf32, #tpu.memory_space<vmem>>
    %dma_start3A_99 = arith.constant 0 : i32
    %dma_start3A_100 = tpu.memref_slice %arg2[%add3A_18, %dma_start3A_92, %add3A_91, %dma_start3A_99] : memref<16x3x512x512xf32, #tpu.memory_space<hbm>> -> memref<1x1x16x512xf32, #tpu.memory_space<hbm>>
    %dma_start3A_101 = tpu.memref_squeeze %dma_start3A_100 : memref<1x1x16x512xf32, #tpu.memory_space<hbm>> -> memref<16x512xf32, #tpu.memory_space<hbm>>
    %dma_start3A_102 = arith.constant 0 : i32
    %dma_start3A_103 = arith.constant 0 : i32
    %dma_start3A_104 = tpu.memref_slice %arg4[%dma_start3A_93, %dma_start3A_94, %dma_start3A_102, %dma_start3A_103] : memref<3x3x16x512xf32, #tpu.memory_space<vmem>> -> memref<1x1x16x512xf32, #tpu.memory_space<vmem>>
    %dma_start3A_105 = tpu.memref_squeeze %dma_start3A_104 : memref<1x1x16x512xf32, #tpu.memory_space<vmem>> -> memref<16x512xf32, #tpu.memory_space<vmem>>
    %dma_start3A_106 = arith.constant 0 : i32
    %dma_start3A_107 = tpu.memref_slice %arg2[%add3A_18, %dma_start3A_92, %add3A_91, %dma_start3A_106] : memref<16x3x512x512xf32, #tpu.memory_space<hbm>> -> memref<1x1x16x512xf32, #tpu.memory_space<hbm>>
    %dma_start3A_108 = tpu.memref_squeeze %dma_start3A_107 : memref<1x1x16x512xf32, #tpu.memory_space<hbm>> -> memref<16x512xf32, #tpu.memory_space<hbm>>
    tpu.enqueue_dma source(%dma_start3A_108 : memref<16x512xf32, #tpu.memory_space<hbm>>) target(%dma_start3A_105 : memref<16x512xf32, #tpu.memory_space<vmem>>) target_semaphore(%arg7 : memref<!tpu.dma_semaphore, #tpu.memory_space<semaphore_mem>>)
    %dma_start3A_109 = arith.constant 1 : i32
    %dma_start3A_110 = arith.constant 1 : i32
    %dma_start3A_111 = arith.constant 1 : i32
    %dma_start3A_112 = arith.constant 0 : i32
    %dma_start3A_113 = arith.constant 0 : i32
    %dma_start3A_114 = tpu.memref_slice %arg4[%dma_start3A_110, %dma_start3A_111, %dma_start3A_112, %dma_start3A_113] : memref<3x3x16x512xf32, #tpu.memory_space<vmem>> -> memref<1x1x16x512xf32, #tpu.memory_space<vmem>>
    %dma_start3A_115 = tpu.memref_squeeze %dma_start3A_114 : memref<1x1x16x512xf32, #tpu.memory_space<vmem>> -> memref<16x512xf32, #tpu.memory_space<vmem>>
    %dma_start3A_116 = arith.constant 0 : i32
    %dma_start3A_117 = tpu.memref_slice %arg2[%add3A_18, %dma_start3A_109, %add3A_91, %dma_start3A_116] : memref<16x3x512x512xf32, #tpu.memory_space<hbm>> -> memref<1x1x16x512xf32, #tpu.memory_space<hbm>>
    %dma_start3A_118 = tpu.memref_squeeze %dma_start3A_117 : memref<1x1x16x512xf32, #tpu.memory_space<hbm>> -> memref<16x512xf32, #tpu.memory_space<hbm>>
    %dma_start3A_119 = arith.constant 0 : i32
    %dma_start3A_120 = arith.constant 0 : i32
    %dma_start3A_121 = tpu.memref_slice %arg4[%dma_start3A_110, %dma_start3A_111, %dma_start3A_119, %dma_start3A_120] : memref<3x3x16x512xf32, #tpu.memory_space<vmem>> -> memref<1x1x16x512xf32, #tpu.memory_space<vmem>>
    %dma_start3A_122 = tpu.memref_squeeze %dma_start3A_121 : memref<1x1x16x512xf32, #tpu.memory_space<vmem>> -> memref<16x512xf32, #tpu.memory_space<vmem>>
    %dma_start3A_123 = arith.constant 0 : i32
    %dma_start3A_124 = tpu.memref_slice %arg2[%add3A_18, %dma_start3A_109, %add3A_91, %dma_start3A_123] : memref<16x3x512x512xf32, #tpu.memory_space<hbm>> -> memref<1x1x16x512xf32, #tpu.memory_space<hbm>>
    %dma_start3A_125 = tpu.memref_squeeze %dma_start3A_124 : memref<1x1x16x512xf32, #tpu.memory_space<hbm>> -> memref<16x512xf32, #tpu.memory_space<hbm>>
    tpu.enqueue_dma source(%dma_start3A_125 : memref<16x512xf32, #tpu.memory_space<hbm>>) target(%dma_start3A_122 : memref<16x512xf32, #tpu.memory_space<vmem>>) target_semaphore(%arg7 : memref<!tpu.dma_semaphore, #tpu.memory_space<semaphore_mem>>)
    %dma_start3A_126 = arith.constant 2 : i32
    %dma_start3A_127 = arith.constant 1 : i32
    %dma_start3A_128 = arith.constant 2 : i32
    %dma_start3A_129 = arith.constant 0 : i32
    %dma_start3A_130 = arith.constant 0 : i32
    %dma_start3A_131 = tpu.memref_slice %arg4[%dma_start3A_127, %dma_start3A_128, %dma_start3A_129, %dma_start3A_130] : memref<3x3x16x512xf32, #tpu.memory_space<vmem>> -> memref<1x1x16x512xf32, #tpu.memory_space<vmem>>
    %dma_start3A_132 = tpu.memref_squeeze %dma_start3A_131 : memref<1x1x16x512xf32, #tpu.memory_space<vmem>> -> memref<16x512xf32, #tpu.memory_space<vmem>>
    %dma_start3A_133 = arith.constant 0 : i32
    %dma_start3A_134 = tpu.memref_slice %arg2[%add3A_18, %dma_start3A_126, %add3A_91, %dma_start3A_133] : memref<16x3x512x512xf32, #tpu.memory_space<hbm>> -> memref<1x1x16x512xf32, #tpu.memory_space<hbm>>
    %dma_start3A_135 = tpu.memref_squeeze %dma_start3A_134 : memref<1x1x16x512xf32, #tpu.memory_space<hbm>> -> memref<16x512xf32, #tpu.memory_space<hbm>>
    %dma_start3A_136 = arith.constant 0 : i32
    %dma_start3A_137 = arith.constant 0 : i32
    %dma_start3A_138 = tpu.memref_slice %arg4[%dma_start3A_127, %dma_start3A_128, %dma_start3A_136, %dma_start3A_137] : memref<3x3x16x512xf32, #tpu.memory_space<vmem>> -> memref<1x1x16x512xf32, #tpu.memory_space<vmem>>
    %dma_start3A_139 = tpu.memref_squeeze %dma_start3A_138 : memref<1x1x16x512xf32, #tpu.memory_space<vmem>> -> memref<16x512xf32, #tpu.memory_space<vmem>>
    %dma_start3A_140 = arith.constant 0 : i32
    %dma_start3A_141 = tpu.memref_slice %arg2[%add3A_18, %dma_start3A_126, %add3A_91, %dma_start3A_140] : memref<16x3x512x512xf32, #tpu.memory_space<hbm>> -> memref<1x1x16x512xf32, #tpu.memory_space<hbm>>
    %dma_start3A_142 = tpu.memref_squeeze %dma_start3A_141 : memref<1x1x16x512xf32, #tpu.memory_space<hbm>> -> memref<16x512xf32, #tpu.memory_space<hbm>>
    tpu.enqueue_dma source(%dma_start3A_142 : memref<16x512xf32, #tpu.memory_space<hbm>>) target(%dma_start3A_139 : memref<16x512xf32, #tpu.memory_space<vmem>>) target_semaphore(%arg7 : memref<!tpu.dma_semaphore, #tpu.memory_space<semaphore_mem>>)
    %dma_wait3A = arith.constant 0 : i32
    %dma_wait3A_143 = arith.constant 0 : i32
    %dma_wait3A_144 = arith.constant 0 : i32
    %dma_wait3A_145 = arith.constant 0 : i32
    %dma_wait3A_146 = arith.constant 0 : i32
    %dma_wait3A_147 = tpu.memref_slice %arg4[%dma_wait3A_143, %dma_wait3A_144, %dma_wait3A_145, %dma_wait3A_146] : memref<3x3x16x512xf32, #tpu.memory_space<vmem>> -> memref<1x1x16x512xf32, #tpu.memory_space<vmem>>
    %dma_wait3A_148 = tpu.memref_squeeze %dma_wait3A_147 : memref<1x1x16x512xf32, #tpu.memory_space<vmem>> -> memref<16x512xf32, #tpu.memory_space<vmem>>
    %dma_wait3A_149 = arith.constant 0 : i32
    %dma_wait3A_150 = tpu.memref_slice %arg2[%add3A_18, %dma_wait3A, %add3A_39, %dma_wait3A_149] : memref<16x3x512x512xf32, #tpu.memory_space<hbm>> -> memref<1x1x16x512xf32, #tpu.memory_space<hbm>>
    %dma_wait3A_151 = tpu.memref_squeeze %dma_wait3A_150 : memref<1x1x16x512xf32, #tpu.memory_space<hbm>> -> memref<16x512xf32, #tpu.memory_space<hbm>>
    %dma_wait3A_152 = arith.constant 0 : i32
    %dma_wait3A_153 = arith.constant 0 : i32
    %dma_wait3A_154 = tpu.memref_slice %arg4[%dma_wait3A_143, %dma_wait3A_144, %dma_wait3A_152, %dma_wait3A_153] : memref<3x3x16x512xf32, #tpu.memory_space<vmem>> -> memref<1x1x16x512xf32, #tpu.memory_space<vmem>>
    %dma_wait3A_155 = tpu.memref_squeeze %dma_wait3A_154 : memref<1x1x16x512xf32, #tpu.memory_space<vmem>> -> memref<16x512xf32, #tpu.memory_space<vmem>>
    %dma_wait3A_156 = arith.constant 0 : i32
    %dma_wait3A_157 = tpu.memref_slice %arg2[%add3A_18, %dma_wait3A, %add3A_39, %dma_wait3A_156] : memref<16x3x512x512xf32, #tpu.memory_space<hbm>> -> memref<1x1x16x512xf32, #tpu.memory_space<hbm>>
    %dma_wait3A_158 = tpu.memref_squeeze %dma_wait3A_157 : memref<1x1x16x512xf32, #tpu.memory_space<hbm>> -> memref<16x512xf32, #tpu.memory_space<hbm>>
    tpu.wait_dma2 semaphore(%arg6 : memref<!tpu.dma_semaphore, #tpu.memory_space<semaphore_mem>>) src(%dma_wait3A_158 : memref<16x512xf32, #tpu.memory_space<hbm>>) dst(%dma_wait3A_155 : memref<16x512xf32, #tpu.memory_space<vmem>>)
    %dma_wait3A_159 = arith.constant 1 : i32
    %dma_wait3A_160 = arith.constant 0 : i32
    %dma_wait3A_161 = arith.constant 1 : i32
    %dma_wait3A_162 = arith.constant 0 : i32
    %dma_wait3A_163 = arith.constant 0 : i32
    %dma_wait3A_164 = tpu.memref_slice %arg4[%dma_wait3A_160, %dma_wait3A_161, %dma_wait3A_162, %dma_wait3A_163] : memref<3x3x16x512xf32, #tpu.memory_space<vmem>> -> memref<1x1x16x512xf32, #tpu.memory_space<vmem>>
    %dma_wait3A_165 = tpu.memref_squeeze %dma_wait3A_164 : memref<1x1x16x512xf32, #tpu.memory_space<vmem>> -> memref<16x512xf32, #tpu.memory_space<vmem>>
    %dma_wait3A_166 = arith.constant 0 : i32
    %dma_wait3A_167 = tpu.memref_slice %arg2[%add3A_18, %dma_wait3A_159, %add3A_39, %dma_wait3A_166] : memref<16x3x512x512xf32, #tpu.memory_space<hbm>> -> memref<1x1x16x512xf32, #tpu.memory_space<hbm>>
    %dma_wait3A_168 = tpu.memref_squeeze %dma_wait3A_167 : memref<1x1x16x512xf32, #tpu.memory_space<hbm>> -> memref<16x512xf32, #tpu.memory_space<hbm>>
    %dma_wait3A_169 = arith.constant 0 : i32
    %dma_wait3A_170 = arith.constant 0 : i32
    %dma_wait3A_171 = tpu.memref_slice %arg4[%dma_wait3A_160, %dma_wait3A_161, %dma_wait3A_169, %dma_wait3A_170] : memref<3x3x16x512xf32, #tpu.memory_space<vmem>> -> memref<1x1x16x512xf32, #tpu.memory_space<vmem>>
    %dma_wait3A_172 = tpu.memref_squeeze %dma_wait3A_171 : memref<1x1x16x512xf32, #tpu.memory_space<vmem>> -> memref<16x512xf32, #tpu.memory_space<vmem>>
    %dma_wait3A_173 = arith.constant 0 : i32
    %dma_wait3A_174 = tpu.memref_slice %arg2[%add3A_18, %dma_wait3A_159, %add3A_39, %dma_wait3A_173] : memref<16x3x512x512xf32, #tpu.memory_space<hbm>> -> memref<1x1x16x512xf32, #tpu.memory_space<hbm>>
    %dma_wait3A_175 = tpu.memref_squeeze %dma_wait3A_174 : memref<1x1x16x512xf32, #tpu.memory_space<hbm>> -> memref<16x512xf32, #tpu.memory_space<hbm>>
    tpu.wait_dma2 semaphore(%arg6 : memref<!tpu.dma_semaphore, #tpu.memory_space<semaphore_mem>>) src(%dma_wait3A_175 : memref<16x512xf32, #tpu.memory_space<hbm>>) dst(%dma_wait3A_172 : memref<16x512xf32, #tpu.memory_space<vmem>>)
    %dma_wait3A_176 = arith.constant 2 : i32
    %dma_wait3A_177 = arith.constant 0 : i32
    %dma_wait3A_178 = arith.constant 2 : i32
    %dma_wait3A_179 = arith.constant 0 : i32
    %dma_wait3A_180 = arith.constant 0 : i32
    %dma_wait3A_181 = tpu.memref_slice %arg4[%dma_wait3A_177, %dma_wait3A_178, %dma_wait3A_179, %dma_wait3A_180] : memref<3x3x16x512xf32, #tpu.memory_space<vmem>> -> memref<1x1x16x512xf32, #tpu.memory_space<vmem>>
    %dma_wait3A_182 = tpu.memref_squeeze %dma_wait3A_181 : memref<1x1x16x512xf32, #tpu.memory_space<vmem>> -> memref<16x512xf32, #tpu.memory_space<vmem>>
    %dma_wait3A_183 = arith.constant 0 : i32
    %dma_wait3A_184 = tpu.memref_slice %arg2[%add3A_18, %dma_wait3A_176, %add3A_39, %dma_wait3A_183] : memref<16x3x512x512xf32, #tpu.memory_space<hbm>> -> memref<1x1x16x512xf32, #tpu.memory_space<hbm>>
    %dma_wait3A_185 = tpu.memref_squeeze %dma_wait3A_184 : memref<1x1x16x512xf32, #tpu.memory_space<hbm>> -> memref<16x512xf32, #tpu.memory_space<hbm>>
    %dma_wait3A_186 = arith.constant 0 : i32
    %dma_wait3A_187 = arith.constant 0 : i32
    %dma_wait3A_188 = tpu.memref_slice %arg4[%dma_wait3A_177, %dma_wait3A_178, %dma_wait3A_186, %dma_wait3A_187] : memref<3x3x16x512xf32, #tpu.memory_space<vmem>> -> memref<1x1x16x512xf32, #tpu.memory_space<vmem>>
    %dma_wait3A_189 = tpu.memref_squeeze %dma_wait3A_188 : memref<1x1x16x512xf32, #tpu.memory_space<vmem>> -> memref<16x512xf32, #tpu.memory_space<vmem>>
    %dma_wait3A_190 = arith.constant 0 : i32
    %dma_wait3A_191 = tpu.memref_slice %arg2[%add3A_18, %dma_wait3A_176, %add3A_39, %dma_wait3A_190] : memref<16x3x512x512xf32, #tpu.memory_space<hbm>> -> memref<1x1x16x512xf32, #tpu.memory_space<hbm>>
    %dma_wait3A_192 = tpu.memref_squeeze %dma_wait3A_191 : memref<1x1x16x512xf32, #tpu.memory_space<hbm>> -> memref<16x512xf32, #tpu.memory_space<hbm>>
    tpu.wait_dma2 semaphore(%arg6 : memref<!tpu.dma_semaphore, #tpu.memory_space<semaphore_mem>>) src(%dma_wait3A_192 : memref<16x512xf32, #tpu.memory_space<hbm>>) dst(%dma_wait3A_189 : memref<16x512xf32, #tpu.memory_space<vmem>>)
    %add3A_193 = arith.constant 0 : i32
    %add3A_194 = arith.addi %mul3A_34, %add3A_193 : i32
    %scan3A = arith.constant 5.120000e+02 : f32
    %scan3A_195 = arith.constant -1.000000e+00 : f32
    %scan3A_196 = arith.constant 5.120000e+02 : f32
    %scan3A_197 = arith.constant -1.000000e+00 : f32
    %scan3A_198 = arith.constant 0 : i32
    %scan3A_199 = arith.constant 16 : i32
    %scan3A_200 = arith.addi %scan3A_198, %scan3A_199 : i32
    %scan3A_201 = arith.constant 1 : i32
    %scan3A_202:6 = scf.for %scan3A_525 = %scan3A_198 to %scan3A_200 step %scan3A_201 iter_args(%scan3A_526 = %broadcast_in_dim3A_35, %scan3A_527 = %broadcast_in_dim3A_35, %scan3A_528 = %scan3A, %scan3A_529 = %scan3A_195, %scan3A_530 = %scan3A_196, %scan3A_531 = %scan3A_197) -> (vector<16xf32>, vector<16xf32>, f32, f32, f32, f32)  : i32 {
      %scan3A_532 = arith.constant 0 : i32
      %scan3A_533 = arith.constant 32 : i32
      %scan3A_534 = arith.addi %scan3A_532, %scan3A_533 : i32
      %scan3A_535 = arith.constant 1 : i32
      %scan3A_536:4 = scf.for %scan3A_565 = %scan3A_532 to %scan3A_534 step %scan3A_535 iter_args(%scan3A_566 = %scan3A_526, %scan3A_567 = %scan3A_527, %scan3A_568 = %broadcast_in_dim3A_37, %scan3A_569 = %broadcast_in_dim3A_37) -> (vector<16xf32>, vector<16xf32>, vector<16xi1>, vector<16xi1>)  : i32 {
        %mul3A_570 = arith.constant 16 : i32
        %mul3A_571 = arith.muli %scan3A_565, %mul3A_570 : i32
        %get3A = arith.constant 0 : i32
        %get3A_572 = arith.constant 0 : i32
        %get3A_573 = arith.index_cast %get3A : i32 to index
        %get3A_574 = arith.index_cast %get3A_572 : i32 to index
        %get3A_575 = arith.index_cast %scan3A_525 : i32 to index
        %get3A_576 = arith.index_cast %mul3A_571 : i32 to index
        %get3A_577 = tpu.vector_load %arg4[%get3A_573, %get3A_574, %get3A_575, %get3A_576] {strides = array<i32>} : memref<3x3x16x512xf32, #tpu.memory_space<vmem>>, vector<16xf32>,
        %get3A_578 = arith.constant 0 : i32
        %get3A_579 = arith.constant 1 : i32
        %get3A_580 = arith.index_cast %get3A_578 : i32 to index
        %get3A_581 = arith.index_cast %get3A_579 : i32 to index
        %get3A_582 = arith.index_cast %scan3A_525 : i32 to index
        %get3A_583 = arith.index_cast %mul3A_571 : i32 to index
        %get3A_584 = tpu.vector_load %arg4[%get3A_580, %get3A_581, %get3A_582, %get3A_583] {strides = array<i32>} : memref<3x3x16x512xf32, #tpu.memory_space<vmem>>, vector<16xf32>,
        %get3A_585 = arith.constant 0 : i32
        %get3A_586 = arith.constant 2 : i32
        %get3A_587 = arith.index_cast %get3A_585 : i32 to index
        %get3A_588 = arith.index_cast %get3A_586 : i32 to index
        %get3A_589 = arith.index_cast %scan3A_525 : i32 to index
        %get3A_590 = arith.index_cast %mul3A_571 : i32 to index
        %get3A_591 = tpu.vector_load %arg4[%get3A_587, %get3A_588, %get3A_589, %get3A_590] {strides = array<i32>} : memref<3x3x16x512xf32, #tpu.memory_space<vmem>>, vector<16xf32>,
        %sub3A_592 = arith.subf %get3A_584, %get3A_577 : vector<16xf32>
        %sub3A_593 = arith.subf %get3A_591, %get3A_577 : vector<16xf32>
        %exp3A = math.exp %sub3A_592 : vector<16xf32>
        %exp3A_594 = math.exp %sub3A_593 : vector<16xf32>
        %add3A_595 = arith.constant 1.000000e+00 : f32
        %add3A_596 = vector.broadcast %add3A_595 : f32 to vector<16xf32>
        %add3A_597 = arith.addf %add3A_596, %exp3A : vector<16xf32>
        %add3A_598 = arith.addf %add3A_597, %exp3A_594 : vector<16xf32>
        %div3A_599 = arith.constant 1.000000e+00 : f32
        %div3A_600 = vector.broadcast %div3A_599 : f32 to vector<16xf32>
        %div3A_601 = arith.divf %div3A_600, %add3A_598 : vector<16xf32>
        %mul3A_602 = arith.mulf %exp3A, %div3A_601 : vector<16xf32>
        %add3A_603 = arith.addf %scan3A_566, %mul3A_602 : vector<16xf32>
        %mul3A_604 = arith.mulf %exp3A_594, %div3A_601 : vector<16xf32>
        %add3A_605 = arith.addf %scan3A_567, %mul3A_604 : vector<16xf32>
        %gt3A = arith.constant 0.000000e+00 : f32
        %gt3A_606 = vector.broadcast %gt3A : f32 to vector<16xf32>
        %gt3A_607 = arith.cmpf ogt, %sub3A_592, %gt3A_606 : vector<16xf32>
        %ge3A = arith.cmpf oge, %sub3A_592, %sub3A_593 : vector<16xf32>
        %and3A_608 = arith.andi %gt3A_607, %ge3A : vector<16xi1>
        %or3A = arith.ori %scan3A_568, %and3A_608 : vector<16xi1>
        %gt3A_609 = arith.constant 0.000000e+00 : f32
        %gt3A_610 = vector.broadcast %gt3A_609 : f32 to vector<16xf32>
        %gt3A_611 = arith.cmpf ogt, %sub3A_593, %gt3A_610 : vector<16xf32>
        %gt3A_612 = arith.cmpf ogt, %sub3A_593, %sub3A_592 : vector<16xf32>
        %and3A_613 = arith.andi %gt3A_611, %gt3A_612 : vector<16xi1>
        %or3A_614 = arith.ori %scan3A_569, %and3A_613 : vector<16xi1>
        scf.yield %add3A_603, %add3A_605, %or3A, %or3A_614 : vector<16xf32>, vector<16xf32>, vector<16xi1>, vector<16xi1>
      }
      %scan3A_537 = arith.constant 32 : i32
      %add3A_538 = arith.addi %add3A_194, %scan3A_525 : i32
      %convert_element_type3A = arith.sitofp %add3A_538 : i32 to f32
      %reduce_or3A = arith.constant 1.000000e+00 : f32
      %reduce_or3A_539 = arith.constant 0.000000e+00 : f32
      %reduce_or3A_540 = vector.broadcast %reduce_or3A : f32 to vector<16xf32>
      %reduce_or3A_541 = vector.broadcast %reduce_or3A_539 : f32 to vector<16xf32>
      %reduce_or3A_542 = arith.select %scan3A_536#2, %reduce_or3A_540, %reduce_or3A_541 : vector<16xi1>, vector<16xf32>
      %reduce_or3A_543 = arith.constant true
      %reduce_or3A_544 = vector.broadcast %reduce_or3A_543 : i1 to vector<16xi1>
      %reduce_or3A_545 = tpu.scan <max>, %reduce_or3A_542 masked %reduce_or3A_544 : vector<16xf32>, vector<16xi1> -> vector<16xf32>
      %reduce_or3A_546 = vector.extract %reduce_or3A_545[15] : f32 from vector<16xf32>
      %reduce_or3A_547 = arith.constant 0.000000e+00 : f32
      %reduce_or3A_548 = arith.cmpf ogt, %reduce_or3A_546, %reduce_or3A_547 : f32
      %reduce_or3A_549 = arith.constant 1.000000e+00 : f32
      %reduce_or3A_550 = arith.constant 0.000000e+00 : f32
      %reduce_or3A_551 = vector.broadcast %reduce_or3A_549 : f32 to vector<16xf32>
      %reduce_or3A_552 = vector.broadcast %reduce_or3A_550 : f32 to vector<16xf32>
      %reduce_or3A_553 = arith.select %scan3A_536#3, %reduce_or3A_551, %reduce_or3A_552 : vector<16xi1>, vector<16xf32>
      %reduce_or3A_554 = arith.constant true
      %reduce_or3A_555 = vector.broadcast %reduce_or3A_554 : i1 to vector<16xi1>
      %reduce_or3A_556 = tpu.scan <max>, %reduce_or3A_553 masked %reduce_or3A_555 : vector<16xf32>, vector<16xi1> -> vector<16xf32>
      %reduce_or3A_557 = vector.extract %reduce_or3A_556[15] : f32 from vector<16xf32>
      %reduce_or3A_558 = arith.constant 0.000000e+00 : f32
      %reduce_or3A_559 = arith.cmpf ogt, %reduce_or3A_557, %reduce_or3A_558 : f32
      %min3A = arith.minimumf %scan3A_528, %convert_element_type3A : f32
      %select_n3A_560 = arith.select %reduce_or3A_548, %min3A, %scan3A_528 : f32
      %select_n3A_561 = arith.select %reduce_or3A_548, %convert_element_type3A, %scan3A_529 : f32
      %min3A_562 = arith.minimumf %scan3A_530, %convert_element_type3A : f32
      %select_n3A_563 = arith.select %reduce_or3A_559, %min3A_562, %scan3A_530 : f32
      %select_n3A_564 = arith.select %reduce_or3A_559, %convert_element_type3A, %scan3A_531 : f32
      scf.yield %scan3A_536#0, %scan3A_536#1, %select_n3A_560, %select_n3A_561, %select_n3A_563, %select_n3A_564 : vector<16xf32>, vector<16xf32>, f32, f32, f32, f32
    }
    %scan3A_203 = arith.constant 16 : i32
    %add3A_204 = arith.constant 32 : i32
    %add3A_205 = arith.addi %mul3A_34, %add3A_204 : i32
    %dma_start3A_206 = arith.constant 0 : i32
    %dma_start3A_207 = arith.constant 2 : i32
    %dma_start3A_208 = arith.constant 0 : i32
    %dma_start3A_209 = arith.constant 0 : i32
    %dma_start3A_210 = arith.constant 0 : i32
    %dma_start3A_211 = tpu.memref_slice %arg4[%dma_start3A_207, %dma_start3A_208, %dma_start3A_209, %dma_start3A_210] : memref<3x3x16x512xf32, #tpu.memory_space<vmem>> -> memref<1x1x16x512xf32, #tpu.memory_space<vmem>>
    %dma_start3A_212 = tpu.memref_squeeze %dma_start3A_211 : memref<1x1x16x512xf32, #tpu.memory_space<vmem>> -> memref<16x512xf32, #tpu.memory_space<vmem>>
    %dma_start3A_213 = arith.constant 0 : i32
    %dma_start3A_214 = tpu.memref_slice %arg2[%add3A_18, %dma_start3A_206, %add3A_205, %dma_start3A_213] : memref<16x3x512x512xf32, #tpu.memory_space<hbm>> -> memref<1x1x16x512xf32, #tpu.memory_space<hbm>>
    %dma_start3A_215 = tpu.memref_squeeze %dma_start3A_214 : memref<1x1x16x512xf32, #tpu.memory_space<hbm>> -> memref<16x512xf32, #tpu.memory_space<hbm>>
    %dma_start3A_216 = arith.constant 0 : i32
    %dma_start3A_217 = arith.constant 0 : i32
    %dma_start3A_218 = tpu.memref_slice %arg4[%dma_start3A_207, %dma_start3A_208, %dma_start3A_216, %dma_start3A_217] : memref<3x3x16x512xf32, #tpu.memory_space<vmem>> -> memref<1x1x16x512xf32, #tpu.memory_space<vmem>>
    %dma_start3A_219 = tpu.memref_squeeze %dma_start3A_218 : memref<1x1x16x512xf32, #tpu.memory_space<vmem>> -> memref<16x512xf32, #tpu.memory_space<vmem>>
    %dma_start3A_220 = arith.constant 0 : i32
    %dma_start3A_221 = tpu.memref_slice %arg2[%add3A_18, %dma_start3A_206, %add3A_205, %dma_start3A_220] : memref<16x3x512x512xf32, #tpu.memory_space<hbm>> -> memref<1x1x16x512xf32, #tpu.memory_space<hbm>>
    %dma_start3A_222 = tpu.memref_squeeze %dma_start3A_221 : memref<1x1x16x512xf32, #tpu.memory_space<hbm>> -> memref<16x512xf32, #tpu.memory_space<hbm>>
    tpu.enqueue_dma source(%dma_start3A_222 : memref<16x512xf32, #tpu.memory_space<hbm>>) target(%dma_start3A_219 : memref<16x512xf32, #tpu.memory_space<vmem>>) target_semaphore(%arg8 : memref<!tpu.dma_semaphore, #tpu.memory_space<semaphore_mem>>)
    %dma_start3A_223 = arith.constant 1 : i32
    %dma_start3A_224 = arith.constant 2 : i32
    %dma_start3A_225 = arith.constant 1 : i32
    %dma_start3A_226 = arith.constant 0 : i32
    %dma_start3A_227 = arith.constant 0 : i32
    %dma_start3A_228 = tpu.memref_slice %arg4[%dma_start3A_224, %dma_start3A_225, %dma_start3A_226, %dma_start3A_227] : memref<3x3x16x512xf32, #tpu.memory_space<vmem>> -> memref<1x1x16x512xf32, #tpu.memory_space<vmem>>
    %dma_start3A_229 = tpu.memref_squeeze %dma_start3A_228 : memref<1x1x16x512xf32, #tpu.memory_space<vmem>> -> memref<16x512xf32, #tpu.memory_space<vmem>>
    %dma_start3A_230 = arith.constant 0 : i32
    %dma_start3A_231 = tpu.memref_slice %arg2[%add3A_18, %dma_start3A_223, %add3A_205, %dma_start3A_230] : memref<16x3x512x512xf32, #tpu.memory_space<hbm>> -> memref<1x1x16x512xf32, #tpu.memory_space<hbm>>
    %dma_start3A_232 = tpu.memref_squeeze %dma_start3A_231 : memref<1x1x16x512xf32, #tpu.memory_space<hbm>> -> memref<16x512xf32, #tpu.memory_space<hbm>>
    %dma_start3A_233 = arith.constant 0 : i32
    %dma_start3A_234 = arith.constant 0 : i32
    %dma_start3A_235 = tpu.memref_slice %arg4[%dma_start3A_224, %dma_start3A_225, %dma_start3A_233, %dma_start3A_234] : memref<3x3x16x512xf32, #tpu.memory_space<vmem>> -> memref<1x1x16x512xf32, #tpu.memory_space<vmem>>
    %dma_start3A_236 = tpu.memref_squeeze %dma_start3A_235 : memref<1x1x16x512xf32, #tpu.memory_space<vmem>> -> memref<16x512xf32, #tpu.memory_space<vmem>>
    %dma_start3A_237 = arith.constant 0 : i32
    %dma_start3A_238 = tpu.memref_slice %arg2[%add3A_18, %dma_start3A_223, %add3A_205, %dma_start3A_237] : memref<16x3x512x512xf32, #tpu.memory_space<hbm>> -> memref<1x1x16x512xf32, #tpu.memory_space<hbm>>
    %dma_start3A_239 = tpu.memref_squeeze %dma_start3A_238 : memref<1x1x16x512xf32, #tpu.memory_space<hbm>> -> memref<16x512xf32, #tpu.memory_space<hbm>>
    tpu.enqueue_dma source(%dma_start3A_239 : memref<16x512xf32, #tpu.memory_space<hbm>>) target(%dma_start3A_236 : memref<16x512xf32, #tpu.memory_space<vmem>>) target_semaphore(%arg8 : memref<!tpu.dma_semaphore, #tpu.memory_space<semaphore_mem>>)
    %dma_start3A_240 = arith.constant 2 : i32
    %dma_start3A_241 = arith.constant 2 : i32
    %dma_start3A_242 = arith.constant 2 : i32
    %dma_start3A_243 = arith.constant 0 : i32
    %dma_start3A_244 = arith.constant 0 : i32
    %dma_start3A_245 = tpu.memref_slice %arg4[%dma_start3A_241, %dma_start3A_242, %dma_start3A_243, %dma_start3A_244] : memref<3x3x16x512xf32, #tpu.memory_space<vmem>> -> memref<1x1x16x512xf32, #tpu.memory_space<vmem>>
    %dma_start3A_246 = tpu.memref_squeeze %dma_start3A_245 : memref<1x1x16x512xf32, #tpu.memory_space<vmem>> -> memref<16x512xf32, #tpu.memory_space<vmem>>
    %dma_start3A_247 = arith.constant 0 : i32
    %dma_start3A_248 = tpu.memref_slice %arg2[%add3A_18, %dma_start3A_240, %add3A_205, %dma_start3A_247] : memref<16x3x512x512xf32, #tpu.memory_space<hbm>> -> memref<1x1x16x512xf32, #tpu.memory_space<hbm>>
    %dma_start3A_249 = tpu.memref_squeeze %dma_start3A_248 : memref<1x1x16x512xf32, #tpu.memory_space<hbm>> -> memref<16x512xf32, #tpu.memory_space<hbm>>
    %dma_start3A_250 = arith.constant 0 : i32
    %dma_start3A_251 = arith.constant 0 : i32
    %dma_start3A_252 = tpu.memref_slice %arg4[%dma_start3A_241, %dma_start3A_242, %dma_start3A_250, %dma_start3A_251] : memref<3x3x16x512xf32, #tpu.memory_space<vmem>> -> memref<1x1x16x512xf32, #tpu.memory_space<vmem>>
    %dma_start3A_253 = tpu.memref_squeeze %dma_start3A_252 : memref<1x1x16x512xf32, #tpu.memory_space<vmem>> -> memref<16x512xf32, #tpu.memory_space<vmem>>
    %dma_start3A_254 = arith.constant 0 : i32
    %dma_start3A_255 = tpu.memref_slice %arg2[%add3A_18, %dma_start3A_240, %add3A_205, %dma_start3A_254] : memref<16x3x512x512xf32, #tpu.memory_space<hbm>> -> memref<1x1x16x512xf32, #tpu.memory_space<hbm>>
    %dma_start3A_256 = tpu.memref_squeeze %dma_start3A_255 : memref<1x1x16x512xf32, #tpu.memory_space<hbm>> -> memref<16x512xf32, #tpu.memory_space<hbm>>
    tpu.enqueue_dma source(%dma_start3A_256 : memref<16x512xf32, #tpu.memory_space<hbm>>) target(%dma_start3A_253 : memref<16x512xf32, #tpu.memory_space<vmem>>) target_semaphore(%arg8 : memref<!tpu.dma_semaphore, #tpu.memory_space<semaphore_mem>>)
    %dma_wait3A_257 = arith.constant 0 : i32
    %dma_wait3A_258 = arith.constant 1 : i32
    %dma_wait3A_259 = arith.constant 0 : i32
    %dma_wait3A_260 = arith.constant 0 : i32
    %dma_wait3A_261 = arith.constant 0 : i32
    %dma_wait3A_262 = tpu.memref_slice %arg4[%dma_wait3A_258, %dma_wait3A_259, %dma_wait3A_260, %dma_wait3A_261] : memref<3x3x16x512xf32, #tpu.memory_space<vmem>> -> memref<1x1x16x512xf32, #tpu.memory_space<vmem>>
    %dma_wait3A_263 = tpu.memref_squeeze %dma_wait3A_262 : memref<1x1x16x512xf32, #tpu.memory_space<vmem>> -> memref<16x512xf32, #tpu.memory_space<vmem>>
    %dma_wait3A_264 = arith.constant 0 : i32
    %dma_wait3A_265 = tpu.memref_slice %arg2[%add3A_18, %dma_wait3A_257, %add3A_91, %dma_wait3A_264] : memref<16x3x512x512xf32, #tpu.memory_space<hbm>> -> memref<1x1x16x512xf32, #tpu.memory_space<hbm>>
    %dma_wait3A_266 = tpu.memref_squeeze %dma_wait3A_265 : memref<1x1x16x512xf32, #tpu.memory_space<hbm>> -> memref<16x512xf32, #tpu.memory_space<hbm>>
    %dma_wait3A_267 = arith.constant 0 : i32
    %dma_wait3A_268 = arith.constant 0 : i32
    %dma_wait3A_269 = tpu.memref_slice %arg4[%dma_wait3A_258, %dma_wait3A_259, %dma_wait3A_267, %dma_wait3A_268] : memref<3x3x16x512xf32, #tpu.memory_space<vmem>> -> memref<1x1x16x512xf32, #tpu.memory_space<vmem>>
    %dma_wait3A_270 = tpu.memref_squeeze %dma_wait3A_269 : memref<1x1x16x512xf32, #tpu.memory_space<vmem>> -> memref<16x512xf32, #tpu.memory_space<vmem>>
    %dma_wait3A_271 = arith.constant 0 : i32
    %dma_wait3A_272 = tpu.memref_slice %arg2[%add3A_18, %dma_wait3A_257, %add3A_91, %dma_wait3A_271] : memref<16x3x512x512xf32, #tpu.memory_space<hbm>> -> memref<1x1x16x512xf32, #tpu.memory_space<hbm>>
    %dma_wait3A_273 = tpu.memref_squeeze %dma_wait3A_272 : memref<1x1x16x512xf32, #tpu.memory_space<hbm>> -> memref<16x512xf32, #tpu.memory_space<hbm>>
    tpu.wait_dma2 semaphore(%arg7 : memref<!tpu.dma_semaphore, #tpu.memory_space<semaphore_mem>>) src(%dma_wait3A_273 : memref<16x512xf32, #tpu.memory_space<hbm>>) dst(%dma_wait3A_270 : memref<16x512xf32, #tpu.memory_space<vmem>>)
    %dma_wait3A_274 = arith.constant 1 : i32
    %dma_wait3A_275 = arith.constant 1 : i32
    %dma_wait3A_276 = arith.constant 1 : i32
    %dma_wait3A_277 = arith.constant 0 : i32
    %dma_wait3A_278 = arith.constant 0 : i32
    %dma_wait3A_279 = tpu.memref_slice %arg4[%dma_wait3A_275, %dma_wait3A_276, %dma_wait3A_277, %dma_wait3A_278] : memref<3x3x16x512xf32, #tpu.memory_space<vmem>> -> memref<1x1x16x512xf32, #tpu.memory_space<vmem>>
    %dma_wait3A_280 = tpu.memref_squeeze %dma_wait3A_279 : memref<1x1x16x512xf32, #tpu.memory_space<vmem>> -> memref<16x512xf32, #tpu.memory_space<vmem>>
    %dma_wait3A_281 = arith.constant 0 : i32
    %dma_wait3A_282 = tpu.memref_slice %arg2[%add3A_18, %dma_wait3A_274, %add3A_91, %dma_wait3A_281] : memref<16x3x512x512xf32, #tpu.memory_space<hbm>> -> memref<1x1x16x512xf32, #tpu.memory_space<hbm>>
    %dma_wait3A_283 = tpu.memref_squeeze %dma_wait3A_282 : memref<1x1x16x512xf32, #tpu.memory_space<hbm>> -> memref<16x512xf32, #tpu.memory_space<hbm>>
    %dma_wait3A_284 = arith.constant 0 : i32
    %dma_wait3A_285 = arith.constant 0 : i32
    %dma_wait3A_286 = tpu.memref_slice %arg4[%dma_wait3A_275, %dma_wait3A_276, %dma_wait3A_284, %dma_wait3A_285] : memref<3x3x16x512xf32, #tpu.memory_space<vmem>> -> memref<1x1x16x512xf32, #tpu.memory_space<vmem>>
    %dma_wait3A_287 = tpu.memref_squeeze %dma_wait3A_286 : memref<1x1x16x512xf32, #tpu.memory_space<vmem>> -> memref<16x512xf32, #tpu.memory_space<vmem>>
    %dma_wait3A_288 = arith.constant 0 : i32
    %dma_wait3A_289 = tpu.memref_slice %arg2[%add3A_18, %dma_wait3A_274, %add3A_91, %dma_wait3A_288] : memref<16x3x512x512xf32, #tpu.memory_space<hbm>> -> memref<1x1x16x512xf32, #tpu.memory_space<hbm>>
    %dma_wait3A_290 = tpu.memref_squeeze %dma_wait3A_289 : memref<1x1x16x512xf32, #tpu.memory_space<hbm>> -> memref<16x512xf32, #tpu.memory_space<hbm>>
    tpu.wait_dma2 semaphore(%arg7 : memref<!tpu.dma_semaphore, #tpu.memory_space<semaphore_mem>>) src(%dma_wait3A_290 : memref<16x512xf32, #tpu.memory_space<hbm>>) dst(%dma_wait3A_287 : memref<16x512xf32, #tpu.memory_space<vmem>>)
    %dma_wait3A_291 = arith.constant 2 : i32
    %dma_wait3A_292 = arith.constant 1 : i32
    %dma_wait3A_293 = arith.constant 2 : i32
    %dma_wait3A_294 = arith.constant 0 : i32
    %dma_wait3A_295 = arith.constant 0 : i32
    %dma_wait3A_296 = tpu.memref_slice %arg4[%dma_wait3A_292, %dma_wait3A_293, %dma_wait3A_294, %dma_wait3A_295] : memref<3x3x16x512xf32, #tpu.memory_space<vmem>> -> memref<1x1x16x512xf32, #tpu.memory_space<vmem>>
    %dma_wait3A_297 = tpu.memref_squeeze %dma_wait3A_296 : memref<1x1x16x512xf32, #tpu.memory_space<vmem>> -> memref<16x512xf32, #tpu.memory_space<vmem>>
    %dma_wait3A_298 = arith.constant 0 : i32
    %dma_wait3A_299 = tpu.memref_slice %arg2[%add3A_18, %dma_wait3A_291, %add3A_91, %dma_wait3A_298] : memref<16x3x512x512xf32, #tpu.memory_space<hbm>> -> memref<1x1x16x512xf32, #tpu.memory_space<hbm>>
    %dma_wait3A_300 = tpu.memref_squeeze %dma_wait3A_299 : memref<1x1x16x512xf32, #tpu.memory_space<hbm>> -> memref<16x512xf32, #tpu.memory_space<hbm>>
    %dma_wait3A_301 = arith.constant 0 : i32
    %dma_wait3A_302 = arith.constant 0 : i32
    %dma_wait3A_303 = tpu.memref_slice %arg4[%dma_wait3A_292, %dma_wait3A_293, %dma_wait3A_301, %dma_wait3A_302] : memref<3x3x16x512xf32, #tpu.memory_space<vmem>> -> memref<1x1x16x512xf32, #tpu.memory_space<vmem>>
    %dma_wait3A_304 = tpu.memref_squeeze %dma_wait3A_303 : memref<1x1x16x512xf32, #tpu.memory_space<vmem>> -> memref<16x512xf32, #tpu.memory_space<vmem>>
    %dma_wait3A_305 = arith.constant 0 : i32
    %dma_wait3A_306 = tpu.memref_slice %arg2[%add3A_18, %dma_wait3A_291, %add3A_91, %dma_wait3A_305] : memref<16x3x512x512xf32, #tpu.memory_space<hbm>> -> memref<1x1x16x512xf32, #tpu.memory_space<hbm>>
    %dma_wait3A_307 = tpu.memref_squeeze %dma_wait3A_306 : memref<1x1x16x512xf32, #tpu.memory_space<hbm>> -> memref<16x512xf32, #tpu.memory_space<hbm>>
    tpu.wait_dma2 semaphore(%arg7 : memref<!tpu.dma_semaphore, #tpu.memory_space<semaphore_mem>>) src(%dma_wait3A_307 : memref<16x512xf32, #tpu.memory_space<hbm>>) dst(%dma_wait3A_304 : memref<16x512xf32, #tpu.memory_space<vmem>>)
    %add3A_308 = arith.constant 16 : i32
    %add3A_309 = arith.addi %mul3A_34, %add3A_308 : i32
    %scan3A_310 = arith.constant 0 : i32
    %scan3A_311 = arith.constant 16 : i32
    %scan3A_312 = arith.addi %scan3A_310, %scan3A_311 : i32
    %scan3A_313 = arith.constant 1 : i32
    %scan3A_314:6 = scf.for %scan3A_525 = %scan3A_310 to %scan3A_312 step %scan3A_313 iter_args(%scan3A_526 = %scan3A_202#0, %scan3A_527 = %scan3A_202#1, %scan3A_528 = %scan3A_202#2, %scan3A_529 = %scan3A_202#3, %scan3A_530 = %scan3A_202#4, %scan3A_531 = %scan3A_202#5) -> (vector<16xf32>, vector<16xf32>, f32, f32, f32, f32)  : i32 {
      %scan3A_532 = arith.constant 0 : i32
      %scan3A_533 = arith.constant 32 : i32
      %scan3A_534 = arith.addi %scan3A_532, %scan3A_533 : i32
      %scan3A_535 = arith.constant 1 : i32
      %scan3A_536:4 = scf.for %scan3A_565 = %scan3A_532 to %scan3A_534 step %scan3A_535 iter_args(%scan3A_566 = %scan3A_526, %scan3A_567 = %scan3A_527, %scan3A_568 = %broadcast_in_dim3A_37, %scan3A_569 = %broadcast_in_dim3A_37) -> (vector<16xf32>, vector<16xf32>, vector<16xi1>, vector<16xi1>)  : i32 {
        %mul3A_570 = arith.constant 16 : i32
        %mul3A_571 = arith.muli %scan3A_565, %mul3A_570 : i32
        %get3A = arith.constant 1 : i32
        %get3A_572 = arith.constant 0 : i32
        %get3A_573 = arith.index_cast %get3A : i32 to index
        %get3A_574 = arith.index_cast %get3A_572 : i32 to index
        %get3A_575 = arith.index_cast %scan3A_525 : i32 to index
        %get3A_576 = arith.index_cast %mul3A_571 : i32 to index
        %get3A_577 = tpu.vector_load %arg4[%get3A_573, %get3A_574, %get3A_575, %get3A_576] {strides = array<i32>} : memref<3x3x16x512xf32, #tpu.memory_space<vmem>>, vector<16xf32>,
        %get3A_578 = arith.constant 1 : i32
        %get3A_579 = arith.constant 1 : i32
        %get3A_580 = arith.index_cast %get3A_578 : i32 to index
        %get3A_581 = arith.index_cast %get3A_579 : i32 to index
        %get3A_582 = arith.index_cast %scan3A_525 : i32 to index
        %get3A_583 = arith.index_cast %mul3A_571 : i32 to index
        %get3A_584 = tpu.vector_load %arg4[%get3A_580, %get3A_581, %get3A_582, %get3A_583] {strides = array<i32>} : memref<3x3x16x512xf32, #tpu.memory_space<vmem>>, vector<16xf32>,
        %get3A_585 = arith.constant 1 : i32
        %get3A_586 = arith.constant 2 : i32
        %get3A_587 = arith.index_cast %get3A_585 : i32 to index
        %get3A_588 = arith.index_cast %get3A_586 : i32 to index
        %get3A_589 = arith.index_cast %scan3A_525 : i32 to index
        %get3A_590 = arith.index_cast %mul3A_571 : i32 to index
        %get3A_591 = tpu.vector_load %arg4[%get3A_587, %get3A_588, %get3A_589, %get3A_590] {strides = array<i32>} : memref<3x3x16x512xf32, #tpu.memory_space<vmem>>, vector<16xf32>,
        %sub3A_592 = arith.subf %get3A_584, %get3A_577 : vector<16xf32>
        %sub3A_593 = arith.subf %get3A_591, %get3A_577 : vector<16xf32>
        %exp3A = math.exp %sub3A_592 : vector<16xf32>
        %exp3A_594 = math.exp %sub3A_593 : vector<16xf32>
        %add3A_595 = arith.constant 1.000000e+00 : f32
        %add3A_596 = vector.broadcast %add3A_595 : f32 to vector<16xf32>
        %add3A_597 = arith.addf %add3A_596, %exp3A : vector<16xf32>
        %add3A_598 = arith.addf %add3A_597, %exp3A_594 : vector<16xf32>
        %div3A_599 = arith.constant 1.000000e+00 : f32
        %div3A_600 = vector.broadcast %div3A_599 : f32 to vector<16xf32>
        %div3A_601 = arith.divf %div3A_600, %add3A_598 : vector<16xf32>
        %mul3A_602 = arith.mulf %exp3A, %div3A_601 : vector<16xf32>
        %add3A_603 = arith.addf %scan3A_566, %mul3A_602 : vector<16xf32>
        %mul3A_604 = arith.mulf %exp3A_594, %div3A_601 : vector<16xf32>
        %add3A_605 = arith.addf %scan3A_567, %mul3A_604 : vector<16xf32>
        %gt3A = arith.constant 0.000000e+00 : f32
        %gt3A_606 = vector.broadcast %gt3A : f32 to vector<16xf32>
        %gt3A_607 = arith.cmpf ogt, %sub3A_592, %gt3A_606 : vector<16xf32>
        %ge3A = arith.cmpf oge, %sub3A_592, %sub3A_593 : vector<16xf32>
        %and3A_608 = arith.andi %gt3A_607, %ge3A : vector<16xi1>
        %or3A = arith.ori %scan3A_568, %and3A_608 : vector<16xi1>
        %gt3A_609 = arith.constant 0.000000e+00 : f32
        %gt3A_610 = vector.broadcast %gt3A_609 : f32 to vector<16xf32>
        %gt3A_611 = arith.cmpf ogt, %sub3A_593, %gt3A_610 : vector<16xf32>
        %gt3A_612 = arith.cmpf ogt, %sub3A_593, %sub3A_592 : vector<16xf32>
        %and3A_613 = arith.andi %gt3A_611, %gt3A_612 : vector<16xi1>
        %or3A_614 = arith.ori %scan3A_569, %and3A_613 : vector<16xi1>
        scf.yield %add3A_603, %add3A_605, %or3A, %or3A_614 : vector<16xf32>, vector<16xf32>, vector<16xi1>, vector<16xi1>
      }
      %scan3A_537 = arith.constant 32 : i32
      %add3A_538 = arith.addi %add3A_309, %scan3A_525 : i32
      %convert_element_type3A = arith.sitofp %add3A_538 : i32 to f32
      %reduce_or3A = arith.constant 1.000000e+00 : f32
      %reduce_or3A_539 = arith.constant 0.000000e+00 : f32
      %reduce_or3A_540 = vector.broadcast %reduce_or3A : f32 to vector<16xf32>
      %reduce_or3A_541 = vector.broadcast %reduce_or3A_539 : f32 to vector<16xf32>
      %reduce_or3A_542 = arith.select %scan3A_536#2, %reduce_or3A_540, %reduce_or3A_541 : vector<16xi1>, vector<16xf32>
      %reduce_or3A_543 = arith.constant true
      %reduce_or3A_544 = vector.broadcast %reduce_or3A_543 : i1 to vector<16xi1>
      %reduce_or3A_545 = tpu.scan <max>, %reduce_or3A_542 masked %reduce_or3A_544 : vector<16xf32>, vector<16xi1> -> vector<16xf32>
      %reduce_or3A_546 = vector.extract %reduce_or3A_545[15] : f32 from vector<16xf32>
      %reduce_or3A_547 = arith.constant 0.000000e+00 : f32
      %reduce_or3A_548 = arith.cmpf ogt, %reduce_or3A_546, %reduce_or3A_547 : f32
      %reduce_or3A_549 = arith.constant 1.000000e+00 : f32
      %reduce_or3A_550 = arith.constant 0.000000e+00 : f32
      %reduce_or3A_551 = vector.broadcast %reduce_or3A_549 : f32 to vector<16xf32>
      %reduce_or3A_552 = vector.broadcast %reduce_or3A_550 : f32 to vector<16xf32>
      %reduce_or3A_553 = arith.select %scan3A_536#3, %reduce_or3A_551, %reduce_or3A_552 : vector<16xi1>, vector<16xf32>
      %reduce_or3A_554 = arith.constant true
      %reduce_or3A_555 = vector.broadcast %reduce_or3A_554 : i1 to vector<16xi1>
      %reduce_or3A_556 = tpu.scan <max>, %reduce_or3A_553 masked %reduce_or3A_555 : vector<16xf32>, vector<16xi1> -> vector<16xf32>
      %reduce_or3A_557 = vector.extract %reduce_or3A_556[15] : f32 from vector<16xf32>
      %reduce_or3A_558 = arith.constant 0.000000e+00 : f32
      %reduce_or3A_559 = arith.cmpf ogt, %reduce_or3A_557, %reduce_or3A_558 : f32
      %min3A = arith.minimumf %scan3A_528, %convert_element_type3A : f32
      %select_n3A_560 = arith.select %reduce_or3A_548, %min3A, %scan3A_528 : f32
      %select_n3A_561 = arith.select %reduce_or3A_548, %convert_element_type3A, %scan3A_529 : f32
      %min3A_562 = arith.minimumf %scan3A_530, %convert_element_type3A : f32
      %select_n3A_563 = arith.select %reduce_or3A_559, %min3A_562, %scan3A_530 : f32
      %select_n3A_564 = arith.select %reduce_or3A_559, %convert_element_type3A, %scan3A_531 : f32
      scf.yield %scan3A_536#0, %scan3A_536#1, %select_n3A_560, %select_n3A_561, %select_n3A_563, %select_n3A_564 : vector<16xf32>, vector<16xf32>, f32, f32, f32, f32
    }
    %scan3A_315 = arith.constant 16 : i32
    %add3A_316 = arith.constant 48 : i32
    %add3A_317 = arith.addi %mul3A_34, %add3A_316 : i32
    %dma_start3A_318 = arith.constant 0 : i32
    %dma_start3A_319 = arith.constant 0 : i32
    %dma_start3A_320 = arith.constant 0 : i32
    %dma_start3A_321 = arith.constant 0 : i32
    %dma_start3A_322 = arith.constant 0 : i32
    %dma_start3A_323 = tpu.memref_slice %arg4[%dma_start3A_319, %dma_start3A_320, %dma_start3A_321, %dma_start3A_322] : memref<3x3x16x512xf32, #tpu.memory_space<vmem>> -> memref<1x1x16x512xf32, #tpu.memory_space<vmem>>
    %dma_start3A_324 = tpu.memref_squeeze %dma_start3A_323 : memref<1x1x16x512xf32, #tpu.memory_space<vmem>> -> memref<16x512xf32, #tpu.memory_space<vmem>>
    %dma_start3A_325 = arith.constant 0 : i32
    %dma_start3A_326 = tpu.memref_slice %arg2[%add3A_18, %dma_start3A_318, %add3A_317, %dma_start3A_325] : memref<16x3x512x512xf32, #tpu.memory_space<hbm>> -> memref<1x1x16x512xf32, #tpu.memory_space<hbm>>
    %dma_start3A_327 = tpu.memref_squeeze %dma_start3A_326 : memref<1x1x16x512xf32, #tpu.memory_space<hbm>> -> memref<16x512xf32, #tpu.memory_space<hbm>>
    %dma_start3A_328 = arith.constant 0 : i32
    %dma_start3A_329 = arith.constant 0 : i32
    %dma_start3A_330 = tpu.memref_slice %arg4[%dma_start3A_319, %dma_start3A_320, %dma_start3A_328, %dma_start3A_329] : memref<3x3x16x512xf32, #tpu.memory_space<vmem>> -> memref<1x1x16x512xf32, #tpu.memory_space<vmem>>
    %dma_start3A_331 = tpu.memref_squeeze %dma_start3A_330 : memref<1x1x16x512xf32, #tpu.memory_space<vmem>> -> memref<16x512xf32, #tpu.memory_space<vmem>>
    %dma_start3A_332 = arith.constant 0 : i32
    %dma_start3A_333 = tpu.memref_slice %arg2[%add3A_18, %dma_start3A_318, %add3A_317, %dma_start3A_332] : memref<16x3x512x512xf32, #tpu.memory_space<hbm>> -> memref<1x1x16x512xf32, #tpu.memory_space<hbm>>
    %dma_start3A_334 = tpu.memref_squeeze %dma_start3A_333 : memref<1x1x16x512xf32, #tpu.memory_space<hbm>> -> memref<16x512xf32, #tpu.memory_space<hbm>>
    tpu.enqueue_dma source(%dma_start3A_334 : memref<16x512xf32, #tpu.memory_space<hbm>>) target(%dma_start3A_331 : memref<16x512xf32, #tpu.memory_space<vmem>>) target_semaphore(%arg6 : memref<!tpu.dma_semaphore, #tpu.memory_space<semaphore_mem>>)
    %dma_start3A_335 = arith.constant 1 : i32
    %dma_start3A_336 = arith.constant 0 : i32
    %dma_start3A_337 = arith.constant 1 : i32
    %dma_start3A_338 = arith.constant 0 : i32
    %dma_start3A_339 = arith.constant 0 : i32
    %dma_start3A_340 = tpu.memref_slice %arg4[%dma_start3A_336, %dma_start3A_337, %dma_start3A_338, %dma_start3A_339] : memref<3x3x16x512xf32, #tpu.memory_space<vmem>> -> memref<1x1x16x512xf32, #tpu.memory_space<vmem>>
    %dma_start3A_341 = tpu.memref_squeeze %dma_start3A_340 : memref<1x1x16x512xf32, #tpu.memory_space<vmem>> -> memref<16x512xf32, #tpu.memory_space<vmem>>
    %dma_start3A_342 = arith.constant 0 : i32
    %dma_start3A_343 = tpu.memref_slice %arg2[%add3A_18, %dma_start3A_335, %add3A_317, %dma_start3A_342] : memref<16x3x512x512xf32, #tpu.memory_space<hbm>> -> memref<1x1x16x512xf32, #tpu.memory_space<hbm>>
    %dma_start3A_344 = tpu.memref_squeeze %dma_start3A_343 : memref<1x1x16x512xf32, #tpu.memory_space<hbm>> -> memref<16x512xf32, #tpu.memory_space<hbm>>
    %dma_start3A_345 = arith.constant 0 : i32
    %dma_start3A_346 = arith.constant 0 : i32
    %dma_start3A_347 = tpu.memref_slice %arg4[%dma_start3A_336, %dma_start3A_337, %dma_start3A_345, %dma_start3A_346] : memref<3x3x16x512xf32, #tpu.memory_space<vmem>> -> memref<1x1x16x512xf32, #tpu.memory_space<vmem>>
    %dma_start3A_348 = tpu.memref_squeeze %dma_start3A_347 : memref<1x1x16x512xf32, #tpu.memory_space<vmem>> -> memref<16x512xf32, #tpu.memory_space<vmem>>
    %dma_start3A_349 = arith.constant 0 : i32
    %dma_start3A_350 = tpu.memref_slice %arg2[%add3A_18, %dma_start3A_335, %add3A_317, %dma_start3A_349] : memref<16x3x512x512xf32, #tpu.memory_space<hbm>> -> memref<1x1x16x512xf32, #tpu.memory_space<hbm>>
    %dma_start3A_351 = tpu.memref_squeeze %dma_start3A_350 : memref<1x1x16x512xf32, #tpu.memory_space<hbm>> -> memref<16x512xf32, #tpu.memory_space<hbm>>
    tpu.enqueue_dma source(%dma_start3A_351 : memref<16x512xf32, #tpu.memory_space<hbm>>) target(%dma_start3A_348 : memref<16x512xf32, #tpu.memory_space<vmem>>) target_semaphore(%arg6 : memref<!tpu.dma_semaphore, #tpu.memory_space<semaphore_mem>>)
    %dma_start3A_352 = arith.constant 2 : i32
    %dma_start3A_353 = arith.constant 0 : i32
    %dma_start3A_354 = arith.constant 2 : i32
    %dma_start3A_355 = arith.constant 0 : i32
    %dma_start3A_356 = arith.constant 0 : i32
    %dma_start3A_357 = tpu.memref_slice %arg4[%dma_start3A_353, %dma_start3A_354, %dma_start3A_355, %dma_start3A_356] : memref<3x3x16x512xf32, #tpu.memory_space<vmem>> -> memref<1x1x16x512xf32, #tpu.memory_space<vmem>>
    %dma_start3A_358 = tpu.memref_squeeze %dma_start3A_357 : memref<1x1x16x512xf32, #tpu.memory_space<vmem>> -> memref<16x512xf32, #tpu.memory_space<vmem>>
    %dma_start3A_359 = arith.constant 0 : i32
    %dma_start3A_360 = tpu.memref_slice %arg2[%add3A_18, %dma_start3A_352, %add3A_317, %dma_start3A_359] : memref<16x3x512x512xf32, #tpu.memory_space<hbm>> -> memref<1x1x16x512xf32, #tpu.memory_space<hbm>>
    %dma_start3A_361 = tpu.memref_squeeze %dma_start3A_360 : memref<1x1x16x512xf32, #tpu.memory_space<hbm>> -> memref<16x512xf32, #tpu.memory_space<hbm>>
    %dma_start3A_362 = arith.constant 0 : i32
    %dma_start3A_363 = arith.constant 0 : i32
    %dma_start3A_364 = tpu.memref_slice %arg4[%dma_start3A_353, %dma_start3A_354, %dma_start3A_362, %dma_start3A_363] : memref<3x3x16x512xf32, #tpu.memory_space<vmem>> -> memref<1x1x16x512xf32, #tpu.memory_space<vmem>>
    %dma_start3A_365 = tpu.memref_squeeze %dma_start3A_364 : memref<1x1x16x512xf32, #tpu.memory_space<vmem>> -> memref<16x512xf32, #tpu.memory_space<vmem>>
    %dma_start3A_366 = arith.constant 0 : i32
    %dma_start3A_367 = tpu.memref_slice %arg2[%add3A_18, %dma_start3A_352, %add3A_317, %dma_start3A_366] : memref<16x3x512x512xf32, #tpu.memory_space<hbm>> -> memref<1x1x16x512xf32, #tpu.memory_space<hbm>>
    %dma_start3A_368 = tpu.memref_squeeze %dma_start3A_367 : memref<1x1x16x512xf32, #tpu.memory_space<hbm>> -> memref<16x512xf32, #tpu.memory_space<hbm>>
    tpu.enqueue_dma source(%dma_start3A_368 : memref<16x512xf32, #tpu.memory_space<hbm>>) target(%dma_start3A_365 : memref<16x512xf32, #tpu.memory_space<vmem>>) target_semaphore(%arg6 : memref<!tpu.dma_semaphore, #tpu.memory_space<semaphore_mem>>)
    %dma_wait3A_369 = arith.constant 0 : i32
    %dma_wait3A_370 = arith.constant 2 : i32
    %dma_wait3A_371 = arith.constant 0 : i32
    %dma_wait3A_372 = arith.constant 0 : i32
    %dma_wait3A_373 = arith.constant 0 : i32
    %dma_wait3A_374 = tpu.memref_slice %arg4[%dma_wait3A_370, %dma_wait3A_371, %dma_wait3A_372, %dma_wait3A_373] : memref<3x3x16x512xf32, #tpu.memory_space<vmem>> -> memref<1x1x16x512xf32, #tpu.memory_space<vmem>>
    %dma_wait3A_375 = tpu.memref_squeeze %dma_wait3A_374 : memref<1x1x16x512xf32, #tpu.memory_space<vmem>> -> memref<16x512xf32, #tpu.memory_space<vmem>>
    %dma_wait3A_376 = arith.constant 0 : i32
    %dma_wait3A_377 = tpu.memref_slice %arg2[%add3A_18, %dma_wait3A_369, %add3A_205, %dma_wait3A_376] : memref<16x3x512x512xf32, #tpu.memory_space<hbm>> -> memref<1x1x16x512xf32, #tpu.memory_space<hbm>>
    %dma_wait3A_378 = tpu.memref_squeeze %dma_wait3A_377 : memref<1x1x16x512xf32, #tpu.memory_space<hbm>> -> memref<16x512xf32, #tpu.memory_space<hbm>>
    %dma_wait3A_379 = arith.constant 0 : i32
    %dma_wait3A_380 = arith.constant 0 : i32
    %dma_wait3A_381 = tpu.memref_slice %arg4[%dma_wait3A_370, %dma_wait3A_371, %dma_wait3A_379, %dma_wait3A_380] : memref<3x3x16x512xf32, #tpu.memory_space<vmem>> -> memref<1x1x16x512xf32, #tpu.memory_space<vmem>>
    %dma_wait3A_382 = tpu.memref_squeeze %dma_wait3A_381 : memref<1x1x16x512xf32, #tpu.memory_space<vmem>> -> memref<16x512xf32, #tpu.memory_space<vmem>>
    %dma_wait3A_383 = arith.constant 0 : i32
    %dma_wait3A_384 = tpu.memref_slice %arg2[%add3A_18, %dma_wait3A_369, %add3A_205, %dma_wait3A_383] : memref<16x3x512x512xf32, #tpu.memory_space<hbm>> -> memref<1x1x16x512xf32, #tpu.memory_space<hbm>>
    %dma_wait3A_385 = tpu.memref_squeeze %dma_wait3A_384 : memref<1x1x16x512xf32, #tpu.memory_space<hbm>> -> memref<16x512xf32, #tpu.memory_space<hbm>>
    tpu.wait_dma2 semaphore(%arg8 : memref<!tpu.dma_semaphore, #tpu.memory_space<semaphore_mem>>) src(%dma_wait3A_385 : memref<16x512xf32, #tpu.memory_space<hbm>>) dst(%dma_wait3A_382 : memref<16x512xf32, #tpu.memory_space<vmem>>)
    %dma_wait3A_386 = arith.constant 1 : i32
    %dma_wait3A_387 = arith.constant 2 : i32
    %dma_wait3A_388 = arith.constant 1 : i32
    %dma_wait3A_389 = arith.constant 0 : i32
    %dma_wait3A_390 = arith.constant 0 : i32
    %dma_wait3A_391 = tpu.memref_slice %arg4[%dma_wait3A_387, %dma_wait3A_388, %dma_wait3A_389, %dma_wait3A_390] : memref<3x3x16x512xf32, #tpu.memory_space<vmem>> -> memref<1x1x16x512xf32, #tpu.memory_space<vmem>>
    %dma_wait3A_392 = tpu.memref_squeeze %dma_wait3A_391 : memref<1x1x16x512xf32, #tpu.memory_space<vmem>> -> memref<16x512xf32, #tpu.memory_space<vmem>>
    %dma_wait3A_393 = arith.constant 0 : i32
    %dma_wait3A_394 = tpu.memref_slice %arg2[%add3A_18, %dma_wait3A_386, %add3A_205, %dma_wait3A_393] : memref<16x3x512x512xf32, #tpu.memory_space<hbm>> -> memref<1x1x16x512xf32, #tpu.memory_space<hbm>>
    %dma_wait3A_395 = tpu.memref_squeeze %dma_wait3A_394 : memref<1x1x16x512xf32, #tpu.memory_space<hbm>> -> memref<16x512xf32, #tpu.memory_space<hbm>>
    %dma_wait3A_396 = arith.constant 0 : i32
    %dma_wait3A_397 = arith.constant 0 : i32
    %dma_wait3A_398 = tpu.memref_slice %arg4[%dma_wait3A_387, %dma_wait3A_388, %dma_wait3A_396, %dma_wait3A_397] : memref<3x3x16x512xf32, #tpu.memory_space<vmem>> -> memref<1x1x16x512xf32, #tpu.memory_space<vmem>>
    %dma_wait3A_399 = tpu.memref_squeeze %dma_wait3A_398 : memref<1x1x16x512xf32, #tpu.memory_space<vmem>> -> memref<16x512xf32, #tpu.memory_space<vmem>>
    %dma_wait3A_400 = arith.constant 0 : i32
    %dma_wait3A_401 = tpu.memref_slice %arg2[%add3A_18, %dma_wait3A_386, %add3A_205, %dma_wait3A_400] : memref<16x3x512x512xf32, #tpu.memory_space<hbm>> -> memref<1x1x16x512xf32, #tpu.memory_space<hbm>>
    %dma_wait3A_402 = tpu.memref_squeeze %dma_wait3A_401 : memref<1x1x16x512xf32, #tpu.memory_space<hbm>> -> memref<16x512xf32, #tpu.memory_space<hbm>>
    tpu.wait_dma2 semaphore(%arg8 : memref<!tpu.dma_semaphore, #tpu.memory_space<semaphore_mem>>) src(%dma_wait3A_402 : memref<16x512xf32, #tpu.memory_space<hbm>>) dst(%dma_wait3A_399 : memref<16x512xf32, #tpu.memory_space<vmem>>)
    %dma_wait3A_403 = arith.constant 2 : i32
    %dma_wait3A_404 = arith.constant 2 : i32
    %dma_wait3A_405 = arith.constant 2 : i32
    %dma_wait3A_406 = arith.constant 0 : i32
    %dma_wait3A_407 = arith.constant 0 : i32
    %dma_wait3A_408 = tpu.memref_slice %arg4[%dma_wait3A_404, %dma_wait3A_405, %dma_wait3A_406, %dma_wait3A_407] : memref<3x3x16x512xf32, #tpu.memory_space<vmem>> -> memref<1x1x16x512xf32, #tpu.memory_space<vmem>>
    %dma_wait3A_409 = tpu.memref_squeeze %dma_wait3A_408 : memref<1x1x16x512xf32, #tpu.memory_space<vmem>> -> memref<16x512xf32, #tpu.memory_space<vmem>>
    %dma_wait3A_410 = arith.constant 0 : i32
    %dma_wait3A_411 = tpu.memref_slice %arg2[%add3A_18, %dma_wait3A_403, %add3A_205, %dma_wait3A_410] : memref<16x3x512x512xf32, #tpu.memory_space<hbm>> -> memref<1x1x16x512xf32, #tpu.memory_space<hbm>>
    %dma_wait3A_412 = tpu.memref_squeeze %dma_wait3A_411 : memref<1x1x16x512xf32, #tpu.memory_space<hbm>> -> memref<16x512xf32, #tpu.memory_space<hbm>>
    %dma_wait3A_413 = arith.constant 0 : i32
    %dma_wait3A_414 = arith.constant 0 : i32
    %dma_wait3A_415 = tpu.memref_slice %arg4[%dma_wait3A_404, %dma_wait3A_405, %dma_wait3A_413, %dma_wait3A_414] : memref<3x3x16x512xf32, #tpu.memory_space<vmem>> -> memref<1x1x16x512xf32, #tpu.memory_space<vmem>>
    %dma_wait3A_416 = tpu.memref_squeeze %dma_wait3A_415 : memref<1x1x16x512xf32, #tpu.memory_space<vmem>> -> memref<16x512xf32, #tpu.memory_space<vmem>>
    %dma_wait3A_417 = arith.constant 0 : i32
    %dma_wait3A_418 = tpu.memref_slice %arg2[%add3A_18, %dma_wait3A_403, %add3A_205, %dma_wait3A_417] : memref<16x3x512x512xf32, #tpu.memory_space<hbm>> -> memref<1x1x16x512xf32, #tpu.memory_space<hbm>>
    %dma_wait3A_419 = tpu.memref_squeeze %dma_wait3A_418 : memref<1x1x16x512xf32, #tpu.memory_space<hbm>> -> memref<16x512xf32, #tpu.memory_space<hbm>>
    tpu.wait_dma2 semaphore(%arg8 : memref<!tpu.dma_semaphore, #tpu.memory_space<semaphore_mem>>) src(%dma_wait3A_419 : memref<16x512xf32, #tpu.memory_space<hbm>>) dst(%dma_wait3A_416 : memref<16x512xf32, #tpu.memory_space<vmem>>)
    %add3A_420 = arith.constant 32 : i32
    %add3A_421 = arith.addi %mul3A_34, %add3A_420 : i32
    %scan3A_422 = arith.constant 0 : i32
    %scan3A_423 = arith.constant 16 : i32
    %scan3A_424 = arith.addi %scan3A_422, %scan3A_423 : i32
    %scan3A_425 = arith.constant 1 : i32
    %scan3A_426:6 = scf.for %scan3A_525 = %scan3A_422 to %scan3A_424 step %scan3A_425 iter_args(%scan3A_526 = %scan3A_314#0, %scan3A_527 = %scan3A_314#1, %scan3A_528 = %scan3A_314#2, %scan3A_529 = %scan3A_314#3, %scan3A_530 = %scan3A_314#4, %scan3A_531 = %scan3A_314#5) -> (vector<16xf32>, vector<16xf32>, f32, f32, f32, f32)  : i32 {
      %scan3A_532 = arith.constant 0 : i32
      %scan3A_533 = arith.constant 32 : i32
      %scan3A_534 = arith.addi %scan3A_532, %scan3A_533 : i32
      %scan3A_535 = arith.constant 1 : i32
      %scan3A_536:4 = scf.for %scan3A_565 = %scan3A_532 to %scan3A_534 step %scan3A_535 iter_args(%scan3A_566 = %scan3A_526, %scan3A_567 = %scan3A_527, %scan3A_568 = %broadcast_in_dim3A_37, %scan3A_569 = %broadcast_in_dim3A_37) -> (vector<16xf32>, vector<16xf32>, vector<16xi1>, vector<16xi1>)  : i32 {
        %mul3A_570 = arith.constant 16 : i32
        %mul3A_571 = arith.muli %scan3A_565, %mul3A_570 : i32
        %get3A = arith.constant 2 : i32
        %get3A_572 = arith.constant 0 : i32
        %get3A_573 = arith.index_cast %get3A : i32 to index
        %get3A_574 = arith.index_cast %get3A_572 : i32 to index
        %get3A_575 = arith.index_cast %scan3A_525 : i32 to index
        %get3A_576 = arith.index_cast %mul3A_571 : i32 to index
        %get3A_577 = tpu.vector_load %arg4[%get3A_573, %get3A_574, %get3A_575, %get3A_576] {strides = array<i32>} : memref<3x3x16x512xf32, #tpu.memory_space<vmem>>, vector<16xf32>,
        %get3A_578 = arith.constant 2 : i32
        %get3A_579 = arith.constant 1 : i32
        %get3A_580 = arith.index_cast %get3A_578 : i32 to index
        %get3A_581 = arith.index_cast %get3A_579 : i32 to index
        %get3A_582 = arith.index_cast %scan3A_525 : i32 to index
        %get3A_583 = arith.index_cast %mul3A_571 : i32 to index
        %get3A_584 = tpu.vector_load %arg4[%get3A_580, %get3A_581, %get3A_582, %get3A_583] {strides = array<i32>} : memref<3x3x16x512xf32, #tpu.memory_space<vmem>>, vector<16xf32>,
        %get3A_585 = arith.constant 2 : i32
        %get3A_586 = arith.constant 2 : i32
        %get3A_587 = arith.index_cast %get3A_585 : i32 to index
        %get3A_588 = arith.index_cast %get3A_586 : i32 to index
        %get3A_589 = arith.index_cast %scan3A_525 : i32 to index
        %get3A_590 = arith.index_cast %mul3A_571 : i32 to index
        %get3A_591 = tpu.vector_load %arg4[%get3A_587, %get3A_588, %get3A_589, %get3A_590] {strides = array<i32>} : memref<3x3x16x512xf32, #tpu.memory_space<vmem>>, vector<16xf32>,
        %sub3A_592 = arith.subf %get3A_584, %get3A_577 : vector<16xf32>
        %sub3A_593 = arith.subf %get3A_591, %get3A_577 : vector<16xf32>
        %exp3A = math.exp %sub3A_592 : vector<16xf32>
        %exp3A_594 = math.exp %sub3A_593 : vector<16xf32>
        %add3A_595 = arith.constant 1.000000e+00 : f32
        %add3A_596 = vector.broadcast %add3A_595 : f32 to vector<16xf32>
        %add3A_597 = arith.addf %add3A_596, %exp3A : vector<16xf32>
        %add3A_598 = arith.addf %add3A_597, %exp3A_594 : vector<16xf32>
        %div3A_599 = arith.constant 1.000000e+00 : f32
        %div3A_600 = vector.broadcast %div3A_599 : f32 to vector<16xf32>
        %div3A_601 = arith.divf %div3A_600, %add3A_598 : vector<16xf32>
        %mul3A_602 = arith.mulf %exp3A, %div3A_601 : vector<16xf32>
        %add3A_603 = arith.addf %scan3A_566, %mul3A_602 : vector<16xf32>
        %mul3A_604 = arith.mulf %exp3A_594, %div3A_601 : vector<16xf32>
        %add3A_605 = arith.addf %scan3A_567, %mul3A_604 : vector<16xf32>
        %gt3A = arith.constant 0.000000e+00 : f32
        %gt3A_606 = vector.broadcast %gt3A : f32 to vector<16xf32>
        %gt3A_607 = arith.cmpf ogt, %sub3A_592, %gt3A_606 : vector<16xf32>
        %ge3A = arith.cmpf oge, %sub3A_592, %sub3A_593 : vector<16xf32>
        %and3A_608 = arith.andi %gt3A_607, %ge3A : vector<16xi1>
        %or3A = arith.ori %scan3A_568, %and3A_608 : vector<16xi1>
        %gt3A_609 = arith.constant 0.000000e+00 : f32
        %gt3A_610 = vector.broadcast %gt3A_609 : f32 to vector<16xf32>
        %gt3A_611 = arith.cmpf ogt, %sub3A_593, %gt3A_610 : vector<16xf32>
        %gt3A_612 = arith.cmpf ogt, %sub3A_593, %sub3A_592 : vector<16xf32>
        %and3A_613 = arith.andi %gt3A_611, %gt3A_612 : vector<16xi1>
        %or3A_614 = arith.ori %scan3A_569, %and3A_613 : vector<16xi1>
        scf.yield %add3A_603, %add3A_605, %or3A, %or3A_614 : vector<16xf32>, vector<16xf32>, vector<16xi1>, vector<16xi1>
      }
      %scan3A_537 = arith.constant 32 : i32
      %add3A_538 = arith.addi %add3A_421, %scan3A_525 : i32
      %convert_element_type3A = arith.sitofp %add3A_538 : i32 to f32
      %reduce_or3A = arith.constant 1.000000e+00 : f32
      %reduce_or3A_539 = arith.constant 0.000000e+00 : f32
      %reduce_or3A_540 = vector.broadcast %reduce_or3A : f32 to vector<16xf32>
      %reduce_or3A_541 = vector.broadcast %reduce_or3A_539 : f32 to vector<16xf32>
      %reduce_or3A_542 = arith.select %scan3A_536#2, %reduce_or3A_540, %reduce_or3A_541 : vector<16xi1>, vector<16xf32>
      %reduce_or3A_543 = arith.constant true
      %reduce_or3A_544 = vector.broadcast %reduce_or3A_543 : i1 to vector<16xi1>
      %reduce_or3A_545 = tpu.scan <max>, %reduce_or3A_542 masked %reduce_or3A_544 : vector<16xf32>, vector<16xi1> -> vector<16xf32>
      %reduce_or3A_546 = vector.extract %reduce_or3A_545[15] : f32 from vector<16xf32>
      %reduce_or3A_547 = arith.constant 0.000000e+00 : f32
      %reduce_or3A_548 = arith.cmpf ogt, %reduce_or3A_546, %reduce_or3A_547 : f32
      %reduce_or3A_549 = arith.constant 1.000000e+00 : f32
      %reduce_or3A_550 = arith.constant 0.000000e+00 : f32
      %reduce_or3A_551 = vector.broadcast %reduce_or3A_549 : f32 to vector<16xf32>
      %reduce_or3A_552 = vector.broadcast %reduce_or3A_550 : f32 to vector<16xf32>
      %reduce_or3A_553 = arith.select %scan3A_536#3, %reduce_or3A_551, %reduce_or3A_552 : vector<16xi1>, vector<16xf32>
      %reduce_or3A_554 = arith.constant true
      %reduce_or3A_555 = vector.broadcast %reduce_or3A_554 : i1 to vector<16xi1>
      %reduce_or3A_556 = tpu.scan <max>, %reduce_or3A_553 masked %reduce_or3A_555 : vector<16xf32>, vector<16xi1> -> vector<16xf32>
      %reduce_or3A_557 = vector.extract %reduce_or3A_556[15] : f32 from vector<16xf32>
      %reduce_or3A_558 = arith.constant 0.000000e+00 : f32
      %reduce_or3A_559 = arith.cmpf ogt, %reduce_or3A_557, %reduce_or3A_558 : f32
      %min3A = arith.minimumf %scan3A_528, %convert_element_type3A : f32
      %select_n3A_560 = arith.select %reduce_or3A_548, %min3A, %scan3A_528 : f32
      %select_n3A_561 = arith.select %reduce_or3A_548, %convert_element_type3A, %scan3A_529 : f32
      %min3A_562 = arith.minimumf %scan3A_530, %convert_element_type3A : f32
      %select_n3A_563 = arith.select %reduce_or3A_559, %min3A_562, %scan3A_530 : f32
      %select_n3A_564 = arith.select %reduce_or3A_559, %convert_element_type3A, %scan3A_531 : f32
      scf.yield %scan3A_536#0, %scan3A_536#1, %select_n3A_560, %select_n3A_561, %select_n3A_563, %select_n3A_564 : vector<16xf32>, vector<16xf32>, f32, f32, f32, f32
    }
    %scan3A_427 = arith.constant 16 : i32
    %dma_wait3A_428 = arith.constant 0 : i32
    %dma_wait3A_429 = arith.constant 0 : i32
    %dma_wait3A_430 = arith.constant 0 : i32
    %dma_wait3A_431 = arith.constant 0 : i32
    %dma_wait3A_432 = arith.constant 0 : i32
    %dma_wait3A_433 = tpu.memref_slice %arg4[%dma_wait3A_429, %dma_wait3A_430, %dma_wait3A_431, %dma_wait3A_432] : memref<3x3x16x512xf32, #tpu.memory_space<vmem>> -> memref<1x1x16x512xf32, #tpu.memory_space<vmem>>
    %dma_wait3A_434 = tpu.memref_squeeze %dma_wait3A_433 : memref<1x1x16x512xf32, #tpu.memory_space<vmem>> -> memref<16x512xf32, #tpu.memory_space<vmem>>
    %dma_wait3A_435 = arith.constant 0 : i32
    %dma_wait3A_436 = tpu.memref_slice %arg2[%add3A_18, %dma_wait3A_428, %add3A_317, %dma_wait3A_435] : memref<16x3x512x512xf32, #tpu.memory_space<hbm>> -> memref<1x1x16x512xf32, #tpu.memory_space<hbm>>
    %dma_wait3A_437 = tpu.memref_squeeze %dma_wait3A_436 : memref<1x1x16x512xf32, #tpu.memory_space<hbm>> -> memref<16x512xf32, #tpu.memory_space<hbm>>
    %dma_wait3A_438 = arith.constant 0 : i32
    %dma_wait3A_439 = arith.constant 0 : i32
    %dma_wait3A_440 = tpu.memref_slice %arg4[%dma_wait3A_429, %dma_wait3A_430, %dma_wait3A_438, %dma_wait3A_439] : memref<3x3x16x512xf32, #tpu.memory_space<vmem>> -> memref<1x1x16x512xf32, #tpu.memory_space<vmem>>
    %dma_wait3A_441 = tpu.memref_squeeze %dma_wait3A_440 : memref<1x1x16x512xf32, #tpu.memory_space<vmem>> -> memref<16x512xf32, #tpu.memory_space<vmem>>
    %dma_wait3A_442 = arith.constant 0 : i32
    %dma_wait3A_443 = tpu.memref_slice %arg2[%add3A_18, %dma_wait3A_428, %add3A_317, %dma_wait3A_442] : memref<16x3x512x512xf32, #tpu.memory_space<hbm>> -> memref<1x1x16x512xf32, #tpu.memory_space<hbm>>
    %dma_wait3A_444 = tpu.memref_squeeze %dma_wait3A_443 : memref<1x1x16x512xf32, #tpu.memory_space<hbm>> -> memref<16x512xf32, #tpu.memory_space<hbm>>
    tpu.wait_dma2 semaphore(%arg6 : memref<!tpu.dma_semaphore, #tpu.memory_space<semaphore_mem>>) src(%dma_wait3A_444 : memref<16x512xf32, #tpu.memory_space<hbm>>) dst(%dma_wait3A_441 : memref<16x512xf32, #tpu.memory_space<vmem>>)
    %dma_wait3A_445 = arith.constant 1 : i32
    %dma_wait3A_446 = arith.constant 0 : i32
    %dma_wait3A_447 = arith.constant 1 : i32
    %dma_wait3A_448 = arith.constant 0 : i32
    %dma_wait3A_449 = arith.constant 0 : i32
    %dma_wait3A_450 = tpu.memref_slice %arg4[%dma_wait3A_446, %dma_wait3A_447, %dma_wait3A_448, %dma_wait3A_449] : memref<3x3x16x512xf32, #tpu.memory_space<vmem>> -> memref<1x1x16x512xf32, #tpu.memory_space<vmem>>
    %dma_wait3A_451 = tpu.memref_squeeze %dma_wait3A_450 : memref<1x1x16x512xf32, #tpu.memory_space<vmem>> -> memref<16x512xf32, #tpu.memory_space<vmem>>
    %dma_wait3A_452 = arith.constant 0 : i32
    %dma_wait3A_453 = tpu.memref_slice %arg2[%add3A_18, %dma_wait3A_445, %add3A_317, %dma_wait3A_452] : memref<16x3x512x512xf32, #tpu.memory_space<hbm>> -> memref<1x1x16x512xf32, #tpu.memory_space<hbm>>
    %dma_wait3A_454 = tpu.memref_squeeze %dma_wait3A_453 : memref<1x1x16x512xf32, #tpu.memory_space<hbm>> -> memref<16x512xf32, #tpu.memory_space<hbm>>
    %dma_wait3A_455 = arith.constant 0 : i32
    %dma_wait3A_456 = arith.constant 0 : i32
    %dma_wait3A_457 = tpu.memref_slice %arg4[%dma_wait3A_446, %dma_wait3A_447, %dma_wait3A_455, %dma_wait3A_456] : memref<3x3x16x512xf32, #tpu.memory_space<vmem>> -> memref<1x1x16x512xf32, #tpu.memory_space<vmem>>
    %dma_wait3A_458 = tpu.memref_squeeze %dma_wait3A_457 : memref<1x1x16x512xf32, #tpu.memory_space<vmem>> -> memref<16x512xf32, #tpu.memory_space<vmem>>
    %dma_wait3A_459 = arith.constant 0 : i32
    %dma_wait3A_460 = tpu.memref_slice %arg2[%add3A_18, %dma_wait3A_445, %add3A_317, %dma_wait3A_459] : memref<16x3x512x512xf32, #tpu.memory_space<hbm>> -> memref<1x1x16x512xf32, #tpu.memory_space<hbm>>
    %dma_wait3A_461 = tpu.memref_squeeze %dma_wait3A_460 : memref<1x1x16x512xf32, #tpu.memory_space<hbm>> -> memref<16x512xf32, #tpu.memory_space<hbm>>
    tpu.wait_dma2 semaphore(%arg6 : memref<!tpu.dma_semaphore, #tpu.memory_space<semaphore_mem>>) src(%dma_wait3A_461 : memref<16x512xf32, #tpu.memory_space<hbm>>) dst(%dma_wait3A_458 : memref<16x512xf32, #tpu.memory_space<vmem>>)
    %dma_wait3A_462 = arith.constant 2 : i32
    %dma_wait3A_463 = arith.constant 0 : i32
    %dma_wait3A_464 = arith.constant 2 : i32
    %dma_wait3A_465 = arith.constant 0 : i32
    %dma_wait3A_466 = arith.constant 0 : i32
    %dma_wait3A_467 = tpu.memref_slice %arg4[%dma_wait3A_463, %dma_wait3A_464, %dma_wait3A_465, %dma_wait3A_466] : memref<3x3x16x512xf32, #tpu.memory_space<vmem>> -> memref<1x1x16x512xf32, #tpu.memory_space<vmem>>
    %dma_wait3A_468 = tpu.memref_squeeze %dma_wait3A_467 : memref<1x1x16x512xf32, #tpu.memory_space<vmem>> -> memref<16x512xf32, #tpu.memory_space<vmem>>
    %dma_wait3A_469 = arith.constant 0 : i32
    %dma_wait3A_470 = tpu.memref_slice %arg2[%add3A_18, %dma_wait3A_462, %add3A_317, %dma_wait3A_469] : memref<16x3x512x512xf32, #tpu.memory_space<hbm>> -> memref<1x1x16x512xf32, #tpu.memory_space<hbm>>
    %dma_wait3A_471 = tpu.memref_squeeze %dma_wait3A_470 : memref<1x1x16x512xf32, #tpu.memory_space<hbm>> -> memref<16x512xf32, #tpu.memory_space<hbm>>
    %dma_wait3A_472 = arith.constant 0 : i32
    %dma_wait3A_473 = arith.constant 0 : i32
    %dma_wait3A_474 = tpu.memref_slice %arg4[%dma_wait3A_463, %dma_wait3A_464, %dma_wait3A_472, %dma_wait3A_473] : memref<3x3x16x512xf32, #tpu.memory_space<vmem>> -> memref<1x1x16x512xf32, #tpu.memory_space<vmem>>
    %dma_wait3A_475 = tpu.memref_squeeze %dma_wait3A_474 : memref<1x1x16x512xf32, #tpu.memory_space<vmem>> -> memref<16x512xf32, #tpu.memory_space<vmem>>
    %dma_wait3A_476 = arith.constant 0 : i32
    %dma_wait3A_477 = tpu.memref_slice %arg2[%add3A_18, %dma_wait3A_462, %add3A_317, %dma_wait3A_476] : memref<16x3x512x512xf32, #tpu.memory_space<hbm>> -> memref<1x1x16x512xf32, #tpu.memory_space<hbm>>
    %dma_wait3A_478 = tpu.memref_squeeze %dma_wait3A_477 : memref<1x1x16x512xf32, #tpu.memory_space<hbm>> -> memref<16x512xf32, #tpu.memory_space<hbm>>
    tpu.wait_dma2 semaphore(%arg6 : memref<!tpu.dma_semaphore, #tpu.memory_space<semaphore_mem>>) src(%dma_wait3A_478 : memref<16x512xf32, #tpu.memory_space<hbm>>) dst(%dma_wait3A_475 : memref<16x512xf32, #tpu.memory_space<vmem>>)
    %add3A_479 = arith.constant 48 : i32
    %add3A_480 = arith.addi %mul3A_34, %add3A_479 : i32
    %scan3A_481 = arith.constant 0 : i32
    %scan3A_482 = arith.constant 16 : i32
    %scan3A_483 = arith.addi %scan3A_481, %scan3A_482 : i32
    %scan3A_484 = arith.constant 1 : i32
    %scan3A_485:6 = scf.for %scan3A_525 = %scan3A_481 to %scan3A_483 step %scan3A_484 iter_args(%scan3A_526 = %scan3A_426#0, %scan3A_527 = %scan3A_426#1, %scan3A_528 = %scan3A_426#2, %scan3A_529 = %scan3A_426#3, %scan3A_530 = %scan3A_426#4, %scan3A_531 = %scan3A_426#5) -> (vector<16xf32>, vector<16xf32>, f32, f32, f32, f32)  : i32 {
      %scan3A_532 = arith.constant 0 : i32
      %scan3A_533 = arith.constant 32 : i32
      %scan3A_534 = arith.addi %scan3A_532, %scan3A_533 : i32
      %scan3A_535 = arith.constant 1 : i32
      %scan3A_536:4 = scf.for %scan3A_565 = %scan3A_532 to %scan3A_534 step %scan3A_535 iter_args(%scan3A_566 = %scan3A_526, %scan3A_567 = %scan3A_527, %scan3A_568 = %broadcast_in_dim3A_37, %scan3A_569 = %broadcast_in_dim3A_37) -> (vector<16xf32>, vector<16xf32>, vector<16xi1>, vector<16xi1>)  : i32 {
        %mul3A_570 = arith.constant 16 : i32
        %mul3A_571 = arith.muli %scan3A_565, %mul3A_570 : i32
        %get3A = arith.constant 0 : i32
        %get3A_572 = arith.constant 0 : i32
        %get3A_573 = arith.index_cast %get3A : i32 to index
        %get3A_574 = arith.index_cast %get3A_572 : i32 to index
        %get3A_575 = arith.index_cast %scan3A_525 : i32 to index
        %get3A_576 = arith.index_cast %mul3A_571 : i32 to index
        %get3A_577 = tpu.vector_load %arg4[%get3A_573, %get3A_574, %get3A_575, %get3A_576] {strides = array<i32>} : memref<3x3x16x512xf32, #tpu.memory_space<vmem>>, vector<16xf32>,
        %get3A_578 = arith.constant 0 : i32
        %get3A_579 = arith.constant 1 : i32
        %get3A_580 = arith.index_cast %get3A_578 : i32 to index
        %get3A_581 = arith.index_cast %get3A_579 : i32 to index
        %get3A_582 = arith.index_cast %scan3A_525 : i32 to index
        %get3A_583 = arith.index_cast %mul3A_571 : i32 to index
        %get3A_584 = tpu.vector_load %arg4[%get3A_580, %get3A_581, %get3A_582, %get3A_583] {strides = array<i32>} : memref<3x3x16x512xf32, #tpu.memory_space<vmem>>, vector<16xf32>,
        %get3A_585 = arith.constant 0 : i32
        %get3A_586 = arith.constant 2 : i32
        %get3A_587 = arith.index_cast %get3A_585 : i32 to index
        %get3A_588 = arith.index_cast %get3A_586 : i32 to index
        %get3A_589 = arith.index_cast %scan3A_525 : i32 to index
        %get3A_590 = arith.index_cast %mul3A_571 : i32 to index
        %get3A_591 = tpu.vector_load %arg4[%get3A_587, %get3A_588, %get3A_589, %get3A_590] {strides = array<i32>} : memref<3x3x16x512xf32, #tpu.memory_space<vmem>>, vector<16xf32>,
        %sub3A_592 = arith.subf %get3A_584, %get3A_577 : vector<16xf32>
        %sub3A_593 = arith.subf %get3A_591, %get3A_577 : vector<16xf32>
        %exp3A = math.exp %sub3A_592 : vector<16xf32>
        %exp3A_594 = math.exp %sub3A_593 : vector<16xf32>
        %add3A_595 = arith.constant 1.000000e+00 : f32
        %add3A_596 = vector.broadcast %add3A_595 : f32 to vector<16xf32>
        %add3A_597 = arith.addf %add3A_596, %exp3A : vector<16xf32>
        %add3A_598 = arith.addf %add3A_597, %exp3A_594 : vector<16xf32>
        %div3A_599 = arith.constant 1.000000e+00 : f32
        %div3A_600 = vector.broadcast %div3A_599 : f32 to vector<16xf32>
        %div3A_601 = arith.divf %div3A_600, %add3A_598 : vector<16xf32>
        %mul3A_602 = arith.mulf %exp3A, %div3A_601 : vector<16xf32>
        %add3A_603 = arith.addf %scan3A_566, %mul3A_602 : vector<16xf32>
        %mul3A_604 = arith.mulf %exp3A_594, %div3A_601 : vector<16xf32>
        %add3A_605 = arith.addf %scan3A_567, %mul3A_604 : vector<16xf32>
        %gt3A = arith.constant 0.000000e+00 : f32
        %gt3A_606 = vector.broadcast %gt3A : f32 to vector<16xf32>
        %gt3A_607 = arith.cmpf ogt, %sub3A_592, %gt3A_606 : vector<16xf32>
        %ge3A = arith.cmpf oge, %sub3A_592, %sub3A_593 : vector<16xf32>
        %and3A_608 = arith.andi %gt3A_607, %ge3A : vector<16xi1>
        %or3A = arith.ori %scan3A_568, %and3A_608 : vector<16xi1>
        %gt3A_609 = arith.constant 0.000000e+00 : f32
        %gt3A_610 = vector.broadcast %gt3A_609 : f32 to vector<16xf32>
        %gt3A_611 = arith.cmpf ogt, %sub3A_593, %gt3A_610 : vector<16xf32>
        %gt3A_612 = arith.cmpf ogt, %sub3A_593, %sub3A_592 : vector<16xf32>
        %and3A_613 = arith.andi %gt3A_611, %gt3A_612 : vector<16xi1>
        %or3A_614 = arith.ori %scan3A_569, %and3A_613 : vector<16xi1>
        scf.yield %add3A_603, %add3A_605, %or3A, %or3A_614 : vector<16xf32>, vector<16xf32>, vector<16xi1>, vector<16xi1>
      }
      %scan3A_537 = arith.constant 32 : i32
      %add3A_538 = arith.addi %add3A_480, %scan3A_525 : i32
      %convert_element_type3A = arith.sitofp %add3A_538 : i32 to f32
      %reduce_or3A = arith.constant 1.000000e+00 : f32
      %reduce_or3A_539 = arith.constant 0.000000e+00 : f32
      %reduce_or3A_540 = vector.broadcast %reduce_or3A : f32 to vector<16xf32>
      %reduce_or3A_541 = vector.broadcast %reduce_or3A_539 : f32 to vector<16xf32>
      %reduce_or3A_542 = arith.select %scan3A_536#2, %reduce_or3A_540, %reduce_or3A_541 : vector<16xi1>, vector<16xf32>
      %reduce_or3A_543 = arith.constant true
      %reduce_or3A_544 = vector.broadcast %reduce_or3A_543 : i1 to vector<16xi1>
      %reduce_or3A_545 = tpu.scan <max>, %reduce_or3A_542 masked %reduce_or3A_544 : vector<16xf32>, vector<16xi1> -> vector<16xf32>
      %reduce_or3A_546 = vector.extract %reduce_or3A_545[15] : f32 from vector<16xf32>
      %reduce_or3A_547 = arith.constant 0.000000e+00 : f32
      %reduce_or3A_548 = arith.cmpf ogt, %reduce_or3A_546, %reduce_or3A_547 : f32
      %reduce_or3A_549 = arith.constant 1.000000e+00 : f32
      %reduce_or3A_550 = arith.constant 0.000000e+00 : f32
      %reduce_or3A_551 = vector.broadcast %reduce_or3A_549 : f32 to vector<16xf32>
      %reduce_or3A_552 = vector.broadcast %reduce_or3A_550 : f32 to vector<16xf32>
      %reduce_or3A_553 = arith.select %scan3A_536#3, %reduce_or3A_551, %reduce_or3A_552 : vector<16xi1>, vector<16xf32>
      %reduce_or3A_554 = arith.constant true
      %reduce_or3A_555 = vector.broadcast %reduce_or3A_554 : i1 to vector<16xi1>
      %reduce_or3A_556 = tpu.scan <max>, %reduce_or3A_553 masked %reduce_or3A_555 : vector<16xf32>, vector<16xi1> -> vector<16xf32>
      %reduce_or3A_557 = vector.extract %reduce_or3A_556[15] : f32 from vector<16xf32>
      %reduce_or3A_558 = arith.constant 0.000000e+00 : f32
      %reduce_or3A_559 = arith.cmpf ogt, %reduce_or3A_557, %reduce_or3A_558 : f32
      %min3A = arith.minimumf %scan3A_528, %convert_element_type3A : f32
      %select_n3A_560 = arith.select %reduce_or3A_548, %min3A, %scan3A_528 : f32
      %select_n3A_561 = arith.select %reduce_or3A_548, %convert_element_type3A, %scan3A_529 : f32
      %min3A_562 = arith.minimumf %scan3A_530, %convert_element_type3A : f32
      %select_n3A_563 = arith.select %reduce_or3A_559, %min3A_562, %scan3A_530 : f32
      %select_n3A_564 = arith.select %reduce_or3A_559, %convert_element_type3A, %scan3A_531 : f32
      scf.yield %scan3A_536#0, %scan3A_536#1, %select_n3A_560, %select_n3A_561, %select_n3A_563, %select_n3A_564 : vector<16xf32>, vector<16xf32>, f32, f32, f32, f32
    }
    %scan3A_486 = arith.constant 16 : i32
    %iota3A = tpu.iota {dimensions = array<i32: 0>} : vector<16xi32>
    %eq3A_487 = arith.constant 0 : i32
    %eq3A_488 = vector.broadcast %eq3A_487 : i32 to vector<16xi32>
    %eq3A_489 = arith.cmpi eq, %iota3A, %eq3A_488 : vector<16xi32>
    %broadcast_in_dim3A_490 = vector.broadcast %scan3A_485#2 : f32 to vector<16xf32>
    %select_n3A_491 = arith.select %eq3A_489, %broadcast_in_dim3A_490, %broadcast_in_dim3A_35 : vector<16xi1>, vector<16xf32>
    %eq3A_492 = arith.constant 1 : i32
    %eq3A_493 = vector.broadcast %eq3A_492 : i32 to vector<16xi32>
    %eq3A_494 = arith.cmpi eq, %iota3A, %eq3A_493 : vector<16xi32>
    %broadcast_in_dim3A_495 = vector.broadcast %scan3A_485#3 : f32 to vector<16xf32>
    %select_n3A_496 = arith.select %eq3A_494, %broadcast_in_dim3A_495, %select_n3A_491 : vector<16xi1>, vector<16xf32>
    %eq3A_497 = arith.constant 2 : i32
    %eq3A_498 = vector.broadcast %eq3A_497 : i32 to vector<16xi32>
    %eq3A_499 = arith.cmpi eq, %iota3A, %eq3A_498 : vector<16xi32>
    %broadcast_in_dim3A_500 = vector.broadcast %scan3A_485#4 : f32 to vector<16xf32>
    %select_n3A_501 = arith.select %eq3A_499, %broadcast_in_dim3A_500, %select_n3A_496 : vector<16xi1>, vector<16xf32>
    %eq3A_502 = arith.constant 3 : i32
    %eq3A_503 = vector.broadcast %eq3A_502 : i32 to vector<16xi32>
    %eq3A_504 = arith.cmpi eq, %iota3A, %eq3A_503 : vector<16xi32>
    %broadcast_in_dim3A_505 = vector.broadcast %scan3A_485#5 : f32 to vector<16xf32>
    %select_n3A_506 = arith.select %eq3A_504, %broadcast_in_dim3A_505, %select_n3A_501 : vector<16xi1>, vector<16xf32>
    %eq3A_507 = arith.constant 4 : i32
    %eq3A_508 = vector.broadcast %eq3A_507 : i32 to vector<16xi32>
    %eq3A_509 = arith.cmpi eq, %iota3A, %eq3A_508 : vector<16xi32>
    %reduce_sum3A = arith.constant true
    %reduce_sum3A_510 = vector.broadcast %reduce_sum3A : i1 to vector<16xi1>
    %reduce_sum3A_511 = tpu.scan <sum>, %scan3A_485#0 masked %reduce_sum3A_510 : vector<16xf32>, vector<16xi1> -> vector<16xf32>
    %reduce_sum3A_512 = vector.extract %reduce_sum3A_511[15] : f32 from vector<16xf32>
    %broadcast_in_dim3A_513 = vector.broadcast %reduce_sum3A_512 : f32 to vector<16xf32>
    %select_n3A_514 = arith.select %eq3A_509, %broadcast_in_dim3A_513, %select_n3A_506 : vector<16xi1>, vector<16xf32>
    %eq3A_515 = arith.constant 5 : i32
    %eq3A_516 = vector.broadcast %eq3A_515 : i32 to vector<16xi32>
    %eq3A_517 = arith.cmpi eq, %iota3A, %eq3A_516 : vector<16xi32>
    %reduce_sum3A_518 = arith.constant true
    %reduce_sum3A_519 = vector.broadcast %reduce_sum3A_518 : i1 to vector<16xi1>
    %reduce_sum3A_520 = tpu.scan <sum>, %scan3A_485#1 masked %reduce_sum3A_519 : vector<16xf32>, vector<16xi1> -> vector<16xf32>
    %reduce_sum3A_521 = vector.extract %reduce_sum3A_520[15] : f32 from vector<16xf32>
    %broadcast_in_dim3A_522 = vector.broadcast %reduce_sum3A_521 : f32 to vector<16xf32>
    %select_n3A_523 = arith.select %eq3A_517, %broadcast_in_dim3A_522, %select_n3A_514 : vector<16xi1>, vector<16xf32>
    %swap3A = arith.constant 0 : index
    %swap3A_524 = tpu.vector_load %arg5[%swap3A] {strides = array<i32>} : memref<16xf32, #tpu.memory_space<vmem>>, vector<16xf32>,
    tpu.vector_store %arg5[%swap3A], %select_n3A_523 {strides = array<i32>} : memref<16xf32, #tpu.memory_space<vmem>>, vector<16xf32>,
    "tpu.region"() ({
      %run_scoped3A = tpu.sem_alloc : memref<!tpu.dma_semaphore, #tpu.memory_space<semaphore_mem>>
      %dma_start3A_525 = arith.constant 0 : i32
      %dma_start3A_526 = tpu.memref_slice %arg3[%add3A, %dma_start3A_525] : memref<32x16xf32, #tpu.memory_space<hbm>> -> memref<1x16xf32, #tpu.memory_space<hbm>>
      %dma_start3A_527 = tpu.memref_squeeze %dma_start3A_526 : memref<1x16xf32, #tpu.memory_space<hbm>> -> memref<16xf32, #tpu.memory_space<hbm>>
      %dma_start3A_528 = arith.constant 0 : i32
      %dma_start3A_529 = tpu.memref_slice %arg3[%add3A, %dma_start3A_528] : memref<32x16xf32, #tpu.memory_space<hbm>> -> memref<1x16xf32, #tpu.memory_space<hbm>>
      %dma_start3A_530 = tpu.memref_squeeze %dma_start3A_529 : memref<1x16xf32, #tpu.memory_space<hbm>> -> memref<16xf32, #tpu.memory_space<hbm>>
      tpu.enqueue_dma source(%arg5 : memref<16xf32, #tpu.memory_space<vmem>>) target(%dma_start3A_530 : memref<16xf32, #tpu.memory_space<hbm>>) target_semaphore(%run_scoped3A : memref<!tpu.dma_semaphore, #tpu.memory_space<semaphore_mem>>)
      %dma_wait3A_531 = arith.constant 0 : i32
      %dma_wait3A_532 = tpu.memref_slice %arg3[%add3A, %dma_wait3A_531] : memref<32x16xf32, #tpu.memory_space<hbm>> -> memref<1x16xf32, #tpu.memory_space<hbm>>
      %dma_wait3A_533 = tpu.memref_squeeze %dma_wait3A_532 : memref<1x16xf32, #tpu.memory_space<hbm>> -> memref<16xf32, #tpu.memory_space<hbm>>
      %dma_wait3A_534 = arith.constant 0 : i32
      %dma_wait3A_535 = tpu.memref_slice %arg3[%add3A, %dma_wait3A_534] : memref<32x16xf32, #tpu.memory_space<hbm>> -> memref<1x16xf32, #tpu.memory_space<hbm>>
      %dma_wait3A_536 = tpu.memref_squeeze %dma_wait3A_535 : memref<1x16xf32, #tpu.memory_space<hbm>> -> memref<16xf32, #tpu.memory_space<hbm>>
      tpu.wait_dma2 semaphore(%run_scoped3A : memref<!tpu.dma_semaphore, #tpu.memory_space<semaphore_mem>>) src(%arg5 : memref<16xf32, #tpu.memory_space<vmem>>) dst(%dma_wait3A_536 : memref<16xf32, #tpu.memory_space<hbm>>)
      tpu.yield
    }) : () -> ()
    return
  }
}

module attributes {stable_mosaic.version = 14 : i64} {
  func.func @_tc_kernel(%arg0: memref<16x3x512x512xf32, #tpu.memory_space<any>>, %arg1: memref<12x1x128xf32, #tpu.memory_space<vmem>>, %arg2: memref<6x3x512x512xf32, #tpu.memory_space<vmem>>, %arg3: memref<6x!tpu.dma_semaphore, #tpu.memory_space<semaphore_mem>>) attributes {dimension_semantics = [], scalar_prefetch = 0 : i64, scratch_operands = 2 : i64, tpu.core_type = #tpu.core_type<tc>} {
    %dma_start3A = arith.constant 0 : i32
    %dma_start3A_0 = arith.constant 0 : i32
    %dma_start3A_1 = arith.constant 0 : i32
    %dma_start3A_2 = arith.constant 0 : i32
    %dma_start3A_3 = arith.constant 0 : i32
    %dma_start3A_4 = tpu.memref_slice %arg3[%dma_start3A_3] : memref<6x!tpu.dma_semaphore, #tpu.memory_space<semaphore_mem>> -> memref<1x!tpu.dma_semaphore, #tpu.memory_space<semaphore_mem>>
    %dma_start3A_5 = tpu.memref_squeeze %dma_start3A_4 : memref<1x!tpu.dma_semaphore, #tpu.memory_space<semaphore_mem>> -> memref<!tpu.dma_semaphore, #tpu.memory_space<semaphore_mem>>
    %dma_start3A_6 = arith.constant 0 : i32
    %dma_start3A_7 = arith.constant 0 : i32
    %dma_start3A_8 = tpu.memref_slice %arg2[%dma_start3A_1, %dma_start3A_2, %dma_start3A_6, %dma_start3A_7] : memref<6x3x512x512xf32, #tpu.memory_space<vmem>> -> memref<1x1x512x512xf32, #tpu.memory_space<vmem>>
    %dma_start3A_9 = tpu.memref_squeeze %dma_start3A_8 : memref<1x1x512x512xf32, #tpu.memory_space<vmem>> -> memref<512x512xf32, #tpu.memory_space<vmem>>
    %dma_start3A_10 = arith.constant 0 : i32
    %dma_start3A_11 = arith.constant 0 : i32
    %dma_start3A_12 = tpu.memref_slice %arg0[%dma_start3A, %dma_start3A_0, %dma_start3A_10, %dma_start3A_11] : memref<16x3x512x512xf32, #tpu.memory_space<any>> -> memref<1x1x512x512xf32, #tpu.memory_space<any>>
    %dma_start3A_13 = tpu.memref_squeeze %dma_start3A_12 : memref<1x1x512x512xf32, #tpu.memory_space<any>> -> memref<512x512xf32, #tpu.memory_space<any>>
    tpu.enqueue_dma source(%dma_start3A_13 : memref<512x512xf32, #tpu.memory_space<any>>) target(%dma_start3A_9 : memref<512x512xf32, #tpu.memory_space<vmem>>) target_semaphore(%dma_start3A_5 : memref<!tpu.dma_semaphore, #tpu.memory_space<semaphore_mem>>)
    %dma_start3A_14 = arith.constant 0 : i32
    %dma_start3A_15 = arith.constant 1 : i32
    %dma_start3A_16 = arith.constant 0 : i32
    %dma_start3A_17 = arith.constant 1 : i32
    %dma_start3A_18 = arith.constant 0 : i32
    %dma_start3A_19 = tpu.memref_slice %arg3[%dma_start3A_18] : memref<6x!tpu.dma_semaphore, #tpu.memory_space<semaphore_mem>> -> memref<1x!tpu.dma_semaphore, #tpu.memory_space<semaphore_mem>>
    %dma_start3A_20 = tpu.memref_squeeze %dma_start3A_19 : memref<1x!tpu.dma_semaphore, #tpu.memory_space<semaphore_mem>> -> memref<!tpu.dma_semaphore, #tpu.memory_space<semaphore_mem>>
    %dma_start3A_21 = arith.constant 0 : i32
    %dma_start3A_22 = arith.constant 0 : i32
    %dma_start3A_23 = tpu.memref_slice %arg2[%dma_start3A_16, %dma_start3A_17, %dma_start3A_21, %dma_start3A_22] : memref<6x3x512x512xf32, #tpu.memory_space<vmem>> -> memref<1x1x512x512xf32, #tpu.memory_space<vmem>>
    %dma_start3A_24 = tpu.memref_squeeze %dma_start3A_23 : memref<1x1x512x512xf32, #tpu.memory_space<vmem>> -> memref<512x512xf32, #tpu.memory_space<vmem>>
    %dma_start3A_25 = arith.constant 0 : i32
    %dma_start3A_26 = arith.constant 0 : i32
    %dma_start3A_27 = tpu.memref_slice %arg0[%dma_start3A_14, %dma_start3A_15, %dma_start3A_25, %dma_start3A_26] : memref<16x3x512x512xf32, #tpu.memory_space<any>> -> memref<1x1x512x512xf32, #tpu.memory_space<any>>
    %dma_start3A_28 = tpu.memref_squeeze %dma_start3A_27 : memref<1x1x512x512xf32, #tpu.memory_space<any>> -> memref<512x512xf32, #tpu.memory_space<any>>
    tpu.enqueue_dma source(%dma_start3A_28 : memref<512x512xf32, #tpu.memory_space<any>>) target(%dma_start3A_24 : memref<512x512xf32, #tpu.memory_space<vmem>>) target_semaphore(%dma_start3A_20 : memref<!tpu.dma_semaphore, #tpu.memory_space<semaphore_mem>>)
    %dma_start3A_29 = arith.constant 0 : i32
    %dma_start3A_30 = arith.constant 2 : i32
    %dma_start3A_31 = arith.constant 0 : i32
    %dma_start3A_32 = arith.constant 2 : i32
    %dma_start3A_33 = arith.constant 0 : i32
    %dma_start3A_34 = tpu.memref_slice %arg3[%dma_start3A_33] : memref<6x!tpu.dma_semaphore, #tpu.memory_space<semaphore_mem>> -> memref<1x!tpu.dma_semaphore, #tpu.memory_space<semaphore_mem>>
    %dma_start3A_35 = tpu.memref_squeeze %dma_start3A_34 : memref<1x!tpu.dma_semaphore, #tpu.memory_space<semaphore_mem>> -> memref<!tpu.dma_semaphore, #tpu.memory_space<semaphore_mem>>
    %dma_start3A_36 = arith.constant 0 : i32
    %dma_start3A_37 = arith.constant 0 : i32
    %dma_start3A_38 = tpu.memref_slice %arg2[%dma_start3A_31, %dma_start3A_32, %dma_start3A_36, %dma_start3A_37] : memref<6x3x512x512xf32, #tpu.memory_space<vmem>> -> memref<1x1x512x512xf32, #tpu.memory_space<vmem>>
    %dma_start3A_39 = tpu.memref_squeeze %dma_start3A_38 : memref<1x1x512x512xf32, #tpu.memory_space<vmem>> -> memref<512x512xf32, #tpu.memory_space<vmem>>
    %dma_start3A_40 = arith.constant 0 : i32
    %dma_start3A_41 = arith.constant 0 : i32
    %dma_start3A_42 = tpu.memref_slice %arg0[%dma_start3A_29, %dma_start3A_30, %dma_start3A_40, %dma_start3A_41] : memref<16x3x512x512xf32, #tpu.memory_space<any>> -> memref<1x1x512x512xf32, #tpu.memory_space<any>>
    %dma_start3A_43 = tpu.memref_squeeze %dma_start3A_42 : memref<1x1x512x512xf32, #tpu.memory_space<any>> -> memref<512x512xf32, #tpu.memory_space<any>>
    tpu.enqueue_dma source(%dma_start3A_43 : memref<512x512xf32, #tpu.memory_space<any>>) target(%dma_start3A_39 : memref<512x512xf32, #tpu.memory_space<vmem>>) target_semaphore(%dma_start3A_35 : memref<!tpu.dma_semaphore, #tpu.memory_space<semaphore_mem>>)
    %dma_start3A_44 = arith.constant 1 : i32
    %dma_start3A_45 = arith.constant 0 : i32
    %dma_start3A_46 = arith.constant 1 : i32
    %dma_start3A_47 = arith.constant 0 : i32
    %dma_start3A_48 = arith.constant 1 : i32
    %dma_start3A_49 = tpu.memref_slice %arg3[%dma_start3A_48] : memref<6x!tpu.dma_semaphore, #tpu.memory_space<semaphore_mem>> -> memref<1x!tpu.dma_semaphore, #tpu.memory_space<semaphore_mem>>
    %dma_start3A_50 = tpu.memref_squeeze %dma_start3A_49 : memref<1x!tpu.dma_semaphore, #tpu.memory_space<semaphore_mem>> -> memref<!tpu.dma_semaphore, #tpu.memory_space<semaphore_mem>>
    %dma_start3A_51 = arith.constant 0 : i32
    %dma_start3A_52 = arith.constant 0 : i32
    %dma_start3A_53 = tpu.memref_slice %arg2[%dma_start3A_46, %dma_start3A_47, %dma_start3A_51, %dma_start3A_52] : memref<6x3x512x512xf32, #tpu.memory_space<vmem>> -> memref<1x1x512x512xf32, #tpu.memory_space<vmem>>
    %dma_start3A_54 = tpu.memref_squeeze %dma_start3A_53 : memref<1x1x512x512xf32, #tpu.memory_space<vmem>> -> memref<512x512xf32, #tpu.memory_space<vmem>>
    %dma_start3A_55 = arith.constant 0 : i32
    %dma_start3A_56 = arith.constant 0 : i32
    %dma_start3A_57 = tpu.memref_slice %arg0[%dma_start3A_44, %dma_start3A_45, %dma_start3A_55, %dma_start3A_56] : memref<16x3x512x512xf32, #tpu.memory_space<any>> -> memref<1x1x512x512xf32, #tpu.memory_space<any>>
    %dma_start3A_58 = tpu.memref_squeeze %dma_start3A_57 : memref<1x1x512x512xf32, #tpu.memory_space<any>> -> memref<512x512xf32, #tpu.memory_space<any>>
    tpu.enqueue_dma source(%dma_start3A_58 : memref<512x512xf32, #tpu.memory_space<any>>) target(%dma_start3A_54 : memref<512x512xf32, #tpu.memory_space<vmem>>) target_semaphore(%dma_start3A_50 : memref<!tpu.dma_semaphore, #tpu.memory_space<semaphore_mem>>)
    %dma_start3A_59 = arith.constant 1 : i32
    %dma_start3A_60 = arith.constant 1 : i32
    %dma_start3A_61 = arith.constant 1 : i32
    %dma_start3A_62 = arith.constant 1 : i32
    %dma_start3A_63 = arith.constant 1 : i32
    %dma_start3A_64 = tpu.memref_slice %arg3[%dma_start3A_63] : memref<6x!tpu.dma_semaphore, #tpu.memory_space<semaphore_mem>> -> memref<1x!tpu.dma_semaphore, #tpu.memory_space<semaphore_mem>>
    %dma_start3A_65 = tpu.memref_squeeze %dma_start3A_64 : memref<1x!tpu.dma_semaphore, #tpu.memory_space<semaphore_mem>> -> memref<!tpu.dma_semaphore, #tpu.memory_space<semaphore_mem>>
    %dma_start3A_66 = arith.constant 0 : i32
    %dma_start3A_67 = arith.constant 0 : i32
    %dma_start3A_68 = tpu.memref_slice %arg2[%dma_start3A_61, %dma_start3A_62, %dma_start3A_66, %dma_start3A_67] : memref<6x3x512x512xf32, #tpu.memory_space<vmem>> -> memref<1x1x512x512xf32, #tpu.memory_space<vmem>>
    %dma_start3A_69 = tpu.memref_squeeze %dma_start3A_68 : memref<1x1x512x512xf32, #tpu.memory_space<vmem>> -> memref<512x512xf32, #tpu.memory_space<vmem>>
    %dma_start3A_70 = arith.constant 0 : i32
    %dma_start3A_71 = arith.constant 0 : i32
    %dma_start3A_72 = tpu.memref_slice %arg0[%dma_start3A_59, %dma_start3A_60, %dma_start3A_70, %dma_start3A_71] : memref<16x3x512x512xf32, #tpu.memory_space<any>> -> memref<1x1x512x512xf32, #tpu.memory_space<any>>
    %dma_start3A_73 = tpu.memref_squeeze %dma_start3A_72 : memref<1x1x512x512xf32, #tpu.memory_space<any>> -> memref<512x512xf32, #tpu.memory_space<any>>
    tpu.enqueue_dma source(%dma_start3A_73 : memref<512x512xf32, #tpu.memory_space<any>>) target(%dma_start3A_69 : memref<512x512xf32, #tpu.memory_space<vmem>>) target_semaphore(%dma_start3A_65 : memref<!tpu.dma_semaphore, #tpu.memory_space<semaphore_mem>>)
    %dma_start3A_74 = arith.constant 1 : i32
    %dma_start3A_75 = arith.constant 2 : i32
    %dma_start3A_76 = arith.constant 1 : i32
    %dma_start3A_77 = arith.constant 2 : i32
    %dma_start3A_78 = arith.constant 1 : i32
    %dma_start3A_79 = tpu.memref_slice %arg3[%dma_start3A_78] : memref<6x!tpu.dma_semaphore, #tpu.memory_space<semaphore_mem>> -> memref<1x!tpu.dma_semaphore, #tpu.memory_space<semaphore_mem>>
    %dma_start3A_80 = tpu.memref_squeeze %dma_start3A_79 : memref<1x!tpu.dma_semaphore, #tpu.memory_space<semaphore_mem>> -> memref<!tpu.dma_semaphore, #tpu.memory_space<semaphore_mem>>
    %dma_start3A_81 = arith.constant 0 : i32
    %dma_start3A_82 = arith.constant 0 : i32
    %dma_start3A_83 = tpu.memref_slice %arg2[%dma_start3A_76, %dma_start3A_77, %dma_start3A_81, %dma_start3A_82] : memref<6x3x512x512xf32, #tpu.memory_space<vmem>> -> memref<1x1x512x512xf32, #tpu.memory_space<vmem>>
    %dma_start3A_84 = tpu.memref_squeeze %dma_start3A_83 : memref<1x1x512x512xf32, #tpu.memory_space<vmem>> -> memref<512x512xf32, #tpu.memory_space<vmem>>
    %dma_start3A_85 = arith.constant 0 : i32
    %dma_start3A_86 = arith.constant 0 : i32
    %dma_start3A_87 = tpu.memref_slice %arg0[%dma_start3A_74, %dma_start3A_75, %dma_start3A_85, %dma_start3A_86] : memref<16x3x512x512xf32, #tpu.memory_space<any>> -> memref<1x1x512x512xf32, #tpu.memory_space<any>>
    %dma_start3A_88 = tpu.memref_squeeze %dma_start3A_87 : memref<1x1x512x512xf32, #tpu.memory_space<any>> -> memref<512x512xf32, #tpu.memory_space<any>>
    tpu.enqueue_dma source(%dma_start3A_88 : memref<512x512xf32, #tpu.memory_space<any>>) target(%dma_start3A_84 : memref<512x512xf32, #tpu.memory_space<vmem>>) target_semaphore(%dma_start3A_80 : memref<!tpu.dma_semaphore, #tpu.memory_space<semaphore_mem>>)
    %dma_start3A_89 = arith.constant 2 : i32
    %dma_start3A_90 = arith.constant 0 : i32
    %dma_start3A_91 = arith.constant 2 : i32
    %dma_start3A_92 = arith.constant 0 : i32
    %dma_start3A_93 = arith.constant 2 : i32
    %dma_start3A_94 = tpu.memref_slice %arg3[%dma_start3A_93] : memref<6x!tpu.dma_semaphore, #tpu.memory_space<semaphore_mem>> -> memref<1x!tpu.dma_semaphore, #tpu.memory_space<semaphore_mem>>
    %dma_start3A_95 = tpu.memref_squeeze %dma_start3A_94 : memref<1x!tpu.dma_semaphore, #tpu.memory_space<semaphore_mem>> -> memref<!tpu.dma_semaphore, #tpu.memory_space<semaphore_mem>>
    %dma_start3A_96 = arith.constant 0 : i32
    %dma_start3A_97 = arith.constant 0 : i32
    %dma_start3A_98 = tpu.memref_slice %arg2[%dma_start3A_91, %dma_start3A_92, %dma_start3A_96, %dma_start3A_97] : memref<6x3x512x512xf32, #tpu.memory_space<vmem>> -> memref<1x1x512x512xf32, #tpu.memory_space<vmem>>
    %dma_start3A_99 = tpu.memref_squeeze %dma_start3A_98 : memref<1x1x512x512xf32, #tpu.memory_space<vmem>> -> memref<512x512xf32, #tpu.memory_space<vmem>>
    %dma_start3A_100 = arith.constant 0 : i32
    %dma_start3A_101 = arith.constant 0 : i32
    %dma_start3A_102 = tpu.memref_slice %arg0[%dma_start3A_89, %dma_start3A_90, %dma_start3A_100, %dma_start3A_101] : memref<16x3x512x512xf32, #tpu.memory_space<any>> -> memref<1x1x512x512xf32, #tpu.memory_space<any>>
    %dma_start3A_103 = tpu.memref_squeeze %dma_start3A_102 : memref<1x1x512x512xf32, #tpu.memory_space<any>> -> memref<512x512xf32, #tpu.memory_space<any>>
    tpu.enqueue_dma source(%dma_start3A_103 : memref<512x512xf32, #tpu.memory_space<any>>) target(%dma_start3A_99 : memref<512x512xf32, #tpu.memory_space<vmem>>) target_semaphore(%dma_start3A_95 : memref<!tpu.dma_semaphore, #tpu.memory_space<semaphore_mem>>)
    %dma_start3A_104 = arith.constant 2 : i32
    %dma_start3A_105 = arith.constant 1 : i32
    %dma_start3A_106 = arith.constant 2 : i32
    %dma_start3A_107 = arith.constant 1 : i32
    %dma_start3A_108 = arith.constant 2 : i32
    %dma_start3A_109 = tpu.memref_slice %arg3[%dma_start3A_108] : memref<6x!tpu.dma_semaphore, #tpu.memory_space<semaphore_mem>> -> memref<1x!tpu.dma_semaphore, #tpu.memory_space<semaphore_mem>>
    %dma_start3A_110 = tpu.memref_squeeze %dma_start3A_109 : memref<1x!tpu.dma_semaphore, #tpu.memory_space<semaphore_mem>> -> memref<!tpu.dma_semaphore, #tpu.memory_space<semaphore_mem>>
    %dma_start3A_111 = arith.constant 0 : i32
    %dma_start3A_112 = arith.constant 0 : i32
    %dma_start3A_113 = tpu.memref_slice %arg2[%dma_start3A_106, %dma_start3A_107, %dma_start3A_111, %dma_start3A_112] : memref<6x3x512x512xf32, #tpu.memory_space<vmem>> -> memref<1x1x512x512xf32, #tpu.memory_space<vmem>>
    %dma_start3A_114 = tpu.memref_squeeze %dma_start3A_113 : memref<1x1x512x512xf32, #tpu.memory_space<vmem>> -> memref<512x512xf32, #tpu.memory_space<vmem>>
    %dma_start3A_115 = arith.constant 0 : i32
    %dma_start3A_116 = arith.constant 0 : i32
    %dma_start3A_117 = tpu.memref_slice %arg0[%dma_start3A_104, %dma_start3A_105, %dma_start3A_115, %dma_start3A_116] : memref<16x3x512x512xf32, #tpu.memory_space<any>> -> memref<1x1x512x512xf32, #tpu.memory_space<any>>
    %dma_start3A_118 = tpu.memref_squeeze %dma_start3A_117 : memref<1x1x512x512xf32, #tpu.memory_space<any>> -> memref<512x512xf32, #tpu.memory_space<any>>
    tpu.enqueue_dma source(%dma_start3A_118 : memref<512x512xf32, #tpu.memory_space<any>>) target(%dma_start3A_114 : memref<512x512xf32, #tpu.memory_space<vmem>>) target_semaphore(%dma_start3A_110 : memref<!tpu.dma_semaphore, #tpu.memory_space<semaphore_mem>>)
    %dma_start3A_119 = arith.constant 2 : i32
    %dma_start3A_120 = arith.constant 2 : i32
    %dma_start3A_121 = arith.constant 2 : i32
    %dma_start3A_122 = arith.constant 2 : i32
    %dma_start3A_123 = arith.constant 2 : i32
    %dma_start3A_124 = tpu.memref_slice %arg3[%dma_start3A_123] : memref<6x!tpu.dma_semaphore, #tpu.memory_space<semaphore_mem>> -> memref<1x!tpu.dma_semaphore, #tpu.memory_space<semaphore_mem>>
    %dma_start3A_125 = tpu.memref_squeeze %dma_start3A_124 : memref<1x!tpu.dma_semaphore, #tpu.memory_space<semaphore_mem>> -> memref<!tpu.dma_semaphore, #tpu.memory_space<semaphore_mem>>
    %dma_start3A_126 = arith.constant 0 : i32
    %dma_start3A_127 = arith.constant 0 : i32
    %dma_start3A_128 = tpu.memref_slice %arg2[%dma_start3A_121, %dma_start3A_122, %dma_start3A_126, %dma_start3A_127] : memref<6x3x512x512xf32, #tpu.memory_space<vmem>> -> memref<1x1x512x512xf32, #tpu.memory_space<vmem>>
    %dma_start3A_129 = tpu.memref_squeeze %dma_start3A_128 : memref<1x1x512x512xf32, #tpu.memory_space<vmem>> -> memref<512x512xf32, #tpu.memory_space<vmem>>
    %dma_start3A_130 = arith.constant 0 : i32
    %dma_start3A_131 = arith.constant 0 : i32
    %dma_start3A_132 = tpu.memref_slice %arg0[%dma_start3A_119, %dma_start3A_120, %dma_start3A_130, %dma_start3A_131] : memref<16x3x512x512xf32, #tpu.memory_space<any>> -> memref<1x1x512x512xf32, #tpu.memory_space<any>>
    %dma_start3A_133 = tpu.memref_squeeze %dma_start3A_132 : memref<1x1x512x512xf32, #tpu.memory_space<any>> -> memref<512x512xf32, #tpu.memory_space<any>>
    tpu.enqueue_dma source(%dma_start3A_133 : memref<512x512xf32, #tpu.memory_space<any>>) target(%dma_start3A_129 : memref<512x512xf32, #tpu.memory_space<vmem>>) target_semaphore(%dma_start3A_125 : memref<!tpu.dma_semaphore, #tpu.memory_space<semaphore_mem>>)
    %dma_start3A_134 = arith.constant 3 : i32
    %dma_start3A_135 = arith.constant 0 : i32
    %dma_start3A_136 = arith.constant 3 : i32
    %dma_start3A_137 = arith.constant 0 : i32
    %dma_start3A_138 = arith.constant 3 : i32
    %dma_start3A_139 = tpu.memref_slice %arg3[%dma_start3A_138] : memref<6x!tpu.dma_semaphore, #tpu.memory_space<semaphore_mem>> -> memref<1x!tpu.dma_semaphore, #tpu.memory_space<semaphore_mem>>
    %dma_start3A_140 = tpu.memref_squeeze %dma_start3A_139 : memref<1x!tpu.dma_semaphore, #tpu.memory_space<semaphore_mem>> -> memref<!tpu.dma_semaphore, #tpu.memory_space<semaphore_mem>>
    %dma_start3A_141 = arith.constant 0 : i32
    %dma_start3A_142 = arith.constant 0 : i32
    %dma_start3A_143 = tpu.memref_slice %arg2[%dma_start3A_136, %dma_start3A_137, %dma_start3A_141, %dma_start3A_142] : memref<6x3x512x512xf32, #tpu.memory_space<vmem>> -> memref<1x1x512x512xf32, #tpu.memory_space<vmem>>
    %dma_start3A_144 = tpu.memref_squeeze %dma_start3A_143 : memref<1x1x512x512xf32, #tpu.memory_space<vmem>> -> memref<512x512xf32, #tpu.memory_space<vmem>>
    %dma_start3A_145 = arith.constant 0 : i32
    %dma_start3A_146 = arith.constant 0 : i32
    %dma_start3A_147 = tpu.memref_slice %arg0[%dma_start3A_134, %dma_start3A_135, %dma_start3A_145, %dma_start3A_146] : memref<16x3x512x512xf32, #tpu.memory_space<any>> -> memref<1x1x512x512xf32, #tpu.memory_space<any>>
    %dma_start3A_148 = tpu.memref_squeeze %dma_start3A_147 : memref<1x1x512x512xf32, #tpu.memory_space<any>> -> memref<512x512xf32, #tpu.memory_space<any>>
    tpu.enqueue_dma source(%dma_start3A_148 : memref<512x512xf32, #tpu.memory_space<any>>) target(%dma_start3A_144 : memref<512x512xf32, #tpu.memory_space<vmem>>) target_semaphore(%dma_start3A_140 : memref<!tpu.dma_semaphore, #tpu.memory_space<semaphore_mem>>)
    %dma_start3A_149 = arith.constant 3 : i32
    %dma_start3A_150 = arith.constant 1 : i32
    %dma_start3A_151 = arith.constant 3 : i32
    %dma_start3A_152 = arith.constant 1 : i32
    %dma_start3A_153 = arith.constant 3 : i32
    %dma_start3A_154 = tpu.memref_slice %arg3[%dma_start3A_153] : memref<6x!tpu.dma_semaphore, #tpu.memory_space<semaphore_mem>> -> memref<1x!tpu.dma_semaphore, #tpu.memory_space<semaphore_mem>>
    %dma_start3A_155 = tpu.memref_squeeze %dma_start3A_154 : memref<1x!tpu.dma_semaphore, #tpu.memory_space<semaphore_mem>> -> memref<!tpu.dma_semaphore, #tpu.memory_space<semaphore_mem>>
    %dma_start3A_156 = arith.constant 0 : i32
    %dma_start3A_157 = arith.constant 0 : i32
    %dma_start3A_158 = tpu.memref_slice %arg2[%dma_start3A_151, %dma_start3A_152, %dma_start3A_156, %dma_start3A_157] : memref<6x3x512x512xf32, #tpu.memory_space<vmem>> -> memref<1x1x512x512xf32, #tpu.memory_space<vmem>>
    %dma_start3A_159 = tpu.memref_squeeze %dma_start3A_158 : memref<1x1x512x512xf32, #tpu.memory_space<vmem>> -> memref<512x512xf32, #tpu.memory_space<vmem>>
    %dma_start3A_160 = arith.constant 0 : i32
    %dma_start3A_161 = arith.constant 0 : i32
    %dma_start3A_162 = tpu.memref_slice %arg0[%dma_start3A_149, %dma_start3A_150, %dma_start3A_160, %dma_start3A_161] : memref<16x3x512x512xf32, #tpu.memory_space<any>> -> memref<1x1x512x512xf32, #tpu.memory_space<any>>
    %dma_start3A_163 = tpu.memref_squeeze %dma_start3A_162 : memref<1x1x512x512xf32, #tpu.memory_space<any>> -> memref<512x512xf32, #tpu.memory_space<any>>
    tpu.enqueue_dma source(%dma_start3A_163 : memref<512x512xf32, #tpu.memory_space<any>>) target(%dma_start3A_159 : memref<512x512xf32, #tpu.memory_space<vmem>>) target_semaphore(%dma_start3A_155 : memref<!tpu.dma_semaphore, #tpu.memory_space<semaphore_mem>>)
    %dma_start3A_164 = arith.constant 3 : i32
    %dma_start3A_165 = arith.constant 2 : i32
    %dma_start3A_166 = arith.constant 3 : i32
    %dma_start3A_167 = arith.constant 2 : i32
    %dma_start3A_168 = arith.constant 3 : i32
    %dma_start3A_169 = tpu.memref_slice %arg3[%dma_start3A_168] : memref<6x!tpu.dma_semaphore, #tpu.memory_space<semaphore_mem>> -> memref<1x!tpu.dma_semaphore, #tpu.memory_space<semaphore_mem>>
    %dma_start3A_170 = tpu.memref_squeeze %dma_start3A_169 : memref<1x!tpu.dma_semaphore, #tpu.memory_space<semaphore_mem>> -> memref<!tpu.dma_semaphore, #tpu.memory_space<semaphore_mem>>
    %dma_start3A_171 = arith.constant 0 : i32
    %dma_start3A_172 = arith.constant 0 : i32
    %dma_start3A_173 = tpu.memref_slice %arg2[%dma_start3A_166, %dma_start3A_167, %dma_start3A_171, %dma_start3A_172] : memref<6x3x512x512xf32, #tpu.memory_space<vmem>> -> memref<1x1x512x512xf32, #tpu.memory_space<vmem>>
    %dma_start3A_174 = tpu.memref_squeeze %dma_start3A_173 : memref<1x1x512x512xf32, #tpu.memory_space<vmem>> -> memref<512x512xf32, #tpu.memory_space<vmem>>
    %dma_start3A_175 = arith.constant 0 : i32
    %dma_start3A_176 = arith.constant 0 : i32
    %dma_start3A_177 = tpu.memref_slice %arg0[%dma_start3A_164, %dma_start3A_165, %dma_start3A_175, %dma_start3A_176] : memref<16x3x512x512xf32, #tpu.memory_space<any>> -> memref<1x1x512x512xf32, #tpu.memory_space<any>>
    %dma_start3A_178 = tpu.memref_squeeze %dma_start3A_177 : memref<1x1x512x512xf32, #tpu.memory_space<any>> -> memref<512x512xf32, #tpu.memory_space<any>>
    tpu.enqueue_dma source(%dma_start3A_178 : memref<512x512xf32, #tpu.memory_space<any>>) target(%dma_start3A_174 : memref<512x512xf32, #tpu.memory_space<vmem>>) target_semaphore(%dma_start3A_170 : memref<!tpu.dma_semaphore, #tpu.memory_space<semaphore_mem>>)
    %dma_start3A_179 = arith.constant 4 : i32
    %dma_start3A_180 = arith.constant 0 : i32
    %dma_start3A_181 = arith.constant 4 : i32
    %dma_start3A_182 = arith.constant 0 : i32
    %dma_start3A_183 = arith.constant 4 : i32
    %dma_start3A_184 = tpu.memref_slice %arg3[%dma_start3A_183] : memref<6x!tpu.dma_semaphore, #tpu.memory_space<semaphore_mem>> -> memref<1x!tpu.dma_semaphore, #tpu.memory_space<semaphore_mem>>
    %dma_start3A_185 = tpu.memref_squeeze %dma_start3A_184 : memref<1x!tpu.dma_semaphore, #tpu.memory_space<semaphore_mem>> -> memref<!tpu.dma_semaphore, #tpu.memory_space<semaphore_mem>>
    %dma_start3A_186 = arith.constant 0 : i32
    %dma_start3A_187 = arith.constant 0 : i32
    %dma_start3A_188 = tpu.memref_slice %arg2[%dma_start3A_181, %dma_start3A_182, %dma_start3A_186, %dma_start3A_187] : memref<6x3x512x512xf32, #tpu.memory_space<vmem>> -> memref<1x1x512x512xf32, #tpu.memory_space<vmem>>
    %dma_start3A_189 = tpu.memref_squeeze %dma_start3A_188 : memref<1x1x512x512xf32, #tpu.memory_space<vmem>> -> memref<512x512xf32, #tpu.memory_space<vmem>>
    %dma_start3A_190 = arith.constant 0 : i32
    %dma_start3A_191 = arith.constant 0 : i32
    %dma_start3A_192 = tpu.memref_slice %arg0[%dma_start3A_179, %dma_start3A_180, %dma_start3A_190, %dma_start3A_191] : memref<16x3x512x512xf32, #tpu.memory_space<any>> -> memref<1x1x512x512xf32, #tpu.memory_space<any>>
    %dma_start3A_193 = tpu.memref_squeeze %dma_start3A_192 : memref<1x1x512x512xf32, #tpu.memory_space<any>> -> memref<512x512xf32, #tpu.memory_space<any>>
    tpu.enqueue_dma source(%dma_start3A_193 : memref<512x512xf32, #tpu.memory_space<any>>) target(%dma_start3A_189 : memref<512x512xf32, #tpu.memory_space<vmem>>) target_semaphore(%dma_start3A_185 : memref<!tpu.dma_semaphore, #tpu.memory_space<semaphore_mem>>)
    %dma_start3A_194 = arith.constant 4 : i32
    %dma_start3A_195 = arith.constant 1 : i32
    %dma_start3A_196 = arith.constant 4 : i32
    %dma_start3A_197 = arith.constant 1 : i32
    %dma_start3A_198 = arith.constant 4 : i32
    %dma_start3A_199 = tpu.memref_slice %arg3[%dma_start3A_198] : memref<6x!tpu.dma_semaphore, #tpu.memory_space<semaphore_mem>> -> memref<1x!tpu.dma_semaphore, #tpu.memory_space<semaphore_mem>>
    %dma_start3A_200 = tpu.memref_squeeze %dma_start3A_199 : memref<1x!tpu.dma_semaphore, #tpu.memory_space<semaphore_mem>> -> memref<!tpu.dma_semaphore, #tpu.memory_space<semaphore_mem>>
    %dma_start3A_201 = arith.constant 0 : i32
    %dma_start3A_202 = arith.constant 0 : i32
    %dma_start3A_203 = tpu.memref_slice %arg2[%dma_start3A_196, %dma_start3A_197, %dma_start3A_201, %dma_start3A_202] : memref<6x3x512x512xf32, #tpu.memory_space<vmem>> -> memref<1x1x512x512xf32, #tpu.memory_space<vmem>>
    %dma_start3A_204 = tpu.memref_squeeze %dma_start3A_203 : memref<1x1x512x512xf32, #tpu.memory_space<vmem>> -> memref<512x512xf32, #tpu.memory_space<vmem>>
    %dma_start3A_205 = arith.constant 0 : i32
    %dma_start3A_206 = arith.constant 0 : i32
    %dma_start3A_207 = tpu.memref_slice %arg0[%dma_start3A_194, %dma_start3A_195, %dma_start3A_205, %dma_start3A_206] : memref<16x3x512x512xf32, #tpu.memory_space<any>> -> memref<1x1x512x512xf32, #tpu.memory_space<any>>
    %dma_start3A_208 = tpu.memref_squeeze %dma_start3A_207 : memref<1x1x512x512xf32, #tpu.memory_space<any>> -> memref<512x512xf32, #tpu.memory_space<any>>
    tpu.enqueue_dma source(%dma_start3A_208 : memref<512x512xf32, #tpu.memory_space<any>>) target(%dma_start3A_204 : memref<512x512xf32, #tpu.memory_space<vmem>>) target_semaphore(%dma_start3A_200 : memref<!tpu.dma_semaphore, #tpu.memory_space<semaphore_mem>>)
    %dma_start3A_209 = arith.constant 4 : i32
    %dma_start3A_210 = arith.constant 2 : i32
    %dma_start3A_211 = arith.constant 4 : i32
    %dma_start3A_212 = arith.constant 2 : i32
    %dma_start3A_213 = arith.constant 4 : i32
    %dma_start3A_214 = tpu.memref_slice %arg3[%dma_start3A_213] : memref<6x!tpu.dma_semaphore, #tpu.memory_space<semaphore_mem>> -> memref<1x!tpu.dma_semaphore, #tpu.memory_space<semaphore_mem>>
    %dma_start3A_215 = tpu.memref_squeeze %dma_start3A_214 : memref<1x!tpu.dma_semaphore, #tpu.memory_space<semaphore_mem>> -> memref<!tpu.dma_semaphore, #tpu.memory_space<semaphore_mem>>
    %dma_start3A_216 = arith.constant 0 : i32
    %dma_start3A_217 = arith.constant 0 : i32
    %dma_start3A_218 = tpu.memref_slice %arg2[%dma_start3A_211, %dma_start3A_212, %dma_start3A_216, %dma_start3A_217] : memref<6x3x512x512xf32, #tpu.memory_space<vmem>> -> memref<1x1x512x512xf32, #tpu.memory_space<vmem>>
    %dma_start3A_219 = tpu.memref_squeeze %dma_start3A_218 : memref<1x1x512x512xf32, #tpu.memory_space<vmem>> -> memref<512x512xf32, #tpu.memory_space<vmem>>
    %dma_start3A_220 = arith.constant 0 : i32
    %dma_start3A_221 = arith.constant 0 : i32
    %dma_start3A_222 = tpu.memref_slice %arg0[%dma_start3A_209, %dma_start3A_210, %dma_start3A_220, %dma_start3A_221] : memref<16x3x512x512xf32, #tpu.memory_space<any>> -> memref<1x1x512x512xf32, #tpu.memory_space<any>>
    %dma_start3A_223 = tpu.memref_squeeze %dma_start3A_222 : memref<1x1x512x512xf32, #tpu.memory_space<any>> -> memref<512x512xf32, #tpu.memory_space<any>>
    tpu.enqueue_dma source(%dma_start3A_223 : memref<512x512xf32, #tpu.memory_space<any>>) target(%dma_start3A_219 : memref<512x512xf32, #tpu.memory_space<vmem>>) target_semaphore(%dma_start3A_215 : memref<!tpu.dma_semaphore, #tpu.memory_space<semaphore_mem>>)
    %dma_start3A_224 = arith.constant 5 : i32
    %dma_start3A_225 = arith.constant 0 : i32
    %dma_start3A_226 = arith.constant 5 : i32
    %dma_start3A_227 = arith.constant 0 : i32
    %dma_start3A_228 = arith.constant 5 : i32
    %dma_start3A_229 = tpu.memref_slice %arg3[%dma_start3A_228] : memref<6x!tpu.dma_semaphore, #tpu.memory_space<semaphore_mem>> -> memref<1x!tpu.dma_semaphore, #tpu.memory_space<semaphore_mem>>
    %dma_start3A_230 = tpu.memref_squeeze %dma_start3A_229 : memref<1x!tpu.dma_semaphore, #tpu.memory_space<semaphore_mem>> -> memref<!tpu.dma_semaphore, #tpu.memory_space<semaphore_mem>>
    %dma_start3A_231 = arith.constant 0 : i32
    %dma_start3A_232 = arith.constant 0 : i32
    %dma_start3A_233 = tpu.memref_slice %arg2[%dma_start3A_226, %dma_start3A_227, %dma_start3A_231, %dma_start3A_232] : memref<6x3x512x512xf32, #tpu.memory_space<vmem>> -> memref<1x1x512x512xf32, #tpu.memory_space<vmem>>
    %dma_start3A_234 = tpu.memref_squeeze %dma_start3A_233 : memref<1x1x512x512xf32, #tpu.memory_space<vmem>> -> memref<512x512xf32, #tpu.memory_space<vmem>>
    %dma_start3A_235 = arith.constant 0 : i32
    %dma_start3A_236 = arith.constant 0 : i32
    %dma_start3A_237 = tpu.memref_slice %arg0[%dma_start3A_224, %dma_start3A_225, %dma_start3A_235, %dma_start3A_236] : memref<16x3x512x512xf32, #tpu.memory_space<any>> -> memref<1x1x512x512xf32, #tpu.memory_space<any>>
    %dma_start3A_238 = tpu.memref_squeeze %dma_start3A_237 : memref<1x1x512x512xf32, #tpu.memory_space<any>> -> memref<512x512xf32, #tpu.memory_space<any>>
    tpu.enqueue_dma source(%dma_start3A_238 : memref<512x512xf32, #tpu.memory_space<any>>) target(%dma_start3A_234 : memref<512x512xf32, #tpu.memory_space<vmem>>) target_semaphore(%dma_start3A_230 : memref<!tpu.dma_semaphore, #tpu.memory_space<semaphore_mem>>)
    %dma_start3A_239 = arith.constant 5 : i32
    %dma_start3A_240 = arith.constant 1 : i32
    %dma_start3A_241 = arith.constant 5 : i32
    %dma_start3A_242 = arith.constant 1 : i32
    %dma_start3A_243 = arith.constant 5 : i32
    %dma_start3A_244 = tpu.memref_slice %arg3[%dma_start3A_243] : memref<6x!tpu.dma_semaphore, #tpu.memory_space<semaphore_mem>> -> memref<1x!tpu.dma_semaphore, #tpu.memory_space<semaphore_mem>>
    %dma_start3A_245 = tpu.memref_squeeze %dma_start3A_244 : memref<1x!tpu.dma_semaphore, #tpu.memory_space<semaphore_mem>> -> memref<!tpu.dma_semaphore, #tpu.memory_space<semaphore_mem>>
    %dma_start3A_246 = arith.constant 0 : i32
    %dma_start3A_247 = arith.constant 0 : i32
    %dma_start3A_248 = tpu.memref_slice %arg2[%dma_start3A_241, %dma_start3A_242, %dma_start3A_246, %dma_start3A_247] : memref<6x3x512x512xf32, #tpu.memory_space<vmem>> -> memref<1x1x512x512xf32, #tpu.memory_space<vmem>>
    %dma_start3A_249 = tpu.memref_squeeze %dma_start3A_248 : memref<1x1x512x512xf32, #tpu.memory_space<vmem>> -> memref<512x512xf32, #tpu.memory_space<vmem>>
    %dma_start3A_250 = arith.constant 0 : i32
    %dma_start3A_251 = arith.constant 0 : i32
    %dma_start3A_252 = tpu.memref_slice %arg0[%dma_start3A_239, %dma_start3A_240, %dma_start3A_250, %dma_start3A_251] : memref<16x3x512x512xf32, #tpu.memory_space<any>> -> memref<1x1x512x512xf32, #tpu.memory_space<any>>
    %dma_start3A_253 = tpu.memref_squeeze %dma_start3A_252 : memref<1x1x512x512xf32, #tpu.memory_space<any>> -> memref<512x512xf32, #tpu.memory_space<any>>
    tpu.enqueue_dma source(%dma_start3A_253 : memref<512x512xf32, #tpu.memory_space<any>>) target(%dma_start3A_249 : memref<512x512xf32, #tpu.memory_space<vmem>>) target_semaphore(%dma_start3A_245 : memref<!tpu.dma_semaphore, #tpu.memory_space<semaphore_mem>>)
    %dma_start3A_254 = arith.constant 5 : i32
    %dma_start3A_255 = arith.constant 2 : i32
    %dma_start3A_256 = arith.constant 5 : i32
    %dma_start3A_257 = arith.constant 2 : i32
    %dma_start3A_258 = arith.constant 5 : i32
    %dma_start3A_259 = tpu.memref_slice %arg3[%dma_start3A_258] : memref<6x!tpu.dma_semaphore, #tpu.memory_space<semaphore_mem>> -> memref<1x!tpu.dma_semaphore, #tpu.memory_space<semaphore_mem>>
    %dma_start3A_260 = tpu.memref_squeeze %dma_start3A_259 : memref<1x!tpu.dma_semaphore, #tpu.memory_space<semaphore_mem>> -> memref<!tpu.dma_semaphore, #tpu.memory_space<semaphore_mem>>
    %dma_start3A_261 = arith.constant 0 : i32
    %dma_start3A_262 = arith.constant 0 : i32
    %dma_start3A_263 = tpu.memref_slice %arg2[%dma_start3A_256, %dma_start3A_257, %dma_start3A_261, %dma_start3A_262] : memref<6x3x512x512xf32, #tpu.memory_space<vmem>> -> memref<1x1x512x512xf32, #tpu.memory_space<vmem>>
    %dma_start3A_264 = tpu.memref_squeeze %dma_start3A_263 : memref<1x1x512x512xf32, #tpu.memory_space<vmem>> -> memref<512x512xf32, #tpu.memory_space<vmem>>
    %dma_start3A_265 = arith.constant 0 : i32
    %dma_start3A_266 = arith.constant 0 : i32
    %dma_start3A_267 = tpu.memref_slice %arg0[%dma_start3A_254, %dma_start3A_255, %dma_start3A_265, %dma_start3A_266] : memref<16x3x512x512xf32, #tpu.memory_space<any>> -> memref<1x1x512x512xf32, #tpu.memory_space<any>>
    %dma_start3A_268 = tpu.memref_squeeze %dma_start3A_267 : memref<1x1x512x512xf32, #tpu.memory_space<any>> -> memref<512x512xf32, #tpu.memory_space<any>>
    tpu.enqueue_dma source(%dma_start3A_268 : memref<512x512xf32, #tpu.memory_space<any>>) target(%dma_start3A_264 : memref<512x512xf32, #tpu.memory_space<vmem>>) target_semaphore(%dma_start3A_260 : memref<!tpu.dma_semaphore, #tpu.memory_space<semaphore_mem>>)
    %dma_wait3A = arith.constant 0 : i32
    %dma_wait3A_269 = arith.constant 0 : i32
    %dma_wait3A_270 = arith.constant 0 : i32
    %dma_wait3A_271 = arith.constant 0 : i32
    %dma_wait3A_272 = arith.constant 0 : i32
    %dma_wait3A_273 = tpu.memref_slice %arg3[%dma_wait3A_272] : memref<6x!tpu.dma_semaphore, #tpu.memory_space<semaphore_mem>> -> memref<1x!tpu.dma_semaphore, #tpu.memory_space<semaphore_mem>>
    %dma_wait3A_274 = tpu.memref_squeeze %dma_wait3A_273 : memref<1x!tpu.dma_semaphore, #tpu.memory_space<semaphore_mem>> -> memref<!tpu.dma_semaphore, #tpu.memory_space<semaphore_mem>>
    %dma_wait3A_275 = arith.constant 0 : i32
    %dma_wait3A_276 = arith.constant 0 : i32
    %dma_wait3A_277 = tpu.memref_slice %arg2[%dma_wait3A_270, %dma_wait3A_271, %dma_wait3A_275, %dma_wait3A_276] : memref<6x3x512x512xf32, #tpu.memory_space<vmem>> -> memref<1x1x512x512xf32, #tpu.memory_space<vmem>>
    %dma_wait3A_278 = tpu.memref_squeeze %dma_wait3A_277 : memref<1x1x512x512xf32, #tpu.memory_space<vmem>> -> memref<512x512xf32, #tpu.memory_space<vmem>>
    %dma_wait3A_279 = arith.constant 0 : i32
    %dma_wait3A_280 = arith.constant 0 : i32
    %dma_wait3A_281 = tpu.memref_slice %arg0[%dma_wait3A, %dma_wait3A_269, %dma_wait3A_279, %dma_wait3A_280] : memref<16x3x512x512xf32, #tpu.memory_space<any>> -> memref<1x1x512x512xf32, #tpu.memory_space<any>>
    %dma_wait3A_282 = tpu.memref_squeeze %dma_wait3A_281 : memref<1x1x512x512xf32, #tpu.memory_space<any>> -> memref<512x512xf32, #tpu.memory_space<any>>
    tpu.wait_dma2 semaphore(%dma_wait3A_274 : memref<!tpu.dma_semaphore, #tpu.memory_space<semaphore_mem>>) src(%dma_wait3A_282 : memref<512x512xf32, #tpu.memory_space<any>>) dst(%dma_wait3A_278 : memref<512x512xf32, #tpu.memory_space<vmem>>)
    %dma_wait3A_283 = arith.constant 0 : i32
    %dma_wait3A_284 = arith.constant 1 : i32
    %dma_wait3A_285 = arith.constant 0 : i32
    %dma_wait3A_286 = arith.constant 1 : i32
    %dma_wait3A_287 = arith.constant 0 : i32
    %dma_wait3A_288 = tpu.memref_slice %arg3[%dma_wait3A_287] : memref<6x!tpu.dma_semaphore, #tpu.memory_space<semaphore_mem>> -> memref<1x!tpu.dma_semaphore, #tpu.memory_space<semaphore_mem>>
    %dma_wait3A_289 = tpu.memref_squeeze %dma_wait3A_288 : memref<1x!tpu.dma_semaphore, #tpu.memory_space<semaphore_mem>> -> memref<!tpu.dma_semaphore, #tpu.memory_space<semaphore_mem>>
    %dma_wait3A_290 = arith.constant 0 : i32
    %dma_wait3A_291 = arith.constant 0 : i32
    %dma_wait3A_292 = tpu.memref_slice %arg2[%dma_wait3A_285, %dma_wait3A_286, %dma_wait3A_290, %dma_wait3A_291] : memref<6x3x512x512xf32, #tpu.memory_space<vmem>> -> memref<1x1x512x512xf32, #tpu.memory_space<vmem>>
    %dma_wait3A_293 = tpu.memref_squeeze %dma_wait3A_292 : memref<1x1x512x512xf32, #tpu.memory_space<vmem>> -> memref<512x512xf32, #tpu.memory_space<vmem>>
    %dma_wait3A_294 = arith.constant 0 : i32
    %dma_wait3A_295 = arith.constant 0 : i32
    %dma_wait3A_296 = tpu.memref_slice %arg0[%dma_wait3A_283, %dma_wait3A_284, %dma_wait3A_294, %dma_wait3A_295] : memref<16x3x512x512xf32, #tpu.memory_space<any>> -> memref<1x1x512x512xf32, #tpu.memory_space<any>>
    %dma_wait3A_297 = tpu.memref_squeeze %dma_wait3A_296 : memref<1x1x512x512xf32, #tpu.memory_space<any>> -> memref<512x512xf32, #tpu.memory_space<any>>
    tpu.wait_dma2 semaphore(%dma_wait3A_289 : memref<!tpu.dma_semaphore, #tpu.memory_space<semaphore_mem>>) src(%dma_wait3A_297 : memref<512x512xf32, #tpu.memory_space<any>>) dst(%dma_wait3A_293 : memref<512x512xf32, #tpu.memory_space<vmem>>)
    %dma_wait3A_298 = arith.constant 0 : i32
    %dma_wait3A_299 = arith.constant 2 : i32
    %dma_wait3A_300 = arith.constant 0 : i32
    %dma_wait3A_301 = arith.constant 2 : i32
    %dma_wait3A_302 = arith.constant 0 : i32
    %dma_wait3A_303 = tpu.memref_slice %arg3[%dma_wait3A_302] : memref<6x!tpu.dma_semaphore, #tpu.memory_space<semaphore_mem>> -> memref<1x!tpu.dma_semaphore, #tpu.memory_space<semaphore_mem>>
    %dma_wait3A_304 = tpu.memref_squeeze %dma_wait3A_303 : memref<1x!tpu.dma_semaphore, #tpu.memory_space<semaphore_mem>> -> memref<!tpu.dma_semaphore, #tpu.memory_space<semaphore_mem>>
    %dma_wait3A_305 = arith.constant 0 : i32
    %dma_wait3A_306 = arith.constant 0 : i32
    %dma_wait3A_307 = tpu.memref_slice %arg2[%dma_wait3A_300, %dma_wait3A_301, %dma_wait3A_305, %dma_wait3A_306] : memref<6x3x512x512xf32, #tpu.memory_space<vmem>> -> memref<1x1x512x512xf32, #tpu.memory_space<vmem>>
    %dma_wait3A_308 = tpu.memref_squeeze %dma_wait3A_307 : memref<1x1x512x512xf32, #tpu.memory_space<vmem>> -> memref<512x512xf32, #tpu.memory_space<vmem>>
    %dma_wait3A_309 = arith.constant 0 : i32
    %dma_wait3A_310 = arith.constant 0 : i32
    %dma_wait3A_311 = tpu.memref_slice %arg0[%dma_wait3A_298, %dma_wait3A_299, %dma_wait3A_309, %dma_wait3A_310] : memref<16x3x512x512xf32, #tpu.memory_space<any>> -> memref<1x1x512x512xf32, #tpu.memory_space<any>>
    %dma_wait3A_312 = tpu.memref_squeeze %dma_wait3A_311 : memref<1x1x512x512xf32, #tpu.memory_space<any>> -> memref<512x512xf32, #tpu.memory_space<any>>
    tpu.wait_dma2 semaphore(%dma_wait3A_304 : memref<!tpu.dma_semaphore, #tpu.memory_space<semaphore_mem>>) src(%dma_wait3A_312 : memref<512x512xf32, #tpu.memory_space<any>>) dst(%dma_wait3A_308 : memref<512x512xf32, #tpu.memory_space<vmem>>)
    %get3A = arith.constant 0 : index
    %get3A_313 = arith.constant 0 : index
    %get3A_314 = arith.constant 0 : index
    %get3A_315 = arith.constant 0 : index
    %get3A_316 = vector.load %arg2[%get3A, %get3A_313, %get3A_314, %get3A_315] : memref<6x3x512x512xf32, #tpu.memory_space<vmem>>, vector<1x3x512x512xf32>
    %get3A_317 = vector.shape_cast %get3A_316 : vector<1x3x512x512xf32> to vector<3x512x512xf32>
    %slice3A = vector.extract_strided_slice %get3A_317 {offsets = [0, 0, 0], sizes = [1, 512, 512], strides = [1, 1, 1]} : vector<3x512x512xf32> to vector<1x512x512xf32>
    %squeeze3A = vector.shape_cast %slice3A : vector<1x512x512xf32> to vector<512x512xf32>
    %slice3A_318 = vector.extract_strided_slice %get3A_317 {offsets = [1, 0, 0], sizes = [1, 512, 512], strides = [1, 1, 1]} : vector<3x512x512xf32> to vector<1x512x512xf32>
    %squeeze3A_319 = vector.shape_cast %slice3A_318 : vector<1x512x512xf32> to vector<512x512xf32>
    %slice3A_320 = vector.extract_strided_slice %get3A_317 {offsets = [2, 0, 0], sizes = [1, 512, 512], strides = [1, 1, 1]} : vector<3x512x512xf32> to vector<1x512x512xf32>
    %squeeze3A_321 = vector.shape_cast %slice3A_320 : vector<1x512x512xf32> to vector<512x512xf32>
    %sub3A = arith.subf %squeeze3A_319, %squeeze3A : vector<512x512xf32>
    %sub3A_322 = arith.subf %squeeze3A_321, %squeeze3A : vector<512x512xf32>
    %exp3A = math.exp %sub3A : vector<512x512xf32>
    %exp3A_323 = math.exp %sub3A_322 : vector<512x512xf32>
    %add3A = arith.constant 1.000000e+00 : f32
    %add3A_324 = vector.broadcast %add3A : f32 to vector<512x512xf32>
    %add3A_325 = arith.addf %add3A_324, %exp3A : vector<512x512xf32>
    %add3A_326 = arith.addf %add3A_325, %exp3A_323 : vector<512x512xf32>
    %div3A = arith.constant 1.000000e+00 : f32
    %div3A_327 = vector.broadcast %div3A : f32 to vector<512x512xf32>
    %div3A_328 = arith.divf %div3A_327, %add3A_326 : vector<512x512xf32>
    %mul3A = arith.mulf %exp3A, %div3A_328 : vector<512x512xf32>
    %reduce_sum3A = vector.shape_cast %mul3A : vector<512x512xf32> to vector<1x512x512xf32>
    %reduce_sum3A_329 = arith.constant dense<0.000000e+00> : vector<1xf32>
    %reduce_sum3A_330 = vector.multi_reduction <add>, %reduce_sum3A, %reduce_sum3A_329 [1, 2] : vector<1x512x512xf32> to vector<1xf32>
    %reduce_sum3A_331 = vector.shape_cast %reduce_sum3A_330 : vector<1xf32> to vector<1x1x1xf32>
    %reduce_sum3A_332 = vector.extract %reduce_sum3A_331[0, 0, 0] : f32 from vector<1x1x1xf32>
    %mul3A_333 = arith.mulf %exp3A_323, %div3A_328 : vector<512x512xf32>
    %reduce_sum3A_334 = vector.shape_cast %mul3A_333 : vector<512x512xf32> to vector<1x512x512xf32>
    %reduce_sum3A_335 = arith.constant dense<0.000000e+00> : vector<1xf32>
    %reduce_sum3A_336 = vector.multi_reduction <add>, %reduce_sum3A_334, %reduce_sum3A_335 [1, 2] : vector<1x512x512xf32> to vector<1xf32>
    %reduce_sum3A_337 = vector.shape_cast %reduce_sum3A_336 : vector<1xf32> to vector<1x1x1xf32>
    %reduce_sum3A_338 = vector.extract %reduce_sum3A_337[0, 0, 0] : f32 from vector<1x1x1xf32>
    %gt3A = arith.constant 0.000000e+00 : f32
    %gt3A_339 = vector.broadcast %gt3A : f32 to vector<512x512xf32>
    %gt3A_340 = arith.cmpf ogt, %sub3A, %gt3A_339 : vector<512x512xf32>
    %ge3A = arith.cmpf oge, %sub3A, %sub3A_322 : vector<512x512xf32>
    %and3A = arith.andi %gt3A_340, %ge3A : vector<512x512xi1>
    %gt3A_341 = arith.constant 0.000000e+00 : f32
    %gt3A_342 = vector.broadcast %gt3A_341 : f32 to vector<512x512xf32>
    %gt3A_343 = arith.cmpf ogt, %sub3A_322, %gt3A_342 : vector<512x512xf32>
    %gt3A_344 = arith.cmpf ogt, %sub3A_322, %sub3A : vector<512x512xf32>
    %and3A_345 = arith.andi %gt3A_343, %gt3A_344 : vector<512x512xi1>
    %reduce_or3A = arith.constant 1.000000e+00 : f32
    %reduce_or3A_346 = arith.constant 0.000000e+00 : f32
    %reduce_or3A_347 = vector.broadcast %reduce_or3A : f32 to vector<512x512xf32>
    %reduce_or3A_348 = vector.broadcast %reduce_or3A_346 : f32 to vector<512x512xf32>
    %reduce_or3A_349 = arith.select %and3A, %reduce_or3A_347, %reduce_or3A_348 : vector<512x512xi1>, vector<512x512xf32>
    %reduce_or3A_350 = arith.constant dense<0xFF800000> : vector<512xf32>
    %reduce_or3A_351 = vector.multi_reduction <maximumf>, %reduce_or3A_349, %reduce_or3A_350 [1] : vector<512x512xf32> to vector<512xf32>
    %reduce_or3A_352 = arith.constant 0.000000e+00 : f32
    %reduce_or3A_353 = vector.broadcast %reduce_or3A_352 : f32 to vector<512xf32>
    %reduce_or3A_354 = arith.cmpf ogt, %reduce_or3A_351, %reduce_or3A_353 : vector<512xf32>
    %reduce_or3A_355 = arith.constant 1.000000e+00 : f32
    %reduce_or3A_356 = arith.constant 0.000000e+00 : f32
    %reduce_or3A_357 = vector.broadcast %reduce_or3A_355 : f32 to vector<512x512xf32>
    %reduce_or3A_358 = vector.broadcast %reduce_or3A_356 : f32 to vector<512x512xf32>
    %reduce_or3A_359 = arith.select %and3A_345, %reduce_or3A_357, %reduce_or3A_358 : vector<512x512xi1>, vector<512x512xf32>
    %reduce_or3A_360 = arith.constant dense<0xFF800000> : vector<512xf32>
    %reduce_or3A_361 = vector.multi_reduction <maximumf>, %reduce_or3A_359, %reduce_or3A_360 [1] : vector<512x512xf32> to vector<512xf32>
    %reduce_or3A_362 = arith.constant 0.000000e+00 : f32
    %reduce_or3A_363 = vector.broadcast %reduce_or3A_362 : f32 to vector<512xf32>
    %reduce_or3A_364 = arith.cmpf ogt, %reduce_or3A_361, %reduce_or3A_363 : vector<512xf32>
    %iota3A = tpu.iota {dimensions = array<i32: 1>} : vector<1x512xi32>
    %iota3A_365 = vector.shape_cast %iota3A : vector<1x512xi32> to vector<512xi32>
    %convert_element_type3A = arith.sitofp %iota3A_365 : vector<512xi32> to vector<512xf32>
    %jit3A = arith.constant 5.120000e+02 : f32
    %broadcast_in_dim3A = vector.broadcast %jit3A : f32 to vector<512xf32>
    %select_n3A = arith.select %reduce_or3A_354, %convert_element_type3A, %broadcast_in_dim3A : vector<512xi1>, vector<512xf32>
    %reduce_min3A = vector.shape_cast %select_n3A : vector<512xf32> to vector<1x512xf32>
    %reduce_min3A_366 = arith.constant dense<0x7F800000> : vector<1xf32>
    %reduce_min3A_367 = vector.multi_reduction <minimumf>, %reduce_min3A, %reduce_min3A_366 [1] : vector<1x512xf32> to vector<1xf32>
    %reduce_min3A_368 = vector.shape_cast %reduce_min3A_367 : vector<1xf32> to vector<1x1xf32>
    %reduce_min3A_369 = vector.extract %reduce_min3A_368[0, 0] : f32 from vector<1x1xf32>
    %jit3A_370 = arith.constant -1.000000e+00 : f32
    %broadcast_in_dim3A_371 = vector.broadcast %jit3A_370 : f32 to vector<512xf32>
    %select_n3A_372 = arith.select %reduce_or3A_354, %convert_element_type3A, %broadcast_in_dim3A_371 : vector<512xi1>, vector<512xf32>
    %reduce_max3A = vector.shape_cast %select_n3A_372 : vector<512xf32> to vector<1x512xf32>
    %reduce_max3A_373 = arith.constant dense<0xFF800000> : vector<1xf32>
    %reduce_max3A_374 = vector.multi_reduction <maximumf>, %reduce_max3A, %reduce_max3A_373 [1] : vector<1x512xf32> to vector<1xf32>
    %reduce_max3A_375 = vector.shape_cast %reduce_max3A_374 : vector<1xf32> to vector<1x1xf32>
    %reduce_max3A_376 = vector.extract %reduce_max3A_375[0, 0] : f32 from vector<1x1xf32>
    %jit3A_377 = arith.constant 5.120000e+02 : f32
    %broadcast_in_dim3A_378 = vector.broadcast %jit3A_377 : f32 to vector<512xf32>
    %select_n3A_379 = arith.select %reduce_or3A_364, %convert_element_type3A, %broadcast_in_dim3A_378 : vector<512xi1>, vector<512xf32>
    %reduce_min3A_380 = vector.shape_cast %select_n3A_379 : vector<512xf32> to vector<1x512xf32>
    %reduce_min3A_381 = arith.constant dense<0x7F800000> : vector<1xf32>
    %reduce_min3A_382 = vector.multi_reduction <minimumf>, %reduce_min3A_380, %reduce_min3A_381 [1] : vector<1x512xf32> to vector<1xf32>
    %reduce_min3A_383 = vector.shape_cast %reduce_min3A_382 : vector<1xf32> to vector<1x1xf32>
    %reduce_min3A_384 = vector.extract %reduce_min3A_383[0, 0] : f32 from vector<1x1xf32>
    %jit3A_385 = arith.constant -1.000000e+00 : f32
    %broadcast_in_dim3A_386 = vector.broadcast %jit3A_385 : f32 to vector<512xf32>
    %select_n3A_387 = arith.select %reduce_or3A_364, %convert_element_type3A, %broadcast_in_dim3A_386 : vector<512xi1>, vector<512xf32>
    %reduce_max3A_388 = vector.shape_cast %select_n3A_387 : vector<512xf32> to vector<1x512xf32>
    %reduce_max3A_389 = arith.constant dense<0xFF800000> : vector<1xf32>
    %reduce_max3A_390 = vector.multi_reduction <maximumf>, %reduce_max3A_388, %reduce_max3A_389 [1] : vector<1x512xf32> to vector<1xf32>
    %reduce_max3A_391 = vector.shape_cast %reduce_max3A_390 : vector<1xf32> to vector<1x1xf32>
    %reduce_max3A_392 = vector.extract %reduce_max3A_391[0, 0] : f32 from vector<1x1xf32>
    %iota3A_393 = tpu.iota {dimensions = array<i32: 1>} : vector<1x128xi32>
    %broadcast_in_dim3A_394 = arith.constant 0.000000e+00 : f32
    %broadcast_in_dim3A_395 = vector.broadcast %broadcast_in_dim3A_394 : f32 to vector<1x128xf32>
    %eq3A = arith.constant 0 : i32
    %eq3A_396 = vector.broadcast %eq3A : i32 to vector<1x128xi32>
    %eq3A_397 = arith.cmpi eq, %iota3A_393, %eq3A_396 : vector<1x128xi32>
    %broadcast_in_dim3A_398 = vector.broadcast %reduce_min3A_369 : f32 to vector<1x128xf32>
    %select_n3A_399 = arith.select %eq3A_397, %broadcast_in_dim3A_398, %broadcast_in_dim3A_395 : vector<1x128xi1>, vector<1x128xf32>
    %eq3A_400 = arith.constant 1 : i32
    %eq3A_401 = vector.broadcast %eq3A_400 : i32 to vector<1x128xi32>
    %eq3A_402 = arith.cmpi eq, %iota3A_393, %eq3A_401 : vector<1x128xi32>
    %broadcast_in_dim3A_403 = vector.broadcast %reduce_max3A_376 : f32 to vector<1x128xf32>
    %select_n3A_404 = arith.select %eq3A_402, %broadcast_in_dim3A_403, %select_n3A_399 : vector<1x128xi1>, vector<1x128xf32>
    %eq3A_405 = arith.constant 2 : i32
    %eq3A_406 = vector.broadcast %eq3A_405 : i32 to vector<1x128xi32>
    %eq3A_407 = arith.cmpi eq, %iota3A_393, %eq3A_406 : vector<1x128xi32>
    %broadcast_in_dim3A_408 = vector.broadcast %reduce_min3A_384 : f32 to vector<1x128xf32>
    %select_n3A_409 = arith.select %eq3A_407, %broadcast_in_dim3A_408, %select_n3A_404 : vector<1x128xi1>, vector<1x128xf32>
    %eq3A_410 = arith.constant 3 : i32
    %eq3A_411 = vector.broadcast %eq3A_410 : i32 to vector<1x128xi32>
    %eq3A_412 = arith.cmpi eq, %iota3A_393, %eq3A_411 : vector<1x128xi32>
    %broadcast_in_dim3A_413 = vector.broadcast %reduce_max3A_392 : f32 to vector<1x128xf32>
    %select_n3A_414 = arith.select %eq3A_412, %broadcast_in_dim3A_413, %select_n3A_409 : vector<1x128xi1>, vector<1x128xf32>
    %eq3A_415 = arith.constant 4 : i32
    %eq3A_416 = vector.broadcast %eq3A_415 : i32 to vector<1x128xi32>
    %eq3A_417 = arith.cmpi eq, %iota3A_393, %eq3A_416 : vector<1x128xi32>
    %broadcast_in_dim3A_418 = vector.broadcast %reduce_sum3A_332 : f32 to vector<1x128xf32>
    %select_n3A_419 = arith.select %eq3A_417, %broadcast_in_dim3A_418, %select_n3A_414 : vector<1x128xi1>, vector<1x128xf32>
    %eq3A_420 = arith.constant 5 : i32
    %eq3A_421 = vector.broadcast %eq3A_420 : i32 to vector<1x128xi32>
    %eq3A_422 = arith.cmpi eq, %iota3A_393, %eq3A_421 : vector<1x128xi32>
    %broadcast_in_dim3A_423 = vector.broadcast %reduce_sum3A_338 : f32 to vector<1x128xf32>
    %select_n3A_424 = arith.select %eq3A_422, %broadcast_in_dim3A_423, %select_n3A_419 : vector<1x128xi1>, vector<1x128xf32>
    %swap3A = arith.constant 0 : index
    %swap3A_425 = arith.constant 0 : index
    %swap3A_426 = arith.constant 0 : index
    %swap3A_427 = vector.load %arg1[%swap3A, %swap3A_425, %swap3A_426] : memref<12x1x128xf32, #tpu.memory_space<vmem>>, vector<1x1x128xf32>
    %swap3A_428 = vector.shape_cast %swap3A_427 : vector<1x1x128xf32> to vector<1x128xf32>
    %swap3A_429 = vector.shape_cast %select_n3A_424 : vector<1x128xf32> to vector<1x1x128xf32>
    tpu.vector_store %arg1[%swap3A, %swap3A_425, %swap3A_426], %swap3A_429 {strides = array<i32>} : memref<12x1x128xf32, #tpu.memory_space<vmem>>, vector<1x1x128xf32>,
    %dma_start3A_430 = arith.constant 6 : i32
    %dma_start3A_431 = arith.constant 0 : i32
    %dma_start3A_432 = arith.constant 0 : i32
    %dma_start3A_433 = arith.constant 0 : i32
    %dma_start3A_434 = arith.constant 0 : i32
    %dma_start3A_435 = tpu.memref_slice %arg3[%dma_start3A_434] : memref<6x!tpu.dma_semaphore, #tpu.memory_space<semaphore_mem>> -> memref<1x!tpu.dma_semaphore, #tpu.memory_space<semaphore_mem>>
    %dma_start3A_436 = tpu.memref_squeeze %dma_start3A_435 : memref<1x!tpu.dma_semaphore, #tpu.memory_space<semaphore_mem>> -> memref<!tpu.dma_semaphore, #tpu.memory_space<semaphore_mem>>
    %dma_start3A_437 = arith.constant 0 : i32
    %dma_start3A_438 = arith.constant 0 : i32
    %dma_start3A_439 = tpu.memref_slice %arg2[%dma_start3A_432, %dma_start3A_433, %dma_start3A_437, %dma_start3A_438] : memref<6x3x512x512xf32, #tpu.memory_space<vmem>> -> memref<1x1x512x512xf32, #tpu.memory_space<vmem>>
    %dma_start3A_440 = tpu.memref_squeeze %dma_start3A_439 : memref<1x1x512x512xf32, #tpu.memory_space<vmem>> -> memref<512x512xf32, #tpu.memory_space<vmem>>
    %dma_start3A_441 = arith.constant 0 : i32
    %dma_start3A_442 = arith.constant 0 : i32
    %dma_start3A_443 = tpu.memref_slice %arg0[%dma_start3A_430, %dma_start3A_431, %dma_start3A_441, %dma_start3A_442] : memref<16x3x512x512xf32, #tpu.memory_space<any>> -> memref<1x1x512x512xf32, #tpu.memory_space<any>>
    %dma_start3A_444 = tpu.memref_squeeze %dma_start3A_443 : memref<1x1x512x512xf32, #tpu.memory_space<any>> -> memref<512x512xf32, #tpu.memory_space<any>>
    tpu.enqueue_dma source(%dma_start3A_444 : memref<512x512xf32, #tpu.memory_space<any>>) target(%dma_start3A_440 : memref<512x512xf32, #tpu.memory_space<vmem>>) target_semaphore(%dma_start3A_436 : memref<!tpu.dma_semaphore, #tpu.memory_space<semaphore_mem>>)
    %dma_start3A_445 = arith.constant 6 : i32
    %dma_start3A_446 = arith.constant 1 : i32
    %dma_start3A_447 = arith.constant 0 : i32
    %dma_start3A_448 = arith.constant 1 : i32
    %dma_start3A_449 = arith.constant 0 : i32
    %dma_start3A_450 = tpu.memref_slice %arg3[%dma_start3A_449] : memref<6x!tpu.dma_semaphore, #tpu.memory_space<semaphore_mem>> -> memref<1x!tpu.dma_semaphore, #tpu.memory_space<semaphore_mem>>
    %dma_start3A_451 = tpu.memref_squeeze %dma_start3A_450 : memref<1x!tpu.dma_semaphore, #tpu.memory_space<semaphore_mem>> -> memref<!tpu.dma_semaphore, #tpu.memory_space<semaphore_mem>>
    %dma_start3A_452 = arith.constant 0 : i32
    %dma_start3A_453 = arith.constant 0 : i32
    %dma_start3A_454 = tpu.memref_slice %arg2[%dma_start3A_447, %dma_start3A_448, %dma_start3A_452, %dma_start3A_453] : memref<6x3x512x512xf32, #tpu.memory_space<vmem>> -> memref<1x1x512x512xf32, #tpu.memory_space<vmem>>
    %dma_start3A_455 = tpu.memref_squeeze %dma_start3A_454 : memref<1x1x512x512xf32, #tpu.memory_space<vmem>> -> memref<512x512xf32, #tpu.memory_space<vmem>>
    %dma_start3A_456 = arith.constant 0 : i32
    %dma_start3A_457 = arith.constant 0 : i32
    %dma_start3A_458 = tpu.memref_slice %arg0[%dma_start3A_445, %dma_start3A_446, %dma_start3A_456, %dma_start3A_457] : memref<16x3x512x512xf32, #tpu.memory_space<any>> -> memref<1x1x512x512xf32, #tpu.memory_space<any>>
    %dma_start3A_459 = tpu.memref_squeeze %dma_start3A_458 : memref<1x1x512x512xf32, #tpu.memory_space<any>> -> memref<512x512xf32, #tpu.memory_space<any>>
    tpu.enqueue_dma source(%dma_start3A_459 : memref<512x512xf32, #tpu.memory_space<any>>) target(%dma_start3A_455 : memref<512x512xf32, #tpu.memory_space<vmem>>) target_semaphore(%dma_start3A_451 : memref<!tpu.dma_semaphore, #tpu.memory_space<semaphore_mem>>)
    %dma_start3A_460 = arith.constant 6 : i32
    %dma_start3A_461 = arith.constant 2 : i32
    %dma_start3A_462 = arith.constant 0 : i32
    %dma_start3A_463 = arith.constant 2 : i32
    %dma_start3A_464 = arith.constant 0 : i32
    %dma_start3A_465 = tpu.memref_slice %arg3[%dma_start3A_464] : memref<6x!tpu.dma_semaphore, #tpu.memory_space<semaphore_mem>> -> memref<1x!tpu.dma_semaphore, #tpu.memory_space<semaphore_mem>>
    %dma_start3A_466 = tpu.memref_squeeze %dma_start3A_465 : memref<1x!tpu.dma_semaphore, #tpu.memory_space<semaphore_mem>> -> memref<!tpu.dma_semaphore, #tpu.memory_space<semaphore_mem>>
    %dma_start3A_467 = arith.constant 0 : i32
    %dma_start3A_468 = arith.constant 0 : i32
    %dma_start3A_469 = tpu.memref_slice %arg2[%dma_start3A_462, %dma_start3A_463, %dma_start3A_467, %dma_start3A_468] : memref<6x3x512x512xf32, #tpu.memory_space<vmem>> -> memref<1x1x512x512xf32, #tpu.memory_space<vmem>>
    %dma_start3A_470 = tpu.memref_squeeze %dma_start3A_469 : memref<1x1x512x512xf32, #tpu.memory_space<vmem>> -> memref<512x512xf32, #tpu.memory_space<vmem>>
    %dma_start3A_471 = arith.constant 0 : i32
    %dma_start3A_472 = arith.constant 0 : i32
    %dma_start3A_473 = tpu.memref_slice %arg0[%dma_start3A_460, %dma_start3A_461, %dma_start3A_471, %dma_start3A_472] : memref<16x3x512x512xf32, #tpu.memory_space<any>> -> memref<1x1x512x512xf32, #tpu.memory_space<any>>
    %dma_start3A_474 = tpu.memref_squeeze %dma_start3A_473 : memref<1x1x512x512xf32, #tpu.memory_space<any>> -> memref<512x512xf32, #tpu.memory_space<any>>
    tpu.enqueue_dma source(%dma_start3A_474 : memref<512x512xf32, #tpu.memory_space<any>>) target(%dma_start3A_470 : memref<512x512xf32, #tpu.memory_space<vmem>>) target_semaphore(%dma_start3A_466 : memref<!tpu.dma_semaphore, #tpu.memory_space<semaphore_mem>>)
    %dma_wait3A_475 = arith.constant 1 : i32
    %dma_wait3A_476 = arith.constant 0 : i32
    %dma_wait3A_477 = arith.constant 1 : i32
    %dma_wait3A_478 = arith.constant 0 : i32
    %dma_wait3A_479 = arith.constant 1 : i32
    %dma_wait3A_480 = tpu.memref_slice %arg3[%dma_wait3A_479] : memref<6x!tpu.dma_semaphore, #tpu.memory_space<semaphore_mem>> -> memref<1x!tpu.dma_semaphore, #tpu.memory_space<semaphore_mem>>
    %dma_wait3A_481 = tpu.memref_squeeze %dma_wait3A_480 : memref<1x!tpu.dma_semaphore, #tpu.memory_space<semaphore_mem>> -> memref<!tpu.dma_semaphore, #tpu.memory_space<semaphore_mem>>
    %dma_wait3A_482 = arith.constant 0 : i32
    %dma_wait3A_483 = arith.constant 0 : i32
    %dma_wait3A_484 = tpu.memref_slice %arg2[%dma_wait3A_477, %dma_wait3A_478, %dma_wait3A_482, %dma_wait3A_483] : memref<6x3x512x512xf32, #tpu.memory_space<vmem>> -> memref<1x1x512x512xf32, #tpu.memory_space<vmem>>
    %dma_wait3A_485 = tpu.memref_squeeze %dma_wait3A_484 : memref<1x1x512x512xf32, #tpu.memory_space<vmem>> -> memref<512x512xf32, #tpu.memory_space<vmem>>
    %dma_wait3A_486 = arith.constant 0 : i32
    %dma_wait3A_487 = arith.constant 0 : i32
    %dma_wait3A_488 = tpu.memref_slice %arg0[%dma_wait3A_475, %dma_wait3A_476, %dma_wait3A_486, %dma_wait3A_487] : memref<16x3x512x512xf32, #tpu.memory_space<any>> -> memref<1x1x512x512xf32, #tpu.memory_space<any>>
    %dma_wait3A_489 = tpu.memref_squeeze %dma_wait3A_488 : memref<1x1x512x512xf32, #tpu.memory_space<any>> -> memref<512x512xf32, #tpu.memory_space<any>>
    tpu.wait_dma2 semaphore(%dma_wait3A_481 : memref<!tpu.dma_semaphore, #tpu.memory_space<semaphore_mem>>) src(%dma_wait3A_489 : memref<512x512xf32, #tpu.memory_space<any>>) dst(%dma_wait3A_485 : memref<512x512xf32, #tpu.memory_space<vmem>>)
    %dma_wait3A_490 = arith.constant 1 : i32
    %dma_wait3A_491 = arith.constant 1 : i32
    %dma_wait3A_492 = arith.constant 1 : i32
    %dma_wait3A_493 = arith.constant 1 : i32
    %dma_wait3A_494 = arith.constant 1 : i32
    %dma_wait3A_495 = tpu.memref_slice %arg3[%dma_wait3A_494] : memref<6x!tpu.dma_semaphore, #tpu.memory_space<semaphore_mem>> -> memref<1x!tpu.dma_semaphore, #tpu.memory_space<semaphore_mem>>
    %dma_wait3A_496 = tpu.memref_squeeze %dma_wait3A_495 : memref<1x!tpu.dma_semaphore, #tpu.memory_space<semaphore_mem>> -> memref<!tpu.dma_semaphore, #tpu.memory_space<semaphore_mem>>
    %dma_wait3A_497 = arith.constant 0 : i32
    %dma_wait3A_498 = arith.constant 0 : i32
    %dma_wait3A_499 = tpu.memref_slice %arg2[%dma_wait3A_492, %dma_wait3A_493, %dma_wait3A_497, %dma_wait3A_498] : memref<6x3x512x512xf32, #tpu.memory_space<vmem>> -> memref<1x1x512x512xf32, #tpu.memory_space<vmem>>
    %dma_wait3A_500 = tpu.memref_squeeze %dma_wait3A_499 : memref<1x1x512x512xf32, #tpu.memory_space<vmem>> -> memref<512x512xf32, #tpu.memory_space<vmem>>
    %dma_wait3A_501 = arith.constant 0 : i32
    %dma_wait3A_502 = arith.constant 0 : i32
    %dma_wait3A_503 = tpu.memref_slice %arg0[%dma_wait3A_490, %dma_wait3A_491, %dma_wait3A_501, %dma_wait3A_502] : memref<16x3x512x512xf32, #tpu.memory_space<any>> -> memref<1x1x512x512xf32, #tpu.memory_space<any>>
    %dma_wait3A_504 = tpu.memref_squeeze %dma_wait3A_503 : memref<1x1x512x512xf32, #tpu.memory_space<any>> -> memref<512x512xf32, #tpu.memory_space<any>>
    tpu.wait_dma2 semaphore(%dma_wait3A_496 : memref<!tpu.dma_semaphore, #tpu.memory_space<semaphore_mem>>) src(%dma_wait3A_504 : memref<512x512xf32, #tpu.memory_space<any>>) dst(%dma_wait3A_500 : memref<512x512xf32, #tpu.memory_space<vmem>>)
    %dma_wait3A_505 = arith.constant 1 : i32
    %dma_wait3A_506 = arith.constant 2 : i32
    %dma_wait3A_507 = arith.constant 1 : i32
    %dma_wait3A_508 = arith.constant 2 : i32
    %dma_wait3A_509 = arith.constant 1 : i32
    %dma_wait3A_510 = tpu.memref_slice %arg3[%dma_wait3A_509] : memref<6x!tpu.dma_semaphore, #tpu.memory_space<semaphore_mem>> -> memref<1x!tpu.dma_semaphore, #tpu.memory_space<semaphore_mem>>
    %dma_wait3A_511 = tpu.memref_squeeze %dma_wait3A_510 : memref<1x!tpu.dma_semaphore, #tpu.memory_space<semaphore_mem>> -> memref<!tpu.dma_semaphore, #tpu.memory_space<semaphore_mem>>
    %dma_wait3A_512 = arith.constant 0 : i32
    %dma_wait3A_513 = arith.constant 0 : i32
    %dma_wait3A_514 = tpu.memref_slice %arg2[%dma_wait3A_507, %dma_wait3A_508, %dma_wait3A_512, %dma_wait3A_513] : memref<6x3x512x512xf32, #tpu.memory_space<vmem>> -> memref<1x1x512x512xf32, #tpu.memory_space<vmem>>
    %dma_wait3A_515 = tpu.memref_squeeze %dma_wait3A_514 : memref<1x1x512x512xf32, #tpu.memory_space<vmem>> -> memref<512x512xf32, #tpu.memory_space<vmem>>
    %dma_wait3A_516 = arith.constant 0 : i32
    %dma_wait3A_517 = arith.constant 0 : i32
    %dma_wait3A_518 = tpu.memref_slice %arg0[%dma_wait3A_505, %dma_wait3A_506, %dma_wait3A_516, %dma_wait3A_517] : memref<16x3x512x512xf32, #tpu.memory_space<any>> -> memref<1x1x512x512xf32, #tpu.memory_space<any>>
    %dma_wait3A_519 = tpu.memref_squeeze %dma_wait3A_518 : memref<1x1x512x512xf32, #tpu.memory_space<any>> -> memref<512x512xf32, #tpu.memory_space<any>>
    tpu.wait_dma2 semaphore(%dma_wait3A_511 : memref<!tpu.dma_semaphore, #tpu.memory_space<semaphore_mem>>) src(%dma_wait3A_519 : memref<512x512xf32, #tpu.memory_space<any>>) dst(%dma_wait3A_515 : memref<512x512xf32, #tpu.memory_space<vmem>>)
    %get3A_520 = arith.constant 1 : index
    %get3A_521 = arith.constant 0 : index
    %get3A_522 = arith.constant 0 : index
    %get3A_523 = arith.constant 0 : index
    %get3A_524 = vector.load %arg2[%get3A_520, %get3A_521, %get3A_522, %get3A_523] : memref<6x3x512x512xf32, #tpu.memory_space<vmem>>, vector<1x3x512x512xf32>
    %get3A_525 = vector.shape_cast %get3A_524 : vector<1x3x512x512xf32> to vector<3x512x512xf32>
    %slice3A_526 = vector.extract_strided_slice %get3A_525 {offsets = [0, 0, 0], sizes = [1, 512, 512], strides = [1, 1, 1]} : vector<3x512x512xf32> to vector<1x512x512xf32>
    %squeeze3A_527 = vector.shape_cast %slice3A_526 : vector<1x512x512xf32> to vector<512x512xf32>
    %slice3A_528 = vector.extract_strided_slice %get3A_525 {offsets = [1, 0, 0], sizes = [1, 512, 512], strides = [1, 1, 1]} : vector<3x512x512xf32> to vector<1x512x512xf32>
    %squeeze3A_529 = vector.shape_cast %slice3A_528 : vector<1x512x512xf32> to vector<512x512xf32>
    %slice3A_530 = vector.extract_strided_slice %get3A_525 {offsets = [2, 0, 0], sizes = [1, 512, 512], strides = [1, 1, 1]} : vector<3x512x512xf32> to vector<1x512x512xf32>
    %squeeze3A_531 = vector.shape_cast %slice3A_530 : vector<1x512x512xf32> to vector<512x512xf32>
    %sub3A_532 = arith.subf %squeeze3A_529, %squeeze3A_527 : vector<512x512xf32>
    %sub3A_533 = arith.subf %squeeze3A_531, %squeeze3A_527 : vector<512x512xf32>
    %exp3A_534 = math.exp %sub3A_532 : vector<512x512xf32>
    %exp3A_535 = math.exp %sub3A_533 : vector<512x512xf32>
    %add3A_536 = arith.constant 1.000000e+00 : f32
    %add3A_537 = vector.broadcast %add3A_536 : f32 to vector<512x512xf32>
    %add3A_538 = arith.addf %add3A_537, %exp3A_534 : vector<512x512xf32>
    %add3A_539 = arith.addf %add3A_538, %exp3A_535 : vector<512x512xf32>
    %div3A_540 = arith.constant 1.000000e+00 : f32
    %div3A_541 = vector.broadcast %div3A_540 : f32 to vector<512x512xf32>
    %div3A_542 = arith.divf %div3A_541, %add3A_539 : vector<512x512xf32>
    %mul3A_543 = arith.mulf %exp3A_534, %div3A_542 : vector<512x512xf32>
    %reduce_sum3A_544 = vector.shape_cast %mul3A_543 : vector<512x512xf32> to vector<1x512x512xf32>
    %reduce_sum3A_545 = arith.constant dense<0.000000e+00> : vector<1xf32>
    %reduce_sum3A_546 = vector.multi_reduction <add>, %reduce_sum3A_544, %reduce_sum3A_545 [1, 2] : vector<1x512x512xf32> to vector<1xf32>
    %reduce_sum3A_547 = vector.shape_cast %reduce_sum3A_546 : vector<1xf32> to vector<1x1x1xf32>
    %reduce_sum3A_548 = vector.extract %reduce_sum3A_547[0, 0, 0] : f32 from vector<1x1x1xf32>
    %mul3A_549 = arith.mulf %exp3A_535, %div3A_542 : vector<512x512xf32>
    %reduce_sum3A_550 = vector.shape_cast %mul3A_549 : vector<512x512xf32> to vector<1x512x512xf32>
    %reduce_sum3A_551 = arith.constant dense<0.000000e+00> : vector<1xf32>
    %reduce_sum3A_552 = vector.multi_reduction <add>, %reduce_sum3A_550, %reduce_sum3A_551 [1, 2] : vector<1x512x512xf32> to vector<1xf32>
    %reduce_sum3A_553 = vector.shape_cast %reduce_sum3A_552 : vector<1xf32> to vector<1x1x1xf32>
    %reduce_sum3A_554 = vector.extract %reduce_sum3A_553[0, 0, 0] : f32 from vector<1x1x1xf32>
    %gt3A_555 = arith.constant 0.000000e+00 : f32
    %gt3A_556 = vector.broadcast %gt3A_555 : f32 to vector<512x512xf32>
    %gt3A_557 = arith.cmpf ogt, %sub3A_532, %gt3A_556 : vector<512x512xf32>
    %ge3A_558 = arith.cmpf oge, %sub3A_532, %sub3A_533 : vector<512x512xf32>
    %and3A_559 = arith.andi %gt3A_557, %ge3A_558 : vector<512x512xi1>
    %gt3A_560 = arith.constant 0.000000e+00 : f32
    %gt3A_561 = vector.broadcast %gt3A_560 : f32 to vector<512x512xf32>
    %gt3A_562 = arith.cmpf ogt, %sub3A_533, %gt3A_561 : vector<512x512xf32>
    %gt3A_563 = arith.cmpf ogt, %sub3A_533, %sub3A_532 : vector<512x512xf32>
    %and3A_564 = arith.andi %gt3A_562, %gt3A_563 : vector<512x512xi1>
    %reduce_or3A_565 = arith.constant 1.000000e+00 : f32
    %reduce_or3A_566 = arith.constant 0.000000e+00 : f32
    %reduce_or3A_567 = vector.broadcast %reduce_or3A_565 : f32 to vector<512x512xf32>
    %reduce_or3A_568 = vector.broadcast %reduce_or3A_566 : f32 to vector<512x512xf32>
    %reduce_or3A_569 = arith.select %and3A_559, %reduce_or3A_567, %reduce_or3A_568 : vector<512x512xi1>, vector<512x512xf32>
    %reduce_or3A_570 = arith.constant dense<0xFF800000> : vector<512xf32>
    %reduce_or3A_571 = vector.multi_reduction <maximumf>, %reduce_or3A_569, %reduce_or3A_570 [1] : vector<512x512xf32> to vector<512xf32>
    %reduce_or3A_572 = arith.constant 0.000000e+00 : f32
    %reduce_or3A_573 = vector.broadcast %reduce_or3A_572 : f32 to vector<512xf32>
    %reduce_or3A_574 = arith.cmpf ogt, %reduce_or3A_571, %reduce_or3A_573 : vector<512xf32>
    %reduce_or3A_575 = arith.constant 1.000000e+00 : f32
    %reduce_or3A_576 = arith.constant 0.000000e+00 : f32
    %reduce_or3A_577 = vector.broadcast %reduce_or3A_575 : f32 to vector<512x512xf32>
    %reduce_or3A_578 = vector.broadcast %reduce_or3A_576 : f32 to vector<512x512xf32>
    %reduce_or3A_579 = arith.select %and3A_564, %reduce_or3A_577, %reduce_or3A_578 : vector<512x512xi1>, vector<512x512xf32>
    %reduce_or3A_580 = arith.constant dense<0xFF800000> : vector<512xf32>
    %reduce_or3A_581 = vector.multi_reduction <maximumf>, %reduce_or3A_579, %reduce_or3A_580 [1] : vector<512x512xf32> to vector<512xf32>
    %reduce_or3A_582 = arith.constant 0.000000e+00 : f32
    %reduce_or3A_583 = vector.broadcast %reduce_or3A_582 : f32 to vector<512xf32>
    %reduce_or3A_584 = arith.cmpf ogt, %reduce_or3A_581, %reduce_or3A_583 : vector<512xf32>
    %iota3A_585 = tpu.iota {dimensions = array<i32: 1>} : vector<1x512xi32>
    %iota3A_586 = vector.shape_cast %iota3A_585 : vector<1x512xi32> to vector<512xi32>
    %convert_element_type3A_587 = arith.sitofp %iota3A_586 : vector<512xi32> to vector<512xf32>
    %jit3A_588 = arith.constant 5.120000e+02 : f32
    %broadcast_in_dim3A_589 = vector.broadcast %jit3A_588 : f32 to vector<512xf32>
    %select_n3A_590 = arith.select %reduce_or3A_574, %convert_element_type3A_587, %broadcast_in_dim3A_589 : vector<512xi1>, vector<512xf32>
    %reduce_min3A_591 = vector.shape_cast %select_n3A_590 : vector<512xf32> to vector<1x512xf32>
    %reduce_min3A_592 = arith.constant dense<0x7F800000> : vector<1xf32>
    %reduce_min3A_593 = vector.multi_reduction <minimumf>, %reduce_min3A_591, %reduce_min3A_592 [1] : vector<1x512xf32> to vector<1xf32>
    %reduce_min3A_594 = vector.shape_cast %reduce_min3A_593 : vector<1xf32> to vector<1x1xf32>
    %reduce_min3A_595 = vector.extract %reduce_min3A_594[0, 0] : f32 from vector<1x1xf32>
    %jit3A_596 = arith.constant -1.000000e+00 : f32
    %broadcast_in_dim3A_597 = vector.broadcast %jit3A_596 : f32 to vector<512xf32>
    %select_n3A_598 = arith.select %reduce_or3A_574, %convert_element_type3A_587, %broadcast_in_dim3A_597 : vector<512xi1>, vector<512xf32>
    %reduce_max3A_599 = vector.shape_cast %select_n3A_598 : vector<512xf32> to vector<1x512xf32>
    %reduce_max3A_600 = arith.constant dense<0xFF800000> : vector<1xf32>
    %reduce_max3A_601 = vector.multi_reduction <maximumf>, %reduce_max3A_599, %reduce_max3A_600 [1] : vector<1x512xf32> to vector<1xf32>
    %reduce_max3A_602 = vector.shape_cast %reduce_max3A_601 : vector<1xf32> to vector<1x1xf32>
    %reduce_max3A_603 = vector.extract %reduce_max3A_602[0, 0] : f32 from vector<1x1xf32>
    %jit3A_604 = arith.constant 5.120000e+02 : f32
    %broadcast_in_dim3A_605 = vector.broadcast %jit3A_604 : f32 to vector<512xf32>
    %select_n3A_606 = arith.select %reduce_or3A_584, %convert_element_type3A_587, %broadcast_in_dim3A_605 : vector<512xi1>, vector<512xf32>
    %reduce_min3A_607 = vector.shape_cast %select_n3A_606 : vector<512xf32> to vector<1x512xf32>
    %reduce_min3A_608 = arith.constant dense<0x7F800000> : vector<1xf32>
    %reduce_min3A_609 = vector.multi_reduction <minimumf>, %reduce_min3A_607, %reduce_min3A_608 [1] : vector<1x512xf32> to vector<1xf32>
    %reduce_min3A_610 = vector.shape_cast %reduce_min3A_609 : vector<1xf32> to vector<1x1xf32>
    %reduce_min3A_611 = vector.extract %reduce_min3A_610[0, 0] : f32 from vector<1x1xf32>
    %jit3A_612 = arith.constant -1.000000e+00 : f32
    %broadcast_in_dim3A_613 = vector.broadcast %jit3A_612 : f32 to vector<512xf32>
    %select_n3A_614 = arith.select %reduce_or3A_584, %convert_element_type3A_587, %broadcast_in_dim3A_613 : vector<512xi1>, vector<512xf32>
    %reduce_max3A_615 = vector.shape_cast %select_n3A_614 : vector<512xf32> to vector<1x512xf32>
    %reduce_max3A_616 = arith.constant dense<0xFF800000> : vector<1xf32>
    %reduce_max3A_617 = vector.multi_reduction <maximumf>, %reduce_max3A_615, %reduce_max3A_616 [1] : vector<1x512xf32> to vector<1xf32>
    %reduce_max3A_618 = vector.shape_cast %reduce_max3A_617 : vector<1xf32> to vector<1x1xf32>
    %reduce_max3A_619 = vector.extract %reduce_max3A_618[0, 0] : f32 from vector<1x1xf32>
    %iota3A_620 = tpu.iota {dimensions = array<i32: 1>} : vector<1x128xi32>
    %broadcast_in_dim3A_621 = arith.constant 0.000000e+00 : f32
    %broadcast_in_dim3A_622 = vector.broadcast %broadcast_in_dim3A_621 : f32 to vector<1x128xf32>
    %eq3A_623 = arith.constant 0 : i32
    %eq3A_624 = vector.broadcast %eq3A_623 : i32 to vector<1x128xi32>
    %eq3A_625 = arith.cmpi eq, %iota3A_620, %eq3A_624 : vector<1x128xi32>
    %broadcast_in_dim3A_626 = vector.broadcast %reduce_min3A_595 : f32 to vector<1x128xf32>
    %select_n3A_627 = arith.select %eq3A_625, %broadcast_in_dim3A_626, %broadcast_in_dim3A_622 : vector<1x128xi1>, vector<1x128xf32>
    %eq3A_628 = arith.constant 1 : i32
    %eq3A_629 = vector.broadcast %eq3A_628 : i32 to vector<1x128xi32>
    %eq3A_630 = arith.cmpi eq, %iota3A_620, %eq3A_629 : vector<1x128xi32>
    %broadcast_in_dim3A_631 = vector.broadcast %reduce_max3A_603 : f32 to vector<1x128xf32>
    %select_n3A_632 = arith.select %eq3A_630, %broadcast_in_dim3A_631, %select_n3A_627 : vector<1x128xi1>, vector<1x128xf32>
    %eq3A_633 = arith.constant 2 : i32
    %eq3A_634 = vector.broadcast %eq3A_633 : i32 to vector<1x128xi32>
    %eq3A_635 = arith.cmpi eq, %iota3A_620, %eq3A_634 : vector<1x128xi32>
    %broadcast_in_dim3A_636 = vector.broadcast %reduce_min3A_611 : f32 to vector<1x128xf32>
    %select_n3A_637 = arith.select %eq3A_635, %broadcast_in_dim3A_636, %select_n3A_632 : vector<1x128xi1>, vector<1x128xf32>
    %eq3A_638 = arith.constant 3 : i32
    %eq3A_639 = vector.broadcast %eq3A_638 : i32 to vector<1x128xi32>
    %eq3A_640 = arith.cmpi eq, %iota3A_620, %eq3A_639 : vector<1x128xi32>
    %broadcast_in_dim3A_641 = vector.broadcast %reduce_max3A_619 : f32 to vector<1x128xf32>
    %select_n3A_642 = arith.select %eq3A_640, %broadcast_in_dim3A_641, %select_n3A_637 : vector<1x128xi1>, vector<1x128xf32>
    %eq3A_643 = arith.constant 4 : i32
    %eq3A_644 = vector.broadcast %eq3A_643 : i32 to vector<1x128xi32>
    %eq3A_645 = arith.cmpi eq, %iota3A_620, %eq3A_644 : vector<1x128xi32>
    %broadcast_in_dim3A_646 = vector.broadcast %reduce_sum3A_548 : f32 to vector<1x128xf32>
    %select_n3A_647 = arith.select %eq3A_645, %broadcast_in_dim3A_646, %select_n3A_642 : vector<1x128xi1>, vector<1x128xf32>
    %eq3A_648 = arith.constant 5 : i32
    %eq3A_649 = vector.broadcast %eq3A_648 : i32 to vector<1x128xi32>
    %eq3A_650 = arith.cmpi eq, %iota3A_620, %eq3A_649 : vector<1x128xi32>
    %broadcast_in_dim3A_651 = vector.broadcast %reduce_sum3A_554 : f32 to vector<1x128xf32>
    %select_n3A_652 = arith.select %eq3A_650, %broadcast_in_dim3A_651, %select_n3A_647 : vector<1x128xi1>, vector<1x128xf32>
    %swap3A_653 = arith.constant 1 : index
    %swap3A_654 = arith.constant 0 : index
    %swap3A_655 = arith.constant 0 : index
    %swap3A_656 = vector.load %arg1[%swap3A_653, %swap3A_654, %swap3A_655] : memref<12x1x128xf32, #tpu.memory_space<vmem>>, vector<1x1x128xf32>
    %swap3A_657 = vector.shape_cast %swap3A_656 : vector<1x1x128xf32> to vector<1x128xf32>
    %swap3A_658 = vector.shape_cast %select_n3A_652 : vector<1x128xf32> to vector<1x1x128xf32>
    tpu.vector_store %arg1[%swap3A_653, %swap3A_654, %swap3A_655], %swap3A_658 {strides = array<i32>} : memref<12x1x128xf32, #tpu.memory_space<vmem>>, vector<1x1x128xf32>,
    %dma_start3A_659 = arith.constant 7 : i32
    %dma_start3A_660 = arith.constant 0 : i32
    %dma_start3A_661 = arith.constant 1 : i32
    %dma_start3A_662 = arith.constant 0 : i32
    %dma_start3A_663 = arith.constant 1 : i32
    %dma_start3A_664 = tpu.memref_slice %arg3[%dma_start3A_663] : memref<6x!tpu.dma_semaphore, #tpu.memory_space<semaphore_mem>> -> memref<1x!tpu.dma_semaphore, #tpu.memory_space<semaphore_mem>>
    %dma_start3A_665 = tpu.memref_squeeze %dma_start3A_664 : memref<1x!tpu.dma_semaphore, #tpu.memory_space<semaphore_mem>> -> memref<!tpu.dma_semaphore, #tpu.memory_space<semaphore_mem>>
    %dma_start3A_666 = arith.constant 0 : i32
    %dma_start3A_667 = arith.constant 0 : i32
    %dma_start3A_668 = tpu.memref_slice %arg2[%dma_start3A_661, %dma_start3A_662, %dma_start3A_666, %dma_start3A_667] : memref<6x3x512x512xf32, #tpu.memory_space<vmem>> -> memref<1x1x512x512xf32, #tpu.memory_space<vmem>>
    %dma_start3A_669 = tpu.memref_squeeze %dma_start3A_668 : memref<1x1x512x512xf32, #tpu.memory_space<vmem>> -> memref<512x512xf32, #tpu.memory_space<vmem>>
    %dma_start3A_670 = arith.constant 0 : i32
    %dma_start3A_671 = arith.constant 0 : i32
    %dma_start3A_672 = tpu.memref_slice %arg0[%dma_start3A_659, %dma_start3A_660, %dma_start3A_670, %dma_start3A_671] : memref<16x3x512x512xf32, #tpu.memory_space<any>> -> memref<1x1x512x512xf32, #tpu.memory_space<any>>
    %dma_start3A_673 = tpu.memref_squeeze %dma_start3A_672 : memref<1x1x512x512xf32, #tpu.memory_space<any>> -> memref<512x512xf32, #tpu.memory_space<any>>
    tpu.enqueue_dma source(%dma_start3A_673 : memref<512x512xf32, #tpu.memory_space<any>>) target(%dma_start3A_669 : memref<512x512xf32, #tpu.memory_space<vmem>>) target_semaphore(%dma_start3A_665 : memref<!tpu.dma_semaphore, #tpu.memory_space<semaphore_mem>>)
    %dma_start3A_674 = arith.constant 7 : i32
    %dma_start3A_675 = arith.constant 1 : i32
    %dma_start3A_676 = arith.constant 1 : i32
    %dma_start3A_677 = arith.constant 1 : i32
    %dma_start3A_678 = arith.constant 1 : i32
    %dma_start3A_679 = tpu.memref_slice %arg3[%dma_start3A_678] : memref<6x!tpu.dma_semaphore, #tpu.memory_space<semaphore_mem>> -> memref<1x!tpu.dma_semaphore, #tpu.memory_space<semaphore_mem>>
    %dma_start3A_680 = tpu.memref_squeeze %dma_start3A_679 : memref<1x!tpu.dma_semaphore, #tpu.memory_space<semaphore_mem>> -> memref<!tpu.dma_semaphore, #tpu.memory_space<semaphore_mem>>
    %dma_start3A_681 = arith.constant 0 : i32
    %dma_start3A_682 = arith.constant 0 : i32
    %dma_start3A_683 = tpu.memref_slice %arg2[%dma_start3A_676, %dma_start3A_677, %dma_start3A_681, %dma_start3A_682] : memref<6x3x512x512xf32, #tpu.memory_space<vmem>> -> memref<1x1x512x512xf32, #tpu.memory_space<vmem>>
    %dma_start3A_684 = tpu.memref_squeeze %dma_start3A_683 : memref<1x1x512x512xf32, #tpu.memory_space<vmem>> -> memref<512x512xf32, #tpu.memory_space<vmem>>
    %dma_start3A_685 = arith.constant 0 : i32
    %dma_start3A_686 = arith.constant 0 : i32
    %dma_start3A_687 = tpu.memref_slice %arg0[%dma_start3A_674, %dma_start3A_675, %dma_start3A_685, %dma_start3A_686] : memref<16x3x512x512xf32, #tpu.memory_space<any>> -> memref<1x1x512x512xf32, #tpu.memory_space<any>>
    %dma_start3A_688 = tpu.memref_squeeze %dma_start3A_687 : memref<1x1x512x512xf32, #tpu.memory_space<any>> -> memref<512x512xf32, #tpu.memory_space<any>>
    tpu.enqueue_dma source(%dma_start3A_688 : memref<512x512xf32, #tpu.memory_space<any>>) target(%dma_start3A_684 : memref<512x512xf32, #tpu.memory_space<vmem>>) target_semaphore(%dma_start3A_680 : memref<!tpu.dma_semaphore, #tpu.memory_space<semaphore_mem>>)
    %dma_start3A_689 = arith.constant 7 : i32
    %dma_start3A_690 = arith.constant 2 : i32
    %dma_start3A_691 = arith.constant 1 : i32
    %dma_start3A_692 = arith.constant 2 : i32
    %dma_start3A_693 = arith.constant 1 : i32
    %dma_start3A_694 = tpu.memref_slice %arg3[%dma_start3A_693] : memref<6x!tpu.dma_semaphore, #tpu.memory_space<semaphore_mem>> -> memref<1x!tpu.dma_semaphore, #tpu.memory_space<semaphore_mem>>
    %dma_start3A_695 = tpu.memref_squeeze %dma_start3A_694 : memref<1x!tpu.dma_semaphore, #tpu.memory_space<semaphore_mem>> -> memref<!tpu.dma_semaphore, #tpu.memory_space<semaphore_mem>>
    %dma_start3A_696 = arith.constant 0 : i32
    %dma_start3A_697 = arith.constant 0 : i32
    %dma_start3A_698 = tpu.memref_slice %arg2[%dma_start3A_691, %dma_start3A_692, %dma_start3A_696, %dma_start3A_697] : memref<6x3x512x512xf32, #tpu.memory_space<vmem>> -> memref<1x1x512x512xf32, #tpu.memory_space<vmem>>
    %dma_start3A_699 = tpu.memref_squeeze %dma_start3A_698 : memref<1x1x512x512xf32, #tpu.memory_space<vmem>> -> memref<512x512xf32, #tpu.memory_space<vmem>>
    %dma_start3A_700 = arith.constant 0 : i32
    %dma_start3A_701 = arith.constant 0 : i32
    %dma_start3A_702 = tpu.memref_slice %arg0[%dma_start3A_689, %dma_start3A_690, %dma_start3A_700, %dma_start3A_701] : memref<16x3x512x512xf32, #tpu.memory_space<any>> -> memref<1x1x512x512xf32, #tpu.memory_space<any>>
    %dma_start3A_703 = tpu.memref_squeeze %dma_start3A_702 : memref<1x1x512x512xf32, #tpu.memory_space<any>> -> memref<512x512xf32, #tpu.memory_space<any>>
    tpu.enqueue_dma source(%dma_start3A_703 : memref<512x512xf32, #tpu.memory_space<any>>) target(%dma_start3A_699 : memref<512x512xf32, #tpu.memory_space<vmem>>) target_semaphore(%dma_start3A_695 : memref<!tpu.dma_semaphore, #tpu.memory_space<semaphore_mem>>)
    %dma_wait3A_704 = arith.constant 2 : i32
    %dma_wait3A_705 = arith.constant 0 : i32
    %dma_wait3A_706 = arith.constant 2 : i32
    %dma_wait3A_707 = arith.constant 0 : i32
    %dma_wait3A_708 = arith.constant 2 : i32
    %dma_wait3A_709 = tpu.memref_slice %arg3[%dma_wait3A_708] : memref<6x!tpu.dma_semaphore, #tpu.memory_space<semaphore_mem>> -> memref<1x!tpu.dma_semaphore, #tpu.memory_space<semaphore_mem>>
    %dma_wait3A_710 = tpu.memref_squeeze %dma_wait3A_709 : memref<1x!tpu.dma_semaphore, #tpu.memory_space<semaphore_mem>> -> memref<!tpu.dma_semaphore, #tpu.memory_space<semaphore_mem>>
    %dma_wait3A_711 = arith.constant 0 : i32
    %dma_wait3A_712 = arith.constant 0 : i32
    %dma_wait3A_713 = tpu.memref_slice %arg2[%dma_wait3A_706, %dma_wait3A_707, %dma_wait3A_711, %dma_wait3A_712] : memref<6x3x512x512xf32, #tpu.memory_space<vmem>> -> memref<1x1x512x512xf32, #tpu.memory_space<vmem>>
    %dma_wait3A_714 = tpu.memref_squeeze %dma_wait3A_713 : memref<1x1x512x512xf32, #tpu.memory_space<vmem>> -> memref<512x512xf32, #tpu.memory_space<vmem>>
    %dma_wait3A_715 = arith.constant 0 : i32
    %dma_wait3A_716 = arith.constant 0 : i32
    %dma_wait3A_717 = tpu.memref_slice %arg0[%dma_wait3A_704, %dma_wait3A_705, %dma_wait3A_715, %dma_wait3A_716] : memref<16x3x512x512xf32, #tpu.memory_space<any>> -> memref<1x1x512x512xf32, #tpu.memory_space<any>>
    %dma_wait3A_718 = tpu.memref_squeeze %dma_wait3A_717 : memref<1x1x512x512xf32, #tpu.memory_space<any>> -> memref<512x512xf32, #tpu.memory_space<any>>
    tpu.wait_dma2 semaphore(%dma_wait3A_710 : memref<!tpu.dma_semaphore, #tpu.memory_space<semaphore_mem>>) src(%dma_wait3A_718 : memref<512x512xf32, #tpu.memory_space<any>>) dst(%dma_wait3A_714 : memref<512x512xf32, #tpu.memory_space<vmem>>)
    %dma_wait3A_719 = arith.constant 2 : i32
    %dma_wait3A_720 = arith.constant 1 : i32
    %dma_wait3A_721 = arith.constant 2 : i32
    %dma_wait3A_722 = arith.constant 1 : i32
    %dma_wait3A_723 = arith.constant 2 : i32
    %dma_wait3A_724 = tpu.memref_slice %arg3[%dma_wait3A_723] : memref<6x!tpu.dma_semaphore, #tpu.memory_space<semaphore_mem>> -> memref<1x!tpu.dma_semaphore, #tpu.memory_space<semaphore_mem>>
    %dma_wait3A_725 = tpu.memref_squeeze %dma_wait3A_724 : memref<1x!tpu.dma_semaphore, #tpu.memory_space<semaphore_mem>> -> memref<!tpu.dma_semaphore, #tpu.memory_space<semaphore_mem>>
    %dma_wait3A_726 = arith.constant 0 : i32
    %dma_wait3A_727 = arith.constant 0 : i32
    %dma_wait3A_728 = tpu.memref_slice %arg2[%dma_wait3A_721, %dma_wait3A_722, %dma_wait3A_726, %dma_wait3A_727] : memref<6x3x512x512xf32, #tpu.memory_space<vmem>> -> memref<1x1x512x512xf32, #tpu.memory_space<vmem>>
    %dma_wait3A_729 = tpu.memref_squeeze %dma_wait3A_728 : memref<1x1x512x512xf32, #tpu.memory_space<vmem>> -> memref<512x512xf32, #tpu.memory_space<vmem>>
    %dma_wait3A_730 = arith.constant 0 : i32
    %dma_wait3A_731 = arith.constant 0 : i32
    %dma_wait3A_732 = tpu.memref_slice %arg0[%dma_wait3A_719, %dma_wait3A_720, %dma_wait3A_730, %dma_wait3A_731] : memref<16x3x512x512xf32, #tpu.memory_space<any>> -> memref<1x1x512x512xf32, #tpu.memory_space<any>>
    %dma_wait3A_733 = tpu.memref_squeeze %dma_wait3A_732 : memref<1x1x512x512xf32, #tpu.memory_space<any>> -> memref<512x512xf32, #tpu.memory_space<any>>
    tpu.wait_dma2 semaphore(%dma_wait3A_725 : memref<!tpu.dma_semaphore, #tpu.memory_space<semaphore_mem>>) src(%dma_wait3A_733 : memref<512x512xf32, #tpu.memory_space<any>>) dst(%dma_wait3A_729 : memref<512x512xf32, #tpu.memory_space<vmem>>)
    %dma_wait3A_734 = arith.constant 2 : i32
    %dma_wait3A_735 = arith.constant 2 : i32
    %dma_wait3A_736 = arith.constant 2 : i32
    %dma_wait3A_737 = arith.constant 2 : i32
    %dma_wait3A_738 = arith.constant 2 : i32
    %dma_wait3A_739 = tpu.memref_slice %arg3[%dma_wait3A_738] : memref<6x!tpu.dma_semaphore, #tpu.memory_space<semaphore_mem>> -> memref<1x!tpu.dma_semaphore, #tpu.memory_space<semaphore_mem>>
    %dma_wait3A_740 = tpu.memref_squeeze %dma_wait3A_739 : memref<1x!tpu.dma_semaphore, #tpu.memory_space<semaphore_mem>> -> memref<!tpu.dma_semaphore, #tpu.memory_space<semaphore_mem>>
    %dma_wait3A_741 = arith.constant 0 : i32
    %dma_wait3A_742 = arith.constant 0 : i32
    %dma_wait3A_743 = tpu.memref_slice %arg2[%dma_wait3A_736, %dma_wait3A_737, %dma_wait3A_741, %dma_wait3A_742] : memref<6x3x512x512xf32, #tpu.memory_space<vmem>> -> memref<1x1x512x512xf32, #tpu.memory_space<vmem>>
    %dma_wait3A_744 = tpu.memref_squeeze %dma_wait3A_743 : memref<1x1x512x512xf32, #tpu.memory_space<vmem>> -> memref<512x512xf32, #tpu.memory_space<vmem>>
    %dma_wait3A_745 = arith.constant 0 : i32
    %dma_wait3A_746 = arith.constant 0 : i32
    %dma_wait3A_747 = tpu.memref_slice %arg0[%dma_wait3A_734, %dma_wait3A_735, %dma_wait3A_745, %dma_wait3A_746] : memref<16x3x512x512xf32, #tpu.memory_space<any>> -> memref<1x1x512x512xf32, #tpu.memory_space<any>>
    %dma_wait3A_748 = tpu.memref_squeeze %dma_wait3A_747 : memref<1x1x512x512xf32, #tpu.memory_space<any>> -> memref<512x512xf32, #tpu.memory_space<any>>
    tpu.wait_dma2 semaphore(%dma_wait3A_740 : memref<!tpu.dma_semaphore, #tpu.memory_space<semaphore_mem>>) src(%dma_wait3A_748 : memref<512x512xf32, #tpu.memory_space<any>>) dst(%dma_wait3A_744 : memref<512x512xf32, #tpu.memory_space<vmem>>)
    %get3A_749 = arith.constant 2 : index
    %get3A_750 = arith.constant 0 : index
    %get3A_751 = arith.constant 0 : index
    %get3A_752 = arith.constant 0 : index
    %get3A_753 = vector.load %arg2[%get3A_749, %get3A_750, %get3A_751, %get3A_752] : memref<6x3x512x512xf32, #tpu.memory_space<vmem>>, vector<1x3x512x512xf32>
    %get3A_754 = vector.shape_cast %get3A_753 : vector<1x3x512x512xf32> to vector<3x512x512xf32>
    %slice3A_755 = vector.extract_strided_slice %get3A_754 {offsets = [0, 0, 0], sizes = [1, 512, 512], strides = [1, 1, 1]} : vector<3x512x512xf32> to vector<1x512x512xf32>
    %squeeze3A_756 = vector.shape_cast %slice3A_755 : vector<1x512x512xf32> to vector<512x512xf32>
    %slice3A_757 = vector.extract_strided_slice %get3A_754 {offsets = [1, 0, 0], sizes = [1, 512, 512], strides = [1, 1, 1]} : vector<3x512x512xf32> to vector<1x512x512xf32>
    %squeeze3A_758 = vector.shape_cast %slice3A_757 : vector<1x512x512xf32> to vector<512x512xf32>
    %slice3A_759 = vector.extract_strided_slice %get3A_754 {offsets = [2, 0, 0], sizes = [1, 512, 512], strides = [1, 1, 1]} : vector<3x512x512xf32> to vector<1x512x512xf32>
    %squeeze3A_760 = vector.shape_cast %slice3A_759 : vector<1x512x512xf32> to vector<512x512xf32>
    %sub3A_761 = arith.subf %squeeze3A_758, %squeeze3A_756 : vector<512x512xf32>
    %sub3A_762 = arith.subf %squeeze3A_760, %squeeze3A_756 : vector<512x512xf32>
    %exp3A_763 = math.exp %sub3A_761 : vector<512x512xf32>
    %exp3A_764 = math.exp %sub3A_762 : vector<512x512xf32>
    %add3A_765 = arith.constant 1.000000e+00 : f32
    %add3A_766 = vector.broadcast %add3A_765 : f32 to vector<512x512xf32>
    %add3A_767 = arith.addf %add3A_766, %exp3A_763 : vector<512x512xf32>
    %add3A_768 = arith.addf %add3A_767, %exp3A_764 : vector<512x512xf32>
    %div3A_769 = arith.constant 1.000000e+00 : f32
    %div3A_770 = vector.broadcast %div3A_769 : f32 to vector<512x512xf32>
    %div3A_771 = arith.divf %div3A_770, %add3A_768 : vector<512x512xf32>
    %mul3A_772 = arith.mulf %exp3A_763, %div3A_771 : vector<512x512xf32>
    %reduce_sum3A_773 = vector.shape_cast %mul3A_772 : vector<512x512xf32> to vector<1x512x512xf32>
    %reduce_sum3A_774 = arith.constant dense<0.000000e+00> : vector<1xf32>
    %reduce_sum3A_775 = vector.multi_reduction <add>, %reduce_sum3A_773, %reduce_sum3A_774 [1, 2] : vector<1x512x512xf32> to vector<1xf32>
    %reduce_sum3A_776 = vector.shape_cast %reduce_sum3A_775 : vector<1xf32> to vector<1x1x1xf32>
    %reduce_sum3A_777 = vector.extract %reduce_sum3A_776[0, 0, 0] : f32 from vector<1x1x1xf32>
    %mul3A_778 = arith.mulf %exp3A_764, %div3A_771 : vector<512x512xf32>
    %reduce_sum3A_779 = vector.shape_cast %mul3A_778 : vector<512x512xf32> to vector<1x512x512xf32>
    %reduce_sum3A_780 = arith.constant dense<0.000000e+00> : vector<1xf32>
    %reduce_sum3A_781 = vector.multi_reduction <add>, %reduce_sum3A_779, %reduce_sum3A_780 [1, 2] : vector<1x512x512xf32> to vector<1xf32>
    %reduce_sum3A_782 = vector.shape_cast %reduce_sum3A_781 : vector<1xf32> to vector<1x1x1xf32>
    %reduce_sum3A_783 = vector.extract %reduce_sum3A_782[0, 0, 0] : f32 from vector<1x1x1xf32>
    %gt3A_784 = arith.constant 0.000000e+00 : f32
    %gt3A_785 = vector.broadcast %gt3A_784 : f32 to vector<512x512xf32>
    %gt3A_786 = arith.cmpf ogt, %sub3A_761, %gt3A_785 : vector<512x512xf32>
    %ge3A_787 = arith.cmpf oge, %sub3A_761, %sub3A_762 : vector<512x512xf32>
    %and3A_788 = arith.andi %gt3A_786, %ge3A_787 : vector<512x512xi1>
    %gt3A_789 = arith.constant 0.000000e+00 : f32
    %gt3A_790 = vector.broadcast %gt3A_789 : f32 to vector<512x512xf32>
    %gt3A_791 = arith.cmpf ogt, %sub3A_762, %gt3A_790 : vector<512x512xf32>
    %gt3A_792 = arith.cmpf ogt, %sub3A_762, %sub3A_761 : vector<512x512xf32>
    %and3A_793 = arith.andi %gt3A_791, %gt3A_792 : vector<512x512xi1>
    %reduce_or3A_794 = arith.constant 1.000000e+00 : f32
    %reduce_or3A_795 = arith.constant 0.000000e+00 : f32
    %reduce_or3A_796 = vector.broadcast %reduce_or3A_794 : f32 to vector<512x512xf32>
    %reduce_or3A_797 = vector.broadcast %reduce_or3A_795 : f32 to vector<512x512xf32>
    %reduce_or3A_798 = arith.select %and3A_788, %reduce_or3A_796, %reduce_or3A_797 : vector<512x512xi1>, vector<512x512xf32>
    %reduce_or3A_799 = arith.constant dense<0xFF800000> : vector<512xf32>
    %reduce_or3A_800 = vector.multi_reduction <maximumf>, %reduce_or3A_798, %reduce_or3A_799 [1] : vector<512x512xf32> to vector<512xf32>
    %reduce_or3A_801 = arith.constant 0.000000e+00 : f32
    %reduce_or3A_802 = vector.broadcast %reduce_or3A_801 : f32 to vector<512xf32>
    %reduce_or3A_803 = arith.cmpf ogt, %reduce_or3A_800, %reduce_or3A_802 : vector<512xf32>
    %reduce_or3A_804 = arith.constant 1.000000e+00 : f32
    %reduce_or3A_805 = arith.constant 0.000000e+00 : f32
    %reduce_or3A_806 = vector.broadcast %reduce_or3A_804 : f32 to vector<512x512xf32>
    %reduce_or3A_807 = vector.broadcast %reduce_or3A_805 : f32 to vector<512x512xf32>
    %reduce_or3A_808 = arith.select %and3A_793, %reduce_or3A_806, %reduce_or3A_807 : vector<512x512xi1>, vector<512x512xf32>
    %reduce_or3A_809 = arith.constant dense<0xFF800000> : vector<512xf32>
    %reduce_or3A_810 = vector.multi_reduction <maximumf>, %reduce_or3A_808, %reduce_or3A_809 [1] : vector<512x512xf32> to vector<512xf32>
    %reduce_or3A_811 = arith.constant 0.000000e+00 : f32
    %reduce_or3A_812 = vector.broadcast %reduce_or3A_811 : f32 to vector<512xf32>
    %reduce_or3A_813 = arith.cmpf ogt, %reduce_or3A_810, %reduce_or3A_812 : vector<512xf32>
    %iota3A_814 = tpu.iota {dimensions = array<i32: 1>} : vector<1x512xi32>
    %iota3A_815 = vector.shape_cast %iota3A_814 : vector<1x512xi32> to vector<512xi32>
    %convert_element_type3A_816 = arith.sitofp %iota3A_815 : vector<512xi32> to vector<512xf32>
    %jit3A_817 = arith.constant 5.120000e+02 : f32
    %broadcast_in_dim3A_818 = vector.broadcast %jit3A_817 : f32 to vector<512xf32>
    %select_n3A_819 = arith.select %reduce_or3A_803, %convert_element_type3A_816, %broadcast_in_dim3A_818 : vector<512xi1>, vector<512xf32>
    %reduce_min3A_820 = vector.shape_cast %select_n3A_819 : vector<512xf32> to vector<1x512xf32>
    %reduce_min3A_821 = arith.constant dense<0x7F800000> : vector<1xf32>
    %reduce_min3A_822 = vector.multi_reduction <minimumf>, %reduce_min3A_820, %reduce_min3A_821 [1] : vector<1x512xf32> to vector<1xf32>
    %reduce_min3A_823 = vector.shape_cast %reduce_min3A_822 : vector<1xf32> to vector<1x1xf32>
    %reduce_min3A_824 = vector.extract %reduce_min3A_823[0, 0] : f32 from vector<1x1xf32>
    %jit3A_825 = arith.constant -1.000000e+00 : f32
    %broadcast_in_dim3A_826 = vector.broadcast %jit3A_825 : f32 to vector<512xf32>
    %select_n3A_827 = arith.select %reduce_or3A_803, %convert_element_type3A_816, %broadcast_in_dim3A_826 : vector<512xi1>, vector<512xf32>
    %reduce_max3A_828 = vector.shape_cast %select_n3A_827 : vector<512xf32> to vector<1x512xf32>
    %reduce_max3A_829 = arith.constant dense<0xFF800000> : vector<1xf32>
    %reduce_max3A_830 = vector.multi_reduction <maximumf>, %reduce_max3A_828, %reduce_max3A_829 [1] : vector<1x512xf32> to vector<1xf32>
    %reduce_max3A_831 = vector.shape_cast %reduce_max3A_830 : vector<1xf32> to vector<1x1xf32>
    %reduce_max3A_832 = vector.extract %reduce_max3A_831[0, 0] : f32 from vector<1x1xf32>
    %jit3A_833 = arith.constant 5.120000e+02 : f32
    %broadcast_in_dim3A_834 = vector.broadcast %jit3A_833 : f32 to vector<512xf32>
    %select_n3A_835 = arith.select %reduce_or3A_813, %convert_element_type3A_816, %broadcast_in_dim3A_834 : vector<512xi1>, vector<512xf32>
    %reduce_min3A_836 = vector.shape_cast %select_n3A_835 : vector<512xf32> to vector<1x512xf32>
    %reduce_min3A_837 = arith.constant dense<0x7F800000> : vector<1xf32>
    %reduce_min3A_838 = vector.multi_reduction <minimumf>, %reduce_min3A_836, %reduce_min3A_837 [1] : vector<1x512xf32> to vector<1xf32>
    %reduce_min3A_839 = vector.shape_cast %reduce_min3A_838 : vector<1xf32> to vector<1x1xf32>
    %reduce_min3A_840 = vector.extract %reduce_min3A_839[0, 0] : f32 from vector<1x1xf32>
    %jit3A_841 = arith.constant -1.000000e+00 : f32
    %broadcast_in_dim3A_842 = vector.broadcast %jit3A_841 : f32 to vector<512xf32>
    %select_n3A_843 = arith.select %reduce_or3A_813, %convert_element_type3A_816, %broadcast_in_dim3A_842 : vector<512xi1>, vector<512xf32>
    %reduce_max3A_844 = vector.shape_cast %select_n3A_843 : vector<512xf32> to vector<1x512xf32>
    %reduce_max3A_845 = arith.constant dense<0xFF800000> : vector<1xf32>
    %reduce_max3A_846 = vector.multi_reduction <maximumf>, %reduce_max3A_844, %reduce_max3A_845 [1] : vector<1x512xf32> to vector<1xf32>
    %reduce_max3A_847 = vector.shape_cast %reduce_max3A_846 : vector<1xf32> to vector<1x1xf32>
    %reduce_max3A_848 = vector.extract %reduce_max3A_847[0, 0] : f32 from vector<1x1xf32>
    %iota3A_849 = tpu.iota {dimensions = array<i32: 1>} : vector<1x128xi32>
    %broadcast_in_dim3A_850 = arith.constant 0.000000e+00 : f32
    %broadcast_in_dim3A_851 = vector.broadcast %broadcast_in_dim3A_850 : f32 to vector<1x128xf32>
    %eq3A_852 = arith.constant 0 : i32
    %eq3A_853 = vector.broadcast %eq3A_852 : i32 to vector<1x128xi32>
    %eq3A_854 = arith.cmpi eq, %iota3A_849, %eq3A_853 : vector<1x128xi32>
    %broadcast_in_dim3A_855 = vector.broadcast %reduce_min3A_824 : f32 to vector<1x128xf32>
    %select_n3A_856 = arith.select %eq3A_854, %broadcast_in_dim3A_855, %broadcast_in_dim3A_851 : vector<1x128xi1>, vector<1x128xf32>
    %eq3A_857 = arith.constant 1 : i32
    %eq3A_858 = vector.broadcast %eq3A_857 : i32 to vector<1x128xi32>
    %eq3A_859 = arith.cmpi eq, %iota3A_849, %eq3A_858 : vector<1x128xi32>
    %broadcast_in_dim3A_860 = vector.broadcast %reduce_max3A_832 : f32 to vector<1x128xf32>
    %select_n3A_861 = arith.select %eq3A_859, %broadcast_in_dim3A_860, %select_n3A_856 : vector<1x128xi1>, vector<1x128xf32>
    %eq3A_862 = arith.constant 2 : i32
    %eq3A_863 = vector.broadcast %eq3A_862 : i32 to vector<1x128xi32>
    %eq3A_864 = arith.cmpi eq, %iota3A_849, %eq3A_863 : vector<1x128xi32>
    %broadcast_in_dim3A_865 = vector.broadcast %reduce_min3A_840 : f32 to vector<1x128xf32>
    %select_n3A_866 = arith.select %eq3A_864, %broadcast_in_dim3A_865, %select_n3A_861 : vector<1x128xi1>, vector<1x128xf32>
    %eq3A_867 = arith.constant 3 : i32
    %eq3A_868 = vector.broadcast %eq3A_867 : i32 to vector<1x128xi32>
    %eq3A_869 = arith.cmpi eq, %iota3A_849, %eq3A_868 : vector<1x128xi32>
    %broadcast_in_dim3A_870 = vector.broadcast %reduce_max3A_848 : f32 to vector<1x128xf32>
    %select_n3A_871 = arith.select %eq3A_869, %broadcast_in_dim3A_870, %select_n3A_866 : vector<1x128xi1>, vector<1x128xf32>
    %eq3A_872 = arith.constant 4 : i32
    %eq3A_873 = vector.broadcast %eq3A_872 : i32 to vector<1x128xi32>
    %eq3A_874 = arith.cmpi eq, %iota3A_849, %eq3A_873 : vector<1x128xi32>
    %broadcast_in_dim3A_875 = vector.broadcast %reduce_sum3A_777 : f32 to vector<1x128xf32>
    %select_n3A_876 = arith.select %eq3A_874, %broadcast_in_dim3A_875, %select_n3A_871 : vector<1x128xi1>, vector<1x128xf32>
    %eq3A_877 = arith.constant 5 : i32
    %eq3A_878 = vector.broadcast %eq3A_877 : i32 to vector<1x128xi32>
    %eq3A_879 = arith.cmpi eq, %iota3A_849, %eq3A_878 : vector<1x128xi32>
    %broadcast_in_dim3A_880 = vector.broadcast %reduce_sum3A_783 : f32 to vector<1x128xf32>
    %select_n3A_881 = arith.select %eq3A_879, %broadcast_in_dim3A_880, %select_n3A_876 : vector<1x128xi1>, vector<1x128xf32>
    %swap3A_882 = arith.constant 2 : index
    %swap3A_883 = arith.constant 0 : index
    %swap3A_884 = arith.constant 0 : index
    %swap3A_885 = vector.load %arg1[%swap3A_882, %swap3A_883, %swap3A_884] : memref<12x1x128xf32, #tpu.memory_space<vmem>>, vector<1x1x128xf32>
    %swap3A_886 = vector.shape_cast %swap3A_885 : vector<1x1x128xf32> to vector<1x128xf32>
    %swap3A_887 = vector.shape_cast %select_n3A_881 : vector<1x128xf32> to vector<1x1x128xf32>
    tpu.vector_store %arg1[%swap3A_882, %swap3A_883, %swap3A_884], %swap3A_887 {strides = array<i32>} : memref<12x1x128xf32, #tpu.memory_space<vmem>>, vector<1x1x128xf32>,
    %dma_start3A_888 = arith.constant 8 : i32
    %dma_start3A_889 = arith.constant 0 : i32
    %dma_start3A_890 = arith.constant 2 : i32
    %dma_start3A_891 = arith.constant 0 : i32
    %dma_start3A_892 = arith.constant 2 : i32
    %dma_start3A_893 = tpu.memref_slice %arg3[%dma_start3A_892] : memref<6x!tpu.dma_semaphore, #tpu.memory_space<semaphore_mem>> -> memref<1x!tpu.dma_semaphore, #tpu.memory_space<semaphore_mem>>
    %dma_start3A_894 = tpu.memref_squeeze %dma_start3A_893 : memref<1x!tpu.dma_semaphore, #tpu.memory_space<semaphore_mem>> -> memref<!tpu.dma_semaphore, #tpu.memory_space<semaphore_mem>>
    %dma_start3A_895 = arith.constant 0 : i32
    %dma_start3A_896 = arith.constant 0 : i32
    %dma_start3A_897 = tpu.memref_slice %arg2[%dma_start3A_890, %dma_start3A_891, %dma_start3A_895, %dma_start3A_896] : memref<6x3x512x512xf32, #tpu.memory_space<vmem>> -> memref<1x1x512x512xf32, #tpu.memory_space<vmem>>
    %dma_start3A_898 = tpu.memref_squeeze %dma_start3A_897 : memref<1x1x512x512xf32, #tpu.memory_space<vmem>> -> memref<512x512xf32, #tpu.memory_space<vmem>>
    %dma_start3A_899 = arith.constant 0 : i32
    %dma_start3A_900 = arith.constant 0 : i32
    %dma_start3A_901 = tpu.memref_slice %arg0[%dma_start3A_888, %dma_start3A_889, %dma_start3A_899, %dma_start3A_900] : memref<16x3x512x512xf32, #tpu.memory_space<any>> -> memref<1x1x512x512xf32, #tpu.memory_space<any>>
    %dma_start3A_902 = tpu.memref_squeeze %dma_start3A_901 : memref<1x1x512x512xf32, #tpu.memory_space<any>> -> memref<512x512xf32, #tpu.memory_space<any>>
    tpu.enqueue_dma source(%dma_start3A_902 : memref<512x512xf32, #tpu.memory_space<any>>) target(%dma_start3A_898 : memref<512x512xf32, #tpu.memory_space<vmem>>) target_semaphore(%dma_start3A_894 : memref<!tpu.dma_semaphore, #tpu.memory_space<semaphore_mem>>)
    %dma_start3A_903 = arith.constant 8 : i32
    %dma_start3A_904 = arith.constant 1 : i32
    %dma_start3A_905 = arith.constant 2 : i32
    %dma_start3A_906 = arith.constant 1 : i32
    %dma_start3A_907 = arith.constant 2 : i32
    %dma_start3A_908 = tpu.memref_slice %arg3[%dma_start3A_907] : memref<6x!tpu.dma_semaphore, #tpu.memory_space<semaphore_mem>> -> memref<1x!tpu.dma_semaphore, #tpu.memory_space<semaphore_mem>>
    %dma_start3A_909 = tpu.memref_squeeze %dma_start3A_908 : memref<1x!tpu.dma_semaphore, #tpu.memory_space<semaphore_mem>> -> memref<!tpu.dma_semaphore, #tpu.memory_space<semaphore_mem>>
    %dma_start3A_910 = arith.constant 0 : i32
    %dma_start3A_911 = arith.constant 0 : i32
    %dma_start3A_912 = tpu.memref_slice %arg2[%dma_start3A_905, %dma_start3A_906, %dma_start3A_910, %dma_start3A_911] : memref<6x3x512x512xf32, #tpu.memory_space<vmem>> -> memref<1x1x512x512xf32, #tpu.memory_space<vmem>>
    %dma_start3A_913 = tpu.memref_squeeze %dma_start3A_912 : memref<1x1x512x512xf32, #tpu.memory_space<vmem>> -> memref<512x512xf32, #tpu.memory_space<vmem>>
    %dma_start3A_914 = arith.constant 0 : i32
    %dma_start3A_915 = arith.constant 0 : i32
    %dma_start3A_916 = tpu.memref_slice %arg0[%dma_start3A_903, %dma_start3A_904, %dma_start3A_914, %dma_start3A_915] : memref<16x3x512x512xf32, #tpu.memory_space<any>> -> memref<1x1x512x512xf32, #tpu.memory_space<any>>
    %dma_start3A_917 = tpu.memref_squeeze %dma_start3A_916 : memref<1x1x512x512xf32, #tpu.memory_space<any>> -> memref<512x512xf32, #tpu.memory_space<any>>
    tpu.enqueue_dma source(%dma_start3A_917 : memref<512x512xf32, #tpu.memory_space<any>>) target(%dma_start3A_913 : memref<512x512xf32, #tpu.memory_space<vmem>>) target_semaphore(%dma_start3A_909 : memref<!tpu.dma_semaphore, #tpu.memory_space<semaphore_mem>>)
    %dma_start3A_918 = arith.constant 8 : i32
    %dma_start3A_919 = arith.constant 2 : i32
    %dma_start3A_920 = arith.constant 2 : i32
    %dma_start3A_921 = arith.constant 2 : i32
    %dma_start3A_922 = arith.constant 2 : i32
    %dma_start3A_923 = tpu.memref_slice %arg3[%dma_start3A_922] : memref<6x!tpu.dma_semaphore, #tpu.memory_space<semaphore_mem>> -> memref<1x!tpu.dma_semaphore, #tpu.memory_space<semaphore_mem>>
    %dma_start3A_924 = tpu.memref_squeeze %dma_start3A_923 : memref<1x!tpu.dma_semaphore, #tpu.memory_space<semaphore_mem>> -> memref<!tpu.dma_semaphore, #tpu.memory_space<semaphore_mem>>
    %dma_start3A_925 = arith.constant 0 : i32
    %dma_start3A_926 = arith.constant 0 : i32
    %dma_start3A_927 = tpu.memref_slice %arg2[%dma_start3A_920, %dma_start3A_921, %dma_start3A_925, %dma_start3A_926] : memref<6x3x512x512xf32, #tpu.memory_space<vmem>> -> memref<1x1x512x512xf32, #tpu.memory_space<vmem>>
    %dma_start3A_928 = tpu.memref_squeeze %dma_start3A_927 : memref<1x1x512x512xf32, #tpu.memory_space<vmem>> -> memref<512x512xf32, #tpu.memory_space<vmem>>
    %dma_start3A_929 = arith.constant 0 : i32
    %dma_start3A_930 = arith.constant 0 : i32
    %dma_start3A_931 = tpu.memref_slice %arg0[%dma_start3A_918, %dma_start3A_919, %dma_start3A_929, %dma_start3A_930] : memref<16x3x512x512xf32, #tpu.memory_space<any>> -> memref<1x1x512x512xf32, #tpu.memory_space<any>>
    %dma_start3A_932 = tpu.memref_squeeze %dma_start3A_931 : memref<1x1x512x512xf32, #tpu.memory_space<any>> -> memref<512x512xf32, #tpu.memory_space<any>>
    tpu.enqueue_dma source(%dma_start3A_932 : memref<512x512xf32, #tpu.memory_space<any>>) target(%dma_start3A_928 : memref<512x512xf32, #tpu.memory_space<vmem>>) target_semaphore(%dma_start3A_924 : memref<!tpu.dma_semaphore, #tpu.memory_space<semaphore_mem>>)
    %dma_wait3A_933 = arith.constant 3 : i32
    %dma_wait3A_934 = arith.constant 0 : i32
    %dma_wait3A_935 = arith.constant 3 : i32
    %dma_wait3A_936 = arith.constant 0 : i32
    %dma_wait3A_937 = arith.constant 3 : i32
    %dma_wait3A_938 = tpu.memref_slice %arg3[%dma_wait3A_937] : memref<6x!tpu.dma_semaphore, #tpu.memory_space<semaphore_mem>> -> memref<1x!tpu.dma_semaphore, #tpu.memory_space<semaphore_mem>>
    %dma_wait3A_939 = tpu.memref_squeeze %dma_wait3A_938 : memref<1x!tpu.dma_semaphore, #tpu.memory_space<semaphore_mem>> -> memref<!tpu.dma_semaphore, #tpu.memory_space<semaphore_mem>>
    %dma_wait3A_940 = arith.constant 0 : i32
    %dma_wait3A_941 = arith.constant 0 : i32
    %dma_wait3A_942 = tpu.memref_slice %arg2[%dma_wait3A_935, %dma_wait3A_936, %dma_wait3A_940, %dma_wait3A_941] : memref<6x3x512x512xf32, #tpu.memory_space<vmem>> -> memref<1x1x512x512xf32, #tpu.memory_space<vmem>>
    %dma_wait3A_943 = tpu.memref_squeeze %dma_wait3A_942 : memref<1x1x512x512xf32, #tpu.memory_space<vmem>> -> memref<512x512xf32, #tpu.memory_space<vmem>>
    %dma_wait3A_944 = arith.constant 0 : i32
    %dma_wait3A_945 = arith.constant 0 : i32
    %dma_wait3A_946 = tpu.memref_slice %arg0[%dma_wait3A_933, %dma_wait3A_934, %dma_wait3A_944, %dma_wait3A_945] : memref<16x3x512x512xf32, #tpu.memory_space<any>> -> memref<1x1x512x512xf32, #tpu.memory_space<any>>
    %dma_wait3A_947 = tpu.memref_squeeze %dma_wait3A_946 : memref<1x1x512x512xf32, #tpu.memory_space<any>> -> memref<512x512xf32, #tpu.memory_space<any>>
    tpu.wait_dma2 semaphore(%dma_wait3A_939 : memref<!tpu.dma_semaphore, #tpu.memory_space<semaphore_mem>>) src(%dma_wait3A_947 : memref<512x512xf32, #tpu.memory_space<any>>) dst(%dma_wait3A_943 : memref<512x512xf32, #tpu.memory_space<vmem>>)
    %dma_wait3A_948 = arith.constant 3 : i32
    %dma_wait3A_949 = arith.constant 1 : i32
    %dma_wait3A_950 = arith.constant 3 : i32
    %dma_wait3A_951 = arith.constant 1 : i32
    %dma_wait3A_952 = arith.constant 3 : i32
    %dma_wait3A_953 = tpu.memref_slice %arg3[%dma_wait3A_952] : memref<6x!tpu.dma_semaphore, #tpu.memory_space<semaphore_mem>> -> memref<1x!tpu.dma_semaphore, #tpu.memory_space<semaphore_mem>>
    %dma_wait3A_954 = tpu.memref_squeeze %dma_wait3A_953 : memref<1x!tpu.dma_semaphore, #tpu.memory_space<semaphore_mem>> -> memref<!tpu.dma_semaphore, #tpu.memory_space<semaphore_mem>>
    %dma_wait3A_955 = arith.constant 0 : i32
    %dma_wait3A_956 = arith.constant 0 : i32
    %dma_wait3A_957 = tpu.memref_slice %arg2[%dma_wait3A_950, %dma_wait3A_951, %dma_wait3A_955, %dma_wait3A_956] : memref<6x3x512x512xf32, #tpu.memory_space<vmem>> -> memref<1x1x512x512xf32, #tpu.memory_space<vmem>>
    %dma_wait3A_958 = tpu.memref_squeeze %dma_wait3A_957 : memref<1x1x512x512xf32, #tpu.memory_space<vmem>> -> memref<512x512xf32, #tpu.memory_space<vmem>>
    %dma_wait3A_959 = arith.constant 0 : i32
    %dma_wait3A_960 = arith.constant 0 : i32
    %dma_wait3A_961 = tpu.memref_slice %arg0[%dma_wait3A_948, %dma_wait3A_949, %dma_wait3A_959, %dma_wait3A_960] : memref<16x3x512x512xf32, #tpu.memory_space<any>> -> memref<1x1x512x512xf32, #tpu.memory_space<any>>
    %dma_wait3A_962 = tpu.memref_squeeze %dma_wait3A_961 : memref<1x1x512x512xf32, #tpu.memory_space<any>> -> memref<512x512xf32, #tpu.memory_space<any>>
    tpu.wait_dma2 semaphore(%dma_wait3A_954 : memref<!tpu.dma_semaphore, #tpu.memory_space<semaphore_mem>>) src(%dma_wait3A_962 : memref<512x512xf32, #tpu.memory_space<any>>) dst(%dma_wait3A_958 : memref<512x512xf32, #tpu.memory_space<vmem>>)
    %dma_wait3A_963 = arith.constant 3 : i32
    %dma_wait3A_964 = arith.constant 2 : i32
    %dma_wait3A_965 = arith.constant 3 : i32
    %dma_wait3A_966 = arith.constant 2 : i32
    %dma_wait3A_967 = arith.constant 3 : i32
    %dma_wait3A_968 = tpu.memref_slice %arg3[%dma_wait3A_967] : memref<6x!tpu.dma_semaphore, #tpu.memory_space<semaphore_mem>> -> memref<1x!tpu.dma_semaphore, #tpu.memory_space<semaphore_mem>>
    %dma_wait3A_969 = tpu.memref_squeeze %dma_wait3A_968 : memref<1x!tpu.dma_semaphore, #tpu.memory_space<semaphore_mem>> -> memref<!tpu.dma_semaphore, #tpu.memory_space<semaphore_mem>>
    %dma_wait3A_970 = arith.constant 0 : i32
    %dma_wait3A_971 = arith.constant 0 : i32
    %dma_wait3A_972 = tpu.memref_slice %arg2[%dma_wait3A_965, %dma_wait3A_966, %dma_wait3A_970, %dma_wait3A_971] : memref<6x3x512x512xf32, #tpu.memory_space<vmem>> -> memref<1x1x512x512xf32, #tpu.memory_space<vmem>>
    %dma_wait3A_973 = tpu.memref_squeeze %dma_wait3A_972 : memref<1x1x512x512xf32, #tpu.memory_space<vmem>> -> memref<512x512xf32, #tpu.memory_space<vmem>>
    %dma_wait3A_974 = arith.constant 0 : i32
    %dma_wait3A_975 = arith.constant 0 : i32
    %dma_wait3A_976 = tpu.memref_slice %arg0[%dma_wait3A_963, %dma_wait3A_964, %dma_wait3A_974, %dma_wait3A_975] : memref<16x3x512x512xf32, #tpu.memory_space<any>> -> memref<1x1x512x512xf32, #tpu.memory_space<any>>
    %dma_wait3A_977 = tpu.memref_squeeze %dma_wait3A_976 : memref<1x1x512x512xf32, #tpu.memory_space<any>> -> memref<512x512xf32, #tpu.memory_space<any>>
    tpu.wait_dma2 semaphore(%dma_wait3A_969 : memref<!tpu.dma_semaphore, #tpu.memory_space<semaphore_mem>>) src(%dma_wait3A_977 : memref<512x512xf32, #tpu.memory_space<any>>) dst(%dma_wait3A_973 : memref<512x512xf32, #tpu.memory_space<vmem>>)
    %get3A_978 = arith.constant 3 : index
    %get3A_979 = arith.constant 0 : index
    %get3A_980 = arith.constant 0 : index
    %get3A_981 = arith.constant 0 : index
    %get3A_982 = vector.load %arg2[%get3A_978, %get3A_979, %get3A_980, %get3A_981] : memref<6x3x512x512xf32, #tpu.memory_space<vmem>>, vector<1x3x512x512xf32>
    %get3A_983 = vector.shape_cast %get3A_982 : vector<1x3x512x512xf32> to vector<3x512x512xf32>
    %slice3A_984 = vector.extract_strided_slice %get3A_983 {offsets = [0, 0, 0], sizes = [1, 512, 512], strides = [1, 1, 1]} : vector<3x512x512xf32> to vector<1x512x512xf32>
    %squeeze3A_985 = vector.shape_cast %slice3A_984 : vector<1x512x512xf32> to vector<512x512xf32>
    %slice3A_986 = vector.extract_strided_slice %get3A_983 {offsets = [1, 0, 0], sizes = [1, 512, 512], strides = [1, 1, 1]} : vector<3x512x512xf32> to vector<1x512x512xf32>
    %squeeze3A_987 = vector.shape_cast %slice3A_986 : vector<1x512x512xf32> to vector<512x512xf32>
    %slice3A_988 = vector.extract_strided_slice %get3A_983 {offsets = [2, 0, 0], sizes = [1, 512, 512], strides = [1, 1, 1]} : vector<3x512x512xf32> to vector<1x512x512xf32>
    %squeeze3A_989 = vector.shape_cast %slice3A_988 : vector<1x512x512xf32> to vector<512x512xf32>
    %sub3A_990 = arith.subf %squeeze3A_987, %squeeze3A_985 : vector<512x512xf32>
    %sub3A_991 = arith.subf %squeeze3A_989, %squeeze3A_985 : vector<512x512xf32>
    %exp3A_992 = math.exp %sub3A_990 : vector<512x512xf32>
    %exp3A_993 = math.exp %sub3A_991 : vector<512x512xf32>
    %add3A_994 = arith.constant 1.000000e+00 : f32
    %add3A_995 = vector.broadcast %add3A_994 : f32 to vector<512x512xf32>
    %add3A_996 = arith.addf %add3A_995, %exp3A_992 : vector<512x512xf32>
    %add3A_997 = arith.addf %add3A_996, %exp3A_993 : vector<512x512xf32>
    %div3A_998 = arith.constant 1.000000e+00 : f32
    %div3A_999 = vector.broadcast %div3A_998 : f32 to vector<512x512xf32>
    %div3A_1000 = arith.divf %div3A_999, %add3A_997 : vector<512x512xf32>
    %mul3A_1001 = arith.mulf %exp3A_992, %div3A_1000 : vector<512x512xf32>
    %reduce_sum3A_1002 = vector.shape_cast %mul3A_1001 : vector<512x512xf32> to vector<1x512x512xf32>
    %reduce_sum3A_1003 = arith.constant dense<0.000000e+00> : vector<1xf32>
    %reduce_sum3A_1004 = vector.multi_reduction <add>, %reduce_sum3A_1002, %reduce_sum3A_1003 [1, 2] : vector<1x512x512xf32> to vector<1xf32>
    %reduce_sum3A_1005 = vector.shape_cast %reduce_sum3A_1004 : vector<1xf32> to vector<1x1x1xf32>
    %reduce_sum3A_1006 = vector.extract %reduce_sum3A_1005[0, 0, 0] : f32 from vector<1x1x1xf32>
    %mul3A_1007 = arith.mulf %exp3A_993, %div3A_1000 : vector<512x512xf32>
    %reduce_sum3A_1008 = vector.shape_cast %mul3A_1007 : vector<512x512xf32> to vector<1x512x512xf32>
    %reduce_sum3A_1009 = arith.constant dense<0.000000e+00> : vector<1xf32>
    %reduce_sum3A_1010 = vector.multi_reduction <add>, %reduce_sum3A_1008, %reduce_sum3A_1009 [1, 2] : vector<1x512x512xf32> to vector<1xf32>
    %reduce_sum3A_1011 = vector.shape_cast %reduce_sum3A_1010 : vector<1xf32> to vector<1x1x1xf32>
    %reduce_sum3A_1012 = vector.extract %reduce_sum3A_1011[0, 0, 0] : f32 from vector<1x1x1xf32>
    %gt3A_1013 = arith.constant 0.000000e+00 : f32
    %gt3A_1014 = vector.broadcast %gt3A_1013 : f32 to vector<512x512xf32>
    %gt3A_1015 = arith.cmpf ogt, %sub3A_990, %gt3A_1014 : vector<512x512xf32>
    %ge3A_1016 = arith.cmpf oge, %sub3A_990, %sub3A_991 : vector<512x512xf32>
    %and3A_1017 = arith.andi %gt3A_1015, %ge3A_1016 : vector<512x512xi1>
    %gt3A_1018 = arith.constant 0.000000e+00 : f32
    %gt3A_1019 = vector.broadcast %gt3A_1018 : f32 to vector<512x512xf32>
    %gt3A_1020 = arith.cmpf ogt, %sub3A_991, %gt3A_1019 : vector<512x512xf32>
    %gt3A_1021 = arith.cmpf ogt, %sub3A_991, %sub3A_990 : vector<512x512xf32>
    %and3A_1022 = arith.andi %gt3A_1020, %gt3A_1021 : vector<512x512xi1>
    %reduce_or3A_1023 = arith.constant 1.000000e+00 : f32
    %reduce_or3A_1024 = arith.constant 0.000000e+00 : f32
    %reduce_or3A_1025 = vector.broadcast %reduce_or3A_1023 : f32 to vector<512x512xf32>
    %reduce_or3A_1026 = vector.broadcast %reduce_or3A_1024 : f32 to vector<512x512xf32>
    %reduce_or3A_1027 = arith.select %and3A_1017, %reduce_or3A_1025, %reduce_or3A_1026 : vector<512x512xi1>, vector<512x512xf32>
    %reduce_or3A_1028 = arith.constant dense<0xFF800000> : vector<512xf32>
    %reduce_or3A_1029 = vector.multi_reduction <maximumf>, %reduce_or3A_1027, %reduce_or3A_1028 [1] : vector<512x512xf32> to vector<512xf32>
    %reduce_or3A_1030 = arith.constant 0.000000e+00 : f32
    %reduce_or3A_1031 = vector.broadcast %reduce_or3A_1030 : f32 to vector<512xf32>
    %reduce_or3A_1032 = arith.cmpf ogt, %reduce_or3A_1029, %reduce_or3A_1031 : vector<512xf32>
    %reduce_or3A_1033 = arith.constant 1.000000e+00 : f32
    %reduce_or3A_1034 = arith.constant 0.000000e+00 : f32
    %reduce_or3A_1035 = vector.broadcast %reduce_or3A_1033 : f32 to vector<512x512xf32>
    %reduce_or3A_1036 = vector.broadcast %reduce_or3A_1034 : f32 to vector<512x512xf32>
    %reduce_or3A_1037 = arith.select %and3A_1022, %reduce_or3A_1035, %reduce_or3A_1036 : vector<512x512xi1>, vector<512x512xf32>
    %reduce_or3A_1038 = arith.constant dense<0xFF800000> : vector<512xf32>
    %reduce_or3A_1039 = vector.multi_reduction <maximumf>, %reduce_or3A_1037, %reduce_or3A_1038 [1] : vector<512x512xf32> to vector<512xf32>
    %reduce_or3A_1040 = arith.constant 0.000000e+00 : f32
    %reduce_or3A_1041 = vector.broadcast %reduce_or3A_1040 : f32 to vector<512xf32>
    %reduce_or3A_1042 = arith.cmpf ogt, %reduce_or3A_1039, %reduce_or3A_1041 : vector<512xf32>
    %iota3A_1043 = tpu.iota {dimensions = array<i32: 1>} : vector<1x512xi32>
    %iota3A_1044 = vector.shape_cast %iota3A_1043 : vector<1x512xi32> to vector<512xi32>
    %convert_element_type3A_1045 = arith.sitofp %iota3A_1044 : vector<512xi32> to vector<512xf32>
    %jit3A_1046 = arith.constant 5.120000e+02 : f32
    %broadcast_in_dim3A_1047 = vector.broadcast %jit3A_1046 : f32 to vector<512xf32>
    %select_n3A_1048 = arith.select %reduce_or3A_1032, %convert_element_type3A_1045, %broadcast_in_dim3A_1047 : vector<512xi1>, vector<512xf32>
    %reduce_min3A_1049 = vector.shape_cast %select_n3A_1048 : vector<512xf32> to vector<1x512xf32>
    %reduce_min3A_1050 = arith.constant dense<0x7F800000> : vector<1xf32>
    %reduce_min3A_1051 = vector.multi_reduction <minimumf>, %reduce_min3A_1049, %reduce_min3A_1050 [1] : vector<1x512xf32> to vector<1xf32>
    %reduce_min3A_1052 = vector.shape_cast %reduce_min3A_1051 : vector<1xf32> to vector<1x1xf32>
    %reduce_min3A_1053 = vector.extract %reduce_min3A_1052[0, 0] : f32 from vector<1x1xf32>
    %jit3A_1054 = arith.constant -1.000000e+00 : f32
    %broadcast_in_dim3A_1055 = vector.broadcast %jit3A_1054 : f32 to vector<512xf32>
    %select_n3A_1056 = arith.select %reduce_or3A_1032, %convert_element_type3A_1045, %broadcast_in_dim3A_1055 : vector<512xi1>, vector<512xf32>
    %reduce_max3A_1057 = vector.shape_cast %select_n3A_1056 : vector<512xf32> to vector<1x512xf32>
    %reduce_max3A_1058 = arith.constant dense<0xFF800000> : vector<1xf32>
    %reduce_max3A_1059 = vector.multi_reduction <maximumf>, %reduce_max3A_1057, %reduce_max3A_1058 [1] : vector<1x512xf32> to vector<1xf32>
    %reduce_max3A_1060 = vector.shape_cast %reduce_max3A_1059 : vector<1xf32> to vector<1x1xf32>
    %reduce_max3A_1061 = vector.extract %reduce_max3A_1060[0, 0] : f32 from vector<1x1xf32>
    %jit3A_1062 = arith.constant 5.120000e+02 : f32
    %broadcast_in_dim3A_1063 = vector.broadcast %jit3A_1062 : f32 to vector<512xf32>
    %select_n3A_1064 = arith.select %reduce_or3A_1042, %convert_element_type3A_1045, %broadcast_in_dim3A_1063 : vector<512xi1>, vector<512xf32>
    %reduce_min3A_1065 = vector.shape_cast %select_n3A_1064 : vector<512xf32> to vector<1x512xf32>
    %reduce_min3A_1066 = arith.constant dense<0x7F800000> : vector<1xf32>
    %reduce_min3A_1067 = vector.multi_reduction <minimumf>, %reduce_min3A_1065, %reduce_min3A_1066 [1] : vector<1x512xf32> to vector<1xf32>
    %reduce_min3A_1068 = vector.shape_cast %reduce_min3A_1067 : vector<1xf32> to vector<1x1xf32>
    %reduce_min3A_1069 = vector.extract %reduce_min3A_1068[0, 0] : f32 from vector<1x1xf32>
    %jit3A_1070 = arith.constant -1.000000e+00 : f32
    %broadcast_in_dim3A_1071 = vector.broadcast %jit3A_1070 : f32 to vector<512xf32>
    %select_n3A_1072 = arith.select %reduce_or3A_1042, %convert_element_type3A_1045, %broadcast_in_dim3A_1071 : vector<512xi1>, vector<512xf32>
    %reduce_max3A_1073 = vector.shape_cast %select_n3A_1072 : vector<512xf32> to vector<1x512xf32>
    %reduce_max3A_1074 = arith.constant dense<0xFF800000> : vector<1xf32>
    %reduce_max3A_1075 = vector.multi_reduction <maximumf>, %reduce_max3A_1073, %reduce_max3A_1074 [1] : vector<1x512xf32> to vector<1xf32>
    %reduce_max3A_1076 = vector.shape_cast %reduce_max3A_1075 : vector<1xf32> to vector<1x1xf32>
    %reduce_max3A_1077 = vector.extract %reduce_max3A_1076[0, 0] : f32 from vector<1x1xf32>
    %iota3A_1078 = tpu.iota {dimensions = array<i32: 1>} : vector<1x128xi32>
    %broadcast_in_dim3A_1079 = arith.constant 0.000000e+00 : f32
    %broadcast_in_dim3A_1080 = vector.broadcast %broadcast_in_dim3A_1079 : f32 to vector<1x128xf32>
    %eq3A_1081 = arith.constant 0 : i32
    %eq3A_1082 = vector.broadcast %eq3A_1081 : i32 to vector<1x128xi32>
    %eq3A_1083 = arith.cmpi eq, %iota3A_1078, %eq3A_1082 : vector<1x128xi32>
    %broadcast_in_dim3A_1084 = vector.broadcast %reduce_min3A_1053 : f32 to vector<1x128xf32>
    %select_n3A_1085 = arith.select %eq3A_1083, %broadcast_in_dim3A_1084, %broadcast_in_dim3A_1080 : vector<1x128xi1>, vector<1x128xf32>
    %eq3A_1086 = arith.constant 1 : i32
    %eq3A_1087 = vector.broadcast %eq3A_1086 : i32 to vector<1x128xi32>
    %eq3A_1088 = arith.cmpi eq, %iota3A_1078, %eq3A_1087 : vector<1x128xi32>
    %broadcast_in_dim3A_1089 = vector.broadcast %reduce_max3A_1061 : f32 to vector<1x128xf32>
    %select_n3A_1090 = arith.select %eq3A_1088, %broadcast_in_dim3A_1089, %select_n3A_1085 : vector<1x128xi1>, vector<1x128xf32>
    %eq3A_1091 = arith.constant 2 : i32
    %eq3A_1092 = vector.broadcast %eq3A_1091 : i32 to vector<1x128xi32>
    %eq3A_1093 = arith.cmpi eq, %iota3A_1078, %eq3A_1092 : vector<1x128xi32>
    %broadcast_in_dim3A_1094 = vector.broadcast %reduce_min3A_1069 : f32 to vector<1x128xf32>
    %select_n3A_1095 = arith.select %eq3A_1093, %broadcast_in_dim3A_1094, %select_n3A_1090 : vector<1x128xi1>, vector<1x128xf32>
    %eq3A_1096 = arith.constant 3 : i32
    %eq3A_1097 = vector.broadcast %eq3A_1096 : i32 to vector<1x128xi32>
    %eq3A_1098 = arith.cmpi eq, %iota3A_1078, %eq3A_1097 : vector<1x128xi32>
    %broadcast_in_dim3A_1099 = vector.broadcast %reduce_max3A_1077 : f32 to vector<1x128xf32>
    %select_n3A_1100 = arith.select %eq3A_1098, %broadcast_in_dim3A_1099, %select_n3A_1095 : vector<1x128xi1>, vector<1x128xf32>
    %eq3A_1101 = arith.constant 4 : i32
    %eq3A_1102 = vector.broadcast %eq3A_1101 : i32 to vector<1x128xi32>
    %eq3A_1103 = arith.cmpi eq, %iota3A_1078, %eq3A_1102 : vector<1x128xi32>
    %broadcast_in_dim3A_1104 = vector.broadcast %reduce_sum3A_1006 : f32 to vector<1x128xf32>
    %select_n3A_1105 = arith.select %eq3A_1103, %broadcast_in_dim3A_1104, %select_n3A_1100 : vector<1x128xi1>, vector<1x128xf32>
    %eq3A_1106 = arith.constant 5 : i32
    %eq3A_1107 = vector.broadcast %eq3A_1106 : i32 to vector<1x128xi32>
    %eq3A_1108 = arith.cmpi eq, %iota3A_1078, %eq3A_1107 : vector<1x128xi32>
    %broadcast_in_dim3A_1109 = vector.broadcast %reduce_sum3A_1012 : f32 to vector<1x128xf32>
    %select_n3A_1110 = arith.select %eq3A_1108, %broadcast_in_dim3A_1109, %select_n3A_1105 : vector<1x128xi1>, vector<1x128xf32>
    %swap3A_1111 = arith.constant 3 : index
    %swap3A_1112 = arith.constant 0 : index
    %swap3A_1113 = arith.constant 0 : index
    %swap3A_1114 = vector.load %arg1[%swap3A_1111, %swap3A_1112, %swap3A_1113] : memref<12x1x128xf32, #tpu.memory_space<vmem>>, vector<1x1x128xf32>
    %swap3A_1115 = vector.shape_cast %swap3A_1114 : vector<1x1x128xf32> to vector<1x128xf32>
    %swap3A_1116 = vector.shape_cast %select_n3A_1110 : vector<1x128xf32> to vector<1x1x128xf32>
    tpu.vector_store %arg1[%swap3A_1111, %swap3A_1112, %swap3A_1113], %swap3A_1116 {strides = array<i32>} : memref<12x1x128xf32, #tpu.memory_space<vmem>>, vector<1x1x128xf32>,
    %dma_start3A_1117 = arith.constant 9 : i32
    %dma_start3A_1118 = arith.constant 0 : i32
    %dma_start3A_1119 = arith.constant 3 : i32
    %dma_start3A_1120 = arith.constant 0 : i32
    %dma_start3A_1121 = arith.constant 3 : i32
    %dma_start3A_1122 = tpu.memref_slice %arg3[%dma_start3A_1121] : memref<6x!tpu.dma_semaphore, #tpu.memory_space<semaphore_mem>> -> memref<1x!tpu.dma_semaphore, #tpu.memory_space<semaphore_mem>>
    %dma_start3A_1123 = tpu.memref_squeeze %dma_start3A_1122 : memref<1x!tpu.dma_semaphore, #tpu.memory_space<semaphore_mem>> -> memref<!tpu.dma_semaphore, #tpu.memory_space<semaphore_mem>>
    %dma_start3A_1124 = arith.constant 0 : i32
    %dma_start3A_1125 = arith.constant 0 : i32
    %dma_start3A_1126 = tpu.memref_slice %arg2[%dma_start3A_1119, %dma_start3A_1120, %dma_start3A_1124, %dma_start3A_1125] : memref<6x3x512x512xf32, #tpu.memory_space<vmem>> -> memref<1x1x512x512xf32, #tpu.memory_space<vmem>>
    %dma_start3A_1127 = tpu.memref_squeeze %dma_start3A_1126 : memref<1x1x512x512xf32, #tpu.memory_space<vmem>> -> memref<512x512xf32, #tpu.memory_space<vmem>>
    %dma_start3A_1128 = arith.constant 0 : i32
    %dma_start3A_1129 = arith.constant 0 : i32
    %dma_start3A_1130 = tpu.memref_slice %arg0[%dma_start3A_1117, %dma_start3A_1118, %dma_start3A_1128, %dma_start3A_1129] : memref<16x3x512x512xf32, #tpu.memory_space<any>> -> memref<1x1x512x512xf32, #tpu.memory_space<any>>
    %dma_start3A_1131 = tpu.memref_squeeze %dma_start3A_1130 : memref<1x1x512x512xf32, #tpu.memory_space<any>> -> memref<512x512xf32, #tpu.memory_space<any>>
    tpu.enqueue_dma source(%dma_start3A_1131 : memref<512x512xf32, #tpu.memory_space<any>>) target(%dma_start3A_1127 : memref<512x512xf32, #tpu.memory_space<vmem>>) target_semaphore(%dma_start3A_1123 : memref<!tpu.dma_semaphore, #tpu.memory_space<semaphore_mem>>)
    %dma_start3A_1132 = arith.constant 9 : i32
    %dma_start3A_1133 = arith.constant 1 : i32
    %dma_start3A_1134 = arith.constant 3 : i32
    %dma_start3A_1135 = arith.constant 1 : i32
    %dma_start3A_1136 = arith.constant 3 : i32
    %dma_start3A_1137 = tpu.memref_slice %arg3[%dma_start3A_1136] : memref<6x!tpu.dma_semaphore, #tpu.memory_space<semaphore_mem>> -> memref<1x!tpu.dma_semaphore, #tpu.memory_space<semaphore_mem>>
    %dma_start3A_1138 = tpu.memref_squeeze %dma_start3A_1137 : memref<1x!tpu.dma_semaphore, #tpu.memory_space<semaphore_mem>> -> memref<!tpu.dma_semaphore, #tpu.memory_space<semaphore_mem>>
    %dma_start3A_1139 = arith.constant 0 : i32
    %dma_start3A_1140 = arith.constant 0 : i32
    %dma_start3A_1141 = tpu.memref_slice %arg2[%dma_start3A_1134, %dma_start3A_1135, %dma_start3A_1139, %dma_start3A_1140] : memref<6x3x512x512xf32, #tpu.memory_space<vmem>> -> memref<1x1x512x512xf32, #tpu.memory_space<vmem>>
    %dma_start3A_1142 = tpu.memref_squeeze %dma_start3A_1141 : memref<1x1x512x512xf32, #tpu.memory_space<vmem>> -> memref<512x512xf32, #tpu.memory_space<vmem>>
    %dma_start3A_1143 = arith.constant 0 : i32
    %dma_start3A_1144 = arith.constant 0 : i32
    %dma_start3A_1145 = tpu.memref_slice %arg0[%dma_start3A_1132, %dma_start3A_1133, %dma_start3A_1143, %dma_start3A_1144] : memref<16x3x512x512xf32, #tpu.memory_space<any>> -> memref<1x1x512x512xf32, #tpu.memory_space<any>>
    %dma_start3A_1146 = tpu.memref_squeeze %dma_start3A_1145 : memref<1x1x512x512xf32, #tpu.memory_space<any>> -> memref<512x512xf32, #tpu.memory_space<any>>
    tpu.enqueue_dma source(%dma_start3A_1146 : memref<512x512xf32, #tpu.memory_space<any>>) target(%dma_start3A_1142 : memref<512x512xf32, #tpu.memory_space<vmem>>) target_semaphore(%dma_start3A_1138 : memref<!tpu.dma_semaphore, #tpu.memory_space<semaphore_mem>>)
    %dma_start3A_1147 = arith.constant 9 : i32
    %dma_start3A_1148 = arith.constant 2 : i32
    %dma_start3A_1149 = arith.constant 3 : i32
    %dma_start3A_1150 = arith.constant 2 : i32
    %dma_start3A_1151 = arith.constant 3 : i32
    %dma_start3A_1152 = tpu.memref_slice %arg3[%dma_start3A_1151] : memref<6x!tpu.dma_semaphore, #tpu.memory_space<semaphore_mem>> -> memref<1x!tpu.dma_semaphore, #tpu.memory_space<semaphore_mem>>
    %dma_start3A_1153 = tpu.memref_squeeze %dma_start3A_1152 : memref<1x!tpu.dma_semaphore, #tpu.memory_space<semaphore_mem>> -> memref<!tpu.dma_semaphore, #tpu.memory_space<semaphore_mem>>
    %dma_start3A_1154 = arith.constant 0 : i32
    %dma_start3A_1155 = arith.constant 0 : i32
    %dma_start3A_1156 = tpu.memref_slice %arg2[%dma_start3A_1149, %dma_start3A_1150, %dma_start3A_1154, %dma_start3A_1155] : memref<6x3x512x512xf32, #tpu.memory_space<vmem>> -> memref<1x1x512x512xf32, #tpu.memory_space<vmem>>
    %dma_start3A_1157 = tpu.memref_squeeze %dma_start3A_1156 : memref<1x1x512x512xf32, #tpu.memory_space<vmem>> -> memref<512x512xf32, #tpu.memory_space<vmem>>
    %dma_start3A_1158 = arith.constant 0 : i32
    %dma_start3A_1159 = arith.constant 0 : i32
    %dma_start3A_1160 = tpu.memref_slice %arg0[%dma_start3A_1147, %dma_start3A_1148, %dma_start3A_1158, %dma_start3A_1159] : memref<16x3x512x512xf32, #tpu.memory_space<any>> -> memref<1x1x512x512xf32, #tpu.memory_space<any>>
    %dma_start3A_1161 = tpu.memref_squeeze %dma_start3A_1160 : memref<1x1x512x512xf32, #tpu.memory_space<any>> -> memref<512x512xf32, #tpu.memory_space<any>>
    tpu.enqueue_dma source(%dma_start3A_1161 : memref<512x512xf32, #tpu.memory_space<any>>) target(%dma_start3A_1157 : memref<512x512xf32, #tpu.memory_space<vmem>>) target_semaphore(%dma_start3A_1153 : memref<!tpu.dma_semaphore, #tpu.memory_space<semaphore_mem>>)
    %dma_wait3A_1162 = arith.constant 4 : i32
    %dma_wait3A_1163 = arith.constant 0 : i32
    %dma_wait3A_1164 = arith.constant 4 : i32
    %dma_wait3A_1165 = arith.constant 0 : i32
    %dma_wait3A_1166 = arith.constant 4 : i32
    %dma_wait3A_1167 = tpu.memref_slice %arg3[%dma_wait3A_1166] : memref<6x!tpu.dma_semaphore, #tpu.memory_space<semaphore_mem>> -> memref<1x!tpu.dma_semaphore, #tpu.memory_space<semaphore_mem>>
    %dma_wait3A_1168 = tpu.memref_squeeze %dma_wait3A_1167 : memref<1x!tpu.dma_semaphore, #tpu.memory_space<semaphore_mem>> -> memref<!tpu.dma_semaphore, #tpu.memory_space<semaphore_mem>>
    %dma_wait3A_1169 = arith.constant 0 : i32
    %dma_wait3A_1170 = arith.constant 0 : i32
    %dma_wait3A_1171 = tpu.memref_slice %arg2[%dma_wait3A_1164, %dma_wait3A_1165, %dma_wait3A_1169, %dma_wait3A_1170] : memref<6x3x512x512xf32, #tpu.memory_space<vmem>> -> memref<1x1x512x512xf32, #tpu.memory_space<vmem>>
    %dma_wait3A_1172 = tpu.memref_squeeze %dma_wait3A_1171 : memref<1x1x512x512xf32, #tpu.memory_space<vmem>> -> memref<512x512xf32, #tpu.memory_space<vmem>>
    %dma_wait3A_1173 = arith.constant 0 : i32
    %dma_wait3A_1174 = arith.constant 0 : i32
    %dma_wait3A_1175 = tpu.memref_slice %arg0[%dma_wait3A_1162, %dma_wait3A_1163, %dma_wait3A_1173, %dma_wait3A_1174] : memref<16x3x512x512xf32, #tpu.memory_space<any>> -> memref<1x1x512x512xf32, #tpu.memory_space<any>>
    %dma_wait3A_1176 = tpu.memref_squeeze %dma_wait3A_1175 : memref<1x1x512x512xf32, #tpu.memory_space<any>> -> memref<512x512xf32, #tpu.memory_space<any>>
    tpu.wait_dma2 semaphore(%dma_wait3A_1168 : memref<!tpu.dma_semaphore, #tpu.memory_space<semaphore_mem>>) src(%dma_wait3A_1176 : memref<512x512xf32, #tpu.memory_space<any>>) dst(%dma_wait3A_1172 : memref<512x512xf32, #tpu.memory_space<vmem>>)
    %dma_wait3A_1177 = arith.constant 4 : i32
    %dma_wait3A_1178 = arith.constant 1 : i32
    %dma_wait3A_1179 = arith.constant 4 : i32
    %dma_wait3A_1180 = arith.constant 1 : i32
    %dma_wait3A_1181 = arith.constant 4 : i32
    %dma_wait3A_1182 = tpu.memref_slice %arg3[%dma_wait3A_1181] : memref<6x!tpu.dma_semaphore, #tpu.memory_space<semaphore_mem>> -> memref<1x!tpu.dma_semaphore, #tpu.memory_space<semaphore_mem>>
    %dma_wait3A_1183 = tpu.memref_squeeze %dma_wait3A_1182 : memref<1x!tpu.dma_semaphore, #tpu.memory_space<semaphore_mem>> -> memref<!tpu.dma_semaphore, #tpu.memory_space<semaphore_mem>>
    %dma_wait3A_1184 = arith.constant 0 : i32
    %dma_wait3A_1185 = arith.constant 0 : i32
    %dma_wait3A_1186 = tpu.memref_slice %arg2[%dma_wait3A_1179, %dma_wait3A_1180, %dma_wait3A_1184, %dma_wait3A_1185] : memref<6x3x512x512xf32, #tpu.memory_space<vmem>> -> memref<1x1x512x512xf32, #tpu.memory_space<vmem>>
    %dma_wait3A_1187 = tpu.memref_squeeze %dma_wait3A_1186 : memref<1x1x512x512xf32, #tpu.memory_space<vmem>> -> memref<512x512xf32, #tpu.memory_space<vmem>>
    %dma_wait3A_1188 = arith.constant 0 : i32
    %dma_wait3A_1189 = arith.constant 0 : i32
    %dma_wait3A_1190 = tpu.memref_slice %arg0[%dma_wait3A_1177, %dma_wait3A_1178, %dma_wait3A_1188, %dma_wait3A_1189] : memref<16x3x512x512xf32, #tpu.memory_space<any>> -> memref<1x1x512x512xf32, #tpu.memory_space<any>>
    %dma_wait3A_1191 = tpu.memref_squeeze %dma_wait3A_1190 : memref<1x1x512x512xf32, #tpu.memory_space<any>> -> memref<512x512xf32, #tpu.memory_space<any>>
    tpu.wait_dma2 semaphore(%dma_wait3A_1183 : memref<!tpu.dma_semaphore, #tpu.memory_space<semaphore_mem>>) src(%dma_wait3A_1191 : memref<512x512xf32, #tpu.memory_space<any>>) dst(%dma_wait3A_1187 : memref<512x512xf32, #tpu.memory_space<vmem>>)
    %dma_wait3A_1192 = arith.constant 4 : i32
    %dma_wait3A_1193 = arith.constant 2 : i32
    %dma_wait3A_1194 = arith.constant 4 : i32
    %dma_wait3A_1195 = arith.constant 2 : i32
    %dma_wait3A_1196 = arith.constant 4 : i32
    %dma_wait3A_1197 = tpu.memref_slice %arg3[%dma_wait3A_1196] : memref<6x!tpu.dma_semaphore, #tpu.memory_space<semaphore_mem>> -> memref<1x!tpu.dma_semaphore, #tpu.memory_space<semaphore_mem>>
    %dma_wait3A_1198 = tpu.memref_squeeze %dma_wait3A_1197 : memref<1x!tpu.dma_semaphore, #tpu.memory_space<semaphore_mem>> -> memref<!tpu.dma_semaphore, #tpu.memory_space<semaphore_mem>>
    %dma_wait3A_1199 = arith.constant 0 : i32
    %dma_wait3A_1200 = arith.constant 0 : i32
    %dma_wait3A_1201 = tpu.memref_slice %arg2[%dma_wait3A_1194, %dma_wait3A_1195, %dma_wait3A_1199, %dma_wait3A_1200] : memref<6x3x512x512xf32, #tpu.memory_space<vmem>> -> memref<1x1x512x512xf32, #tpu.memory_space<vmem>>
    %dma_wait3A_1202 = tpu.memref_squeeze %dma_wait3A_1201 : memref<1x1x512x512xf32, #tpu.memory_space<vmem>> -> memref<512x512xf32, #tpu.memory_space<vmem>>
    %dma_wait3A_1203 = arith.constant 0 : i32
    %dma_wait3A_1204 = arith.constant 0 : i32
    %dma_wait3A_1205 = tpu.memref_slice %arg0[%dma_wait3A_1192, %dma_wait3A_1193, %dma_wait3A_1203, %dma_wait3A_1204] : memref<16x3x512x512xf32, #tpu.memory_space<any>> -> memref<1x1x512x512xf32, #tpu.memory_space<any>>
    %dma_wait3A_1206 = tpu.memref_squeeze %dma_wait3A_1205 : memref<1x1x512x512xf32, #tpu.memory_space<any>> -> memref<512x512xf32, #tpu.memory_space<any>>
    tpu.wait_dma2 semaphore(%dma_wait3A_1198 : memref<!tpu.dma_semaphore, #tpu.memory_space<semaphore_mem>>) src(%dma_wait3A_1206 : memref<512x512xf32, #tpu.memory_space<any>>) dst(%dma_wait3A_1202 : memref<512x512xf32, #tpu.memory_space<vmem>>)
    %get3A_1207 = arith.constant 4 : index
    %get3A_1208 = arith.constant 0 : index
    %get3A_1209 = arith.constant 0 : index
    %get3A_1210 = arith.constant 0 : index
    %get3A_1211 = vector.load %arg2[%get3A_1207, %get3A_1208, %get3A_1209, %get3A_1210] : memref<6x3x512x512xf32, #tpu.memory_space<vmem>>, vector<1x3x512x512xf32>
    %get3A_1212 = vector.shape_cast %get3A_1211 : vector<1x3x512x512xf32> to vector<3x512x512xf32>
    %slice3A_1213 = vector.extract_strided_slice %get3A_1212 {offsets = [0, 0, 0], sizes = [1, 512, 512], strides = [1, 1, 1]} : vector<3x512x512xf32> to vector<1x512x512xf32>
    %squeeze3A_1214 = vector.shape_cast %slice3A_1213 : vector<1x512x512xf32> to vector<512x512xf32>
    %slice3A_1215 = vector.extract_strided_slice %get3A_1212 {offsets = [1, 0, 0], sizes = [1, 512, 512], strides = [1, 1, 1]} : vector<3x512x512xf32> to vector<1x512x512xf32>
    %squeeze3A_1216 = vector.shape_cast %slice3A_1215 : vector<1x512x512xf32> to vector<512x512xf32>
    %slice3A_1217 = vector.extract_strided_slice %get3A_1212 {offsets = [2, 0, 0], sizes = [1, 512, 512], strides = [1, 1, 1]} : vector<3x512x512xf32> to vector<1x512x512xf32>
    %squeeze3A_1218 = vector.shape_cast %slice3A_1217 : vector<1x512x512xf32> to vector<512x512xf32>
    %sub3A_1219 = arith.subf %squeeze3A_1216, %squeeze3A_1214 : vector<512x512xf32>
    %sub3A_1220 = arith.subf %squeeze3A_1218, %squeeze3A_1214 : vector<512x512xf32>
    %exp3A_1221 = math.exp %sub3A_1219 : vector<512x512xf32>
    %exp3A_1222 = math.exp %sub3A_1220 : vector<512x512xf32>
    %add3A_1223 = arith.constant 1.000000e+00 : f32
    %add3A_1224 = vector.broadcast %add3A_1223 : f32 to vector<512x512xf32>
    %add3A_1225 = arith.addf %add3A_1224, %exp3A_1221 : vector<512x512xf32>
    %add3A_1226 = arith.addf %add3A_1225, %exp3A_1222 : vector<512x512xf32>
    %div3A_1227 = arith.constant 1.000000e+00 : f32
    %div3A_1228 = vector.broadcast %div3A_1227 : f32 to vector<512x512xf32>
    %div3A_1229 = arith.divf %div3A_1228, %add3A_1226 : vector<512x512xf32>
    %mul3A_1230 = arith.mulf %exp3A_1221, %div3A_1229 : vector<512x512xf32>
    %reduce_sum3A_1231 = vector.shape_cast %mul3A_1230 : vector<512x512xf32> to vector<1x512x512xf32>
    %reduce_sum3A_1232 = arith.constant dense<0.000000e+00> : vector<1xf32>
    %reduce_sum3A_1233 = vector.multi_reduction <add>, %reduce_sum3A_1231, %reduce_sum3A_1232 [1, 2] : vector<1x512x512xf32> to vector<1xf32>
    %reduce_sum3A_1234 = vector.shape_cast %reduce_sum3A_1233 : vector<1xf32> to vector<1x1x1xf32>
    %reduce_sum3A_1235 = vector.extract %reduce_sum3A_1234[0, 0, 0] : f32 from vector<1x1x1xf32>
    %mul3A_1236 = arith.mulf %exp3A_1222, %div3A_1229 : vector<512x512xf32>
    %reduce_sum3A_1237 = vector.shape_cast %mul3A_1236 : vector<512x512xf32> to vector<1x512x512xf32>
    %reduce_sum3A_1238 = arith.constant dense<0.000000e+00> : vector<1xf32>
    %reduce_sum3A_1239 = vector.multi_reduction <add>, %reduce_sum3A_1237, %reduce_sum3A_1238 [1, 2] : vector<1x512x512xf32> to vector<1xf32>
    %reduce_sum3A_1240 = vector.shape_cast %reduce_sum3A_1239 : vector<1xf32> to vector<1x1x1xf32>
    %reduce_sum3A_1241 = vector.extract %reduce_sum3A_1240[0, 0, 0] : f32 from vector<1x1x1xf32>
    %gt3A_1242 = arith.constant 0.000000e+00 : f32
    %gt3A_1243 = vector.broadcast %gt3A_1242 : f32 to vector<512x512xf32>
    %gt3A_1244 = arith.cmpf ogt, %sub3A_1219, %gt3A_1243 : vector<512x512xf32>
    %ge3A_1245 = arith.cmpf oge, %sub3A_1219, %sub3A_1220 : vector<512x512xf32>
    %and3A_1246 = arith.andi %gt3A_1244, %ge3A_1245 : vector<512x512xi1>
    %gt3A_1247 = arith.constant 0.000000e+00 : f32
    %gt3A_1248 = vector.broadcast %gt3A_1247 : f32 to vector<512x512xf32>
    %gt3A_1249 = arith.cmpf ogt, %sub3A_1220, %gt3A_1248 : vector<512x512xf32>
    %gt3A_1250 = arith.cmpf ogt, %sub3A_1220, %sub3A_1219 : vector<512x512xf32>
    %and3A_1251 = arith.andi %gt3A_1249, %gt3A_1250 : vector<512x512xi1>
    %reduce_or3A_1252 = arith.constant 1.000000e+00 : f32
    %reduce_or3A_1253 = arith.constant 0.000000e+00 : f32
    %reduce_or3A_1254 = vector.broadcast %reduce_or3A_1252 : f32 to vector<512x512xf32>
    %reduce_or3A_1255 = vector.broadcast %reduce_or3A_1253 : f32 to vector<512x512xf32>
    %reduce_or3A_1256 = arith.select %and3A_1246, %reduce_or3A_1254, %reduce_or3A_1255 : vector<512x512xi1>, vector<512x512xf32>
    %reduce_or3A_1257 = arith.constant dense<0xFF800000> : vector<512xf32>
    %reduce_or3A_1258 = vector.multi_reduction <maximumf>, %reduce_or3A_1256, %reduce_or3A_1257 [1] : vector<512x512xf32> to vector<512xf32>
    %reduce_or3A_1259 = arith.constant 0.000000e+00 : f32
    %reduce_or3A_1260 = vector.broadcast %reduce_or3A_1259 : f32 to vector<512xf32>
    %reduce_or3A_1261 = arith.cmpf ogt, %reduce_or3A_1258, %reduce_or3A_1260 : vector<512xf32>
    %reduce_or3A_1262 = arith.constant 1.000000e+00 : f32
    %reduce_or3A_1263 = arith.constant 0.000000e+00 : f32
    %reduce_or3A_1264 = vector.broadcast %reduce_or3A_1262 : f32 to vector<512x512xf32>
    %reduce_or3A_1265 = vector.broadcast %reduce_or3A_1263 : f32 to vector<512x512xf32>
    %reduce_or3A_1266 = arith.select %and3A_1251, %reduce_or3A_1264, %reduce_or3A_1265 : vector<512x512xi1>, vector<512x512xf32>
    %reduce_or3A_1267 = arith.constant dense<0xFF800000> : vector<512xf32>
    %reduce_or3A_1268 = vector.multi_reduction <maximumf>, %reduce_or3A_1266, %reduce_or3A_1267 [1] : vector<512x512xf32> to vector<512xf32>
    %reduce_or3A_1269 = arith.constant 0.000000e+00 : f32
    %reduce_or3A_1270 = vector.broadcast %reduce_or3A_1269 : f32 to vector<512xf32>
    %reduce_or3A_1271 = arith.cmpf ogt, %reduce_or3A_1268, %reduce_or3A_1270 : vector<512xf32>
    %iota3A_1272 = tpu.iota {dimensions = array<i32: 1>} : vector<1x512xi32>
    %iota3A_1273 = vector.shape_cast %iota3A_1272 : vector<1x512xi32> to vector<512xi32>
    %convert_element_type3A_1274 = arith.sitofp %iota3A_1273 : vector<512xi32> to vector<512xf32>
    %jit3A_1275 = arith.constant 5.120000e+02 : f32
    %broadcast_in_dim3A_1276 = vector.broadcast %jit3A_1275 : f32 to vector<512xf32>
    %select_n3A_1277 = arith.select %reduce_or3A_1261, %convert_element_type3A_1274, %broadcast_in_dim3A_1276 : vector<512xi1>, vector<512xf32>
    %reduce_min3A_1278 = vector.shape_cast %select_n3A_1277 : vector<512xf32> to vector<1x512xf32>
    %reduce_min3A_1279 = arith.constant dense<0x7F800000> : vector<1xf32>
    %reduce_min3A_1280 = vector.multi_reduction <minimumf>, %reduce_min3A_1278, %reduce_min3A_1279 [1] : vector<1x512xf32> to vector<1xf32>
    %reduce_min3A_1281 = vector.shape_cast %reduce_min3A_1280 : vector<1xf32> to vector<1x1xf32>
    %reduce_min3A_1282 = vector.extract %reduce_min3A_1281[0, 0] : f32 from vector<1x1xf32>
    %jit3A_1283 = arith.constant -1.000000e+00 : f32
    %broadcast_in_dim3A_1284 = vector.broadcast %jit3A_1283 : f32 to vector<512xf32>
    %select_n3A_1285 = arith.select %reduce_or3A_1261, %convert_element_type3A_1274, %broadcast_in_dim3A_1284 : vector<512xi1>, vector<512xf32>
    %reduce_max3A_1286 = vector.shape_cast %select_n3A_1285 : vector<512xf32> to vector<1x512xf32>
    %reduce_max3A_1287 = arith.constant dense<0xFF800000> : vector<1xf32>
    %reduce_max3A_1288 = vector.multi_reduction <maximumf>, %reduce_max3A_1286, %reduce_max3A_1287 [1] : vector<1x512xf32> to vector<1xf32>
    %reduce_max3A_1289 = vector.shape_cast %reduce_max3A_1288 : vector<1xf32> to vector<1x1xf32>
    %reduce_max3A_1290 = vector.extract %reduce_max3A_1289[0, 0] : f32 from vector<1x1xf32>
    %jit3A_1291 = arith.constant 5.120000e+02 : f32
    %broadcast_in_dim3A_1292 = vector.broadcast %jit3A_1291 : f32 to vector<512xf32>
    %select_n3A_1293 = arith.select %reduce_or3A_1271, %convert_element_type3A_1274, %broadcast_in_dim3A_1292 : vector<512xi1>, vector<512xf32>
    %reduce_min3A_1294 = vector.shape_cast %select_n3A_1293 : vector<512xf32> to vector<1x512xf32>
    %reduce_min3A_1295 = arith.constant dense<0x7F800000> : vector<1xf32>
    %reduce_min3A_1296 = vector.multi_reduction <minimumf>, %reduce_min3A_1294, %reduce_min3A_1295 [1] : vector<1x512xf32> to vector<1xf32>
    %reduce_min3A_1297 = vector.shape_cast %reduce_min3A_1296 : vector<1xf32> to vector<1x1xf32>
    %reduce_min3A_1298 = vector.extract %reduce_min3A_1297[0, 0] : f32 from vector<1x1xf32>
    %jit3A_1299 = arith.constant -1.000000e+00 : f32
    %broadcast_in_dim3A_1300 = vector.broadcast %jit3A_1299 : f32 to vector<512xf32>
    %select_n3A_1301 = arith.select %reduce_or3A_1271, %convert_element_type3A_1274, %broadcast_in_dim3A_1300 : vector<512xi1>, vector<512xf32>
    %reduce_max3A_1302 = vector.shape_cast %select_n3A_1301 : vector<512xf32> to vector<1x512xf32>
    %reduce_max3A_1303 = arith.constant dense<0xFF800000> : vector<1xf32>
    %reduce_max3A_1304 = vector.multi_reduction <maximumf>, %reduce_max3A_1302, %reduce_max3A_1303 [1] : vector<1x512xf32> to vector<1xf32>
    %reduce_max3A_1305 = vector.shape_cast %reduce_max3A_1304 : vector<1xf32> to vector<1x1xf32>
    %reduce_max3A_1306 = vector.extract %reduce_max3A_1305[0, 0] : f32 from vector<1x1xf32>
    %iota3A_1307 = tpu.iota {dimensions = array<i32: 1>} : vector<1x128xi32>
    %broadcast_in_dim3A_1308 = arith.constant 0.000000e+00 : f32
    %broadcast_in_dim3A_1309 = vector.broadcast %broadcast_in_dim3A_1308 : f32 to vector<1x128xf32>
    %eq3A_1310 = arith.constant 0 : i32
    %eq3A_1311 = vector.broadcast %eq3A_1310 : i32 to vector<1x128xi32>
    %eq3A_1312 = arith.cmpi eq, %iota3A_1307, %eq3A_1311 : vector<1x128xi32>
    %broadcast_in_dim3A_1313 = vector.broadcast %reduce_min3A_1282 : f32 to vector<1x128xf32>
    %select_n3A_1314 = arith.select %eq3A_1312, %broadcast_in_dim3A_1313, %broadcast_in_dim3A_1309 : vector<1x128xi1>, vector<1x128xf32>
    %eq3A_1315 = arith.constant 1 : i32
    %eq3A_1316 = vector.broadcast %eq3A_1315 : i32 to vector<1x128xi32>
    %eq3A_1317 = arith.cmpi eq, %iota3A_1307, %eq3A_1316 : vector<1x128xi32>
    %broadcast_in_dim3A_1318 = vector.broadcast %reduce_max3A_1290 : f32 to vector<1x128xf32>
    %select_n3A_1319 = arith.select %eq3A_1317, %broadcast_in_dim3A_1318, %select_n3A_1314 : vector<1x128xi1>, vector<1x128xf32>
    %eq3A_1320 = arith.constant 2 : i32
    %eq3A_1321 = vector.broadcast %eq3A_1320 : i32 to vector<1x128xi32>
    %eq3A_1322 = arith.cmpi eq, %iota3A_1307, %eq3A_1321 : vector<1x128xi32>
    %broadcast_in_dim3A_1323 = vector.broadcast %reduce_min3A_1298 : f32 to vector<1x128xf32>
    %select_n3A_1324 = arith.select %eq3A_1322, %broadcast_in_dim3A_1323, %select_n3A_1319 : vector<1x128xi1>, vector<1x128xf32>
    %eq3A_1325 = arith.constant 3 : i32
    %eq3A_1326 = vector.broadcast %eq3A_1325 : i32 to vector<1x128xi32>
    %eq3A_1327 = arith.cmpi eq, %iota3A_1307, %eq3A_1326 : vector<1x128xi32>
    %broadcast_in_dim3A_1328 = vector.broadcast %reduce_max3A_1306 : f32 to vector<1x128xf32>
    %select_n3A_1329 = arith.select %eq3A_1327, %broadcast_in_dim3A_1328, %select_n3A_1324 : vector<1x128xi1>, vector<1x128xf32>
    %eq3A_1330 = arith.constant 4 : i32
    %eq3A_1331 = vector.broadcast %eq3A_1330 : i32 to vector<1x128xi32>
    %eq3A_1332 = arith.cmpi eq, %iota3A_1307, %eq3A_1331 : vector<1x128xi32>
    %broadcast_in_dim3A_1333 = vector.broadcast %reduce_sum3A_1235 : f32 to vector<1x128xf32>
    %select_n3A_1334 = arith.select %eq3A_1332, %broadcast_in_dim3A_1333, %select_n3A_1329 : vector<1x128xi1>, vector<1x128xf32>
    %eq3A_1335 = arith.constant 5 : i32
    %eq3A_1336 = vector.broadcast %eq3A_1335 : i32 to vector<1x128xi32>
    %eq3A_1337 = arith.cmpi eq, %iota3A_1307, %eq3A_1336 : vector<1x128xi32>
    %broadcast_in_dim3A_1338 = vector.broadcast %reduce_sum3A_1241 : f32 to vector<1x128xf32>
    %select_n3A_1339 = arith.select %eq3A_1337, %broadcast_in_dim3A_1338, %select_n3A_1334 : vector<1x128xi1>, vector<1x128xf32>
    %swap3A_1340 = arith.constant 4 : index
    %swap3A_1341 = arith.constant 0 : index
    %swap3A_1342 = arith.constant 0 : index
    %swap3A_1343 = vector.load %arg1[%swap3A_1340, %swap3A_1341, %swap3A_1342] : memref<12x1x128xf32, #tpu.memory_space<vmem>>, vector<1x1x128xf32>
    %swap3A_1344 = vector.shape_cast %swap3A_1343 : vector<1x1x128xf32> to vector<1x128xf32>
    %swap3A_1345 = vector.shape_cast %select_n3A_1339 : vector<1x128xf32> to vector<1x1x128xf32>
    tpu.vector_store %arg1[%swap3A_1340, %swap3A_1341, %swap3A_1342], %swap3A_1345 {strides = array<i32>} : memref<12x1x128xf32, #tpu.memory_space<vmem>>, vector<1x1x128xf32>,
    %dma_start3A_1346 = arith.constant 10 : i32
    %dma_start3A_1347 = arith.constant 0 : i32
    %dma_start3A_1348 = arith.constant 4 : i32
    %dma_start3A_1349 = arith.constant 0 : i32
    %dma_start3A_1350 = arith.constant 4 : i32
    %dma_start3A_1351 = tpu.memref_slice %arg3[%dma_start3A_1350] : memref<6x!tpu.dma_semaphore, #tpu.memory_space<semaphore_mem>> -> memref<1x!tpu.dma_semaphore, #tpu.memory_space<semaphore_mem>>
    %dma_start3A_1352 = tpu.memref_squeeze %dma_start3A_1351 : memref<1x!tpu.dma_semaphore, #tpu.memory_space<semaphore_mem>> -> memref<!tpu.dma_semaphore, #tpu.memory_space<semaphore_mem>>
    %dma_start3A_1353 = arith.constant 0 : i32
    %dma_start3A_1354 = arith.constant 0 : i32
    %dma_start3A_1355 = tpu.memref_slice %arg2[%dma_start3A_1348, %dma_start3A_1349, %dma_start3A_1353, %dma_start3A_1354] : memref<6x3x512x512xf32, #tpu.memory_space<vmem>> -> memref<1x1x512x512xf32, #tpu.memory_space<vmem>>
    %dma_start3A_1356 = tpu.memref_squeeze %dma_start3A_1355 : memref<1x1x512x512xf32, #tpu.memory_space<vmem>> -> memref<512x512xf32, #tpu.memory_space<vmem>>
    %dma_start3A_1357 = arith.constant 0 : i32
    %dma_start3A_1358 = arith.constant 0 : i32
    %dma_start3A_1359 = tpu.memref_slice %arg0[%dma_start3A_1346, %dma_start3A_1347, %dma_start3A_1357, %dma_start3A_1358] : memref<16x3x512x512xf32, #tpu.memory_space<any>> -> memref<1x1x512x512xf32, #tpu.memory_space<any>>
    %dma_start3A_1360 = tpu.memref_squeeze %dma_start3A_1359 : memref<1x1x512x512xf32, #tpu.memory_space<any>> -> memref<512x512xf32, #tpu.memory_space<any>>
    tpu.enqueue_dma source(%dma_start3A_1360 : memref<512x512xf32, #tpu.memory_space<any>>) target(%dma_start3A_1356 : memref<512x512xf32, #tpu.memory_space<vmem>>) target_semaphore(%dma_start3A_1352 : memref<!tpu.dma_semaphore, #tpu.memory_space<semaphore_mem>>)
    %dma_start3A_1361 = arith.constant 10 : i32
    %dma_start3A_1362 = arith.constant 1 : i32
    %dma_start3A_1363 = arith.constant 4 : i32
    %dma_start3A_1364 = arith.constant 1 : i32
    %dma_start3A_1365 = arith.constant 4 : i32
    %dma_start3A_1366 = tpu.memref_slice %arg3[%dma_start3A_1365] : memref<6x!tpu.dma_semaphore, #tpu.memory_space<semaphore_mem>> -> memref<1x!tpu.dma_semaphore, #tpu.memory_space<semaphore_mem>>
    %dma_start3A_1367 = tpu.memref_squeeze %dma_start3A_1366 : memref<1x!tpu.dma_semaphore, #tpu.memory_space<semaphore_mem>> -> memref<!tpu.dma_semaphore, #tpu.memory_space<semaphore_mem>>
    %dma_start3A_1368 = arith.constant 0 : i32
    %dma_start3A_1369 = arith.constant 0 : i32
    %dma_start3A_1370 = tpu.memref_slice %arg2[%dma_start3A_1363, %dma_start3A_1364, %dma_start3A_1368, %dma_start3A_1369] : memref<6x3x512x512xf32, #tpu.memory_space<vmem>> -> memref<1x1x512x512xf32, #tpu.memory_space<vmem>>
    %dma_start3A_1371 = tpu.memref_squeeze %dma_start3A_1370 : memref<1x1x512x512xf32, #tpu.memory_space<vmem>> -> memref<512x512xf32, #tpu.memory_space<vmem>>
    %dma_start3A_1372 = arith.constant 0 : i32
    %dma_start3A_1373 = arith.constant 0 : i32
    %dma_start3A_1374 = tpu.memref_slice %arg0[%dma_start3A_1361, %dma_start3A_1362, %dma_start3A_1372, %dma_start3A_1373] : memref<16x3x512x512xf32, #tpu.memory_space<any>> -> memref<1x1x512x512xf32, #tpu.memory_space<any>>
    %dma_start3A_1375 = tpu.memref_squeeze %dma_start3A_1374 : memref<1x1x512x512xf32, #tpu.memory_space<any>> -> memref<512x512xf32, #tpu.memory_space<any>>
    tpu.enqueue_dma source(%dma_start3A_1375 : memref<512x512xf32, #tpu.memory_space<any>>) target(%dma_start3A_1371 : memref<512x512xf32, #tpu.memory_space<vmem>>) target_semaphore(%dma_start3A_1367 : memref<!tpu.dma_semaphore, #tpu.memory_space<semaphore_mem>>)
    %dma_start3A_1376 = arith.constant 10 : i32
    %dma_start3A_1377 = arith.constant 2 : i32
    %dma_start3A_1378 = arith.constant 4 : i32
    %dma_start3A_1379 = arith.constant 2 : i32
    %dma_start3A_1380 = arith.constant 4 : i32
    %dma_start3A_1381 = tpu.memref_slice %arg3[%dma_start3A_1380] : memref<6x!tpu.dma_semaphore, #tpu.memory_space<semaphore_mem>> -> memref<1x!tpu.dma_semaphore, #tpu.memory_space<semaphore_mem>>
    %dma_start3A_1382 = tpu.memref_squeeze %dma_start3A_1381 : memref<1x!tpu.dma_semaphore, #tpu.memory_space<semaphore_mem>> -> memref<!tpu.dma_semaphore, #tpu.memory_space<semaphore_mem>>
    %dma_start3A_1383 = arith.constant 0 : i32
    %dma_start3A_1384 = arith.constant 0 : i32
    %dma_start3A_1385 = tpu.memref_slice %arg2[%dma_start3A_1378, %dma_start3A_1379, %dma_start3A_1383, %dma_start3A_1384] : memref<6x3x512x512xf32, #tpu.memory_space<vmem>> -> memref<1x1x512x512xf32, #tpu.memory_space<vmem>>
    %dma_start3A_1386 = tpu.memref_squeeze %dma_start3A_1385 : memref<1x1x512x512xf32, #tpu.memory_space<vmem>> -> memref<512x512xf32, #tpu.memory_space<vmem>>
    %dma_start3A_1387 = arith.constant 0 : i32
    %dma_start3A_1388 = arith.constant 0 : i32
    %dma_start3A_1389 = tpu.memref_slice %arg0[%dma_start3A_1376, %dma_start3A_1377, %dma_start3A_1387, %dma_start3A_1388] : memref<16x3x512x512xf32, #tpu.memory_space<any>> -> memref<1x1x512x512xf32, #tpu.memory_space<any>>
    %dma_start3A_1390 = tpu.memref_squeeze %dma_start3A_1389 : memref<1x1x512x512xf32, #tpu.memory_space<any>> -> memref<512x512xf32, #tpu.memory_space<any>>
    tpu.enqueue_dma source(%dma_start3A_1390 : memref<512x512xf32, #tpu.memory_space<any>>) target(%dma_start3A_1386 : memref<512x512xf32, #tpu.memory_space<vmem>>) target_semaphore(%dma_start3A_1382 : memref<!tpu.dma_semaphore, #tpu.memory_space<semaphore_mem>>)
    %dma_wait3A_1391 = arith.constant 5 : i32
    %dma_wait3A_1392 = arith.constant 0 : i32
    %dma_wait3A_1393 = arith.constant 5 : i32
    %dma_wait3A_1394 = arith.constant 0 : i32
    %dma_wait3A_1395 = arith.constant 5 : i32
    %dma_wait3A_1396 = tpu.memref_slice %arg3[%dma_wait3A_1395] : memref<6x!tpu.dma_semaphore, #tpu.memory_space<semaphore_mem>> -> memref<1x!tpu.dma_semaphore, #tpu.memory_space<semaphore_mem>>
    %dma_wait3A_1397 = tpu.memref_squeeze %dma_wait3A_1396 : memref<1x!tpu.dma_semaphore, #tpu.memory_space<semaphore_mem>> -> memref<!tpu.dma_semaphore, #tpu.memory_space<semaphore_mem>>
    %dma_wait3A_1398 = arith.constant 0 : i32
    %dma_wait3A_1399 = arith.constant 0 : i32
    %dma_wait3A_1400 = tpu.memref_slice %arg2[%dma_wait3A_1393, %dma_wait3A_1394, %dma_wait3A_1398, %dma_wait3A_1399] : memref<6x3x512x512xf32, #tpu.memory_space<vmem>> -> memref<1x1x512x512xf32, #tpu.memory_space<vmem>>
    %dma_wait3A_1401 = tpu.memref_squeeze %dma_wait3A_1400 : memref<1x1x512x512xf32, #tpu.memory_space<vmem>> -> memref<512x512xf32, #tpu.memory_space<vmem>>
    %dma_wait3A_1402 = arith.constant 0 : i32
    %dma_wait3A_1403 = arith.constant 0 : i32
    %dma_wait3A_1404 = tpu.memref_slice %arg0[%dma_wait3A_1391, %dma_wait3A_1392, %dma_wait3A_1402, %dma_wait3A_1403] : memref<16x3x512x512xf32, #tpu.memory_space<any>> -> memref<1x1x512x512xf32, #tpu.memory_space<any>>
    %dma_wait3A_1405 = tpu.memref_squeeze %dma_wait3A_1404 : memref<1x1x512x512xf32, #tpu.memory_space<any>> -> memref<512x512xf32, #tpu.memory_space<any>>
    tpu.wait_dma2 semaphore(%dma_wait3A_1397 : memref<!tpu.dma_semaphore, #tpu.memory_space<semaphore_mem>>) src(%dma_wait3A_1405 : memref<512x512xf32, #tpu.memory_space<any>>) dst(%dma_wait3A_1401 : memref<512x512xf32, #tpu.memory_space<vmem>>)
    %dma_wait3A_1406 = arith.constant 5 : i32
    %dma_wait3A_1407 = arith.constant 1 : i32
    %dma_wait3A_1408 = arith.constant 5 : i32
    %dma_wait3A_1409 = arith.constant 1 : i32
    %dma_wait3A_1410 = arith.constant 5 : i32
    %dma_wait3A_1411 = tpu.memref_slice %arg3[%dma_wait3A_1410] : memref<6x!tpu.dma_semaphore, #tpu.memory_space<semaphore_mem>> -> memref<1x!tpu.dma_semaphore, #tpu.memory_space<semaphore_mem>>
    %dma_wait3A_1412 = tpu.memref_squeeze %dma_wait3A_1411 : memref<1x!tpu.dma_semaphore, #tpu.memory_space<semaphore_mem>> -> memref<!tpu.dma_semaphore, #tpu.memory_space<semaphore_mem>>
    %dma_wait3A_1413 = arith.constant 0 : i32
    %dma_wait3A_1414 = arith.constant 0 : i32
    %dma_wait3A_1415 = tpu.memref_slice %arg2[%dma_wait3A_1408, %dma_wait3A_1409, %dma_wait3A_1413, %dma_wait3A_1414] : memref<6x3x512x512xf32, #tpu.memory_space<vmem>> -> memref<1x1x512x512xf32, #tpu.memory_space<vmem>>
    %dma_wait3A_1416 = tpu.memref_squeeze %dma_wait3A_1415 : memref<1x1x512x512xf32, #tpu.memory_space<vmem>> -> memref<512x512xf32, #tpu.memory_space<vmem>>
    %dma_wait3A_1417 = arith.constant 0 : i32
    %dma_wait3A_1418 = arith.constant 0 : i32
    %dma_wait3A_1419 = tpu.memref_slice %arg0[%dma_wait3A_1406, %dma_wait3A_1407, %dma_wait3A_1417, %dma_wait3A_1418] : memref<16x3x512x512xf32, #tpu.memory_space<any>> -> memref<1x1x512x512xf32, #tpu.memory_space<any>>
    %dma_wait3A_1420 = tpu.memref_squeeze %dma_wait3A_1419 : memref<1x1x512x512xf32, #tpu.memory_space<any>> -> memref<512x512xf32, #tpu.memory_space<any>>
    tpu.wait_dma2 semaphore(%dma_wait3A_1412 : memref<!tpu.dma_semaphore, #tpu.memory_space<semaphore_mem>>) src(%dma_wait3A_1420 : memref<512x512xf32, #tpu.memory_space<any>>) dst(%dma_wait3A_1416 : memref<512x512xf32, #tpu.memory_space<vmem>>)
    %dma_wait3A_1421 = arith.constant 5 : i32
    %dma_wait3A_1422 = arith.constant 2 : i32
    %dma_wait3A_1423 = arith.constant 5 : i32
    %dma_wait3A_1424 = arith.constant 2 : i32
    %dma_wait3A_1425 = arith.constant 5 : i32
    %dma_wait3A_1426 = tpu.memref_slice %arg3[%dma_wait3A_1425] : memref<6x!tpu.dma_semaphore, #tpu.memory_space<semaphore_mem>> -> memref<1x!tpu.dma_semaphore, #tpu.memory_space<semaphore_mem>>
    %dma_wait3A_1427 = tpu.memref_squeeze %dma_wait3A_1426 : memref<1x!tpu.dma_semaphore, #tpu.memory_space<semaphore_mem>> -> memref<!tpu.dma_semaphore, #tpu.memory_space<semaphore_mem>>
    %dma_wait3A_1428 = arith.constant 0 : i32
    %dma_wait3A_1429 = arith.constant 0 : i32
    %dma_wait3A_1430 = tpu.memref_slice %arg2[%dma_wait3A_1423, %dma_wait3A_1424, %dma_wait3A_1428, %dma_wait3A_1429] : memref<6x3x512x512xf32, #tpu.memory_space<vmem>> -> memref<1x1x512x512xf32, #tpu.memory_space<vmem>>
    %dma_wait3A_1431 = tpu.memref_squeeze %dma_wait3A_1430 : memref<1x1x512x512xf32, #tpu.memory_space<vmem>> -> memref<512x512xf32, #tpu.memory_space<vmem>>
    %dma_wait3A_1432 = arith.constant 0 : i32
    %dma_wait3A_1433 = arith.constant 0 : i32
    %dma_wait3A_1434 = tpu.memref_slice %arg0[%dma_wait3A_1421, %dma_wait3A_1422, %dma_wait3A_1432, %dma_wait3A_1433] : memref<16x3x512x512xf32, #tpu.memory_space<any>> -> memref<1x1x512x512xf32, #tpu.memory_space<any>>
    %dma_wait3A_1435 = tpu.memref_squeeze %dma_wait3A_1434 : memref<1x1x512x512xf32, #tpu.memory_space<any>> -> memref<512x512xf32, #tpu.memory_space<any>>
    tpu.wait_dma2 semaphore(%dma_wait3A_1427 : memref<!tpu.dma_semaphore, #tpu.memory_space<semaphore_mem>>) src(%dma_wait3A_1435 : memref<512x512xf32, #tpu.memory_space<any>>) dst(%dma_wait3A_1431 : memref<512x512xf32, #tpu.memory_space<vmem>>)
    %get3A_1436 = arith.constant 5 : index
    %get3A_1437 = arith.constant 0 : index
    %get3A_1438 = arith.constant 0 : index
    %get3A_1439 = arith.constant 0 : index
    %get3A_1440 = vector.load %arg2[%get3A_1436, %get3A_1437, %get3A_1438, %get3A_1439] : memref<6x3x512x512xf32, #tpu.memory_space<vmem>>, vector<1x3x512x512xf32>
    %get3A_1441 = vector.shape_cast %get3A_1440 : vector<1x3x512x512xf32> to vector<3x512x512xf32>
    %slice3A_1442 = vector.extract_strided_slice %get3A_1441 {offsets = [0, 0, 0], sizes = [1, 512, 512], strides = [1, 1, 1]} : vector<3x512x512xf32> to vector<1x512x512xf32>
    %squeeze3A_1443 = vector.shape_cast %slice3A_1442 : vector<1x512x512xf32> to vector<512x512xf32>
    %slice3A_1444 = vector.extract_strided_slice %get3A_1441 {offsets = [1, 0, 0], sizes = [1, 512, 512], strides = [1, 1, 1]} : vector<3x512x512xf32> to vector<1x512x512xf32>
    %squeeze3A_1445 = vector.shape_cast %slice3A_1444 : vector<1x512x512xf32> to vector<512x512xf32>
    %slice3A_1446 = vector.extract_strided_slice %get3A_1441 {offsets = [2, 0, 0], sizes = [1, 512, 512], strides = [1, 1, 1]} : vector<3x512x512xf32> to vector<1x512x512xf32>
    %squeeze3A_1447 = vector.shape_cast %slice3A_1446 : vector<1x512x512xf32> to vector<512x512xf32>
    %sub3A_1448 = arith.subf %squeeze3A_1445, %squeeze3A_1443 : vector<512x512xf32>
    %sub3A_1449 = arith.subf %squeeze3A_1447, %squeeze3A_1443 : vector<512x512xf32>
    %exp3A_1450 = math.exp %sub3A_1448 : vector<512x512xf32>
    %exp3A_1451 = math.exp %sub3A_1449 : vector<512x512xf32>
    %add3A_1452 = arith.constant 1.000000e+00 : f32
    %add3A_1453 = vector.broadcast %add3A_1452 : f32 to vector<512x512xf32>
    %add3A_1454 = arith.addf %add3A_1453, %exp3A_1450 : vector<512x512xf32>
    %add3A_1455 = arith.addf %add3A_1454, %exp3A_1451 : vector<512x512xf32>
    %div3A_1456 = arith.constant 1.000000e+00 : f32
    %div3A_1457 = vector.broadcast %div3A_1456 : f32 to vector<512x512xf32>
    %div3A_1458 = arith.divf %div3A_1457, %add3A_1455 : vector<512x512xf32>
    %mul3A_1459 = arith.mulf %exp3A_1450, %div3A_1458 : vector<512x512xf32>
    %reduce_sum3A_1460 = vector.shape_cast %mul3A_1459 : vector<512x512xf32> to vector<1x512x512xf32>
    %reduce_sum3A_1461 = arith.constant dense<0.000000e+00> : vector<1xf32>
    %reduce_sum3A_1462 = vector.multi_reduction <add>, %reduce_sum3A_1460, %reduce_sum3A_1461 [1, 2] : vector<1x512x512xf32> to vector<1xf32>
    %reduce_sum3A_1463 = vector.shape_cast %reduce_sum3A_1462 : vector<1xf32> to vector<1x1x1xf32>
    %reduce_sum3A_1464 = vector.extract %reduce_sum3A_1463[0, 0, 0] : f32 from vector<1x1x1xf32>
    %mul3A_1465 = arith.mulf %exp3A_1451, %div3A_1458 : vector<512x512xf32>
    %reduce_sum3A_1466 = vector.shape_cast %mul3A_1465 : vector<512x512xf32> to vector<1x512x512xf32>
    %reduce_sum3A_1467 = arith.constant dense<0.000000e+00> : vector<1xf32>
    %reduce_sum3A_1468 = vector.multi_reduction <add>, %reduce_sum3A_1466, %reduce_sum3A_1467 [1, 2] : vector<1x512x512xf32> to vector<1xf32>
    %reduce_sum3A_1469 = vector.shape_cast %reduce_sum3A_1468 : vector<1xf32> to vector<1x1x1xf32>
    %reduce_sum3A_1470 = vector.extract %reduce_sum3A_1469[0, 0, 0] : f32 from vector<1x1x1xf32>
    %gt3A_1471 = arith.constant 0.000000e+00 : f32
    %gt3A_1472 = vector.broadcast %gt3A_1471 : f32 to vector<512x512xf32>
    %gt3A_1473 = arith.cmpf ogt, %sub3A_1448, %gt3A_1472 : vector<512x512xf32>
    %ge3A_1474 = arith.cmpf oge, %sub3A_1448, %sub3A_1449 : vector<512x512xf32>
    %and3A_1475 = arith.andi %gt3A_1473, %ge3A_1474 : vector<512x512xi1>
    %gt3A_1476 = arith.constant 0.000000e+00 : f32
    %gt3A_1477 = vector.broadcast %gt3A_1476 : f32 to vector<512x512xf32>
    %gt3A_1478 = arith.cmpf ogt, %sub3A_1449, %gt3A_1477 : vector<512x512xf32>
    %gt3A_1479 = arith.cmpf ogt, %sub3A_1449, %sub3A_1448 : vector<512x512xf32>
    %and3A_1480 = arith.andi %gt3A_1478, %gt3A_1479 : vector<512x512xi1>
    %reduce_or3A_1481 = arith.constant 1.000000e+00 : f32
    %reduce_or3A_1482 = arith.constant 0.000000e+00 : f32
    %reduce_or3A_1483 = vector.broadcast %reduce_or3A_1481 : f32 to vector<512x512xf32>
    %reduce_or3A_1484 = vector.broadcast %reduce_or3A_1482 : f32 to vector<512x512xf32>
    %reduce_or3A_1485 = arith.select %and3A_1475, %reduce_or3A_1483, %reduce_or3A_1484 : vector<512x512xi1>, vector<512x512xf32>
    %reduce_or3A_1486 = arith.constant dense<0xFF800000> : vector<512xf32>
    %reduce_or3A_1487 = vector.multi_reduction <maximumf>, %reduce_or3A_1485, %reduce_or3A_1486 [1] : vector<512x512xf32> to vector<512xf32>
    %reduce_or3A_1488 = arith.constant 0.000000e+00 : f32
    %reduce_or3A_1489 = vector.broadcast %reduce_or3A_1488 : f32 to vector<512xf32>
    %reduce_or3A_1490 = arith.cmpf ogt, %reduce_or3A_1487, %reduce_or3A_1489 : vector<512xf32>
    %reduce_or3A_1491 = arith.constant 1.000000e+00 : f32
    %reduce_or3A_1492 = arith.constant 0.000000e+00 : f32
    %reduce_or3A_1493 = vector.broadcast %reduce_or3A_1491 : f32 to vector<512x512xf32>
    %reduce_or3A_1494 = vector.broadcast %reduce_or3A_1492 : f32 to vector<512x512xf32>
    %reduce_or3A_1495 = arith.select %and3A_1480, %reduce_or3A_1493, %reduce_or3A_1494 : vector<512x512xi1>, vector<512x512xf32>
    %reduce_or3A_1496 = arith.constant dense<0xFF800000> : vector<512xf32>
    %reduce_or3A_1497 = vector.multi_reduction <maximumf>, %reduce_or3A_1495, %reduce_or3A_1496 [1] : vector<512x512xf32> to vector<512xf32>
    %reduce_or3A_1498 = arith.constant 0.000000e+00 : f32
    %reduce_or3A_1499 = vector.broadcast %reduce_or3A_1498 : f32 to vector<512xf32>
    %reduce_or3A_1500 = arith.cmpf ogt, %reduce_or3A_1497, %reduce_or3A_1499 : vector<512xf32>
    %iota3A_1501 = tpu.iota {dimensions = array<i32: 1>} : vector<1x512xi32>
    %iota3A_1502 = vector.shape_cast %iota3A_1501 : vector<1x512xi32> to vector<512xi32>
    %convert_element_type3A_1503 = arith.sitofp %iota3A_1502 : vector<512xi32> to vector<512xf32>
    %jit3A_1504 = arith.constant 5.120000e+02 : f32
    %broadcast_in_dim3A_1505 = vector.broadcast %jit3A_1504 : f32 to vector<512xf32>
    %select_n3A_1506 = arith.select %reduce_or3A_1490, %convert_element_type3A_1503, %broadcast_in_dim3A_1505 : vector<512xi1>, vector<512xf32>
    %reduce_min3A_1507 = vector.shape_cast %select_n3A_1506 : vector<512xf32> to vector<1x512xf32>
    %reduce_min3A_1508 = arith.constant dense<0x7F800000> : vector<1xf32>
    %reduce_min3A_1509 = vector.multi_reduction <minimumf>, %reduce_min3A_1507, %reduce_min3A_1508 [1] : vector<1x512xf32> to vector<1xf32>
    %reduce_min3A_1510 = vector.shape_cast %reduce_min3A_1509 : vector<1xf32> to vector<1x1xf32>
    %reduce_min3A_1511 = vector.extract %reduce_min3A_1510[0, 0] : f32 from vector<1x1xf32>
    %jit3A_1512 = arith.constant -1.000000e+00 : f32
    %broadcast_in_dim3A_1513 = vector.broadcast %jit3A_1512 : f32 to vector<512xf32>
    %select_n3A_1514 = arith.select %reduce_or3A_1490, %convert_element_type3A_1503, %broadcast_in_dim3A_1513 : vector<512xi1>, vector<512xf32>
    %reduce_max3A_1515 = vector.shape_cast %select_n3A_1514 : vector<512xf32> to vector<1x512xf32>
    %reduce_max3A_1516 = arith.constant dense<0xFF800000> : vector<1xf32>
    %reduce_max3A_1517 = vector.multi_reduction <maximumf>, %reduce_max3A_1515, %reduce_max3A_1516 [1] : vector<1x512xf32> to vector<1xf32>
    %reduce_max3A_1518 = vector.shape_cast %reduce_max3A_1517 : vector<1xf32> to vector<1x1xf32>
    %reduce_max3A_1519 = vector.extract %reduce_max3A_1518[0, 0] : f32 from vector<1x1xf32>
    %jit3A_1520 = arith.constant 5.120000e+02 : f32
    %broadcast_in_dim3A_1521 = vector.broadcast %jit3A_1520 : f32 to vector<512xf32>
    %select_n3A_1522 = arith.select %reduce_or3A_1500, %convert_element_type3A_1503, %broadcast_in_dim3A_1521 : vector<512xi1>, vector<512xf32>
    %reduce_min3A_1523 = vector.shape_cast %select_n3A_1522 : vector<512xf32> to vector<1x512xf32>
    %reduce_min3A_1524 = arith.constant dense<0x7F800000> : vector<1xf32>
    %reduce_min3A_1525 = vector.multi_reduction <minimumf>, %reduce_min3A_1523, %reduce_min3A_1524 [1] : vector<1x512xf32> to vector<1xf32>
    %reduce_min3A_1526 = vector.shape_cast %reduce_min3A_1525 : vector<1xf32> to vector<1x1xf32>
    %reduce_min3A_1527 = vector.extract %reduce_min3A_1526[0, 0] : f32 from vector<1x1xf32>
    %jit3A_1528 = arith.constant -1.000000e+00 : f32
    %broadcast_in_dim3A_1529 = vector.broadcast %jit3A_1528 : f32 to vector<512xf32>
    %select_n3A_1530 = arith.select %reduce_or3A_1500, %convert_element_type3A_1503, %broadcast_in_dim3A_1529 : vector<512xi1>, vector<512xf32>
    %reduce_max3A_1531 = vector.shape_cast %select_n3A_1530 : vector<512xf32> to vector<1x512xf32>
    %reduce_max3A_1532 = arith.constant dense<0xFF800000> : vector<1xf32>
    %reduce_max3A_1533 = vector.multi_reduction <maximumf>, %reduce_max3A_1531, %reduce_max3A_1532 [1] : vector<1x512xf32> to vector<1xf32>
    %reduce_max3A_1534 = vector.shape_cast %reduce_max3A_1533 : vector<1xf32> to vector<1x1xf32>
    %reduce_max3A_1535 = vector.extract %reduce_max3A_1534[0, 0] : f32 from vector<1x1xf32>
    %iota3A_1536 = tpu.iota {dimensions = array<i32: 1>} : vector<1x128xi32>
    %broadcast_in_dim3A_1537 = arith.constant 0.000000e+00 : f32
    %broadcast_in_dim3A_1538 = vector.broadcast %broadcast_in_dim3A_1537 : f32 to vector<1x128xf32>
    %eq3A_1539 = arith.constant 0 : i32
    %eq3A_1540 = vector.broadcast %eq3A_1539 : i32 to vector<1x128xi32>
    %eq3A_1541 = arith.cmpi eq, %iota3A_1536, %eq3A_1540 : vector<1x128xi32>
    %broadcast_in_dim3A_1542 = vector.broadcast %reduce_min3A_1511 : f32 to vector<1x128xf32>
    %select_n3A_1543 = arith.select %eq3A_1541, %broadcast_in_dim3A_1542, %broadcast_in_dim3A_1538 : vector<1x128xi1>, vector<1x128xf32>
    %eq3A_1544 = arith.constant 1 : i32
    %eq3A_1545 = vector.broadcast %eq3A_1544 : i32 to vector<1x128xi32>
    %eq3A_1546 = arith.cmpi eq, %iota3A_1536, %eq3A_1545 : vector<1x128xi32>
    %broadcast_in_dim3A_1547 = vector.broadcast %reduce_max3A_1519 : f32 to vector<1x128xf32>
    %select_n3A_1548 = arith.select %eq3A_1546, %broadcast_in_dim3A_1547, %select_n3A_1543 : vector<1x128xi1>, vector<1x128xf32>
    %eq3A_1549 = arith.constant 2 : i32
    %eq3A_1550 = vector.broadcast %eq3A_1549 : i32 to vector<1x128xi32>
    %eq3A_1551 = arith.cmpi eq, %iota3A_1536, %eq3A_1550 : vector<1x128xi32>
    %broadcast_in_dim3A_1552 = vector.broadcast %reduce_min3A_1527 : f32 to vector<1x128xf32>
    %select_n3A_1553 = arith.select %eq3A_1551, %broadcast_in_dim3A_1552, %select_n3A_1548 : vector<1x128xi1>, vector<1x128xf32>
    %eq3A_1554 = arith.constant 3 : i32
    %eq3A_1555 = vector.broadcast %eq3A_1554 : i32 to vector<1x128xi32>
    %eq3A_1556 = arith.cmpi eq, %iota3A_1536, %eq3A_1555 : vector<1x128xi32>
    %broadcast_in_dim3A_1557 = vector.broadcast %reduce_max3A_1535 : f32 to vector<1x128xf32>
    %select_n3A_1558 = arith.select %eq3A_1556, %broadcast_in_dim3A_1557, %select_n3A_1553 : vector<1x128xi1>, vector<1x128xf32>
    %eq3A_1559 = arith.constant 4 : i32
    %eq3A_1560 = vector.broadcast %eq3A_1559 : i32 to vector<1x128xi32>
    %eq3A_1561 = arith.cmpi eq, %iota3A_1536, %eq3A_1560 : vector<1x128xi32>
    %broadcast_in_dim3A_1562 = vector.broadcast %reduce_sum3A_1464 : f32 to vector<1x128xf32>
    %select_n3A_1563 = arith.select %eq3A_1561, %broadcast_in_dim3A_1562, %select_n3A_1558 : vector<1x128xi1>, vector<1x128xf32>
    %eq3A_1564 = arith.constant 5 : i32
    %eq3A_1565 = vector.broadcast %eq3A_1564 : i32 to vector<1x128xi32>
    %eq3A_1566 = arith.cmpi eq, %iota3A_1536, %eq3A_1565 : vector<1x128xi32>
    %broadcast_in_dim3A_1567 = vector.broadcast %reduce_sum3A_1470 : f32 to vector<1x128xf32>
    %select_n3A_1568 = arith.select %eq3A_1566, %broadcast_in_dim3A_1567, %select_n3A_1563 : vector<1x128xi1>, vector<1x128xf32>
    %swap3A_1569 = arith.constant 5 : index
    %swap3A_1570 = arith.constant 0 : index
    %swap3A_1571 = arith.constant 0 : index
    %swap3A_1572 = vector.load %arg1[%swap3A_1569, %swap3A_1570, %swap3A_1571] : memref<12x1x128xf32, #tpu.memory_space<vmem>>, vector<1x1x128xf32>
    %swap3A_1573 = vector.shape_cast %swap3A_1572 : vector<1x1x128xf32> to vector<1x128xf32>
    %swap3A_1574 = vector.shape_cast %select_n3A_1568 : vector<1x128xf32> to vector<1x1x128xf32>
    tpu.vector_store %arg1[%swap3A_1569, %swap3A_1570, %swap3A_1571], %swap3A_1574 {strides = array<i32>} : memref<12x1x128xf32, #tpu.memory_space<vmem>>, vector<1x1x128xf32>,
    %dma_start3A_1575 = arith.constant 11 : i32
    %dma_start3A_1576 = arith.constant 0 : i32
    %dma_start3A_1577 = arith.constant 5 : i32
    %dma_start3A_1578 = arith.constant 0 : i32
    %dma_start3A_1579 = arith.constant 5 : i32
    %dma_start3A_1580 = tpu.memref_slice %arg3[%dma_start3A_1579] : memref<6x!tpu.dma_semaphore, #tpu.memory_space<semaphore_mem>> -> memref<1x!tpu.dma_semaphore, #tpu.memory_space<semaphore_mem>>
    %dma_start3A_1581 = tpu.memref_squeeze %dma_start3A_1580 : memref<1x!tpu.dma_semaphore, #tpu.memory_space<semaphore_mem>> -> memref<!tpu.dma_semaphore, #tpu.memory_space<semaphore_mem>>
    %dma_start3A_1582 = arith.constant 0 : i32
    %dma_start3A_1583 = arith.constant 0 : i32
    %dma_start3A_1584 = tpu.memref_slice %arg2[%dma_start3A_1577, %dma_start3A_1578, %dma_start3A_1582, %dma_start3A_1583] : memref<6x3x512x512xf32, #tpu.memory_space<vmem>> -> memref<1x1x512x512xf32, #tpu.memory_space<vmem>>
    %dma_start3A_1585 = tpu.memref_squeeze %dma_start3A_1584 : memref<1x1x512x512xf32, #tpu.memory_space<vmem>> -> memref<512x512xf32, #tpu.memory_space<vmem>>
    %dma_start3A_1586 = arith.constant 0 : i32
    %dma_start3A_1587 = arith.constant 0 : i32
    %dma_start3A_1588 = tpu.memref_slice %arg0[%dma_start3A_1575, %dma_start3A_1576, %dma_start3A_1586, %dma_start3A_1587] : memref<16x3x512x512xf32, #tpu.memory_space<any>> -> memref<1x1x512x512xf32, #tpu.memory_space<any>>
    %dma_start3A_1589 = tpu.memref_squeeze %dma_start3A_1588 : memref<1x1x512x512xf32, #tpu.memory_space<any>> -> memref<512x512xf32, #tpu.memory_space<any>>
    tpu.enqueue_dma source(%dma_start3A_1589 : memref<512x512xf32, #tpu.memory_space<any>>) target(%dma_start3A_1585 : memref<512x512xf32, #tpu.memory_space<vmem>>) target_semaphore(%dma_start3A_1581 : memref<!tpu.dma_semaphore, #tpu.memory_space<semaphore_mem>>)
    %dma_start3A_1590 = arith.constant 11 : i32
    %dma_start3A_1591 = arith.constant 1 : i32
    %dma_start3A_1592 = arith.constant 5 : i32
    %dma_start3A_1593 = arith.constant 1 : i32
    %dma_start3A_1594 = arith.constant 5 : i32
    %dma_start3A_1595 = tpu.memref_slice %arg3[%dma_start3A_1594] : memref<6x!tpu.dma_semaphore, #tpu.memory_space<semaphore_mem>> -> memref<1x!tpu.dma_semaphore, #tpu.memory_space<semaphore_mem>>
    %dma_start3A_1596 = tpu.memref_squeeze %dma_start3A_1595 : memref<1x!tpu.dma_semaphore, #tpu.memory_space<semaphore_mem>> -> memref<!tpu.dma_semaphore, #tpu.memory_space<semaphore_mem>>
    %dma_start3A_1597 = arith.constant 0 : i32
    %dma_start3A_1598 = arith.constant 0 : i32
    %dma_start3A_1599 = tpu.memref_slice %arg2[%dma_start3A_1592, %dma_start3A_1593, %dma_start3A_1597, %dma_start3A_1598] : memref<6x3x512x512xf32, #tpu.memory_space<vmem>> -> memref<1x1x512x512xf32, #tpu.memory_space<vmem>>
    %dma_start3A_1600 = tpu.memref_squeeze %dma_start3A_1599 : memref<1x1x512x512xf32, #tpu.memory_space<vmem>> -> memref<512x512xf32, #tpu.memory_space<vmem>>
    %dma_start3A_1601 = arith.constant 0 : i32
    %dma_start3A_1602 = arith.constant 0 : i32
    %dma_start3A_1603 = tpu.memref_slice %arg0[%dma_start3A_1590, %dma_start3A_1591, %dma_start3A_1601, %dma_start3A_1602] : memref<16x3x512x512xf32, #tpu.memory_space<any>> -> memref<1x1x512x512xf32, #tpu.memory_space<any>>
    %dma_start3A_1604 = tpu.memref_squeeze %dma_start3A_1603 : memref<1x1x512x512xf32, #tpu.memory_space<any>> -> memref<512x512xf32, #tpu.memory_space<any>>
    tpu.enqueue_dma source(%dma_start3A_1604 : memref<512x512xf32, #tpu.memory_space<any>>) target(%dma_start3A_1600 : memref<512x512xf32, #tpu.memory_space<vmem>>) target_semaphore(%dma_start3A_1596 : memref<!tpu.dma_semaphore, #tpu.memory_space<semaphore_mem>>)
    %dma_start3A_1605 = arith.constant 11 : i32
    %dma_start3A_1606 = arith.constant 2 : i32
    %dma_start3A_1607 = arith.constant 5 : i32
    %dma_start3A_1608 = arith.constant 2 : i32
    %dma_start3A_1609 = arith.constant 5 : i32
    %dma_start3A_1610 = tpu.memref_slice %arg3[%dma_start3A_1609] : memref<6x!tpu.dma_semaphore, #tpu.memory_space<semaphore_mem>> -> memref<1x!tpu.dma_semaphore, #tpu.memory_space<semaphore_mem>>
    %dma_start3A_1611 = tpu.memref_squeeze %dma_start3A_1610 : memref<1x!tpu.dma_semaphore, #tpu.memory_space<semaphore_mem>> -> memref<!tpu.dma_semaphore, #tpu.memory_space<semaphore_mem>>
    %dma_start3A_1612 = arith.constant 0 : i32
    %dma_start3A_1613 = arith.constant 0 : i32
    %dma_start3A_1614 = tpu.memref_slice %arg2[%dma_start3A_1607, %dma_start3A_1608, %dma_start3A_1612, %dma_start3A_1613] : memref<6x3x512x512xf32, #tpu.memory_space<vmem>> -> memref<1x1x512x512xf32, #tpu.memory_space<vmem>>
    %dma_start3A_1615 = tpu.memref_squeeze %dma_start3A_1614 : memref<1x1x512x512xf32, #tpu.memory_space<vmem>> -> memref<512x512xf32, #tpu.memory_space<vmem>>
    %dma_start3A_1616 = arith.constant 0 : i32
    %dma_start3A_1617 = arith.constant 0 : i32
    %dma_start3A_1618 = tpu.memref_slice %arg0[%dma_start3A_1605, %dma_start3A_1606, %dma_start3A_1616, %dma_start3A_1617] : memref<16x3x512x512xf32, #tpu.memory_space<any>> -> memref<1x1x512x512xf32, #tpu.memory_space<any>>
    %dma_start3A_1619 = tpu.memref_squeeze %dma_start3A_1618 : memref<1x1x512x512xf32, #tpu.memory_space<any>> -> memref<512x512xf32, #tpu.memory_space<any>>
    tpu.enqueue_dma source(%dma_start3A_1619 : memref<512x512xf32, #tpu.memory_space<any>>) target(%dma_start3A_1615 : memref<512x512xf32, #tpu.memory_space<vmem>>) target_semaphore(%dma_start3A_1611 : memref<!tpu.dma_semaphore, #tpu.memory_space<semaphore_mem>>)
    %dma_wait3A_1620 = arith.constant 6 : i32
    %dma_wait3A_1621 = arith.constant 0 : i32
    %dma_wait3A_1622 = arith.constant 0 : i32
    %dma_wait3A_1623 = arith.constant 0 : i32
    %dma_wait3A_1624 = arith.constant 0 : i32
    %dma_wait3A_1625 = tpu.memref_slice %arg3[%dma_wait3A_1624] : memref<6x!tpu.dma_semaphore, #tpu.memory_space<semaphore_mem>> -> memref<1x!tpu.dma_semaphore, #tpu.memory_space<semaphore_mem>>
    %dma_wait3A_1626 = tpu.memref_squeeze %dma_wait3A_1625 : memref<1x!tpu.dma_semaphore, #tpu.memory_space<semaphore_mem>> -> memref<!tpu.dma_semaphore, #tpu.memory_space<semaphore_mem>>
    %dma_wait3A_1627 = arith.constant 0 : i32
    %dma_wait3A_1628 = arith.constant 0 : i32
    %dma_wait3A_1629 = tpu.memref_slice %arg2[%dma_wait3A_1622, %dma_wait3A_1623, %dma_wait3A_1627, %dma_wait3A_1628] : memref<6x3x512x512xf32, #tpu.memory_space<vmem>> -> memref<1x1x512x512xf32, #tpu.memory_space<vmem>>
    %dma_wait3A_1630 = tpu.memref_squeeze %dma_wait3A_1629 : memref<1x1x512x512xf32, #tpu.memory_space<vmem>> -> memref<512x512xf32, #tpu.memory_space<vmem>>
    %dma_wait3A_1631 = arith.constant 0 : i32
    %dma_wait3A_1632 = arith.constant 0 : i32
    %dma_wait3A_1633 = tpu.memref_slice %arg0[%dma_wait3A_1620, %dma_wait3A_1621, %dma_wait3A_1631, %dma_wait3A_1632] : memref<16x3x512x512xf32, #tpu.memory_space<any>> -> memref<1x1x512x512xf32, #tpu.memory_space<any>>
    %dma_wait3A_1634 = tpu.memref_squeeze %dma_wait3A_1633 : memref<1x1x512x512xf32, #tpu.memory_space<any>> -> memref<512x512xf32, #tpu.memory_space<any>>
    tpu.wait_dma2 semaphore(%dma_wait3A_1626 : memref<!tpu.dma_semaphore, #tpu.memory_space<semaphore_mem>>) src(%dma_wait3A_1634 : memref<512x512xf32, #tpu.memory_space<any>>) dst(%dma_wait3A_1630 : memref<512x512xf32, #tpu.memory_space<vmem>>)
    %dma_wait3A_1635 = arith.constant 6 : i32
    %dma_wait3A_1636 = arith.constant 1 : i32
    %dma_wait3A_1637 = arith.constant 0 : i32
    %dma_wait3A_1638 = arith.constant 1 : i32
    %dma_wait3A_1639 = arith.constant 0 : i32
    %dma_wait3A_1640 = tpu.memref_slice %arg3[%dma_wait3A_1639] : memref<6x!tpu.dma_semaphore, #tpu.memory_space<semaphore_mem>> -> memref<1x!tpu.dma_semaphore, #tpu.memory_space<semaphore_mem>>
    %dma_wait3A_1641 = tpu.memref_squeeze %dma_wait3A_1640 : memref<1x!tpu.dma_semaphore, #tpu.memory_space<semaphore_mem>> -> memref<!tpu.dma_semaphore, #tpu.memory_space<semaphore_mem>>
    %dma_wait3A_1642 = arith.constant 0 : i32
    %dma_wait3A_1643 = arith.constant 0 : i32
    %dma_wait3A_1644 = tpu.memref_slice %arg2[%dma_wait3A_1637, %dma_wait3A_1638, %dma_wait3A_1642, %dma_wait3A_1643] : memref<6x3x512x512xf32, #tpu.memory_space<vmem>> -> memref<1x1x512x512xf32, #tpu.memory_space<vmem>>
    %dma_wait3A_1645 = tpu.memref_squeeze %dma_wait3A_1644 : memref<1x1x512x512xf32, #tpu.memory_space<vmem>> -> memref<512x512xf32, #tpu.memory_space<vmem>>
    %dma_wait3A_1646 = arith.constant 0 : i32
    %dma_wait3A_1647 = arith.constant 0 : i32
    %dma_wait3A_1648 = tpu.memref_slice %arg0[%dma_wait3A_1635, %dma_wait3A_1636, %dma_wait3A_1646, %dma_wait3A_1647] : memref<16x3x512x512xf32, #tpu.memory_space<any>> -> memref<1x1x512x512xf32, #tpu.memory_space<any>>
    %dma_wait3A_1649 = tpu.memref_squeeze %dma_wait3A_1648 : memref<1x1x512x512xf32, #tpu.memory_space<any>> -> memref<512x512xf32, #tpu.memory_space<any>>
    tpu.wait_dma2 semaphore(%dma_wait3A_1641 : memref<!tpu.dma_semaphore, #tpu.memory_space<semaphore_mem>>) src(%dma_wait3A_1649 : memref<512x512xf32, #tpu.memory_space<any>>) dst(%dma_wait3A_1645 : memref<512x512xf32, #tpu.memory_space<vmem>>)
    %dma_wait3A_1650 = arith.constant 6 : i32
    %dma_wait3A_1651 = arith.constant 2 : i32
    %dma_wait3A_1652 = arith.constant 0 : i32
    %dma_wait3A_1653 = arith.constant 2 : i32
    %dma_wait3A_1654 = arith.constant 0 : i32
    %dma_wait3A_1655 = tpu.memref_slice %arg3[%dma_wait3A_1654] : memref<6x!tpu.dma_semaphore, #tpu.memory_space<semaphore_mem>> -> memref<1x!tpu.dma_semaphore, #tpu.memory_space<semaphore_mem>>
    %dma_wait3A_1656 = tpu.memref_squeeze %dma_wait3A_1655 : memref<1x!tpu.dma_semaphore, #tpu.memory_space<semaphore_mem>> -> memref<!tpu.dma_semaphore, #tpu.memory_space<semaphore_mem>>
    %dma_wait3A_1657 = arith.constant 0 : i32
    %dma_wait3A_1658 = arith.constant 0 : i32
    %dma_wait3A_1659 = tpu.memref_slice %arg2[%dma_wait3A_1652, %dma_wait3A_1653, %dma_wait3A_1657, %dma_wait3A_1658] : memref<6x3x512x512xf32, #tpu.memory_space<vmem>> -> memref<1x1x512x512xf32, #tpu.memory_space<vmem>>
    %dma_wait3A_1660 = tpu.memref_squeeze %dma_wait3A_1659 : memref<1x1x512x512xf32, #tpu.memory_space<vmem>> -> memref<512x512xf32, #tpu.memory_space<vmem>>
    %dma_wait3A_1661 = arith.constant 0 : i32
    %dma_wait3A_1662 = arith.constant 0 : i32
    %dma_wait3A_1663 = tpu.memref_slice %arg0[%dma_wait3A_1650, %dma_wait3A_1651, %dma_wait3A_1661, %dma_wait3A_1662] : memref<16x3x512x512xf32, #tpu.memory_space<any>> -> memref<1x1x512x512xf32, #tpu.memory_space<any>>
    %dma_wait3A_1664 = tpu.memref_squeeze %dma_wait3A_1663 : memref<1x1x512x512xf32, #tpu.memory_space<any>> -> memref<512x512xf32, #tpu.memory_space<any>>
    tpu.wait_dma2 semaphore(%dma_wait3A_1656 : memref<!tpu.dma_semaphore, #tpu.memory_space<semaphore_mem>>) src(%dma_wait3A_1664 : memref<512x512xf32, #tpu.memory_space<any>>) dst(%dma_wait3A_1660 : memref<512x512xf32, #tpu.memory_space<vmem>>)
    %get3A_1665 = arith.constant 0 : index
    %get3A_1666 = arith.constant 0 : index
    %get3A_1667 = arith.constant 0 : index
    %get3A_1668 = arith.constant 0 : index
    %get3A_1669 = vector.load %arg2[%get3A_1665, %get3A_1666, %get3A_1667, %get3A_1668] : memref<6x3x512x512xf32, #tpu.memory_space<vmem>>, vector<1x3x512x512xf32>
    %get3A_1670 = vector.shape_cast %get3A_1669 : vector<1x3x512x512xf32> to vector<3x512x512xf32>
    %slice3A_1671 = vector.extract_strided_slice %get3A_1670 {offsets = [0, 0, 0], sizes = [1, 512, 512], strides = [1, 1, 1]} : vector<3x512x512xf32> to vector<1x512x512xf32>
    %squeeze3A_1672 = vector.shape_cast %slice3A_1671 : vector<1x512x512xf32> to vector<512x512xf32>
    %slice3A_1673 = vector.extract_strided_slice %get3A_1670 {offsets = [1, 0, 0], sizes = [1, 512, 512], strides = [1, 1, 1]} : vector<3x512x512xf32> to vector<1x512x512xf32>
    %squeeze3A_1674 = vector.shape_cast %slice3A_1673 : vector<1x512x512xf32> to vector<512x512xf32>
    %slice3A_1675 = vector.extract_strided_slice %get3A_1670 {offsets = [2, 0, 0], sizes = [1, 512, 512], strides = [1, 1, 1]} : vector<3x512x512xf32> to vector<1x512x512xf32>
    %squeeze3A_1676 = vector.shape_cast %slice3A_1675 : vector<1x512x512xf32> to vector<512x512xf32>
    %sub3A_1677 = arith.subf %squeeze3A_1674, %squeeze3A_1672 : vector<512x512xf32>
    %sub3A_1678 = arith.subf %squeeze3A_1676, %squeeze3A_1672 : vector<512x512xf32>
    %exp3A_1679 = math.exp %sub3A_1677 : vector<512x512xf32>
    %exp3A_1680 = math.exp %sub3A_1678 : vector<512x512xf32>
    %add3A_1681 = arith.constant 1.000000e+00 : f32
    %add3A_1682 = vector.broadcast %add3A_1681 : f32 to vector<512x512xf32>
    %add3A_1683 = arith.addf %add3A_1682, %exp3A_1679 : vector<512x512xf32>
    %add3A_1684 = arith.addf %add3A_1683, %exp3A_1680 : vector<512x512xf32>
    %div3A_1685 = arith.constant 1.000000e+00 : f32
    %div3A_1686 = vector.broadcast %div3A_1685 : f32 to vector<512x512xf32>
    %div3A_1687 = arith.divf %div3A_1686, %add3A_1684 : vector<512x512xf32>
    %mul3A_1688 = arith.mulf %exp3A_1679, %div3A_1687 : vector<512x512xf32>
    %reduce_sum3A_1689 = vector.shape_cast %mul3A_1688 : vector<512x512xf32> to vector<1x512x512xf32>
    %reduce_sum3A_1690 = arith.constant dense<0.000000e+00> : vector<1xf32>
    %reduce_sum3A_1691 = vector.multi_reduction <add>, %reduce_sum3A_1689, %reduce_sum3A_1690 [1, 2] : vector<1x512x512xf32> to vector<1xf32>
    %reduce_sum3A_1692 = vector.shape_cast %reduce_sum3A_1691 : vector<1xf32> to vector<1x1x1xf32>
    %reduce_sum3A_1693 = vector.extract %reduce_sum3A_1692[0, 0, 0] : f32 from vector<1x1x1xf32>
    %mul3A_1694 = arith.mulf %exp3A_1680, %div3A_1687 : vector<512x512xf32>
    %reduce_sum3A_1695 = vector.shape_cast %mul3A_1694 : vector<512x512xf32> to vector<1x512x512xf32>
    %reduce_sum3A_1696 = arith.constant dense<0.000000e+00> : vector<1xf32>
    %reduce_sum3A_1697 = vector.multi_reduction <add>, %reduce_sum3A_1695, %reduce_sum3A_1696 [1, 2] : vector<1x512x512xf32> to vector<1xf32>
    %reduce_sum3A_1698 = vector.shape_cast %reduce_sum3A_1697 : vector<1xf32> to vector<1x1x1xf32>
    %reduce_sum3A_1699 = vector.extract %reduce_sum3A_1698[0, 0, 0] : f32 from vector<1x1x1xf32>
    %gt3A_1700 = arith.constant 0.000000e+00 : f32
    %gt3A_1701 = vector.broadcast %gt3A_1700 : f32 to vector<512x512xf32>
    %gt3A_1702 = arith.cmpf ogt, %sub3A_1677, %gt3A_1701 : vector<512x512xf32>
    %ge3A_1703 = arith.cmpf oge, %sub3A_1677, %sub3A_1678 : vector<512x512xf32>
    %and3A_1704 = arith.andi %gt3A_1702, %ge3A_1703 : vector<512x512xi1>
    %gt3A_1705 = arith.constant 0.000000e+00 : f32
    %gt3A_1706 = vector.broadcast %gt3A_1705 : f32 to vector<512x512xf32>
    %gt3A_1707 = arith.cmpf ogt, %sub3A_1678, %gt3A_1706 : vector<512x512xf32>
    %gt3A_1708 = arith.cmpf ogt, %sub3A_1678, %sub3A_1677 : vector<512x512xf32>
    %and3A_1709 = arith.andi %gt3A_1707, %gt3A_1708 : vector<512x512xi1>
    %reduce_or3A_1710 = arith.constant 1.000000e+00 : f32
    %reduce_or3A_1711 = arith.constant 0.000000e+00 : f32
    %reduce_or3A_1712 = vector.broadcast %reduce_or3A_1710 : f32 to vector<512x512xf32>
    %reduce_or3A_1713 = vector.broadcast %reduce_or3A_1711 : f32 to vector<512x512xf32>
    %reduce_or3A_1714 = arith.select %and3A_1704, %reduce_or3A_1712, %reduce_or3A_1713 : vector<512x512xi1>, vector<512x512xf32>
    %reduce_or3A_1715 = arith.constant dense<0xFF800000> : vector<512xf32>
    %reduce_or3A_1716 = vector.multi_reduction <maximumf>, %reduce_or3A_1714, %reduce_or3A_1715 [1] : vector<512x512xf32> to vector<512xf32>
    %reduce_or3A_1717 = arith.constant 0.000000e+00 : f32
    %reduce_or3A_1718 = vector.broadcast %reduce_or3A_1717 : f32 to vector<512xf32>
    %reduce_or3A_1719 = arith.cmpf ogt, %reduce_or3A_1716, %reduce_or3A_1718 : vector<512xf32>
    %reduce_or3A_1720 = arith.constant 1.000000e+00 : f32
    %reduce_or3A_1721 = arith.constant 0.000000e+00 : f32
    %reduce_or3A_1722 = vector.broadcast %reduce_or3A_1720 : f32 to vector<512x512xf32>
    %reduce_or3A_1723 = vector.broadcast %reduce_or3A_1721 : f32 to vector<512x512xf32>
    %reduce_or3A_1724 = arith.select %and3A_1709, %reduce_or3A_1722, %reduce_or3A_1723 : vector<512x512xi1>, vector<512x512xf32>
    %reduce_or3A_1725 = arith.constant dense<0xFF800000> : vector<512xf32>
    %reduce_or3A_1726 = vector.multi_reduction <maximumf>, %reduce_or3A_1724, %reduce_or3A_1725 [1] : vector<512x512xf32> to vector<512xf32>
    %reduce_or3A_1727 = arith.constant 0.000000e+00 : f32
    %reduce_or3A_1728 = vector.broadcast %reduce_or3A_1727 : f32 to vector<512xf32>
    %reduce_or3A_1729 = arith.cmpf ogt, %reduce_or3A_1726, %reduce_or3A_1728 : vector<512xf32>
    %iota3A_1730 = tpu.iota {dimensions = array<i32: 1>} : vector<1x512xi32>
    %iota3A_1731 = vector.shape_cast %iota3A_1730 : vector<1x512xi32> to vector<512xi32>
    %convert_element_type3A_1732 = arith.sitofp %iota3A_1731 : vector<512xi32> to vector<512xf32>
    %jit3A_1733 = arith.constant 5.120000e+02 : f32
    %broadcast_in_dim3A_1734 = vector.broadcast %jit3A_1733 : f32 to vector<512xf32>
    %select_n3A_1735 = arith.select %reduce_or3A_1719, %convert_element_type3A_1732, %broadcast_in_dim3A_1734 : vector<512xi1>, vector<512xf32>
    %reduce_min3A_1736 = vector.shape_cast %select_n3A_1735 : vector<512xf32> to vector<1x512xf32>
    %reduce_min3A_1737 = arith.constant dense<0x7F800000> : vector<1xf32>
    %reduce_min3A_1738 = vector.multi_reduction <minimumf>, %reduce_min3A_1736, %reduce_min3A_1737 [1] : vector<1x512xf32> to vector<1xf32>
    %reduce_min3A_1739 = vector.shape_cast %reduce_min3A_1738 : vector<1xf32> to vector<1x1xf32>
    %reduce_min3A_1740 = vector.extract %reduce_min3A_1739[0, 0] : f32 from vector<1x1xf32>
    %jit3A_1741 = arith.constant -1.000000e+00 : f32
    %broadcast_in_dim3A_1742 = vector.broadcast %jit3A_1741 : f32 to vector<512xf32>
    %select_n3A_1743 = arith.select %reduce_or3A_1719, %convert_element_type3A_1732, %broadcast_in_dim3A_1742 : vector<512xi1>, vector<512xf32>
    %reduce_max3A_1744 = vector.shape_cast %select_n3A_1743 : vector<512xf32> to vector<1x512xf32>
    %reduce_max3A_1745 = arith.constant dense<0xFF800000> : vector<1xf32>
    %reduce_max3A_1746 = vector.multi_reduction <maximumf>, %reduce_max3A_1744, %reduce_max3A_1745 [1] : vector<1x512xf32> to vector<1xf32>
    %reduce_max3A_1747 = vector.shape_cast %reduce_max3A_1746 : vector<1xf32> to vector<1x1xf32>
    %reduce_max3A_1748 = vector.extract %reduce_max3A_1747[0, 0] : f32 from vector<1x1xf32>
    %jit3A_1749 = arith.constant 5.120000e+02 : f32
    %broadcast_in_dim3A_1750 = vector.broadcast %jit3A_1749 : f32 to vector<512xf32>
    %select_n3A_1751 = arith.select %reduce_or3A_1729, %convert_element_type3A_1732, %broadcast_in_dim3A_1750 : vector<512xi1>, vector<512xf32>
    %reduce_min3A_1752 = vector.shape_cast %select_n3A_1751 : vector<512xf32> to vector<1x512xf32>
    %reduce_min3A_1753 = arith.constant dense<0x7F800000> : vector<1xf32>
    %reduce_min3A_1754 = vector.multi_reduction <minimumf>, %reduce_min3A_1752, %reduce_min3A_1753 [1] : vector<1x512xf32> to vector<1xf32>
    %reduce_min3A_1755 = vector.shape_cast %reduce_min3A_1754 : vector<1xf32> to vector<1x1xf32>
    %reduce_min3A_1756 = vector.extract %reduce_min3A_1755[0, 0] : f32 from vector<1x1xf32>
    %jit3A_1757 = arith.constant -1.000000e+00 : f32
    %broadcast_in_dim3A_1758 = vector.broadcast %jit3A_1757 : f32 to vector<512xf32>
    %select_n3A_1759 = arith.select %reduce_or3A_1729, %convert_element_type3A_1732, %broadcast_in_dim3A_1758 : vector<512xi1>, vector<512xf32>
    %reduce_max3A_1760 = vector.shape_cast %select_n3A_1759 : vector<512xf32> to vector<1x512xf32>
    %reduce_max3A_1761 = arith.constant dense<0xFF800000> : vector<1xf32>
    %reduce_max3A_1762 = vector.multi_reduction <maximumf>, %reduce_max3A_1760, %reduce_max3A_1761 [1] : vector<1x512xf32> to vector<1xf32>
    %reduce_max3A_1763 = vector.shape_cast %reduce_max3A_1762 : vector<1xf32> to vector<1x1xf32>
    %reduce_max3A_1764 = vector.extract %reduce_max3A_1763[0, 0] : f32 from vector<1x1xf32>
    %iota3A_1765 = tpu.iota {dimensions = array<i32: 1>} : vector<1x128xi32>
    %broadcast_in_dim3A_1766 = arith.constant 0.000000e+00 : f32
    %broadcast_in_dim3A_1767 = vector.broadcast %broadcast_in_dim3A_1766 : f32 to vector<1x128xf32>
    %eq3A_1768 = arith.constant 0 : i32
    %eq3A_1769 = vector.broadcast %eq3A_1768 : i32 to vector<1x128xi32>
    %eq3A_1770 = arith.cmpi eq, %iota3A_1765, %eq3A_1769 : vector<1x128xi32>
    %broadcast_in_dim3A_1771 = vector.broadcast %reduce_min3A_1740 : f32 to vector<1x128xf32>
    %select_n3A_1772 = arith.select %eq3A_1770, %broadcast_in_dim3A_1771, %broadcast_in_dim3A_1767 : vector<1x128xi1>, vector<1x128xf32>
    %eq3A_1773 = arith.constant 1 : i32
    %eq3A_1774 = vector.broadcast %eq3A_1773 : i32 to vector<1x128xi32>
    %eq3A_1775 = arith.cmpi eq, %iota3A_1765, %eq3A_1774 : vector<1x128xi32>
    %broadcast_in_dim3A_1776 = vector.broadcast %reduce_max3A_1748 : f32 to vector<1x128xf32>
    %select_n3A_1777 = arith.select %eq3A_1775, %broadcast_in_dim3A_1776, %select_n3A_1772 : vector<1x128xi1>, vector<1x128xf32>
    %eq3A_1778 = arith.constant 2 : i32
    %eq3A_1779 = vector.broadcast %eq3A_1778 : i32 to vector<1x128xi32>
    %eq3A_1780 = arith.cmpi eq, %iota3A_1765, %eq3A_1779 : vector<1x128xi32>
    %broadcast_in_dim3A_1781 = vector.broadcast %reduce_min3A_1756 : f32 to vector<1x128xf32>
    %select_n3A_1782 = arith.select %eq3A_1780, %broadcast_in_dim3A_1781, %select_n3A_1777 : vector<1x128xi1>, vector<1x128xf32>
    %eq3A_1783 = arith.constant 3 : i32
    %eq3A_1784 = vector.broadcast %eq3A_1783 : i32 to vector<1x128xi32>
    %eq3A_1785 = arith.cmpi eq, %iota3A_1765, %eq3A_1784 : vector<1x128xi32>
    %broadcast_in_dim3A_1786 = vector.broadcast %reduce_max3A_1764 : f32 to vector<1x128xf32>
    %select_n3A_1787 = arith.select %eq3A_1785, %broadcast_in_dim3A_1786, %select_n3A_1782 : vector<1x128xi1>, vector<1x128xf32>
    %eq3A_1788 = arith.constant 4 : i32
    %eq3A_1789 = vector.broadcast %eq3A_1788 : i32 to vector<1x128xi32>
    %eq3A_1790 = arith.cmpi eq, %iota3A_1765, %eq3A_1789 : vector<1x128xi32>
    %broadcast_in_dim3A_1791 = vector.broadcast %reduce_sum3A_1693 : f32 to vector<1x128xf32>
    %select_n3A_1792 = arith.select %eq3A_1790, %broadcast_in_dim3A_1791, %select_n3A_1787 : vector<1x128xi1>, vector<1x128xf32>
    %eq3A_1793 = arith.constant 5 : i32
    %eq3A_1794 = vector.broadcast %eq3A_1793 : i32 to vector<1x128xi32>
    %eq3A_1795 = arith.cmpi eq, %iota3A_1765, %eq3A_1794 : vector<1x128xi32>
    %broadcast_in_dim3A_1796 = vector.broadcast %reduce_sum3A_1699 : f32 to vector<1x128xf32>
    %select_n3A_1797 = arith.select %eq3A_1795, %broadcast_in_dim3A_1796, %select_n3A_1792 : vector<1x128xi1>, vector<1x128xf32>
    %swap3A_1798 = arith.constant 6 : index
    %swap3A_1799 = arith.constant 0 : index
    %swap3A_1800 = arith.constant 0 : index
    %swap3A_1801 = vector.load %arg1[%swap3A_1798, %swap3A_1799, %swap3A_1800] : memref<12x1x128xf32, #tpu.memory_space<vmem>>, vector<1x1x128xf32>
    %swap3A_1802 = vector.shape_cast %swap3A_1801 : vector<1x1x128xf32> to vector<1x128xf32>
    %swap3A_1803 = vector.shape_cast %select_n3A_1797 : vector<1x128xf32> to vector<1x1x128xf32>
    tpu.vector_store %arg1[%swap3A_1798, %swap3A_1799, %swap3A_1800], %swap3A_1803 {strides = array<i32>} : memref<12x1x128xf32, #tpu.memory_space<vmem>>, vector<1x1x128xf32>,
    %dma_wait3A_1804 = arith.constant 7 : i32
    %dma_wait3A_1805 = arith.constant 0 : i32
    %dma_wait3A_1806 = arith.constant 1 : i32
    %dma_wait3A_1807 = arith.constant 0 : i32
    %dma_wait3A_1808 = arith.constant 1 : i32
    %dma_wait3A_1809 = tpu.memref_slice %arg3[%dma_wait3A_1808] : memref<6x!tpu.dma_semaphore, #tpu.memory_space<semaphore_mem>> -> memref<1x!tpu.dma_semaphore, #tpu.memory_space<semaphore_mem>>
    %dma_wait3A_1810 = tpu.memref_squeeze %dma_wait3A_1809 : memref<1x!tpu.dma_semaphore, #tpu.memory_space<semaphore_mem>> -> memref<!tpu.dma_semaphore, #tpu.memory_space<semaphore_mem>>
    %dma_wait3A_1811 = arith.constant 0 : i32
    %dma_wait3A_1812 = arith.constant 0 : i32
    %dma_wait3A_1813 = tpu.memref_slice %arg2[%dma_wait3A_1806, %dma_wait3A_1807, %dma_wait3A_1811, %dma_wait3A_1812] : memref<6x3x512x512xf32, #tpu.memory_space<vmem>> -> memref<1x1x512x512xf32, #tpu.memory_space<vmem>>
    %dma_wait3A_1814 = tpu.memref_squeeze %dma_wait3A_1813 : memref<1x1x512x512xf32, #tpu.memory_space<vmem>> -> memref<512x512xf32, #tpu.memory_space<vmem>>
    %dma_wait3A_1815 = arith.constant 0 : i32
    %dma_wait3A_1816 = arith.constant 0 : i32
    %dma_wait3A_1817 = tpu.memref_slice %arg0[%dma_wait3A_1804, %dma_wait3A_1805, %dma_wait3A_1815, %dma_wait3A_1816] : memref<16x3x512x512xf32, #tpu.memory_space<any>> -> memref<1x1x512x512xf32, #tpu.memory_space<any>>
    %dma_wait3A_1818 = tpu.memref_squeeze %dma_wait3A_1817 : memref<1x1x512x512xf32, #tpu.memory_space<any>> -> memref<512x512xf32, #tpu.memory_space<any>>
    tpu.wait_dma2 semaphore(%dma_wait3A_1810 : memref<!tpu.dma_semaphore, #tpu.memory_space<semaphore_mem>>) src(%dma_wait3A_1818 : memref<512x512xf32, #tpu.memory_space<any>>) dst(%dma_wait3A_1814 : memref<512x512xf32, #tpu.memory_space<vmem>>)
    %dma_wait3A_1819 = arith.constant 7 : i32
    %dma_wait3A_1820 = arith.constant 1 : i32
    %dma_wait3A_1821 = arith.constant 1 : i32
    %dma_wait3A_1822 = arith.constant 1 : i32
    %dma_wait3A_1823 = arith.constant 1 : i32
    %dma_wait3A_1824 = tpu.memref_slice %arg3[%dma_wait3A_1823] : memref<6x!tpu.dma_semaphore, #tpu.memory_space<semaphore_mem>> -> memref<1x!tpu.dma_semaphore, #tpu.memory_space<semaphore_mem>>
    %dma_wait3A_1825 = tpu.memref_squeeze %dma_wait3A_1824 : memref<1x!tpu.dma_semaphore, #tpu.memory_space<semaphore_mem>> -> memref<!tpu.dma_semaphore, #tpu.memory_space<semaphore_mem>>
    %dma_wait3A_1826 = arith.constant 0 : i32
    %dma_wait3A_1827 = arith.constant 0 : i32
    %dma_wait3A_1828 = tpu.memref_slice %arg2[%dma_wait3A_1821, %dma_wait3A_1822, %dma_wait3A_1826, %dma_wait3A_1827] : memref<6x3x512x512xf32, #tpu.memory_space<vmem>> -> memref<1x1x512x512xf32, #tpu.memory_space<vmem>>
    %dma_wait3A_1829 = tpu.memref_squeeze %dma_wait3A_1828 : memref<1x1x512x512xf32, #tpu.memory_space<vmem>> -> memref<512x512xf32, #tpu.memory_space<vmem>>
    %dma_wait3A_1830 = arith.constant 0 : i32
    %dma_wait3A_1831 = arith.constant 0 : i32
    %dma_wait3A_1832 = tpu.memref_slice %arg0[%dma_wait3A_1819, %dma_wait3A_1820, %dma_wait3A_1830, %dma_wait3A_1831] : memref<16x3x512x512xf32, #tpu.memory_space<any>> -> memref<1x1x512x512xf32, #tpu.memory_space<any>>
    %dma_wait3A_1833 = tpu.memref_squeeze %dma_wait3A_1832 : memref<1x1x512x512xf32, #tpu.memory_space<any>> -> memref<512x512xf32, #tpu.memory_space<any>>
    tpu.wait_dma2 semaphore(%dma_wait3A_1825 : memref<!tpu.dma_semaphore, #tpu.memory_space<semaphore_mem>>) src(%dma_wait3A_1833 : memref<512x512xf32, #tpu.memory_space<any>>) dst(%dma_wait3A_1829 : memref<512x512xf32, #tpu.memory_space<vmem>>)
    %dma_wait3A_1834 = arith.constant 7 : i32
    %dma_wait3A_1835 = arith.constant 2 : i32
    %dma_wait3A_1836 = arith.constant 1 : i32
    %dma_wait3A_1837 = arith.constant 2 : i32
    %dma_wait3A_1838 = arith.constant 1 : i32
    %dma_wait3A_1839 = tpu.memref_slice %arg3[%dma_wait3A_1838] : memref<6x!tpu.dma_semaphore, #tpu.memory_space<semaphore_mem>> -> memref<1x!tpu.dma_semaphore, #tpu.memory_space<semaphore_mem>>
    %dma_wait3A_1840 = tpu.memref_squeeze %dma_wait3A_1839 : memref<1x!tpu.dma_semaphore, #tpu.memory_space<semaphore_mem>> -> memref<!tpu.dma_semaphore, #tpu.memory_space<semaphore_mem>>
    %dma_wait3A_1841 = arith.constant 0 : i32
    %dma_wait3A_1842 = arith.constant 0 : i32
    %dma_wait3A_1843 = tpu.memref_slice %arg2[%dma_wait3A_1836, %dma_wait3A_1837, %dma_wait3A_1841, %dma_wait3A_1842] : memref<6x3x512x512xf32, #tpu.memory_space<vmem>> -> memref<1x1x512x512xf32, #tpu.memory_space<vmem>>
    %dma_wait3A_1844 = tpu.memref_squeeze %dma_wait3A_1843 : memref<1x1x512x512xf32, #tpu.memory_space<vmem>> -> memref<512x512xf32, #tpu.memory_space<vmem>>
    %dma_wait3A_1845 = arith.constant 0 : i32
    %dma_wait3A_1846 = arith.constant 0 : i32
    %dma_wait3A_1847 = tpu.memref_slice %arg0[%dma_wait3A_1834, %dma_wait3A_1835, %dma_wait3A_1845, %dma_wait3A_1846] : memref<16x3x512x512xf32, #tpu.memory_space<any>> -> memref<1x1x512x512xf32, #tpu.memory_space<any>>
    %dma_wait3A_1848 = tpu.memref_squeeze %dma_wait3A_1847 : memref<1x1x512x512xf32, #tpu.memory_space<any>> -> memref<512x512xf32, #tpu.memory_space<any>>
    tpu.wait_dma2 semaphore(%dma_wait3A_1840 : memref<!tpu.dma_semaphore, #tpu.memory_space<semaphore_mem>>) src(%dma_wait3A_1848 : memref<512x512xf32, #tpu.memory_space<any>>) dst(%dma_wait3A_1844 : memref<512x512xf32, #tpu.memory_space<vmem>>)
    %get3A_1849 = arith.constant 1 : index
    %get3A_1850 = arith.constant 0 : index
    %get3A_1851 = arith.constant 0 : index
    %get3A_1852 = arith.constant 0 : index
    %get3A_1853 = vector.load %arg2[%get3A_1849, %get3A_1850, %get3A_1851, %get3A_1852] : memref<6x3x512x512xf32, #tpu.memory_space<vmem>>, vector<1x3x512x512xf32>
    %get3A_1854 = vector.shape_cast %get3A_1853 : vector<1x3x512x512xf32> to vector<3x512x512xf32>
    %slice3A_1855 = vector.extract_strided_slice %get3A_1854 {offsets = [0, 0, 0], sizes = [1, 512, 512], strides = [1, 1, 1]} : vector<3x512x512xf32> to vector<1x512x512xf32>
    %squeeze3A_1856 = vector.shape_cast %slice3A_1855 : vector<1x512x512xf32> to vector<512x512xf32>
    %slice3A_1857 = vector.extract_strided_slice %get3A_1854 {offsets = [1, 0, 0], sizes = [1, 512, 512], strides = [1, 1, 1]} : vector<3x512x512xf32> to vector<1x512x512xf32>
    %squeeze3A_1858 = vector.shape_cast %slice3A_1857 : vector<1x512x512xf32> to vector<512x512xf32>
    %slice3A_1859 = vector.extract_strided_slice %get3A_1854 {offsets = [2, 0, 0], sizes = [1, 512, 512], strides = [1, 1, 1]} : vector<3x512x512xf32> to vector<1x512x512xf32>
    %squeeze3A_1860 = vector.shape_cast %slice3A_1859 : vector<1x512x512xf32> to vector<512x512xf32>
    %sub3A_1861 = arith.subf %squeeze3A_1858, %squeeze3A_1856 : vector<512x512xf32>
    %sub3A_1862 = arith.subf %squeeze3A_1860, %squeeze3A_1856 : vector<512x512xf32>
    %exp3A_1863 = math.exp %sub3A_1861 : vector<512x512xf32>
    %exp3A_1864 = math.exp %sub3A_1862 : vector<512x512xf32>
    %add3A_1865 = arith.constant 1.000000e+00 : f32
    %add3A_1866 = vector.broadcast %add3A_1865 : f32 to vector<512x512xf32>
    %add3A_1867 = arith.addf %add3A_1866, %exp3A_1863 : vector<512x512xf32>
    %add3A_1868 = arith.addf %add3A_1867, %exp3A_1864 : vector<512x512xf32>
    %div3A_1869 = arith.constant 1.000000e+00 : f32
    %div3A_1870 = vector.broadcast %div3A_1869 : f32 to vector<512x512xf32>
    %div3A_1871 = arith.divf %div3A_1870, %add3A_1868 : vector<512x512xf32>
    %mul3A_1872 = arith.mulf %exp3A_1863, %div3A_1871 : vector<512x512xf32>
    %reduce_sum3A_1873 = vector.shape_cast %mul3A_1872 : vector<512x512xf32> to vector<1x512x512xf32>
    %reduce_sum3A_1874 = arith.constant dense<0.000000e+00> : vector<1xf32>
    %reduce_sum3A_1875 = vector.multi_reduction <add>, %reduce_sum3A_1873, %reduce_sum3A_1874 [1, 2] : vector<1x512x512xf32> to vector<1xf32>
    %reduce_sum3A_1876 = vector.shape_cast %reduce_sum3A_1875 : vector<1xf32> to vector<1x1x1xf32>
    %reduce_sum3A_1877 = vector.extract %reduce_sum3A_1876[0, 0, 0] : f32 from vector<1x1x1xf32>
    %mul3A_1878 = arith.mulf %exp3A_1864, %div3A_1871 : vector<512x512xf32>
    %reduce_sum3A_1879 = vector.shape_cast %mul3A_1878 : vector<512x512xf32> to vector<1x512x512xf32>
    %reduce_sum3A_1880 = arith.constant dense<0.000000e+00> : vector<1xf32>
    %reduce_sum3A_1881 = vector.multi_reduction <add>, %reduce_sum3A_1879, %reduce_sum3A_1880 [1, 2] : vector<1x512x512xf32> to vector<1xf32>
    %reduce_sum3A_1882 = vector.shape_cast %reduce_sum3A_1881 : vector<1xf32> to vector<1x1x1xf32>
    %reduce_sum3A_1883 = vector.extract %reduce_sum3A_1882[0, 0, 0] : f32 from vector<1x1x1xf32>
    %gt3A_1884 = arith.constant 0.000000e+00 : f32
    %gt3A_1885 = vector.broadcast %gt3A_1884 : f32 to vector<512x512xf32>
    %gt3A_1886 = arith.cmpf ogt, %sub3A_1861, %gt3A_1885 : vector<512x512xf32>
    %ge3A_1887 = arith.cmpf oge, %sub3A_1861, %sub3A_1862 : vector<512x512xf32>
    %and3A_1888 = arith.andi %gt3A_1886, %ge3A_1887 : vector<512x512xi1>
    %gt3A_1889 = arith.constant 0.000000e+00 : f32
    %gt3A_1890 = vector.broadcast %gt3A_1889 : f32 to vector<512x512xf32>
    %gt3A_1891 = arith.cmpf ogt, %sub3A_1862, %gt3A_1890 : vector<512x512xf32>
    %gt3A_1892 = arith.cmpf ogt, %sub3A_1862, %sub3A_1861 : vector<512x512xf32>
    %and3A_1893 = arith.andi %gt3A_1891, %gt3A_1892 : vector<512x512xi1>
    %reduce_or3A_1894 = arith.constant 1.000000e+00 : f32
    %reduce_or3A_1895 = arith.constant 0.000000e+00 : f32
    %reduce_or3A_1896 = vector.broadcast %reduce_or3A_1894 : f32 to vector<512x512xf32>
    %reduce_or3A_1897 = vector.broadcast %reduce_or3A_1895 : f32 to vector<512x512xf32>
    %reduce_or3A_1898 = arith.select %and3A_1888, %reduce_or3A_1896, %reduce_or3A_1897 : vector<512x512xi1>, vector<512x512xf32>
    %reduce_or3A_1899 = arith.constant dense<0xFF800000> : vector<512xf32>
    %reduce_or3A_1900 = vector.multi_reduction <maximumf>, %reduce_or3A_1898, %reduce_or3A_1899 [1] : vector<512x512xf32> to vector<512xf32>
    %reduce_or3A_1901 = arith.constant 0.000000e+00 : f32
    %reduce_or3A_1902 = vector.broadcast %reduce_or3A_1901 : f32 to vector<512xf32>
    %reduce_or3A_1903 = arith.cmpf ogt, %reduce_or3A_1900, %reduce_or3A_1902 : vector<512xf32>
    %reduce_or3A_1904 = arith.constant 1.000000e+00 : f32
    %reduce_or3A_1905 = arith.constant 0.000000e+00 : f32
    %reduce_or3A_1906 = vector.broadcast %reduce_or3A_1904 : f32 to vector<512x512xf32>
    %reduce_or3A_1907 = vector.broadcast %reduce_or3A_1905 : f32 to vector<512x512xf32>
    %reduce_or3A_1908 = arith.select %and3A_1893, %reduce_or3A_1906, %reduce_or3A_1907 : vector<512x512xi1>, vector<512x512xf32>
    %reduce_or3A_1909 = arith.constant dense<0xFF800000> : vector<512xf32>
    %reduce_or3A_1910 = vector.multi_reduction <maximumf>, %reduce_or3A_1908, %reduce_or3A_1909 [1] : vector<512x512xf32> to vector<512xf32>
    %reduce_or3A_1911 = arith.constant 0.000000e+00 : f32
    %reduce_or3A_1912 = vector.broadcast %reduce_or3A_1911 : f32 to vector<512xf32>
    %reduce_or3A_1913 = arith.cmpf ogt, %reduce_or3A_1910, %reduce_or3A_1912 : vector<512xf32>
    %iota3A_1914 = tpu.iota {dimensions = array<i32: 1>} : vector<1x512xi32>
    %iota3A_1915 = vector.shape_cast %iota3A_1914 : vector<1x512xi32> to vector<512xi32>
    %convert_element_type3A_1916 = arith.sitofp %iota3A_1915 : vector<512xi32> to vector<512xf32>
    %jit3A_1917 = arith.constant 5.120000e+02 : f32
    %broadcast_in_dim3A_1918 = vector.broadcast %jit3A_1917 : f32 to vector<512xf32>
    %select_n3A_1919 = arith.select %reduce_or3A_1903, %convert_element_type3A_1916, %broadcast_in_dim3A_1918 : vector<512xi1>, vector<512xf32>
    %reduce_min3A_1920 = vector.shape_cast %select_n3A_1919 : vector<512xf32> to vector<1x512xf32>
    %reduce_min3A_1921 = arith.constant dense<0x7F800000> : vector<1xf32>
    %reduce_min3A_1922 = vector.multi_reduction <minimumf>, %reduce_min3A_1920, %reduce_min3A_1921 [1] : vector<1x512xf32> to vector<1xf32>
    %reduce_min3A_1923 = vector.shape_cast %reduce_min3A_1922 : vector<1xf32> to vector<1x1xf32>
    %reduce_min3A_1924 = vector.extract %reduce_min3A_1923[0, 0] : f32 from vector<1x1xf32>
    %jit3A_1925 = arith.constant -1.000000e+00 : f32
    %broadcast_in_dim3A_1926 = vector.broadcast %jit3A_1925 : f32 to vector<512xf32>
    %select_n3A_1927 = arith.select %reduce_or3A_1903, %convert_element_type3A_1916, %broadcast_in_dim3A_1926 : vector<512xi1>, vector<512xf32>
    %reduce_max3A_1928 = vector.shape_cast %select_n3A_1927 : vector<512xf32> to vector<1x512xf32>
    %reduce_max3A_1929 = arith.constant dense<0xFF800000> : vector<1xf32>
    %reduce_max3A_1930 = vector.multi_reduction <maximumf>, %reduce_max3A_1928, %reduce_max3A_1929 [1] : vector<1x512xf32> to vector<1xf32>
    %reduce_max3A_1931 = vector.shape_cast %reduce_max3A_1930 : vector<1xf32> to vector<1x1xf32>
    %reduce_max3A_1932 = vector.extract %reduce_max3A_1931[0, 0] : f32 from vector<1x1xf32>
    %jit3A_1933 = arith.constant 5.120000e+02 : f32
    %broadcast_in_dim3A_1934 = vector.broadcast %jit3A_1933 : f32 to vector<512xf32>
    %select_n3A_1935 = arith.select %reduce_or3A_1913, %convert_element_type3A_1916, %broadcast_in_dim3A_1934 : vector<512xi1>, vector<512xf32>
    %reduce_min3A_1936 = vector.shape_cast %select_n3A_1935 : vector<512xf32> to vector<1x512xf32>
    %reduce_min3A_1937 = arith.constant dense<0x7F800000> : vector<1xf32>
    %reduce_min3A_1938 = vector.multi_reduction <minimumf>, %reduce_min3A_1936, %reduce_min3A_1937 [1] : vector<1x512xf32> to vector<1xf32>
    %reduce_min3A_1939 = vector.shape_cast %reduce_min3A_1938 : vector<1xf32> to vector<1x1xf32>
    %reduce_min3A_1940 = vector.extract %reduce_min3A_1939[0, 0] : f32 from vector<1x1xf32>
    %jit3A_1941 = arith.constant -1.000000e+00 : f32
    %broadcast_in_dim3A_1942 = vector.broadcast %jit3A_1941 : f32 to vector<512xf32>
    %select_n3A_1943 = arith.select %reduce_or3A_1913, %convert_element_type3A_1916, %broadcast_in_dim3A_1942 : vector<512xi1>, vector<512xf32>
    %reduce_max3A_1944 = vector.shape_cast %select_n3A_1943 : vector<512xf32> to vector<1x512xf32>
    %reduce_max3A_1945 = arith.constant dense<0xFF800000> : vector<1xf32>
    %reduce_max3A_1946 = vector.multi_reduction <maximumf>, %reduce_max3A_1944, %reduce_max3A_1945 [1] : vector<1x512xf32> to vector<1xf32>
    %reduce_max3A_1947 = vector.shape_cast %reduce_max3A_1946 : vector<1xf32> to vector<1x1xf32>
    %reduce_max3A_1948 = vector.extract %reduce_max3A_1947[0, 0] : f32 from vector<1x1xf32>
    %iota3A_1949 = tpu.iota {dimensions = array<i32: 1>} : vector<1x128xi32>
    %broadcast_in_dim3A_1950 = arith.constant 0.000000e+00 : f32
    %broadcast_in_dim3A_1951 = vector.broadcast %broadcast_in_dim3A_1950 : f32 to vector<1x128xf32>
    %eq3A_1952 = arith.constant 0 : i32
    %eq3A_1953 = vector.broadcast %eq3A_1952 : i32 to vector<1x128xi32>
    %eq3A_1954 = arith.cmpi eq, %iota3A_1949, %eq3A_1953 : vector<1x128xi32>
    %broadcast_in_dim3A_1955 = vector.broadcast %reduce_min3A_1924 : f32 to vector<1x128xf32>
    %select_n3A_1956 = arith.select %eq3A_1954, %broadcast_in_dim3A_1955, %broadcast_in_dim3A_1951 : vector<1x128xi1>, vector<1x128xf32>
    %eq3A_1957 = arith.constant 1 : i32
    %eq3A_1958 = vector.broadcast %eq3A_1957 : i32 to vector<1x128xi32>
    %eq3A_1959 = arith.cmpi eq, %iota3A_1949, %eq3A_1958 : vector<1x128xi32>
    %broadcast_in_dim3A_1960 = vector.broadcast %reduce_max3A_1932 : f32 to vector<1x128xf32>
    %select_n3A_1961 = arith.select %eq3A_1959, %broadcast_in_dim3A_1960, %select_n3A_1956 : vector<1x128xi1>, vector<1x128xf32>
    %eq3A_1962 = arith.constant 2 : i32
    %eq3A_1963 = vector.broadcast %eq3A_1962 : i32 to vector<1x128xi32>
    %eq3A_1964 = arith.cmpi eq, %iota3A_1949, %eq3A_1963 : vector<1x128xi32>
    %broadcast_in_dim3A_1965 = vector.broadcast %reduce_min3A_1940 : f32 to vector<1x128xf32>
    %select_n3A_1966 = arith.select %eq3A_1964, %broadcast_in_dim3A_1965, %select_n3A_1961 : vector<1x128xi1>, vector<1x128xf32>
    %eq3A_1967 = arith.constant 3 : i32
    %eq3A_1968 = vector.broadcast %eq3A_1967 : i32 to vector<1x128xi32>
    %eq3A_1969 = arith.cmpi eq, %iota3A_1949, %eq3A_1968 : vector<1x128xi32>
    %broadcast_in_dim3A_1970 = vector.broadcast %reduce_max3A_1948 : f32 to vector<1x128xf32>
    %select_n3A_1971 = arith.select %eq3A_1969, %broadcast_in_dim3A_1970, %select_n3A_1966 : vector<1x128xi1>, vector<1x128xf32>
    %eq3A_1972 = arith.constant 4 : i32
    %eq3A_1973 = vector.broadcast %eq3A_1972 : i32 to vector<1x128xi32>
    %eq3A_1974 = arith.cmpi eq, %iota3A_1949, %eq3A_1973 : vector<1x128xi32>
    %broadcast_in_dim3A_1975 = vector.broadcast %reduce_sum3A_1877 : f32 to vector<1x128xf32>
    %select_n3A_1976 = arith.select %eq3A_1974, %broadcast_in_dim3A_1975, %select_n3A_1971 : vector<1x128xi1>, vector<1x128xf32>
    %eq3A_1977 = arith.constant 5 : i32
    %eq3A_1978 = vector.broadcast %eq3A_1977 : i32 to vector<1x128xi32>
    %eq3A_1979 = arith.cmpi eq, %iota3A_1949, %eq3A_1978 : vector<1x128xi32>
    %broadcast_in_dim3A_1980 = vector.broadcast %reduce_sum3A_1883 : f32 to vector<1x128xf32>
    %select_n3A_1981 = arith.select %eq3A_1979, %broadcast_in_dim3A_1980, %select_n3A_1976 : vector<1x128xi1>, vector<1x128xf32>
    %swap3A_1982 = arith.constant 7 : index
    %swap3A_1983 = arith.constant 0 : index
    %swap3A_1984 = arith.constant 0 : index
    %swap3A_1985 = vector.load %arg1[%swap3A_1982, %swap3A_1983, %swap3A_1984] : memref<12x1x128xf32, #tpu.memory_space<vmem>>, vector<1x1x128xf32>
    %swap3A_1986 = vector.shape_cast %swap3A_1985 : vector<1x1x128xf32> to vector<1x128xf32>
    %swap3A_1987 = vector.shape_cast %select_n3A_1981 : vector<1x128xf32> to vector<1x1x128xf32>
    tpu.vector_store %arg1[%swap3A_1982, %swap3A_1983, %swap3A_1984], %swap3A_1987 {strides = array<i32>} : memref<12x1x128xf32, #tpu.memory_space<vmem>>, vector<1x1x128xf32>,
    %dma_wait3A_1988 = arith.constant 8 : i32
    %dma_wait3A_1989 = arith.constant 0 : i32
    %dma_wait3A_1990 = arith.constant 2 : i32
    %dma_wait3A_1991 = arith.constant 0 : i32
    %dma_wait3A_1992 = arith.constant 2 : i32
    %dma_wait3A_1993 = tpu.memref_slice %arg3[%dma_wait3A_1992] : memref<6x!tpu.dma_semaphore, #tpu.memory_space<semaphore_mem>> -> memref<1x!tpu.dma_semaphore, #tpu.memory_space<semaphore_mem>>
    %dma_wait3A_1994 = tpu.memref_squeeze %dma_wait3A_1993 : memref<1x!tpu.dma_semaphore, #tpu.memory_space<semaphore_mem>> -> memref<!tpu.dma_semaphore, #tpu.memory_space<semaphore_mem>>
    %dma_wait3A_1995 = arith.constant 0 : i32
    %dma_wait3A_1996 = arith.constant 0 : i32
    %dma_wait3A_1997 = tpu.memref_slice %arg2[%dma_wait3A_1990, %dma_wait3A_1991, %dma_wait3A_1995, %dma_wait3A_1996] : memref<6x3x512x512xf32, #tpu.memory_space<vmem>> -> memref<1x1x512x512xf32, #tpu.memory_space<vmem>>
    %dma_wait3A_1998 = tpu.memref_squeeze %dma_wait3A_1997 : memref<1x1x512x512xf32, #tpu.memory_space<vmem>> -> memref<512x512xf32, #tpu.memory_space<vmem>>
    %dma_wait3A_1999 = arith.constant 0 : i32
    %dma_wait3A_2000 = arith.constant 0 : i32
    %dma_wait3A_2001 = tpu.memref_slice %arg0[%dma_wait3A_1988, %dma_wait3A_1989, %dma_wait3A_1999, %dma_wait3A_2000] : memref<16x3x512x512xf32, #tpu.memory_space<any>> -> memref<1x1x512x512xf32, #tpu.memory_space<any>>
    %dma_wait3A_2002 = tpu.memref_squeeze %dma_wait3A_2001 : memref<1x1x512x512xf32, #tpu.memory_space<any>> -> memref<512x512xf32, #tpu.memory_space<any>>
    tpu.wait_dma2 semaphore(%dma_wait3A_1994 : memref<!tpu.dma_semaphore, #tpu.memory_space<semaphore_mem>>) src(%dma_wait3A_2002 : memref<512x512xf32, #tpu.memory_space<any>>) dst(%dma_wait3A_1998 : memref<512x512xf32, #tpu.memory_space<vmem>>)
    %dma_wait3A_2003 = arith.constant 8 : i32
    %dma_wait3A_2004 = arith.constant 1 : i32
    %dma_wait3A_2005 = arith.constant 2 : i32
    %dma_wait3A_2006 = arith.constant 1 : i32
    %dma_wait3A_2007 = arith.constant 2 : i32
    %dma_wait3A_2008 = tpu.memref_slice %arg3[%dma_wait3A_2007] : memref<6x!tpu.dma_semaphore, #tpu.memory_space<semaphore_mem>> -> memref<1x!tpu.dma_semaphore, #tpu.memory_space<semaphore_mem>>
    %dma_wait3A_2009 = tpu.memref_squeeze %dma_wait3A_2008 : memref<1x!tpu.dma_semaphore, #tpu.memory_space<semaphore_mem>> -> memref<!tpu.dma_semaphore, #tpu.memory_space<semaphore_mem>>
    %dma_wait3A_2010 = arith.constant 0 : i32
    %dma_wait3A_2011 = arith.constant 0 : i32
    %dma_wait3A_2012 = tpu.memref_slice %arg2[%dma_wait3A_2005, %dma_wait3A_2006, %dma_wait3A_2010, %dma_wait3A_2011] : memref<6x3x512x512xf32, #tpu.memory_space<vmem>> -> memref<1x1x512x512xf32, #tpu.memory_space<vmem>>
    %dma_wait3A_2013 = tpu.memref_squeeze %dma_wait3A_2012 : memref<1x1x512x512xf32, #tpu.memory_space<vmem>> -> memref<512x512xf32, #tpu.memory_space<vmem>>
    %dma_wait3A_2014 = arith.constant 0 : i32
    %dma_wait3A_2015 = arith.constant 0 : i32
    %dma_wait3A_2016 = tpu.memref_slice %arg0[%dma_wait3A_2003, %dma_wait3A_2004, %dma_wait3A_2014, %dma_wait3A_2015] : memref<16x3x512x512xf32, #tpu.memory_space<any>> -> memref<1x1x512x512xf32, #tpu.memory_space<any>>
    %dma_wait3A_2017 = tpu.memref_squeeze %dma_wait3A_2016 : memref<1x1x512x512xf32, #tpu.memory_space<any>> -> memref<512x512xf32, #tpu.memory_space<any>>
    tpu.wait_dma2 semaphore(%dma_wait3A_2009 : memref<!tpu.dma_semaphore, #tpu.memory_space<semaphore_mem>>) src(%dma_wait3A_2017 : memref<512x512xf32, #tpu.memory_space<any>>) dst(%dma_wait3A_2013 : memref<512x512xf32, #tpu.memory_space<vmem>>)
    %dma_wait3A_2018 = arith.constant 8 : i32
    %dma_wait3A_2019 = arith.constant 2 : i32
    %dma_wait3A_2020 = arith.constant 2 : i32
    %dma_wait3A_2021 = arith.constant 2 : i32
    %dma_wait3A_2022 = arith.constant 2 : i32
    %dma_wait3A_2023 = tpu.memref_slice %arg3[%dma_wait3A_2022] : memref<6x!tpu.dma_semaphore, #tpu.memory_space<semaphore_mem>> -> memref<1x!tpu.dma_semaphore, #tpu.memory_space<semaphore_mem>>
    %dma_wait3A_2024 = tpu.memref_squeeze %dma_wait3A_2023 : memref<1x!tpu.dma_semaphore, #tpu.memory_space<semaphore_mem>> -> memref<!tpu.dma_semaphore, #tpu.memory_space<semaphore_mem>>
    %dma_wait3A_2025 = arith.constant 0 : i32
    %dma_wait3A_2026 = arith.constant 0 : i32
    %dma_wait3A_2027 = tpu.memref_slice %arg2[%dma_wait3A_2020, %dma_wait3A_2021, %dma_wait3A_2025, %dma_wait3A_2026] : memref<6x3x512x512xf32, #tpu.memory_space<vmem>> -> memref<1x1x512x512xf32, #tpu.memory_space<vmem>>
    %dma_wait3A_2028 = tpu.memref_squeeze %dma_wait3A_2027 : memref<1x1x512x512xf32, #tpu.memory_space<vmem>> -> memref<512x512xf32, #tpu.memory_space<vmem>>
    %dma_wait3A_2029 = arith.constant 0 : i32
    %dma_wait3A_2030 = arith.constant 0 : i32
    %dma_wait3A_2031 = tpu.memref_slice %arg0[%dma_wait3A_2018, %dma_wait3A_2019, %dma_wait3A_2029, %dma_wait3A_2030] : memref<16x3x512x512xf32, #tpu.memory_space<any>> -> memref<1x1x512x512xf32, #tpu.memory_space<any>>
    %dma_wait3A_2032 = tpu.memref_squeeze %dma_wait3A_2031 : memref<1x1x512x512xf32, #tpu.memory_space<any>> -> memref<512x512xf32, #tpu.memory_space<any>>
    tpu.wait_dma2 semaphore(%dma_wait3A_2024 : memref<!tpu.dma_semaphore, #tpu.memory_space<semaphore_mem>>) src(%dma_wait3A_2032 : memref<512x512xf32, #tpu.memory_space<any>>) dst(%dma_wait3A_2028 : memref<512x512xf32, #tpu.memory_space<vmem>>)
    %get3A_2033 = arith.constant 2 : index
    %get3A_2034 = arith.constant 0 : index
    %get3A_2035 = arith.constant 0 : index
    %get3A_2036 = arith.constant 0 : index
    %get3A_2037 = vector.load %arg2[%get3A_2033, %get3A_2034, %get3A_2035, %get3A_2036] : memref<6x3x512x512xf32, #tpu.memory_space<vmem>>, vector<1x3x512x512xf32>
    %get3A_2038 = vector.shape_cast %get3A_2037 : vector<1x3x512x512xf32> to vector<3x512x512xf32>
    %slice3A_2039 = vector.extract_strided_slice %get3A_2038 {offsets = [0, 0, 0], sizes = [1, 512, 512], strides = [1, 1, 1]} : vector<3x512x512xf32> to vector<1x512x512xf32>
    %squeeze3A_2040 = vector.shape_cast %slice3A_2039 : vector<1x512x512xf32> to vector<512x512xf32>
    %slice3A_2041 = vector.extract_strided_slice %get3A_2038 {offsets = [1, 0, 0], sizes = [1, 512, 512], strides = [1, 1, 1]} : vector<3x512x512xf32> to vector<1x512x512xf32>
    %squeeze3A_2042 = vector.shape_cast %slice3A_2041 : vector<1x512x512xf32> to vector<512x512xf32>
    %slice3A_2043 = vector.extract_strided_slice %get3A_2038 {offsets = [2, 0, 0], sizes = [1, 512, 512], strides = [1, 1, 1]} : vector<3x512x512xf32> to vector<1x512x512xf32>
    %squeeze3A_2044 = vector.shape_cast %slice3A_2043 : vector<1x512x512xf32> to vector<512x512xf32>
    %sub3A_2045 = arith.subf %squeeze3A_2042, %squeeze3A_2040 : vector<512x512xf32>
    %sub3A_2046 = arith.subf %squeeze3A_2044, %squeeze3A_2040 : vector<512x512xf32>
    %exp3A_2047 = math.exp %sub3A_2045 : vector<512x512xf32>
    %exp3A_2048 = math.exp %sub3A_2046 : vector<512x512xf32>
    %add3A_2049 = arith.constant 1.000000e+00 : f32
    %add3A_2050 = vector.broadcast %add3A_2049 : f32 to vector<512x512xf32>
    %add3A_2051 = arith.addf %add3A_2050, %exp3A_2047 : vector<512x512xf32>
    %add3A_2052 = arith.addf %add3A_2051, %exp3A_2048 : vector<512x512xf32>
    %div3A_2053 = arith.constant 1.000000e+00 : f32
    %div3A_2054 = vector.broadcast %div3A_2053 : f32 to vector<512x512xf32>
    %div3A_2055 = arith.divf %div3A_2054, %add3A_2052 : vector<512x512xf32>
    %mul3A_2056 = arith.mulf %exp3A_2047, %div3A_2055 : vector<512x512xf32>
    %reduce_sum3A_2057 = vector.shape_cast %mul3A_2056 : vector<512x512xf32> to vector<1x512x512xf32>
    %reduce_sum3A_2058 = arith.constant dense<0.000000e+00> : vector<1xf32>
    %reduce_sum3A_2059 = vector.multi_reduction <add>, %reduce_sum3A_2057, %reduce_sum3A_2058 [1, 2] : vector<1x512x512xf32> to vector<1xf32>
    %reduce_sum3A_2060 = vector.shape_cast %reduce_sum3A_2059 : vector<1xf32> to vector<1x1x1xf32>
    %reduce_sum3A_2061 = vector.extract %reduce_sum3A_2060[0, 0, 0] : f32 from vector<1x1x1xf32>
    %mul3A_2062 = arith.mulf %exp3A_2048, %div3A_2055 : vector<512x512xf32>
    %reduce_sum3A_2063 = vector.shape_cast %mul3A_2062 : vector<512x512xf32> to vector<1x512x512xf32>
    %reduce_sum3A_2064 = arith.constant dense<0.000000e+00> : vector<1xf32>
    %reduce_sum3A_2065 = vector.multi_reduction <add>, %reduce_sum3A_2063, %reduce_sum3A_2064 [1, 2] : vector<1x512x512xf32> to vector<1xf32>
    %reduce_sum3A_2066 = vector.shape_cast %reduce_sum3A_2065 : vector<1xf32> to vector<1x1x1xf32>
    %reduce_sum3A_2067 = vector.extract %reduce_sum3A_2066[0, 0, 0] : f32 from vector<1x1x1xf32>
    %gt3A_2068 = arith.constant 0.000000e+00 : f32
    %gt3A_2069 = vector.broadcast %gt3A_2068 : f32 to vector<512x512xf32>
    %gt3A_2070 = arith.cmpf ogt, %sub3A_2045, %gt3A_2069 : vector<512x512xf32>
    %ge3A_2071 = arith.cmpf oge, %sub3A_2045, %sub3A_2046 : vector<512x512xf32>
    %and3A_2072 = arith.andi %gt3A_2070, %ge3A_2071 : vector<512x512xi1>
    %gt3A_2073 = arith.constant 0.000000e+00 : f32
    %gt3A_2074 = vector.broadcast %gt3A_2073 : f32 to vector<512x512xf32>
    %gt3A_2075 = arith.cmpf ogt, %sub3A_2046, %gt3A_2074 : vector<512x512xf32>
    %gt3A_2076 = arith.cmpf ogt, %sub3A_2046, %sub3A_2045 : vector<512x512xf32>
    %and3A_2077 = arith.andi %gt3A_2075, %gt3A_2076 : vector<512x512xi1>
    %reduce_or3A_2078 = arith.constant 1.000000e+00 : f32
    %reduce_or3A_2079 = arith.constant 0.000000e+00 : f32
    %reduce_or3A_2080 = vector.broadcast %reduce_or3A_2078 : f32 to vector<512x512xf32>
    %reduce_or3A_2081 = vector.broadcast %reduce_or3A_2079 : f32 to vector<512x512xf32>
    %reduce_or3A_2082 = arith.select %and3A_2072, %reduce_or3A_2080, %reduce_or3A_2081 : vector<512x512xi1>, vector<512x512xf32>
    %reduce_or3A_2083 = arith.constant dense<0xFF800000> : vector<512xf32>
    %reduce_or3A_2084 = vector.multi_reduction <maximumf>, %reduce_or3A_2082, %reduce_or3A_2083 [1] : vector<512x512xf32> to vector<512xf32>
    %reduce_or3A_2085 = arith.constant 0.000000e+00 : f32
    %reduce_or3A_2086 = vector.broadcast %reduce_or3A_2085 : f32 to vector<512xf32>
    %reduce_or3A_2087 = arith.cmpf ogt, %reduce_or3A_2084, %reduce_or3A_2086 : vector<512xf32>
    %reduce_or3A_2088 = arith.constant 1.000000e+00 : f32
    %reduce_or3A_2089 = arith.constant 0.000000e+00 : f32
    %reduce_or3A_2090 = vector.broadcast %reduce_or3A_2088 : f32 to vector<512x512xf32>
    %reduce_or3A_2091 = vector.broadcast %reduce_or3A_2089 : f32 to vector<512x512xf32>
    %reduce_or3A_2092 = arith.select %and3A_2077, %reduce_or3A_2090, %reduce_or3A_2091 : vector<512x512xi1>, vector<512x512xf32>
    %reduce_or3A_2093 = arith.constant dense<0xFF800000> : vector<512xf32>
    %reduce_or3A_2094 = vector.multi_reduction <maximumf>, %reduce_or3A_2092, %reduce_or3A_2093 [1] : vector<512x512xf32> to vector<512xf32>
    %reduce_or3A_2095 = arith.constant 0.000000e+00 : f32
    %reduce_or3A_2096 = vector.broadcast %reduce_or3A_2095 : f32 to vector<512xf32>
    %reduce_or3A_2097 = arith.cmpf ogt, %reduce_or3A_2094, %reduce_or3A_2096 : vector<512xf32>
    %iota3A_2098 = tpu.iota {dimensions = array<i32: 1>} : vector<1x512xi32>
    %iota3A_2099 = vector.shape_cast %iota3A_2098 : vector<1x512xi32> to vector<512xi32>
    %convert_element_type3A_2100 = arith.sitofp %iota3A_2099 : vector<512xi32> to vector<512xf32>
    %jit3A_2101 = arith.constant 5.120000e+02 : f32
    %broadcast_in_dim3A_2102 = vector.broadcast %jit3A_2101 : f32 to vector<512xf32>
    %select_n3A_2103 = arith.select %reduce_or3A_2087, %convert_element_type3A_2100, %broadcast_in_dim3A_2102 : vector<512xi1>, vector<512xf32>
    %reduce_min3A_2104 = vector.shape_cast %select_n3A_2103 : vector<512xf32> to vector<1x512xf32>
    %reduce_min3A_2105 = arith.constant dense<0x7F800000> : vector<1xf32>
    %reduce_min3A_2106 = vector.multi_reduction <minimumf>, %reduce_min3A_2104, %reduce_min3A_2105 [1] : vector<1x512xf32> to vector<1xf32>
    %reduce_min3A_2107 = vector.shape_cast %reduce_min3A_2106 : vector<1xf32> to vector<1x1xf32>
    %reduce_min3A_2108 = vector.extract %reduce_min3A_2107[0, 0] : f32 from vector<1x1xf32>
    %jit3A_2109 = arith.constant -1.000000e+00 : f32
    %broadcast_in_dim3A_2110 = vector.broadcast %jit3A_2109 : f32 to vector<512xf32>
    %select_n3A_2111 = arith.select %reduce_or3A_2087, %convert_element_type3A_2100, %broadcast_in_dim3A_2110 : vector<512xi1>, vector<512xf32>
    %reduce_max3A_2112 = vector.shape_cast %select_n3A_2111 : vector<512xf32> to vector<1x512xf32>
    %reduce_max3A_2113 = arith.constant dense<0xFF800000> : vector<1xf32>
    %reduce_max3A_2114 = vector.multi_reduction <maximumf>, %reduce_max3A_2112, %reduce_max3A_2113 [1] : vector<1x512xf32> to vector<1xf32>
    %reduce_max3A_2115 = vector.shape_cast %reduce_max3A_2114 : vector<1xf32> to vector<1x1xf32>
    %reduce_max3A_2116 = vector.extract %reduce_max3A_2115[0, 0] : f32 from vector<1x1xf32>
    %jit3A_2117 = arith.constant 5.120000e+02 : f32
    %broadcast_in_dim3A_2118 = vector.broadcast %jit3A_2117 : f32 to vector<512xf32>
    %select_n3A_2119 = arith.select %reduce_or3A_2097, %convert_element_type3A_2100, %broadcast_in_dim3A_2118 : vector<512xi1>, vector<512xf32>
    %reduce_min3A_2120 = vector.shape_cast %select_n3A_2119 : vector<512xf32> to vector<1x512xf32>
    %reduce_min3A_2121 = arith.constant dense<0x7F800000> : vector<1xf32>
    %reduce_min3A_2122 = vector.multi_reduction <minimumf>, %reduce_min3A_2120, %reduce_min3A_2121 [1] : vector<1x512xf32> to vector<1xf32>
    %reduce_min3A_2123 = vector.shape_cast %reduce_min3A_2122 : vector<1xf32> to vector<1x1xf32>
    %reduce_min3A_2124 = vector.extract %reduce_min3A_2123[0, 0] : f32 from vector<1x1xf32>
    %jit3A_2125 = arith.constant -1.000000e+00 : f32
    %broadcast_in_dim3A_2126 = vector.broadcast %jit3A_2125 : f32 to vector<512xf32>
    %select_n3A_2127 = arith.select %reduce_or3A_2097, %convert_element_type3A_2100, %broadcast_in_dim3A_2126 : vector<512xi1>, vector<512xf32>
    %reduce_max3A_2128 = vector.shape_cast %select_n3A_2127 : vector<512xf32> to vector<1x512xf32>
    %reduce_max3A_2129 = arith.constant dense<0xFF800000> : vector<1xf32>
    %reduce_max3A_2130 = vector.multi_reduction <maximumf>, %reduce_max3A_2128, %reduce_max3A_2129 [1] : vector<1x512xf32> to vector<1xf32>
    %reduce_max3A_2131 = vector.shape_cast %reduce_max3A_2130 : vector<1xf32> to vector<1x1xf32>
    %reduce_max3A_2132 = vector.extract %reduce_max3A_2131[0, 0] : f32 from vector<1x1xf32>
    %iota3A_2133 = tpu.iota {dimensions = array<i32: 1>} : vector<1x128xi32>
    %broadcast_in_dim3A_2134 = arith.constant 0.000000e+00 : f32
    %broadcast_in_dim3A_2135 = vector.broadcast %broadcast_in_dim3A_2134 : f32 to vector<1x128xf32>
    %eq3A_2136 = arith.constant 0 : i32
    %eq3A_2137 = vector.broadcast %eq3A_2136 : i32 to vector<1x128xi32>
    %eq3A_2138 = arith.cmpi eq, %iota3A_2133, %eq3A_2137 : vector<1x128xi32>
    %broadcast_in_dim3A_2139 = vector.broadcast %reduce_min3A_2108 : f32 to vector<1x128xf32>
    %select_n3A_2140 = arith.select %eq3A_2138, %broadcast_in_dim3A_2139, %broadcast_in_dim3A_2135 : vector<1x128xi1>, vector<1x128xf32>
    %eq3A_2141 = arith.constant 1 : i32
    %eq3A_2142 = vector.broadcast %eq3A_2141 : i32 to vector<1x128xi32>
    %eq3A_2143 = arith.cmpi eq, %iota3A_2133, %eq3A_2142 : vector<1x128xi32>
    %broadcast_in_dim3A_2144 = vector.broadcast %reduce_max3A_2116 : f32 to vector<1x128xf32>
    %select_n3A_2145 = arith.select %eq3A_2143, %broadcast_in_dim3A_2144, %select_n3A_2140 : vector<1x128xi1>, vector<1x128xf32>
    %eq3A_2146 = arith.constant 2 : i32
    %eq3A_2147 = vector.broadcast %eq3A_2146 : i32 to vector<1x128xi32>
    %eq3A_2148 = arith.cmpi eq, %iota3A_2133, %eq3A_2147 : vector<1x128xi32>
    %broadcast_in_dim3A_2149 = vector.broadcast %reduce_min3A_2124 : f32 to vector<1x128xf32>
    %select_n3A_2150 = arith.select %eq3A_2148, %broadcast_in_dim3A_2149, %select_n3A_2145 : vector<1x128xi1>, vector<1x128xf32>
    %eq3A_2151 = arith.constant 3 : i32
    %eq3A_2152 = vector.broadcast %eq3A_2151 : i32 to vector<1x128xi32>
    %eq3A_2153 = arith.cmpi eq, %iota3A_2133, %eq3A_2152 : vector<1x128xi32>
    %broadcast_in_dim3A_2154 = vector.broadcast %reduce_max3A_2132 : f32 to vector<1x128xf32>
    %select_n3A_2155 = arith.select %eq3A_2153, %broadcast_in_dim3A_2154, %select_n3A_2150 : vector<1x128xi1>, vector<1x128xf32>
    %eq3A_2156 = arith.constant 4 : i32
    %eq3A_2157 = vector.broadcast %eq3A_2156 : i32 to vector<1x128xi32>
    %eq3A_2158 = arith.cmpi eq, %iota3A_2133, %eq3A_2157 : vector<1x128xi32>
    %broadcast_in_dim3A_2159 = vector.broadcast %reduce_sum3A_2061 : f32 to vector<1x128xf32>
    %select_n3A_2160 = arith.select %eq3A_2158, %broadcast_in_dim3A_2159, %select_n3A_2155 : vector<1x128xi1>, vector<1x128xf32>
    %eq3A_2161 = arith.constant 5 : i32
    %eq3A_2162 = vector.broadcast %eq3A_2161 : i32 to vector<1x128xi32>
    %eq3A_2163 = arith.cmpi eq, %iota3A_2133, %eq3A_2162 : vector<1x128xi32>
    %broadcast_in_dim3A_2164 = vector.broadcast %reduce_sum3A_2067 : f32 to vector<1x128xf32>
    %select_n3A_2165 = arith.select %eq3A_2163, %broadcast_in_dim3A_2164, %select_n3A_2160 : vector<1x128xi1>, vector<1x128xf32>
    %swap3A_2166 = arith.constant 8 : index
    %swap3A_2167 = arith.constant 0 : index
    %swap3A_2168 = arith.constant 0 : index
    %swap3A_2169 = vector.load %arg1[%swap3A_2166, %swap3A_2167, %swap3A_2168] : memref<12x1x128xf32, #tpu.memory_space<vmem>>, vector<1x1x128xf32>
    %swap3A_2170 = vector.shape_cast %swap3A_2169 : vector<1x1x128xf32> to vector<1x128xf32>
    %swap3A_2171 = vector.shape_cast %select_n3A_2165 : vector<1x128xf32> to vector<1x1x128xf32>
    tpu.vector_store %arg1[%swap3A_2166, %swap3A_2167, %swap3A_2168], %swap3A_2171 {strides = array<i32>} : memref<12x1x128xf32, #tpu.memory_space<vmem>>, vector<1x1x128xf32>,
    %dma_wait3A_2172 = arith.constant 9 : i32
    %dma_wait3A_2173 = arith.constant 0 : i32
    %dma_wait3A_2174 = arith.constant 3 : i32
    %dma_wait3A_2175 = arith.constant 0 : i32
    %dma_wait3A_2176 = arith.constant 3 : i32
    %dma_wait3A_2177 = tpu.memref_slice %arg3[%dma_wait3A_2176] : memref<6x!tpu.dma_semaphore, #tpu.memory_space<semaphore_mem>> -> memref<1x!tpu.dma_semaphore, #tpu.memory_space<semaphore_mem>>
    %dma_wait3A_2178 = tpu.memref_squeeze %dma_wait3A_2177 : memref<1x!tpu.dma_semaphore, #tpu.memory_space<semaphore_mem>> -> memref<!tpu.dma_semaphore, #tpu.memory_space<semaphore_mem>>
    %dma_wait3A_2179 = arith.constant 0 : i32
    %dma_wait3A_2180 = arith.constant 0 : i32
    %dma_wait3A_2181 = tpu.memref_slice %arg2[%dma_wait3A_2174, %dma_wait3A_2175, %dma_wait3A_2179, %dma_wait3A_2180] : memref<6x3x512x512xf32, #tpu.memory_space<vmem>> -> memref<1x1x512x512xf32, #tpu.memory_space<vmem>>
    %dma_wait3A_2182 = tpu.memref_squeeze %dma_wait3A_2181 : memref<1x1x512x512xf32, #tpu.memory_space<vmem>> -> memref<512x512xf32, #tpu.memory_space<vmem>>
    %dma_wait3A_2183 = arith.constant 0 : i32
    %dma_wait3A_2184 = arith.constant 0 : i32
    %dma_wait3A_2185 = tpu.memref_slice %arg0[%dma_wait3A_2172, %dma_wait3A_2173, %dma_wait3A_2183, %dma_wait3A_2184] : memref<16x3x512x512xf32, #tpu.memory_space<any>> -> memref<1x1x512x512xf32, #tpu.memory_space<any>>
    %dma_wait3A_2186 = tpu.memref_squeeze %dma_wait3A_2185 : memref<1x1x512x512xf32, #tpu.memory_space<any>> -> memref<512x512xf32, #tpu.memory_space<any>>
    tpu.wait_dma2 semaphore(%dma_wait3A_2178 : memref<!tpu.dma_semaphore, #tpu.memory_space<semaphore_mem>>) src(%dma_wait3A_2186 : memref<512x512xf32, #tpu.memory_space<any>>) dst(%dma_wait3A_2182 : memref<512x512xf32, #tpu.memory_space<vmem>>)
    %dma_wait3A_2187 = arith.constant 9 : i32
    %dma_wait3A_2188 = arith.constant 1 : i32
    %dma_wait3A_2189 = arith.constant 3 : i32
    %dma_wait3A_2190 = arith.constant 1 : i32
    %dma_wait3A_2191 = arith.constant 3 : i32
    %dma_wait3A_2192 = tpu.memref_slice %arg3[%dma_wait3A_2191] : memref<6x!tpu.dma_semaphore, #tpu.memory_space<semaphore_mem>> -> memref<1x!tpu.dma_semaphore, #tpu.memory_space<semaphore_mem>>
    %dma_wait3A_2193 = tpu.memref_squeeze %dma_wait3A_2192 : memref<1x!tpu.dma_semaphore, #tpu.memory_space<semaphore_mem>> -> memref<!tpu.dma_semaphore, #tpu.memory_space<semaphore_mem>>
    %dma_wait3A_2194 = arith.constant 0 : i32
    %dma_wait3A_2195 = arith.constant 0 : i32
    %dma_wait3A_2196 = tpu.memref_slice %arg2[%dma_wait3A_2189, %dma_wait3A_2190, %dma_wait3A_2194, %dma_wait3A_2195] : memref<6x3x512x512xf32, #tpu.memory_space<vmem>> -> memref<1x1x512x512xf32, #tpu.memory_space<vmem>>
    %dma_wait3A_2197 = tpu.memref_squeeze %dma_wait3A_2196 : memref<1x1x512x512xf32, #tpu.memory_space<vmem>> -> memref<512x512xf32, #tpu.memory_space<vmem>>
    %dma_wait3A_2198 = arith.constant 0 : i32
    %dma_wait3A_2199 = arith.constant 0 : i32
    %dma_wait3A_2200 = tpu.memref_slice %arg0[%dma_wait3A_2187, %dma_wait3A_2188, %dma_wait3A_2198, %dma_wait3A_2199] : memref<16x3x512x512xf32, #tpu.memory_space<any>> -> memref<1x1x512x512xf32, #tpu.memory_space<any>>
    %dma_wait3A_2201 = tpu.memref_squeeze %dma_wait3A_2200 : memref<1x1x512x512xf32, #tpu.memory_space<any>> -> memref<512x512xf32, #tpu.memory_space<any>>
    tpu.wait_dma2 semaphore(%dma_wait3A_2193 : memref<!tpu.dma_semaphore, #tpu.memory_space<semaphore_mem>>) src(%dma_wait3A_2201 : memref<512x512xf32, #tpu.memory_space<any>>) dst(%dma_wait3A_2197 : memref<512x512xf32, #tpu.memory_space<vmem>>)
    %dma_wait3A_2202 = arith.constant 9 : i32
    %dma_wait3A_2203 = arith.constant 2 : i32
    %dma_wait3A_2204 = arith.constant 3 : i32
    %dma_wait3A_2205 = arith.constant 2 : i32
    %dma_wait3A_2206 = arith.constant 3 : i32
    %dma_wait3A_2207 = tpu.memref_slice %arg3[%dma_wait3A_2206] : memref<6x!tpu.dma_semaphore, #tpu.memory_space<semaphore_mem>> -> memref<1x!tpu.dma_semaphore, #tpu.memory_space<semaphore_mem>>
    %dma_wait3A_2208 = tpu.memref_squeeze %dma_wait3A_2207 : memref<1x!tpu.dma_semaphore, #tpu.memory_space<semaphore_mem>> -> memref<!tpu.dma_semaphore, #tpu.memory_space<semaphore_mem>>
    %dma_wait3A_2209 = arith.constant 0 : i32
    %dma_wait3A_2210 = arith.constant 0 : i32
    %dma_wait3A_2211 = tpu.memref_slice %arg2[%dma_wait3A_2204, %dma_wait3A_2205, %dma_wait3A_2209, %dma_wait3A_2210] : memref<6x3x512x512xf32, #tpu.memory_space<vmem>> -> memref<1x1x512x512xf32, #tpu.memory_space<vmem>>
    %dma_wait3A_2212 = tpu.memref_squeeze %dma_wait3A_2211 : memref<1x1x512x512xf32, #tpu.memory_space<vmem>> -> memref<512x512xf32, #tpu.memory_space<vmem>>
    %dma_wait3A_2213 = arith.constant 0 : i32
    %dma_wait3A_2214 = arith.constant 0 : i32
    %dma_wait3A_2215 = tpu.memref_slice %arg0[%dma_wait3A_2202, %dma_wait3A_2203, %dma_wait3A_2213, %dma_wait3A_2214] : memref<16x3x512x512xf32, #tpu.memory_space<any>> -> memref<1x1x512x512xf32, #tpu.memory_space<any>>
    %dma_wait3A_2216 = tpu.memref_squeeze %dma_wait3A_2215 : memref<1x1x512x512xf32, #tpu.memory_space<any>> -> memref<512x512xf32, #tpu.memory_space<any>>
    tpu.wait_dma2 semaphore(%dma_wait3A_2208 : memref<!tpu.dma_semaphore, #tpu.memory_space<semaphore_mem>>) src(%dma_wait3A_2216 : memref<512x512xf32, #tpu.memory_space<any>>) dst(%dma_wait3A_2212 : memref<512x512xf32, #tpu.memory_space<vmem>>)
    %get3A_2217 = arith.constant 3 : index
    %get3A_2218 = arith.constant 0 : index
    %get3A_2219 = arith.constant 0 : index
    %get3A_2220 = arith.constant 0 : index
    %get3A_2221 = vector.load %arg2[%get3A_2217, %get3A_2218, %get3A_2219, %get3A_2220] : memref<6x3x512x512xf32, #tpu.memory_space<vmem>>, vector<1x3x512x512xf32>
    %get3A_2222 = vector.shape_cast %get3A_2221 : vector<1x3x512x512xf32> to vector<3x512x512xf32>
    %slice3A_2223 = vector.extract_strided_slice %get3A_2222 {offsets = [0, 0, 0], sizes = [1, 512, 512], strides = [1, 1, 1]} : vector<3x512x512xf32> to vector<1x512x512xf32>
    %squeeze3A_2224 = vector.shape_cast %slice3A_2223 : vector<1x512x512xf32> to vector<512x512xf32>
    %slice3A_2225 = vector.extract_strided_slice %get3A_2222 {offsets = [1, 0, 0], sizes = [1, 512, 512], strides = [1, 1, 1]} : vector<3x512x512xf32> to vector<1x512x512xf32>
    %squeeze3A_2226 = vector.shape_cast %slice3A_2225 : vector<1x512x512xf32> to vector<512x512xf32>
    %slice3A_2227 = vector.extract_strided_slice %get3A_2222 {offsets = [2, 0, 0], sizes = [1, 512, 512], strides = [1, 1, 1]} : vector<3x512x512xf32> to vector<1x512x512xf32>
    %squeeze3A_2228 = vector.shape_cast %slice3A_2227 : vector<1x512x512xf32> to vector<512x512xf32>
    %sub3A_2229 = arith.subf %squeeze3A_2226, %squeeze3A_2224 : vector<512x512xf32>
    %sub3A_2230 = arith.subf %squeeze3A_2228, %squeeze3A_2224 : vector<512x512xf32>
    %exp3A_2231 = math.exp %sub3A_2229 : vector<512x512xf32>
    %exp3A_2232 = math.exp %sub3A_2230 : vector<512x512xf32>
    %add3A_2233 = arith.constant 1.000000e+00 : f32
    %add3A_2234 = vector.broadcast %add3A_2233 : f32 to vector<512x512xf32>
    %add3A_2235 = arith.addf %add3A_2234, %exp3A_2231 : vector<512x512xf32>
    %add3A_2236 = arith.addf %add3A_2235, %exp3A_2232 : vector<512x512xf32>
    %div3A_2237 = arith.constant 1.000000e+00 : f32
    %div3A_2238 = vector.broadcast %div3A_2237 : f32 to vector<512x512xf32>
    %div3A_2239 = arith.divf %div3A_2238, %add3A_2236 : vector<512x512xf32>
    %mul3A_2240 = arith.mulf %exp3A_2231, %div3A_2239 : vector<512x512xf32>
    %reduce_sum3A_2241 = vector.shape_cast %mul3A_2240 : vector<512x512xf32> to vector<1x512x512xf32>
    %reduce_sum3A_2242 = arith.constant dense<0.000000e+00> : vector<1xf32>
    %reduce_sum3A_2243 = vector.multi_reduction <add>, %reduce_sum3A_2241, %reduce_sum3A_2242 [1, 2] : vector<1x512x512xf32> to vector<1xf32>
    %reduce_sum3A_2244 = vector.shape_cast %reduce_sum3A_2243 : vector<1xf32> to vector<1x1x1xf32>
    %reduce_sum3A_2245 = vector.extract %reduce_sum3A_2244[0, 0, 0] : f32 from vector<1x1x1xf32>
    %mul3A_2246 = arith.mulf %exp3A_2232, %div3A_2239 : vector<512x512xf32>
    %reduce_sum3A_2247 = vector.shape_cast %mul3A_2246 : vector<512x512xf32> to vector<1x512x512xf32>
    %reduce_sum3A_2248 = arith.constant dense<0.000000e+00> : vector<1xf32>
    %reduce_sum3A_2249 = vector.multi_reduction <add>, %reduce_sum3A_2247, %reduce_sum3A_2248 [1, 2] : vector<1x512x512xf32> to vector<1xf32>
    %reduce_sum3A_2250 = vector.shape_cast %reduce_sum3A_2249 : vector<1xf32> to vector<1x1x1xf32>
    %reduce_sum3A_2251 = vector.extract %reduce_sum3A_2250[0, 0, 0] : f32 from vector<1x1x1xf32>
    %gt3A_2252 = arith.constant 0.000000e+00 : f32
    %gt3A_2253 = vector.broadcast %gt3A_2252 : f32 to vector<512x512xf32>
    %gt3A_2254 = arith.cmpf ogt, %sub3A_2229, %gt3A_2253 : vector<512x512xf32>
    %ge3A_2255 = arith.cmpf oge, %sub3A_2229, %sub3A_2230 : vector<512x512xf32>
    %and3A_2256 = arith.andi %gt3A_2254, %ge3A_2255 : vector<512x512xi1>
    %gt3A_2257 = arith.constant 0.000000e+00 : f32
    %gt3A_2258 = vector.broadcast %gt3A_2257 : f32 to vector<512x512xf32>
    %gt3A_2259 = arith.cmpf ogt, %sub3A_2230, %gt3A_2258 : vector<512x512xf32>
    %gt3A_2260 = arith.cmpf ogt, %sub3A_2230, %sub3A_2229 : vector<512x512xf32>
    %and3A_2261 = arith.andi %gt3A_2259, %gt3A_2260 : vector<512x512xi1>
    %reduce_or3A_2262 = arith.constant 1.000000e+00 : f32
    %reduce_or3A_2263 = arith.constant 0.000000e+00 : f32
    %reduce_or3A_2264 = vector.broadcast %reduce_or3A_2262 : f32 to vector<512x512xf32>
    %reduce_or3A_2265 = vector.broadcast %reduce_or3A_2263 : f32 to vector<512x512xf32>
    %reduce_or3A_2266 = arith.select %and3A_2256, %reduce_or3A_2264, %reduce_or3A_2265 : vector<512x512xi1>, vector<512x512xf32>
    %reduce_or3A_2267 = arith.constant dense<0xFF800000> : vector<512xf32>
    %reduce_or3A_2268 = vector.multi_reduction <maximumf>, %reduce_or3A_2266, %reduce_or3A_2267 [1] : vector<512x512xf32> to vector<512xf32>
    %reduce_or3A_2269 = arith.constant 0.000000e+00 : f32
    %reduce_or3A_2270 = vector.broadcast %reduce_or3A_2269 : f32 to vector<512xf32>
    %reduce_or3A_2271 = arith.cmpf ogt, %reduce_or3A_2268, %reduce_or3A_2270 : vector<512xf32>
    %reduce_or3A_2272 = arith.constant 1.000000e+00 : f32
    %reduce_or3A_2273 = arith.constant 0.000000e+00 : f32
    %reduce_or3A_2274 = vector.broadcast %reduce_or3A_2272 : f32 to vector<512x512xf32>
    %reduce_or3A_2275 = vector.broadcast %reduce_or3A_2273 : f32 to vector<512x512xf32>
    %reduce_or3A_2276 = arith.select %and3A_2261, %reduce_or3A_2274, %reduce_or3A_2275 : vector<512x512xi1>, vector<512x512xf32>
    %reduce_or3A_2277 = arith.constant dense<0xFF800000> : vector<512xf32>
    %reduce_or3A_2278 = vector.multi_reduction <maximumf>, %reduce_or3A_2276, %reduce_or3A_2277 [1] : vector<512x512xf32> to vector<512xf32>
    %reduce_or3A_2279 = arith.constant 0.000000e+00 : f32
    %reduce_or3A_2280 = vector.broadcast %reduce_or3A_2279 : f32 to vector<512xf32>
    %reduce_or3A_2281 = arith.cmpf ogt, %reduce_or3A_2278, %reduce_or3A_2280 : vector<512xf32>
    %iota3A_2282 = tpu.iota {dimensions = array<i32: 1>} : vector<1x512xi32>
    %iota3A_2283 = vector.shape_cast %iota3A_2282 : vector<1x512xi32> to vector<512xi32>
    %convert_element_type3A_2284 = arith.sitofp %iota3A_2283 : vector<512xi32> to vector<512xf32>
    %jit3A_2285 = arith.constant 5.120000e+02 : f32
    %broadcast_in_dim3A_2286 = vector.broadcast %jit3A_2285 : f32 to vector<512xf32>
    %select_n3A_2287 = arith.select %reduce_or3A_2271, %convert_element_type3A_2284, %broadcast_in_dim3A_2286 : vector<512xi1>, vector<512xf32>
    %reduce_min3A_2288 = vector.shape_cast %select_n3A_2287 : vector<512xf32> to vector<1x512xf32>
    %reduce_min3A_2289 = arith.constant dense<0x7F800000> : vector<1xf32>
    %reduce_min3A_2290 = vector.multi_reduction <minimumf>, %reduce_min3A_2288, %reduce_min3A_2289 [1] : vector<1x512xf32> to vector<1xf32>
    %reduce_min3A_2291 = vector.shape_cast %reduce_min3A_2290 : vector<1xf32> to vector<1x1xf32>
    %reduce_min3A_2292 = vector.extract %reduce_min3A_2291[0, 0] : f32 from vector<1x1xf32>
    %jit3A_2293 = arith.constant -1.000000e+00 : f32
    %broadcast_in_dim3A_2294 = vector.broadcast %jit3A_2293 : f32 to vector<512xf32>
    %select_n3A_2295 = arith.select %reduce_or3A_2271, %convert_element_type3A_2284, %broadcast_in_dim3A_2294 : vector<512xi1>, vector<512xf32>
    %reduce_max3A_2296 = vector.shape_cast %select_n3A_2295 : vector<512xf32> to vector<1x512xf32>
    %reduce_max3A_2297 = arith.constant dense<0xFF800000> : vector<1xf32>
    %reduce_max3A_2298 = vector.multi_reduction <maximumf>, %reduce_max3A_2296, %reduce_max3A_2297 [1] : vector<1x512xf32> to vector<1xf32>
    %reduce_max3A_2299 = vector.shape_cast %reduce_max3A_2298 : vector<1xf32> to vector<1x1xf32>
    %reduce_max3A_2300 = vector.extract %reduce_max3A_2299[0, 0] : f32 from vector<1x1xf32>
    %jit3A_2301 = arith.constant 5.120000e+02 : f32
    %broadcast_in_dim3A_2302 = vector.broadcast %jit3A_2301 : f32 to vector<512xf32>
    %select_n3A_2303 = arith.select %reduce_or3A_2281, %convert_element_type3A_2284, %broadcast_in_dim3A_2302 : vector<512xi1>, vector<512xf32>
    %reduce_min3A_2304 = vector.shape_cast %select_n3A_2303 : vector<512xf32> to vector<1x512xf32>
    %reduce_min3A_2305 = arith.constant dense<0x7F800000> : vector<1xf32>
    %reduce_min3A_2306 = vector.multi_reduction <minimumf>, %reduce_min3A_2304, %reduce_min3A_2305 [1] : vector<1x512xf32> to vector<1xf32>
    %reduce_min3A_2307 = vector.shape_cast %reduce_min3A_2306 : vector<1xf32> to vector<1x1xf32>
    %reduce_min3A_2308 = vector.extract %reduce_min3A_2307[0, 0] : f32 from vector<1x1xf32>
    %jit3A_2309 = arith.constant -1.000000e+00 : f32
    %broadcast_in_dim3A_2310 = vector.broadcast %jit3A_2309 : f32 to vector<512xf32>
    %select_n3A_2311 = arith.select %reduce_or3A_2281, %convert_element_type3A_2284, %broadcast_in_dim3A_2310 : vector<512xi1>, vector<512xf32>
    %reduce_max3A_2312 = vector.shape_cast %select_n3A_2311 : vector<512xf32> to vector<1x512xf32>
    %reduce_max3A_2313 = arith.constant dense<0xFF800000> : vector<1xf32>
    %reduce_max3A_2314 = vector.multi_reduction <maximumf>, %reduce_max3A_2312, %reduce_max3A_2313 [1] : vector<1x512xf32> to vector<1xf32>
    %reduce_max3A_2315 = vector.shape_cast %reduce_max3A_2314 : vector<1xf32> to vector<1x1xf32>
    %reduce_max3A_2316 = vector.extract %reduce_max3A_2315[0, 0] : f32 from vector<1x1xf32>
    %iota3A_2317 = tpu.iota {dimensions = array<i32: 1>} : vector<1x128xi32>
    %broadcast_in_dim3A_2318 = arith.constant 0.000000e+00 : f32
    %broadcast_in_dim3A_2319 = vector.broadcast %broadcast_in_dim3A_2318 : f32 to vector<1x128xf32>
    %eq3A_2320 = arith.constant 0 : i32
    %eq3A_2321 = vector.broadcast %eq3A_2320 : i32 to vector<1x128xi32>
    %eq3A_2322 = arith.cmpi eq, %iota3A_2317, %eq3A_2321 : vector<1x128xi32>
    %broadcast_in_dim3A_2323 = vector.broadcast %reduce_min3A_2292 : f32 to vector<1x128xf32>
    %select_n3A_2324 = arith.select %eq3A_2322, %broadcast_in_dim3A_2323, %broadcast_in_dim3A_2319 : vector<1x128xi1>, vector<1x128xf32>
    %eq3A_2325 = arith.constant 1 : i32
    %eq3A_2326 = vector.broadcast %eq3A_2325 : i32 to vector<1x128xi32>
    %eq3A_2327 = arith.cmpi eq, %iota3A_2317, %eq3A_2326 : vector<1x128xi32>
    %broadcast_in_dim3A_2328 = vector.broadcast %reduce_max3A_2300 : f32 to vector<1x128xf32>
    %select_n3A_2329 = arith.select %eq3A_2327, %broadcast_in_dim3A_2328, %select_n3A_2324 : vector<1x128xi1>, vector<1x128xf32>
    %eq3A_2330 = arith.constant 2 : i32
    %eq3A_2331 = vector.broadcast %eq3A_2330 : i32 to vector<1x128xi32>
    %eq3A_2332 = arith.cmpi eq, %iota3A_2317, %eq3A_2331 : vector<1x128xi32>
    %broadcast_in_dim3A_2333 = vector.broadcast %reduce_min3A_2308 : f32 to vector<1x128xf32>
    %select_n3A_2334 = arith.select %eq3A_2332, %broadcast_in_dim3A_2333, %select_n3A_2329 : vector<1x128xi1>, vector<1x128xf32>
    %eq3A_2335 = arith.constant 3 : i32
    %eq3A_2336 = vector.broadcast %eq3A_2335 : i32 to vector<1x128xi32>
    %eq3A_2337 = arith.cmpi eq, %iota3A_2317, %eq3A_2336 : vector<1x128xi32>
    %broadcast_in_dim3A_2338 = vector.broadcast %reduce_max3A_2316 : f32 to vector<1x128xf32>
    %select_n3A_2339 = arith.select %eq3A_2337, %broadcast_in_dim3A_2338, %select_n3A_2334 : vector<1x128xi1>, vector<1x128xf32>
    %eq3A_2340 = arith.constant 4 : i32
    %eq3A_2341 = vector.broadcast %eq3A_2340 : i32 to vector<1x128xi32>
    %eq3A_2342 = arith.cmpi eq, %iota3A_2317, %eq3A_2341 : vector<1x128xi32>
    %broadcast_in_dim3A_2343 = vector.broadcast %reduce_sum3A_2245 : f32 to vector<1x128xf32>
    %select_n3A_2344 = arith.select %eq3A_2342, %broadcast_in_dim3A_2343, %select_n3A_2339 : vector<1x128xi1>, vector<1x128xf32>
    %eq3A_2345 = arith.constant 5 : i32
    %eq3A_2346 = vector.broadcast %eq3A_2345 : i32 to vector<1x128xi32>
    %eq3A_2347 = arith.cmpi eq, %iota3A_2317, %eq3A_2346 : vector<1x128xi32>
    %broadcast_in_dim3A_2348 = vector.broadcast %reduce_sum3A_2251 : f32 to vector<1x128xf32>
    %select_n3A_2349 = arith.select %eq3A_2347, %broadcast_in_dim3A_2348, %select_n3A_2344 : vector<1x128xi1>, vector<1x128xf32>
    %swap3A_2350 = arith.constant 9 : index
    %swap3A_2351 = arith.constant 0 : index
    %swap3A_2352 = arith.constant 0 : index
    %swap3A_2353 = vector.load %arg1[%swap3A_2350, %swap3A_2351, %swap3A_2352] : memref<12x1x128xf32, #tpu.memory_space<vmem>>, vector<1x1x128xf32>
    %swap3A_2354 = vector.shape_cast %swap3A_2353 : vector<1x1x128xf32> to vector<1x128xf32>
    %swap3A_2355 = vector.shape_cast %select_n3A_2349 : vector<1x128xf32> to vector<1x1x128xf32>
    tpu.vector_store %arg1[%swap3A_2350, %swap3A_2351, %swap3A_2352], %swap3A_2355 {strides = array<i32>} : memref<12x1x128xf32, #tpu.memory_space<vmem>>, vector<1x1x128xf32>,
    %dma_wait3A_2356 = arith.constant 10 : i32
    %dma_wait3A_2357 = arith.constant 0 : i32
    %dma_wait3A_2358 = arith.constant 4 : i32
    %dma_wait3A_2359 = arith.constant 0 : i32
    %dma_wait3A_2360 = arith.constant 4 : i32
    %dma_wait3A_2361 = tpu.memref_slice %arg3[%dma_wait3A_2360] : memref<6x!tpu.dma_semaphore, #tpu.memory_space<semaphore_mem>> -> memref<1x!tpu.dma_semaphore, #tpu.memory_space<semaphore_mem>>
    %dma_wait3A_2362 = tpu.memref_squeeze %dma_wait3A_2361 : memref<1x!tpu.dma_semaphore, #tpu.memory_space<semaphore_mem>> -> memref<!tpu.dma_semaphore, #tpu.memory_space<semaphore_mem>>
    %dma_wait3A_2363 = arith.constant 0 : i32
    %dma_wait3A_2364 = arith.constant 0 : i32
    %dma_wait3A_2365 = tpu.memref_slice %arg2[%dma_wait3A_2358, %dma_wait3A_2359, %dma_wait3A_2363, %dma_wait3A_2364] : memref<6x3x512x512xf32, #tpu.memory_space<vmem>> -> memref<1x1x512x512xf32, #tpu.memory_space<vmem>>
    %dma_wait3A_2366 = tpu.memref_squeeze %dma_wait3A_2365 : memref<1x1x512x512xf32, #tpu.memory_space<vmem>> -> memref<512x512xf32, #tpu.memory_space<vmem>>
    %dma_wait3A_2367 = arith.constant 0 : i32
    %dma_wait3A_2368 = arith.constant 0 : i32
    %dma_wait3A_2369 = tpu.memref_slice %arg0[%dma_wait3A_2356, %dma_wait3A_2357, %dma_wait3A_2367, %dma_wait3A_2368] : memref<16x3x512x512xf32, #tpu.memory_space<any>> -> memref<1x1x512x512xf32, #tpu.memory_space<any>>
    %dma_wait3A_2370 = tpu.memref_squeeze %dma_wait3A_2369 : memref<1x1x512x512xf32, #tpu.memory_space<any>> -> memref<512x512xf32, #tpu.memory_space<any>>
    tpu.wait_dma2 semaphore(%dma_wait3A_2362 : memref<!tpu.dma_semaphore, #tpu.memory_space<semaphore_mem>>) src(%dma_wait3A_2370 : memref<512x512xf32, #tpu.memory_space<any>>) dst(%dma_wait3A_2366 : memref<512x512xf32, #tpu.memory_space<vmem>>)
    %dma_wait3A_2371 = arith.constant 10 : i32
    %dma_wait3A_2372 = arith.constant 1 : i32
    %dma_wait3A_2373 = arith.constant 4 : i32
    %dma_wait3A_2374 = arith.constant 1 : i32
    %dma_wait3A_2375 = arith.constant 4 : i32
    %dma_wait3A_2376 = tpu.memref_slice %arg3[%dma_wait3A_2375] : memref<6x!tpu.dma_semaphore, #tpu.memory_space<semaphore_mem>> -> memref<1x!tpu.dma_semaphore, #tpu.memory_space<semaphore_mem>>
    %dma_wait3A_2377 = tpu.memref_squeeze %dma_wait3A_2376 : memref<1x!tpu.dma_semaphore, #tpu.memory_space<semaphore_mem>> -> memref<!tpu.dma_semaphore, #tpu.memory_space<semaphore_mem>>
    %dma_wait3A_2378 = arith.constant 0 : i32
    %dma_wait3A_2379 = arith.constant 0 : i32
    %dma_wait3A_2380 = tpu.memref_slice %arg2[%dma_wait3A_2373, %dma_wait3A_2374, %dma_wait3A_2378, %dma_wait3A_2379] : memref<6x3x512x512xf32, #tpu.memory_space<vmem>> -> memref<1x1x512x512xf32, #tpu.memory_space<vmem>>
    %dma_wait3A_2381 = tpu.memref_squeeze %dma_wait3A_2380 : memref<1x1x512x512xf32, #tpu.memory_space<vmem>> -> memref<512x512xf32, #tpu.memory_space<vmem>>
    %dma_wait3A_2382 = arith.constant 0 : i32
    %dma_wait3A_2383 = arith.constant 0 : i32
    %dma_wait3A_2384 = tpu.memref_slice %arg0[%dma_wait3A_2371, %dma_wait3A_2372, %dma_wait3A_2382, %dma_wait3A_2383] : memref<16x3x512x512xf32, #tpu.memory_space<any>> -> memref<1x1x512x512xf32, #tpu.memory_space<any>>
    %dma_wait3A_2385 = tpu.memref_squeeze %dma_wait3A_2384 : memref<1x1x512x512xf32, #tpu.memory_space<any>> -> memref<512x512xf32, #tpu.memory_space<any>>
    tpu.wait_dma2 semaphore(%dma_wait3A_2377 : memref<!tpu.dma_semaphore, #tpu.memory_space<semaphore_mem>>) src(%dma_wait3A_2385 : memref<512x512xf32, #tpu.memory_space<any>>) dst(%dma_wait3A_2381 : memref<512x512xf32, #tpu.memory_space<vmem>>)
    %dma_wait3A_2386 = arith.constant 10 : i32
    %dma_wait3A_2387 = arith.constant 2 : i32
    %dma_wait3A_2388 = arith.constant 4 : i32
    %dma_wait3A_2389 = arith.constant 2 : i32
    %dma_wait3A_2390 = arith.constant 4 : i32
    %dma_wait3A_2391 = tpu.memref_slice %arg3[%dma_wait3A_2390] : memref<6x!tpu.dma_semaphore, #tpu.memory_space<semaphore_mem>> -> memref<1x!tpu.dma_semaphore, #tpu.memory_space<semaphore_mem>>
    %dma_wait3A_2392 = tpu.memref_squeeze %dma_wait3A_2391 : memref<1x!tpu.dma_semaphore, #tpu.memory_space<semaphore_mem>> -> memref<!tpu.dma_semaphore, #tpu.memory_space<semaphore_mem>>
    %dma_wait3A_2393 = arith.constant 0 : i32
    %dma_wait3A_2394 = arith.constant 0 : i32
    %dma_wait3A_2395 = tpu.memref_slice %arg2[%dma_wait3A_2388, %dma_wait3A_2389, %dma_wait3A_2393, %dma_wait3A_2394] : memref<6x3x512x512xf32, #tpu.memory_space<vmem>> -> memref<1x1x512x512xf32, #tpu.memory_space<vmem>>
    %dma_wait3A_2396 = tpu.memref_squeeze %dma_wait3A_2395 : memref<1x1x512x512xf32, #tpu.memory_space<vmem>> -> memref<512x512xf32, #tpu.memory_space<vmem>>
    %dma_wait3A_2397 = arith.constant 0 : i32
    %dma_wait3A_2398 = arith.constant 0 : i32
    %dma_wait3A_2399 = tpu.memref_slice %arg0[%dma_wait3A_2386, %dma_wait3A_2387, %dma_wait3A_2397, %dma_wait3A_2398] : memref<16x3x512x512xf32, #tpu.memory_space<any>> -> memref<1x1x512x512xf32, #tpu.memory_space<any>>
    %dma_wait3A_2400 = tpu.memref_squeeze %dma_wait3A_2399 : memref<1x1x512x512xf32, #tpu.memory_space<any>> -> memref<512x512xf32, #tpu.memory_space<any>>
    tpu.wait_dma2 semaphore(%dma_wait3A_2392 : memref<!tpu.dma_semaphore, #tpu.memory_space<semaphore_mem>>) src(%dma_wait3A_2400 : memref<512x512xf32, #tpu.memory_space<any>>) dst(%dma_wait3A_2396 : memref<512x512xf32, #tpu.memory_space<vmem>>)
    %get3A_2401 = arith.constant 4 : index
    %get3A_2402 = arith.constant 0 : index
    %get3A_2403 = arith.constant 0 : index
    %get3A_2404 = arith.constant 0 : index
    %get3A_2405 = vector.load %arg2[%get3A_2401, %get3A_2402, %get3A_2403, %get3A_2404] : memref<6x3x512x512xf32, #tpu.memory_space<vmem>>, vector<1x3x512x512xf32>
    %get3A_2406 = vector.shape_cast %get3A_2405 : vector<1x3x512x512xf32> to vector<3x512x512xf32>
    %slice3A_2407 = vector.extract_strided_slice %get3A_2406 {offsets = [0, 0, 0], sizes = [1, 512, 512], strides = [1, 1, 1]} : vector<3x512x512xf32> to vector<1x512x512xf32>
    %squeeze3A_2408 = vector.shape_cast %slice3A_2407 : vector<1x512x512xf32> to vector<512x512xf32>
    %slice3A_2409 = vector.extract_strided_slice %get3A_2406 {offsets = [1, 0, 0], sizes = [1, 512, 512], strides = [1, 1, 1]} : vector<3x512x512xf32> to vector<1x512x512xf32>
    %squeeze3A_2410 = vector.shape_cast %slice3A_2409 : vector<1x512x512xf32> to vector<512x512xf32>
    %slice3A_2411 = vector.extract_strided_slice %get3A_2406 {offsets = [2, 0, 0], sizes = [1, 512, 512], strides = [1, 1, 1]} : vector<3x512x512xf32> to vector<1x512x512xf32>
    %squeeze3A_2412 = vector.shape_cast %slice3A_2411 : vector<1x512x512xf32> to vector<512x512xf32>
    %sub3A_2413 = arith.subf %squeeze3A_2410, %squeeze3A_2408 : vector<512x512xf32>
    %sub3A_2414 = arith.subf %squeeze3A_2412, %squeeze3A_2408 : vector<512x512xf32>
    %exp3A_2415 = math.exp %sub3A_2413 : vector<512x512xf32>
    %exp3A_2416 = math.exp %sub3A_2414 : vector<512x512xf32>
    %add3A_2417 = arith.constant 1.000000e+00 : f32
    %add3A_2418 = vector.broadcast %add3A_2417 : f32 to vector<512x512xf32>
    %add3A_2419 = arith.addf %add3A_2418, %exp3A_2415 : vector<512x512xf32>
    %add3A_2420 = arith.addf %add3A_2419, %exp3A_2416 : vector<512x512xf32>
    %div3A_2421 = arith.constant 1.000000e+00 : f32
    %div3A_2422 = vector.broadcast %div3A_2421 : f32 to vector<512x512xf32>
    %div3A_2423 = arith.divf %div3A_2422, %add3A_2420 : vector<512x512xf32>
    %mul3A_2424 = arith.mulf %exp3A_2415, %div3A_2423 : vector<512x512xf32>
    %reduce_sum3A_2425 = vector.shape_cast %mul3A_2424 : vector<512x512xf32> to vector<1x512x512xf32>
    %reduce_sum3A_2426 = arith.constant dense<0.000000e+00> : vector<1xf32>
    %reduce_sum3A_2427 = vector.multi_reduction <add>, %reduce_sum3A_2425, %reduce_sum3A_2426 [1, 2] : vector<1x512x512xf32> to vector<1xf32>
    %reduce_sum3A_2428 = vector.shape_cast %reduce_sum3A_2427 : vector<1xf32> to vector<1x1x1xf32>
    %reduce_sum3A_2429 = vector.extract %reduce_sum3A_2428[0, 0, 0] : f32 from vector<1x1x1xf32>
    %mul3A_2430 = arith.mulf %exp3A_2416, %div3A_2423 : vector<512x512xf32>
    %reduce_sum3A_2431 = vector.shape_cast %mul3A_2430 : vector<512x512xf32> to vector<1x512x512xf32>
    %reduce_sum3A_2432 = arith.constant dense<0.000000e+00> : vector<1xf32>
    %reduce_sum3A_2433 = vector.multi_reduction <add>, %reduce_sum3A_2431, %reduce_sum3A_2432 [1, 2] : vector<1x512x512xf32> to vector<1xf32>
    %reduce_sum3A_2434 = vector.shape_cast %reduce_sum3A_2433 : vector<1xf32> to vector<1x1x1xf32>
    %reduce_sum3A_2435 = vector.extract %reduce_sum3A_2434[0, 0, 0] : f32 from vector<1x1x1xf32>
    %gt3A_2436 = arith.constant 0.000000e+00 : f32
    %gt3A_2437 = vector.broadcast %gt3A_2436 : f32 to vector<512x512xf32>
    %gt3A_2438 = arith.cmpf ogt, %sub3A_2413, %gt3A_2437 : vector<512x512xf32>
    %ge3A_2439 = arith.cmpf oge, %sub3A_2413, %sub3A_2414 : vector<512x512xf32>
    %and3A_2440 = arith.andi %gt3A_2438, %ge3A_2439 : vector<512x512xi1>
    %gt3A_2441 = arith.constant 0.000000e+00 : f32
    %gt3A_2442 = vector.broadcast %gt3A_2441 : f32 to vector<512x512xf32>
    %gt3A_2443 = arith.cmpf ogt, %sub3A_2414, %gt3A_2442 : vector<512x512xf32>
    %gt3A_2444 = arith.cmpf ogt, %sub3A_2414, %sub3A_2413 : vector<512x512xf32>
    %and3A_2445 = arith.andi %gt3A_2443, %gt3A_2444 : vector<512x512xi1>
    %reduce_or3A_2446 = arith.constant 1.000000e+00 : f32
    %reduce_or3A_2447 = arith.constant 0.000000e+00 : f32
    %reduce_or3A_2448 = vector.broadcast %reduce_or3A_2446 : f32 to vector<512x512xf32>
    %reduce_or3A_2449 = vector.broadcast %reduce_or3A_2447 : f32 to vector<512x512xf32>
    %reduce_or3A_2450 = arith.select %and3A_2440, %reduce_or3A_2448, %reduce_or3A_2449 : vector<512x512xi1>, vector<512x512xf32>
    %reduce_or3A_2451 = arith.constant dense<0xFF800000> : vector<512xf32>
    %reduce_or3A_2452 = vector.multi_reduction <maximumf>, %reduce_or3A_2450, %reduce_or3A_2451 [1] : vector<512x512xf32> to vector<512xf32>
    %reduce_or3A_2453 = arith.constant 0.000000e+00 : f32
    %reduce_or3A_2454 = vector.broadcast %reduce_or3A_2453 : f32 to vector<512xf32>
    %reduce_or3A_2455 = arith.cmpf ogt, %reduce_or3A_2452, %reduce_or3A_2454 : vector<512xf32>
    %reduce_or3A_2456 = arith.constant 1.000000e+00 : f32
    %reduce_or3A_2457 = arith.constant 0.000000e+00 : f32
    %reduce_or3A_2458 = vector.broadcast %reduce_or3A_2456 : f32 to vector<512x512xf32>
    %reduce_or3A_2459 = vector.broadcast %reduce_or3A_2457 : f32 to vector<512x512xf32>
    %reduce_or3A_2460 = arith.select %and3A_2445, %reduce_or3A_2458, %reduce_or3A_2459 : vector<512x512xi1>, vector<512x512xf32>
    %reduce_or3A_2461 = arith.constant dense<0xFF800000> : vector<512xf32>
    %reduce_or3A_2462 = vector.multi_reduction <maximumf>, %reduce_or3A_2460, %reduce_or3A_2461 [1] : vector<512x512xf32> to vector<512xf32>
    %reduce_or3A_2463 = arith.constant 0.000000e+00 : f32
    %reduce_or3A_2464 = vector.broadcast %reduce_or3A_2463 : f32 to vector<512xf32>
    %reduce_or3A_2465 = arith.cmpf ogt, %reduce_or3A_2462, %reduce_or3A_2464 : vector<512xf32>
    %iota3A_2466 = tpu.iota {dimensions = array<i32: 1>} : vector<1x512xi32>
    %iota3A_2467 = vector.shape_cast %iota3A_2466 : vector<1x512xi32> to vector<512xi32>
    %convert_element_type3A_2468 = arith.sitofp %iota3A_2467 : vector<512xi32> to vector<512xf32>
    %jit3A_2469 = arith.constant 5.120000e+02 : f32
    %broadcast_in_dim3A_2470 = vector.broadcast %jit3A_2469 : f32 to vector<512xf32>
    %select_n3A_2471 = arith.select %reduce_or3A_2455, %convert_element_type3A_2468, %broadcast_in_dim3A_2470 : vector<512xi1>, vector<512xf32>
    %reduce_min3A_2472 = vector.shape_cast %select_n3A_2471 : vector<512xf32> to vector<1x512xf32>
    %reduce_min3A_2473 = arith.constant dense<0x7F800000> : vector<1xf32>
    %reduce_min3A_2474 = vector.multi_reduction <minimumf>, %reduce_min3A_2472, %reduce_min3A_2473 [1] : vector<1x512xf32> to vector<1xf32>
    %reduce_min3A_2475 = vector.shape_cast %reduce_min3A_2474 : vector<1xf32> to vector<1x1xf32>
    %reduce_min3A_2476 = vector.extract %reduce_min3A_2475[0, 0] : f32 from vector<1x1xf32>
    %jit3A_2477 = arith.constant -1.000000e+00 : f32
    %broadcast_in_dim3A_2478 = vector.broadcast %jit3A_2477 : f32 to vector<512xf32>
    %select_n3A_2479 = arith.select %reduce_or3A_2455, %convert_element_type3A_2468, %broadcast_in_dim3A_2478 : vector<512xi1>, vector<512xf32>
    %reduce_max3A_2480 = vector.shape_cast %select_n3A_2479 : vector<512xf32> to vector<1x512xf32>
    %reduce_max3A_2481 = arith.constant dense<0xFF800000> : vector<1xf32>
    %reduce_max3A_2482 = vector.multi_reduction <maximumf>, %reduce_max3A_2480, %reduce_max3A_2481 [1] : vector<1x512xf32> to vector<1xf32>
    %reduce_max3A_2483 = vector.shape_cast %reduce_max3A_2482 : vector<1xf32> to vector<1x1xf32>
    %reduce_max3A_2484 = vector.extract %reduce_max3A_2483[0, 0] : f32 from vector<1x1xf32>
    %jit3A_2485 = arith.constant 5.120000e+02 : f32
    %broadcast_in_dim3A_2486 = vector.broadcast %jit3A_2485 : f32 to vector<512xf32>
    %select_n3A_2487 = arith.select %reduce_or3A_2465, %convert_element_type3A_2468, %broadcast_in_dim3A_2486 : vector<512xi1>, vector<512xf32>
    %reduce_min3A_2488 = vector.shape_cast %select_n3A_2487 : vector<512xf32> to vector<1x512xf32>
    %reduce_min3A_2489 = arith.constant dense<0x7F800000> : vector<1xf32>
    %reduce_min3A_2490 = vector.multi_reduction <minimumf>, %reduce_min3A_2488, %reduce_min3A_2489 [1] : vector<1x512xf32> to vector<1xf32>
    %reduce_min3A_2491 = vector.shape_cast %reduce_min3A_2490 : vector<1xf32> to vector<1x1xf32>
    %reduce_min3A_2492 = vector.extract %reduce_min3A_2491[0, 0] : f32 from vector<1x1xf32>
    %jit3A_2493 = arith.constant -1.000000e+00 : f32
    %broadcast_in_dim3A_2494 = vector.broadcast %jit3A_2493 : f32 to vector<512xf32>
    %select_n3A_2495 = arith.select %reduce_or3A_2465, %convert_element_type3A_2468, %broadcast_in_dim3A_2494 : vector<512xi1>, vector<512xf32>
    %reduce_max3A_2496 = vector.shape_cast %select_n3A_2495 : vector<512xf32> to vector<1x512xf32>
    %reduce_max3A_2497 = arith.constant dense<0xFF800000> : vector<1xf32>
    %reduce_max3A_2498 = vector.multi_reduction <maximumf>, %reduce_max3A_2496, %reduce_max3A_2497 [1] : vector<1x512xf32> to vector<1xf32>
    %reduce_max3A_2499 = vector.shape_cast %reduce_max3A_2498 : vector<1xf32> to vector<1x1xf32>
    %reduce_max3A_2500 = vector.extract %reduce_max3A_2499[0, 0] : f32 from vector<1x1xf32>
    %iota3A_2501 = tpu.iota {dimensions = array<i32: 1>} : vector<1x128xi32>
    %broadcast_in_dim3A_2502 = arith.constant 0.000000e+00 : f32
    %broadcast_in_dim3A_2503 = vector.broadcast %broadcast_in_dim3A_2502 : f32 to vector<1x128xf32>
    %eq3A_2504 = arith.constant 0 : i32
    %eq3A_2505 = vector.broadcast %eq3A_2504 : i32 to vector<1x128xi32>
    %eq3A_2506 = arith.cmpi eq, %iota3A_2501, %eq3A_2505 : vector<1x128xi32>
    %broadcast_in_dim3A_2507 = vector.broadcast %reduce_min3A_2476 : f32 to vector<1x128xf32>
    %select_n3A_2508 = arith.select %eq3A_2506, %broadcast_in_dim3A_2507, %broadcast_in_dim3A_2503 : vector<1x128xi1>, vector<1x128xf32>
    %eq3A_2509 = arith.constant 1 : i32
    %eq3A_2510 = vector.broadcast %eq3A_2509 : i32 to vector<1x128xi32>
    %eq3A_2511 = arith.cmpi eq, %iota3A_2501, %eq3A_2510 : vector<1x128xi32>
    %broadcast_in_dim3A_2512 = vector.broadcast %reduce_max3A_2484 : f32 to vector<1x128xf32>
    %select_n3A_2513 = arith.select %eq3A_2511, %broadcast_in_dim3A_2512, %select_n3A_2508 : vector<1x128xi1>, vector<1x128xf32>
    %eq3A_2514 = arith.constant 2 : i32
    %eq3A_2515 = vector.broadcast %eq3A_2514 : i32 to vector<1x128xi32>
    %eq3A_2516 = arith.cmpi eq, %iota3A_2501, %eq3A_2515 : vector<1x128xi32>
    %broadcast_in_dim3A_2517 = vector.broadcast %reduce_min3A_2492 : f32 to vector<1x128xf32>
    %select_n3A_2518 = arith.select %eq3A_2516, %broadcast_in_dim3A_2517, %select_n3A_2513 : vector<1x128xi1>, vector<1x128xf32>
    %eq3A_2519 = arith.constant 3 : i32
    %eq3A_2520 = vector.broadcast %eq3A_2519 : i32 to vector<1x128xi32>
    %eq3A_2521 = arith.cmpi eq, %iota3A_2501, %eq3A_2520 : vector<1x128xi32>
    %broadcast_in_dim3A_2522 = vector.broadcast %reduce_max3A_2500 : f32 to vector<1x128xf32>
    %select_n3A_2523 = arith.select %eq3A_2521, %broadcast_in_dim3A_2522, %select_n3A_2518 : vector<1x128xi1>, vector<1x128xf32>
    %eq3A_2524 = arith.constant 4 : i32
    %eq3A_2525 = vector.broadcast %eq3A_2524 : i32 to vector<1x128xi32>
    %eq3A_2526 = arith.cmpi eq, %iota3A_2501, %eq3A_2525 : vector<1x128xi32>
    %broadcast_in_dim3A_2527 = vector.broadcast %reduce_sum3A_2429 : f32 to vector<1x128xf32>
    %select_n3A_2528 = arith.select %eq3A_2526, %broadcast_in_dim3A_2527, %select_n3A_2523 : vector<1x128xi1>, vector<1x128xf32>
    %eq3A_2529 = arith.constant 5 : i32
    %eq3A_2530 = vector.broadcast %eq3A_2529 : i32 to vector<1x128xi32>
    %eq3A_2531 = arith.cmpi eq, %iota3A_2501, %eq3A_2530 : vector<1x128xi32>
    %broadcast_in_dim3A_2532 = vector.broadcast %reduce_sum3A_2435 : f32 to vector<1x128xf32>
    %select_n3A_2533 = arith.select %eq3A_2531, %broadcast_in_dim3A_2532, %select_n3A_2528 : vector<1x128xi1>, vector<1x128xf32>
    %swap3A_2534 = arith.constant 10 : index
    %swap3A_2535 = arith.constant 0 : index
    %swap3A_2536 = arith.constant 0 : index
    %swap3A_2537 = vector.load %arg1[%swap3A_2534, %swap3A_2535, %swap3A_2536] : memref<12x1x128xf32, #tpu.memory_space<vmem>>, vector<1x1x128xf32>
    %swap3A_2538 = vector.shape_cast %swap3A_2537 : vector<1x1x128xf32> to vector<1x128xf32>
    %swap3A_2539 = vector.shape_cast %select_n3A_2533 : vector<1x128xf32> to vector<1x1x128xf32>
    tpu.vector_store %arg1[%swap3A_2534, %swap3A_2535, %swap3A_2536], %swap3A_2539 {strides = array<i32>} : memref<12x1x128xf32, #tpu.memory_space<vmem>>, vector<1x1x128xf32>,
    %dma_wait3A_2540 = arith.constant 11 : i32
    %dma_wait3A_2541 = arith.constant 0 : i32
    %dma_wait3A_2542 = arith.constant 5 : i32
    %dma_wait3A_2543 = arith.constant 0 : i32
    %dma_wait3A_2544 = arith.constant 5 : i32
    %dma_wait3A_2545 = tpu.memref_slice %arg3[%dma_wait3A_2544] : memref<6x!tpu.dma_semaphore, #tpu.memory_space<semaphore_mem>> -> memref<1x!tpu.dma_semaphore, #tpu.memory_space<semaphore_mem>>
    %dma_wait3A_2546 = tpu.memref_squeeze %dma_wait3A_2545 : memref<1x!tpu.dma_semaphore, #tpu.memory_space<semaphore_mem>> -> memref<!tpu.dma_semaphore, #tpu.memory_space<semaphore_mem>>
    %dma_wait3A_2547 = arith.constant 0 : i32
    %dma_wait3A_2548 = arith.constant 0 : i32
    %dma_wait3A_2549 = tpu.memref_slice %arg2[%dma_wait3A_2542, %dma_wait3A_2543, %dma_wait3A_2547, %dma_wait3A_2548] : memref<6x3x512x512xf32, #tpu.memory_space<vmem>> -> memref<1x1x512x512xf32, #tpu.memory_space<vmem>>
    %dma_wait3A_2550 = tpu.memref_squeeze %dma_wait3A_2549 : memref<1x1x512x512xf32, #tpu.memory_space<vmem>> -> memref<512x512xf32, #tpu.memory_space<vmem>>
    %dma_wait3A_2551 = arith.constant 0 : i32
    %dma_wait3A_2552 = arith.constant 0 : i32
    %dma_wait3A_2553 = tpu.memref_slice %arg0[%dma_wait3A_2540, %dma_wait3A_2541, %dma_wait3A_2551, %dma_wait3A_2552] : memref<16x3x512x512xf32, #tpu.memory_space<any>> -> memref<1x1x512x512xf32, #tpu.memory_space<any>>
    %dma_wait3A_2554 = tpu.memref_squeeze %dma_wait3A_2553 : memref<1x1x512x512xf32, #tpu.memory_space<any>> -> memref<512x512xf32, #tpu.memory_space<any>>
    tpu.wait_dma2 semaphore(%dma_wait3A_2546 : memref<!tpu.dma_semaphore, #tpu.memory_space<semaphore_mem>>) src(%dma_wait3A_2554 : memref<512x512xf32, #tpu.memory_space<any>>) dst(%dma_wait3A_2550 : memref<512x512xf32, #tpu.memory_space<vmem>>)
    %dma_wait3A_2555 = arith.constant 11 : i32
    %dma_wait3A_2556 = arith.constant 1 : i32
    %dma_wait3A_2557 = arith.constant 5 : i32
    %dma_wait3A_2558 = arith.constant 1 : i32
    %dma_wait3A_2559 = arith.constant 5 : i32
    %dma_wait3A_2560 = tpu.memref_slice %arg3[%dma_wait3A_2559] : memref<6x!tpu.dma_semaphore, #tpu.memory_space<semaphore_mem>> -> memref<1x!tpu.dma_semaphore, #tpu.memory_space<semaphore_mem>>
    %dma_wait3A_2561 = tpu.memref_squeeze %dma_wait3A_2560 : memref<1x!tpu.dma_semaphore, #tpu.memory_space<semaphore_mem>> -> memref<!tpu.dma_semaphore, #tpu.memory_space<semaphore_mem>>
    %dma_wait3A_2562 = arith.constant 0 : i32
    %dma_wait3A_2563 = arith.constant 0 : i32
    %dma_wait3A_2564 = tpu.memref_slice %arg2[%dma_wait3A_2557, %dma_wait3A_2558, %dma_wait3A_2562, %dma_wait3A_2563] : memref<6x3x512x512xf32, #tpu.memory_space<vmem>> -> memref<1x1x512x512xf32, #tpu.memory_space<vmem>>
    %dma_wait3A_2565 = tpu.memref_squeeze %dma_wait3A_2564 : memref<1x1x512x512xf32, #tpu.memory_space<vmem>> -> memref<512x512xf32, #tpu.memory_space<vmem>>
    %dma_wait3A_2566 = arith.constant 0 : i32
    %dma_wait3A_2567 = arith.constant 0 : i32
    %dma_wait3A_2568 = tpu.memref_slice %arg0[%dma_wait3A_2555, %dma_wait3A_2556, %dma_wait3A_2566, %dma_wait3A_2567] : memref<16x3x512x512xf32, #tpu.memory_space<any>> -> memref<1x1x512x512xf32, #tpu.memory_space<any>>
    %dma_wait3A_2569 = tpu.memref_squeeze %dma_wait3A_2568 : memref<1x1x512x512xf32, #tpu.memory_space<any>> -> memref<512x512xf32, #tpu.memory_space<any>>
    tpu.wait_dma2 semaphore(%dma_wait3A_2561 : memref<!tpu.dma_semaphore, #tpu.memory_space<semaphore_mem>>) src(%dma_wait3A_2569 : memref<512x512xf32, #tpu.memory_space<any>>) dst(%dma_wait3A_2565 : memref<512x512xf32, #tpu.memory_space<vmem>>)
    %dma_wait3A_2570 = arith.constant 11 : i32
    %dma_wait3A_2571 = arith.constant 2 : i32
    %dma_wait3A_2572 = arith.constant 5 : i32
    %dma_wait3A_2573 = arith.constant 2 : i32
    %dma_wait3A_2574 = arith.constant 5 : i32
    %dma_wait3A_2575 = tpu.memref_slice %arg3[%dma_wait3A_2574] : memref<6x!tpu.dma_semaphore, #tpu.memory_space<semaphore_mem>> -> memref<1x!tpu.dma_semaphore, #tpu.memory_space<semaphore_mem>>
    %dma_wait3A_2576 = tpu.memref_squeeze %dma_wait3A_2575 : memref<1x!tpu.dma_semaphore, #tpu.memory_space<semaphore_mem>> -> memref<!tpu.dma_semaphore, #tpu.memory_space<semaphore_mem>>
    %dma_wait3A_2577 = arith.constant 0 : i32
    %dma_wait3A_2578 = arith.constant 0 : i32
    %dma_wait3A_2579 = tpu.memref_slice %arg2[%dma_wait3A_2572, %dma_wait3A_2573, %dma_wait3A_2577, %dma_wait3A_2578] : memref<6x3x512x512xf32, #tpu.memory_space<vmem>> -> memref<1x1x512x512xf32, #tpu.memory_space<vmem>>
    %dma_wait3A_2580 = tpu.memref_squeeze %dma_wait3A_2579 : memref<1x1x512x512xf32, #tpu.memory_space<vmem>> -> memref<512x512xf32, #tpu.memory_space<vmem>>
    %dma_wait3A_2581 = arith.constant 0 : i32
    %dma_wait3A_2582 = arith.constant 0 : i32
    %dma_wait3A_2583 = tpu.memref_slice %arg0[%dma_wait3A_2570, %dma_wait3A_2571, %dma_wait3A_2581, %dma_wait3A_2582] : memref<16x3x512x512xf32, #tpu.memory_space<any>> -> memref<1x1x512x512xf32, #tpu.memory_space<any>>
    %dma_wait3A_2584 = tpu.memref_squeeze %dma_wait3A_2583 : memref<1x1x512x512xf32, #tpu.memory_space<any>> -> memref<512x512xf32, #tpu.memory_space<any>>
    tpu.wait_dma2 semaphore(%dma_wait3A_2576 : memref<!tpu.dma_semaphore, #tpu.memory_space<semaphore_mem>>) src(%dma_wait3A_2584 : memref<512x512xf32, #tpu.memory_space<any>>) dst(%dma_wait3A_2580 : memref<512x512xf32, #tpu.memory_space<vmem>>)
    %get3A_2585 = arith.constant 5 : index
    %get3A_2586 = arith.constant 0 : index
    %get3A_2587 = arith.constant 0 : index
    %get3A_2588 = arith.constant 0 : index
    %get3A_2589 = vector.load %arg2[%get3A_2585, %get3A_2586, %get3A_2587, %get3A_2588] : memref<6x3x512x512xf32, #tpu.memory_space<vmem>>, vector<1x3x512x512xf32>
    %get3A_2590 = vector.shape_cast %get3A_2589 : vector<1x3x512x512xf32> to vector<3x512x512xf32>
    %slice3A_2591 = vector.extract_strided_slice %get3A_2590 {offsets = [0, 0, 0], sizes = [1, 512, 512], strides = [1, 1, 1]} : vector<3x512x512xf32> to vector<1x512x512xf32>
    %squeeze3A_2592 = vector.shape_cast %slice3A_2591 : vector<1x512x512xf32> to vector<512x512xf32>
    %slice3A_2593 = vector.extract_strided_slice %get3A_2590 {offsets = [1, 0, 0], sizes = [1, 512, 512], strides = [1, 1, 1]} : vector<3x512x512xf32> to vector<1x512x512xf32>
    %squeeze3A_2594 = vector.shape_cast %slice3A_2593 : vector<1x512x512xf32> to vector<512x512xf32>
    %slice3A_2595 = vector.extract_strided_slice %get3A_2590 {offsets = [2, 0, 0], sizes = [1, 512, 512], strides = [1, 1, 1]} : vector<3x512x512xf32> to vector<1x512x512xf32>
    %squeeze3A_2596 = vector.shape_cast %slice3A_2595 : vector<1x512x512xf32> to vector<512x512xf32>
    %sub3A_2597 = arith.subf %squeeze3A_2594, %squeeze3A_2592 : vector<512x512xf32>
    %sub3A_2598 = arith.subf %squeeze3A_2596, %squeeze3A_2592 : vector<512x512xf32>
    %exp3A_2599 = math.exp %sub3A_2597 : vector<512x512xf32>
    %exp3A_2600 = math.exp %sub3A_2598 : vector<512x512xf32>
    %add3A_2601 = arith.constant 1.000000e+00 : f32
    %add3A_2602 = vector.broadcast %add3A_2601 : f32 to vector<512x512xf32>
    %add3A_2603 = arith.addf %add3A_2602, %exp3A_2599 : vector<512x512xf32>
    %add3A_2604 = arith.addf %add3A_2603, %exp3A_2600 : vector<512x512xf32>
    %div3A_2605 = arith.constant 1.000000e+00 : f32
    %div3A_2606 = vector.broadcast %div3A_2605 : f32 to vector<512x512xf32>
    %div3A_2607 = arith.divf %div3A_2606, %add3A_2604 : vector<512x512xf32>
    %mul3A_2608 = arith.mulf %exp3A_2599, %div3A_2607 : vector<512x512xf32>
    %reduce_sum3A_2609 = vector.shape_cast %mul3A_2608 : vector<512x512xf32> to vector<1x512x512xf32>
    %reduce_sum3A_2610 = arith.constant dense<0.000000e+00> : vector<1xf32>
    %reduce_sum3A_2611 = vector.multi_reduction <add>, %reduce_sum3A_2609, %reduce_sum3A_2610 [1, 2] : vector<1x512x512xf32> to vector<1xf32>
    %reduce_sum3A_2612 = vector.shape_cast %reduce_sum3A_2611 : vector<1xf32> to vector<1x1x1xf32>
    %reduce_sum3A_2613 = vector.extract %reduce_sum3A_2612[0, 0, 0] : f32 from vector<1x1x1xf32>
    %mul3A_2614 = arith.mulf %exp3A_2600, %div3A_2607 : vector<512x512xf32>
    %reduce_sum3A_2615 = vector.shape_cast %mul3A_2614 : vector<512x512xf32> to vector<1x512x512xf32>
    %reduce_sum3A_2616 = arith.constant dense<0.000000e+00> : vector<1xf32>
    %reduce_sum3A_2617 = vector.multi_reduction <add>, %reduce_sum3A_2615, %reduce_sum3A_2616 [1, 2] : vector<1x512x512xf32> to vector<1xf32>
    %reduce_sum3A_2618 = vector.shape_cast %reduce_sum3A_2617 : vector<1xf32> to vector<1x1x1xf32>
    %reduce_sum3A_2619 = vector.extract %reduce_sum3A_2618[0, 0, 0] : f32 from vector<1x1x1xf32>
    %gt3A_2620 = arith.constant 0.000000e+00 : f32
    %gt3A_2621 = vector.broadcast %gt3A_2620 : f32 to vector<512x512xf32>
    %gt3A_2622 = arith.cmpf ogt, %sub3A_2597, %gt3A_2621 : vector<512x512xf32>
    %ge3A_2623 = arith.cmpf oge, %sub3A_2597, %sub3A_2598 : vector<512x512xf32>
    %and3A_2624 = arith.andi %gt3A_2622, %ge3A_2623 : vector<512x512xi1>
    %gt3A_2625 = arith.constant 0.000000e+00 : f32
    %gt3A_2626 = vector.broadcast %gt3A_2625 : f32 to vector<512x512xf32>
    %gt3A_2627 = arith.cmpf ogt, %sub3A_2598, %gt3A_2626 : vector<512x512xf32>
    %gt3A_2628 = arith.cmpf ogt, %sub3A_2598, %sub3A_2597 : vector<512x512xf32>
    %and3A_2629 = arith.andi %gt3A_2627, %gt3A_2628 : vector<512x512xi1>
    %reduce_or3A_2630 = arith.constant 1.000000e+00 : f32
    %reduce_or3A_2631 = arith.constant 0.000000e+00 : f32
    %reduce_or3A_2632 = vector.broadcast %reduce_or3A_2630 : f32 to vector<512x512xf32>
    %reduce_or3A_2633 = vector.broadcast %reduce_or3A_2631 : f32 to vector<512x512xf32>
    %reduce_or3A_2634 = arith.select %and3A_2624, %reduce_or3A_2632, %reduce_or3A_2633 : vector<512x512xi1>, vector<512x512xf32>
    %reduce_or3A_2635 = arith.constant dense<0xFF800000> : vector<512xf32>
    %reduce_or3A_2636 = vector.multi_reduction <maximumf>, %reduce_or3A_2634, %reduce_or3A_2635 [1] : vector<512x512xf32> to vector<512xf32>
    %reduce_or3A_2637 = arith.constant 0.000000e+00 : f32
    %reduce_or3A_2638 = vector.broadcast %reduce_or3A_2637 : f32 to vector<512xf32>
    %reduce_or3A_2639 = arith.cmpf ogt, %reduce_or3A_2636, %reduce_or3A_2638 : vector<512xf32>
    %reduce_or3A_2640 = arith.constant 1.000000e+00 : f32
    %reduce_or3A_2641 = arith.constant 0.000000e+00 : f32
    %reduce_or3A_2642 = vector.broadcast %reduce_or3A_2640 : f32 to vector<512x512xf32>
    %reduce_or3A_2643 = vector.broadcast %reduce_or3A_2641 : f32 to vector<512x512xf32>
    %reduce_or3A_2644 = arith.select %and3A_2629, %reduce_or3A_2642, %reduce_or3A_2643 : vector<512x512xi1>, vector<512x512xf32>
    %reduce_or3A_2645 = arith.constant dense<0xFF800000> : vector<512xf32>
    %reduce_or3A_2646 = vector.multi_reduction <maximumf>, %reduce_or3A_2644, %reduce_or3A_2645 [1] : vector<512x512xf32> to vector<512xf32>
    %reduce_or3A_2647 = arith.constant 0.000000e+00 : f32
    %reduce_or3A_2648 = vector.broadcast %reduce_or3A_2647 : f32 to vector<512xf32>
    %reduce_or3A_2649 = arith.cmpf ogt, %reduce_or3A_2646, %reduce_or3A_2648 : vector<512xf32>
    %iota3A_2650 = tpu.iota {dimensions = array<i32: 1>} : vector<1x512xi32>
    %iota3A_2651 = vector.shape_cast %iota3A_2650 : vector<1x512xi32> to vector<512xi32>
    %convert_element_type3A_2652 = arith.sitofp %iota3A_2651 : vector<512xi32> to vector<512xf32>
    %jit3A_2653 = arith.constant 5.120000e+02 : f32
    %broadcast_in_dim3A_2654 = vector.broadcast %jit3A_2653 : f32 to vector<512xf32>
    %select_n3A_2655 = arith.select %reduce_or3A_2639, %convert_element_type3A_2652, %broadcast_in_dim3A_2654 : vector<512xi1>, vector<512xf32>
    %reduce_min3A_2656 = vector.shape_cast %select_n3A_2655 : vector<512xf32> to vector<1x512xf32>
    %reduce_min3A_2657 = arith.constant dense<0x7F800000> : vector<1xf32>
    %reduce_min3A_2658 = vector.multi_reduction <minimumf>, %reduce_min3A_2656, %reduce_min3A_2657 [1] : vector<1x512xf32> to vector<1xf32>
    %reduce_min3A_2659 = vector.shape_cast %reduce_min3A_2658 : vector<1xf32> to vector<1x1xf32>
    %reduce_min3A_2660 = vector.extract %reduce_min3A_2659[0, 0] : f32 from vector<1x1xf32>
    %jit3A_2661 = arith.constant -1.000000e+00 : f32
    %broadcast_in_dim3A_2662 = vector.broadcast %jit3A_2661 : f32 to vector<512xf32>
    %select_n3A_2663 = arith.select %reduce_or3A_2639, %convert_element_type3A_2652, %broadcast_in_dim3A_2662 : vector<512xi1>, vector<512xf32>
    %reduce_max3A_2664 = vector.shape_cast %select_n3A_2663 : vector<512xf32> to vector<1x512xf32>
    %reduce_max3A_2665 = arith.constant dense<0xFF800000> : vector<1xf32>
    %reduce_max3A_2666 = vector.multi_reduction <maximumf>, %reduce_max3A_2664, %reduce_max3A_2665 [1] : vector<1x512xf32> to vector<1xf32>
    %reduce_max3A_2667 = vector.shape_cast %reduce_max3A_2666 : vector<1xf32> to vector<1x1xf32>
    %reduce_max3A_2668 = vector.extract %reduce_max3A_2667[0, 0] : f32 from vector<1x1xf32>
    %jit3A_2669 = arith.constant 5.120000e+02 : f32
    %broadcast_in_dim3A_2670 = vector.broadcast %jit3A_2669 : f32 to vector<512xf32>
    %select_n3A_2671 = arith.select %reduce_or3A_2649, %convert_element_type3A_2652, %broadcast_in_dim3A_2670 : vector<512xi1>, vector<512xf32>
    %reduce_min3A_2672 = vector.shape_cast %select_n3A_2671 : vector<512xf32> to vector<1x512xf32>
    %reduce_min3A_2673 = arith.constant dense<0x7F800000> : vector<1xf32>
    %reduce_min3A_2674 = vector.multi_reduction <minimumf>, %reduce_min3A_2672, %reduce_min3A_2673 [1] : vector<1x512xf32> to vector<1xf32>
    %reduce_min3A_2675 = vector.shape_cast %reduce_min3A_2674 : vector<1xf32> to vector<1x1xf32>
    %reduce_min3A_2676 = vector.extract %reduce_min3A_2675[0, 0] : f32 from vector<1x1xf32>
    %jit3A_2677 = arith.constant -1.000000e+00 : f32
    %broadcast_in_dim3A_2678 = vector.broadcast %jit3A_2677 : f32 to vector<512xf32>
    %select_n3A_2679 = arith.select %reduce_or3A_2649, %convert_element_type3A_2652, %broadcast_in_dim3A_2678 : vector<512xi1>, vector<512xf32>
    %reduce_max3A_2680 = vector.shape_cast %select_n3A_2679 : vector<512xf32> to vector<1x512xf32>
    %reduce_max3A_2681 = arith.constant dense<0xFF800000> : vector<1xf32>
    %reduce_max3A_2682 = vector.multi_reduction <maximumf>, %reduce_max3A_2680, %reduce_max3A_2681 [1] : vector<1x512xf32> to vector<1xf32>
    %reduce_max3A_2683 = vector.shape_cast %reduce_max3A_2682 : vector<1xf32> to vector<1x1xf32>
    %reduce_max3A_2684 = vector.extract %reduce_max3A_2683[0, 0] : f32 from vector<1x1xf32>
    %iota3A_2685 = tpu.iota {dimensions = array<i32: 1>} : vector<1x128xi32>
    %broadcast_in_dim3A_2686 = arith.constant 0.000000e+00 : f32
    %broadcast_in_dim3A_2687 = vector.broadcast %broadcast_in_dim3A_2686 : f32 to vector<1x128xf32>
    %eq3A_2688 = arith.constant 0 : i32
    %eq3A_2689 = vector.broadcast %eq3A_2688 : i32 to vector<1x128xi32>
    %eq3A_2690 = arith.cmpi eq, %iota3A_2685, %eq3A_2689 : vector<1x128xi32>
    %broadcast_in_dim3A_2691 = vector.broadcast %reduce_min3A_2660 : f32 to vector<1x128xf32>
    %select_n3A_2692 = arith.select %eq3A_2690, %broadcast_in_dim3A_2691, %broadcast_in_dim3A_2687 : vector<1x128xi1>, vector<1x128xf32>
    %eq3A_2693 = arith.constant 1 : i32
    %eq3A_2694 = vector.broadcast %eq3A_2693 : i32 to vector<1x128xi32>
    %eq3A_2695 = arith.cmpi eq, %iota3A_2685, %eq3A_2694 : vector<1x128xi32>
    %broadcast_in_dim3A_2696 = vector.broadcast %reduce_max3A_2668 : f32 to vector<1x128xf32>
    %select_n3A_2697 = arith.select %eq3A_2695, %broadcast_in_dim3A_2696, %select_n3A_2692 : vector<1x128xi1>, vector<1x128xf32>
    %eq3A_2698 = arith.constant 2 : i32
    %eq3A_2699 = vector.broadcast %eq3A_2698 : i32 to vector<1x128xi32>
    %eq3A_2700 = arith.cmpi eq, %iota3A_2685, %eq3A_2699 : vector<1x128xi32>
    %broadcast_in_dim3A_2701 = vector.broadcast %reduce_min3A_2676 : f32 to vector<1x128xf32>
    %select_n3A_2702 = arith.select %eq3A_2700, %broadcast_in_dim3A_2701, %select_n3A_2697 : vector<1x128xi1>, vector<1x128xf32>
    %eq3A_2703 = arith.constant 3 : i32
    %eq3A_2704 = vector.broadcast %eq3A_2703 : i32 to vector<1x128xi32>
    %eq3A_2705 = arith.cmpi eq, %iota3A_2685, %eq3A_2704 : vector<1x128xi32>
    %broadcast_in_dim3A_2706 = vector.broadcast %reduce_max3A_2684 : f32 to vector<1x128xf32>
    %select_n3A_2707 = arith.select %eq3A_2705, %broadcast_in_dim3A_2706, %select_n3A_2702 : vector<1x128xi1>, vector<1x128xf32>
    %eq3A_2708 = arith.constant 4 : i32
    %eq3A_2709 = vector.broadcast %eq3A_2708 : i32 to vector<1x128xi32>
    %eq3A_2710 = arith.cmpi eq, %iota3A_2685, %eq3A_2709 : vector<1x128xi32>
    %broadcast_in_dim3A_2711 = vector.broadcast %reduce_sum3A_2613 : f32 to vector<1x128xf32>
    %select_n3A_2712 = arith.select %eq3A_2710, %broadcast_in_dim3A_2711, %select_n3A_2707 : vector<1x128xi1>, vector<1x128xf32>
    %eq3A_2713 = arith.constant 5 : i32
    %eq3A_2714 = vector.broadcast %eq3A_2713 : i32 to vector<1x128xi32>
    %eq3A_2715 = arith.cmpi eq, %iota3A_2685, %eq3A_2714 : vector<1x128xi32>
    %broadcast_in_dim3A_2716 = vector.broadcast %reduce_sum3A_2619 : f32 to vector<1x128xf32>
    %select_n3A_2717 = arith.select %eq3A_2715, %broadcast_in_dim3A_2716, %select_n3A_2712 : vector<1x128xi1>, vector<1x128xf32>
    %swap3A_2718 = arith.constant 11 : index
    %swap3A_2719 = arith.constant 0 : index
    %swap3A_2720 = arith.constant 0 : index
    %swap3A_2721 = vector.load %arg1[%swap3A_2718, %swap3A_2719, %swap3A_2720] : memref<12x1x128xf32, #tpu.memory_space<vmem>>, vector<1x1x128xf32>
    %swap3A_2722 = vector.shape_cast %swap3A_2721 : vector<1x1x128xf32> to vector<1x128xf32>
    %swap3A_2723 = vector.shape_cast %select_n3A_2717 : vector<1x128xf32> to vector<1x1x128xf32>
    tpu.vector_store %arg1[%swap3A_2718, %swap3A_2719, %swap3A_2720], %swap3A_2723 {strides = array<i32>} : memref<12x1x128xf32, #tpu.memory_space<vmem>>, vector<1x1x128xf32>,
    return
  }
}

</mosaic_0001>

<sc_bundles>
// kernel: kernel.4.cloned.1.call-start
scs
__scs_entry_jumppad:
0x0: {  	(pc) =	sbr.rel $0x88, $3  }
0x1: {  	(tag) =	ssettag $0x0;
	lr =	simm.s32 $0x1  }
0x2: {  	[smem:$0x3FA0] =	sst lr;
	_ =	strace $0xD0000000  }
0x3: {  	_ = 	snop  }
0x4: {  	_ = 	snop  }
0x5: {  	_ = 	snop  }
0x6: {  	_ = 	snop  }
0x7: {  	_ = 	snop  }
__scs_overlays_trampoline_lowered:
0x8: {  	[smem:$0x3FAF] =	sst s0  }
0x9: {  	[smem:$0x3FB0] =	sst s1  }
0xa: {  	[smem:$0x3FB1] =	sst s2  }
0xb: {  	[smem:$0x3FB2] =	sst s3  }
0xc: {  	[smem:$0x3FB3] =	sst s4  }
0xd: {  	[smem:$0x3FB4] =	sst s5  }
0xe: {  	[smem:$0x3FB5] =	sst s6  }
0xf: {  	[smem:$0x3FB6] =	sst s7  }
0x10: {  	[smem:$0x3FB7] =	sst s8  }
0x11: {  	[smem:$0x3FB8] =	sst s9;
	s0 =	simm.s32 @!p0 $0x0  }
0x12: {  	s1 =	sld [smem:$0x3F9E];
	s0 =	simm.s32 @p0 $0x1  }
0x13: {  	[smem:$0x3FB9] =	sst s0;
	s0 =	simm.s32 @!p1 $0x0  }
0x14: {  	s2 =	sld [smem:$0x3F9D];
	s0 =	simm.s32 @p1 $0x1  }
0x15: {  	[smem:$0x3FBA] =	sst s0;
	s0 =	simm.s32 @!p2 $0x0  }
0x16: {  	s3 =	sld [smem:$0x3FDB];
	s0 =	simm.s32 @p2 $0x1  }
0x17: {  	s4 =	simm.s32 $0x1BF5;
	[smem:$0x3FBC] =	sst s0  }
0x18: {  	s0 =	sld [smem:$0x3F9F];
	_ =	swait.ge [sflag:s4], $0x0  }
0x19: {  	s7 =	sld [smem:$0x3FA0]  }
0x1a: {  	s8 =	sadd.s32 $0xFFFFE003, lr  }
0x1b: {  	s9 =	sadd.s32 $0xFFFFFEF7, lr;
	s5 =	simm.s32 $0xFFFFFFFF;
	p2 =	slt.u32 s8, $0xFFFFF086  }
0x1c: {  	p1 =	slt.u32 s9, $0xF7A;
	s5 =	simm.s32 @!p2 $0x0  }
0x1d: {  	s5 =	simm.s32 @p1 $0x1;
	p0 =	seq.s32 s7, s2  }
0x1e: {  	s7 =	smul.u32 @!p0 $0xF7A, s2;
	p2 =	seq.s32 @!p0 s5, $0x0  }
0x1f: {  	s9 =	smul.u32 $0xF7A, s1;
	s8 =	simm.s32 @!p0 $0x1BF5;
	p2 =	por !p2, p0  }
0x20: {  	[sflag:s8] =	ssyncset.s32 @!p0 $0xFFFFF086;
	s6 =	sadd.s32 @!p0 s3, s7;
	s7 =	simm.s32 @!p0 $0x108  }
0x21: {  	s3 =	sadd.s32 s3, s9;
	s6 =	sadd.s32 @!p0 $0x88, s6;
	s7 =	simm.s32 @p2 $0x1082  }
0x22: {  	[simem:s7], [sflag:s8] =	dma.local @!p0 [hbm:s6], $0xF7A  }
0x23: {  	s9 =	sor.u32 $0xD0000000, s2;
	s6 =	simm.s32 $0x108;
	_ =	swait.ge @!p0 [sflag:s8], $0x0  }
0x24: {  	s3 =	sadd.s32 $0x88, s3;
	s6 =	simm.s32 @!p1 $0x1082;
	[sflag:s4] =	ssyncset.s32 $0xFFFFF086  }
0x25: {  	[simem:s6], [sflag:s4] =	dma.local [hbm:s3], $0xF7A  }
0x26: {  	[smem:$0x3FA0] =	sst s1;
	(tag) =	ssettag s2;
	_ =	strace s9  }
0x27: {  	s1 =	sld [smem:$0x3FB0]  }
0x28: {  	s2 =	sld [smem:$0x3FB1]  }
0x29: {  	s4 =	sld [smem:$0x3FB3]  }
0x2a: {  	p0 =	seq.s32 s5, $0x0;
	s5 =	sld [smem:$0x3FB4]  }
0x2b: {  	s6 =	sld [smem:$0x3FB5]  }
0x2c: {  	s7 =	sld [smem:$0x3FB6]  }
0x2d: {  	s3 =	simm.s32 $0x108;
	s8 =	sld [smem:$0x3FB7]  }
0x2e: {  	s3 =	simm.s32 @!p0 $0x1082;
	s9 =	sld [smem:$0x3FB8]  }
0x2f: {  	lr =	sadd.s32 s0, s3;
	s0 =	sld [smem:$0x3FAF]  }
0x30: {  	s3 =	sld [smem:$0x3FB2]  }
0x31: {  	[smem:$0x3FBB] =	sst s10  }
0x32: {  	s10 =	sld [smem:$0x3FB9];
	_ =	sdelay $0x3  }
0x33: {  	p0 =	seq.s32 s10, $0x1;
	s10 =	sld [smem:$0x3FBB];
	_ =	sdelay $0x3  }
0x34: {  	[smem:$0x3FBB] =	sst s10  }
0x35: {  	s10 =	sld [smem:$0x3FBA];
	_ =	sdelay $0x3  }
0x36: {  	p1 =	seq.s32 s10, $0x1;
	s10 =	sld [smem:$0x3FBB];
	_ =	sdelay $0x3  }
0x37: {  	[smem:$0x3FBB] =	sst s10  }
0x38: {  	s10 =	sld [smem:$0x3FBC]  }
0x39: {  	_ = 	snop;
	(pc) =	sbr.ind lr, $3  }
0x3a: {  	_ = 	snop  }
0x3b: {  	_ = 	snop  }
0x3c: {  	p2 =	seq.s32 s10, $0x1;
	s10 =	sld [smem:$0x3FBB]  }
0x3d: {  	_ =	shalt  }
0x3e: {  	_ =	shalt  }
0x3f: {  	_ =	shalt  }
0x40: {  	_ =	shalt  }
0x41: {  	_ =	shalt  }
0x42: {  	_ =	shalt  }
0x43: {  	_ =	shalt  }
0x44: {  	_ =	shalt  }
0x45: {  	_ =	shalt  }
0x46: {  	_ =	shalt  }
0x47: {  	_ =	shalt  }
0x48: {  	_ =	shalt  }
0x49: {  	_ =	shalt  }
0x4a: {  	_ =	shalt  }
0x4b: {  	_ =	shalt  }
0x4c: {  	_ =	shalt  }
0x4d: {  	_ =	shalt  }
0x4e: {  	_ =	shalt  }
0x4f: {  	_ =	shalt  }
0x50: {  	_ =	shalt  }
0x51: {  	_ =	shalt  }
0x52: {  	_ =	shalt  }
0x53: {  	_ =	shalt  }
0x54: {  	_ =	shalt  }
0x55: {  	_ =	shalt  }
0x56: {  	_ =	shalt  }
0x57: {  	_ =	shalt  }
0x58: {  	_ =	shalt  }
0x59: {  	_ =	shalt  }
0x5a: {  	_ =	shalt  }
0x5b: {  	_ =	shalt  }
0x5c: {  	_ =	shalt  }
0x5d: {  	_ =	shalt  }
0x5e: {  	_ =	shalt  }
0x5f: {  	_ =	shalt  }
0x60: {  	_ =	shalt  }
0x61: {  	_ =	shalt  }
0x62: {  	_ =	shalt  }
0x63: {  	_ =	shalt  }
0x64: {  	_ =	shalt  }
0x65: {  	_ =	shalt  }
0x66: {  	_ =	shalt  }
0x67: {  	_ =	shalt  }
0x68: {  	_ =	shalt  }
0x69: {  	_ =	shalt  }
0x6a: {  	_ =	shalt  }
0x6b: {  	_ =	shalt  }
0x6c: {  	_ =	shalt  }
0x6d: {  	_ =	shalt  }
0x6e: {  	_ =	shalt  }
0x6f: {  	_ =	shalt  }
0x70: {  	_ =	shalt  }
0x71: {  	_ =	shalt  }
0x72: {  	_ =	shalt  }
0x73: {  	_ =	shalt  }
0x74: {  	_ =	shalt  }
0x75: {  	_ =	shalt  }
0x76: {  	_ =	shalt  }
0x77: {  	_ =	shalt  }
0x78: {  	_ =	shalt  }
0x79: {  	_ =	shalt  }
0x7a: {  	_ =	shalt  }
0x7b: {  	_ =	shalt  }
0x7c: {  	_ =	shalt  }
0x7d: {  	_ =	shalt  }
0x7e: {  	_ =	shalt  }
0x7f: {  	_ =	shalt  }
0x80: {  	_ =	shalt  }
0x81: {  	_ =	shalt  }
0x82: {  	_ =	shalt  }
0x83: {  	_ =	shalt  }
0x84: {  	_ =	shalt  }
0x85: {  	_ =	shalt  }
0x86: {  	_ =	shalt  }
0x87: {  	_ =	shalt  }
.Lfunc_end0:
.L_simem_size_0:
called_computation_lowered:
.L_overlay_start_0:
0x88: {  	s2 =	sld [smem:$0x3FD9]  }
0x89: {  	s3 =	sld [smem:$0x3FFE];
	_ =	sdelay $0x1  }
0x8a: {  	s1 =	srdreg.scid  }
0x8b: {  	s0 =	sand.u32 $0x1, s1  }
0x8c: {  	s17 =	sshll.u32 s0, $0xA;
	s2 =	sadd.s32 s3, s2  }
0x8d: {  	s2 =	sadd.s32 s2, s17  }
0x8e: {  	[smem:$0x3FC7] =	sst s2  }
0x8f: {  	_ = 	snop  }
0x90: {  	s2 =	sld [smem:$0x3FC9];
	(tm) =	ssettm $0x1  }
0x91: {  	s18 =	sld [smem:$0x3FFB];
	_ =	sdelay $0x3  }
0x92: {  	_ =	strace s18  }
0x93: {  	s3 =	sld [smem:$0x3FFC];
	_ =	sdelay $0x3  }
0x94: {  	_ =	strace s3  }
0x95: {  	s3 =	sld [smem:$0x3FFD];
	_ =	sdelay $0x3  }
0x96: {  	_ =	strace s3  }
0x97: {  	_ =	strace $0x8FFFFFFF  }
0x98: {  	s19 =	sld [smem:$0x3FDB];
	_ =	sdelay $0x1  }
0x99: {  	s4 =	simm.s32 $_scs_section_size  }
0x9a: {  	s5 =	simm.s32 $_size__tile_overlayer_lowered;
	s6 =	simm.s32 $_tile_overlayer_lowered  }
0x9b: {  	s22 =	simm.s32 $0x1BFF;
	s21 =	sshll.u32 s6, $0x1;
	s3 =	sadd.s32 s4, s19  }
0x9c: {  	s7 =	simm.s32 $0x0;
	s20 =	sshll.u32 s5, $0x1;
	s5 =	sadd.s32 s21, s3  }
0x9d: {  	[timem:s7], [sflag:s22] =	dma.local [hbm:s5], s20  }
0x9e: {  	_ =	swait.ge [sflag:s22], s20  }
0x9f: {  	s4 =	ssub.s32 $0x0, s20;
	[sflag:s22] =	ssyncset.done $0x0  }
0xa0: {  	[sflag:s22] =	ssyncadd.s32 s4;
	_ =	sdelay $0x1  }
0xa1: {  	s23 =	simm.s32 $0x1B8B  }
0xa2: {  	_ =	swait.ge [sflag:s23], $0x1  }
0xa3: {  	[sflag:s23] =	ssyncset.done $0x0  }
0xa4: {  	s25 =	simm.s32 $0x1B8E;
	s24 =	sld [smem:$0x3FFE];
	[sflag:s23] =	ssyncadd.s32 $0xFFFFFFFF  }
0xa5: {  	s26 =	simm.s32 $execute0_lowered;
	[smem:$0x3FD2] =	sst s25  }
0xa6: {  	s5 =	sshll.u32 s26, $0x1;
	_ =	strace $0x80000046;
	[dreg:$0x1] =	wrdreg $0xFFFFFFFF  }
0xa7: {  	s28 =	simm.s32 $_size_execute0_lowered;
	s3 =	sadd.s32 s3, s5;
	[dreg:$0x0] =	wrdreg $0x0  }
0xa8: {  	s5 =	sshll.u32 s28, $0x1;
	[dreg:$0x2] =	wrdreg s3  }
0xa9: {  	[dreg:$0x3] =	wrdreg s5  }
0xaa: {  	[dreg:$0x4] =	wrdreg $0xC0  }
0xab: {  	_ =	task [dreg:s7], $0x5FFFF  }
0xac: {  	[dreg:$0x1] =	wrdreg $0xFFFFFFFF  }
0xad: {  	[dreg:$0x0] =	wrdreg $0x60  }
0xae: {  	[dreg:$0x2] =	wrdreg s2  }
0xaf: {  	[dreg:$0x3] =	wrdreg s24  }
0xb0: {  	[dreg:$0x4] =	wrdreg $0x9  }
0xb1: {  	_ =	task.clear_ibuf [dreg:s7], $0x5FFFF;
	_ =	strace $0x90000046  }
0xb2: {  	s29 =	simm.s32 $0x9;
	_ =	strace $0x80000048  }
0xb3: {  	_ =	swait.ge [sflag:s29], $0x1  }
0xb4: {  	[sflag:s29] =	ssyncadd.s32 $0xFFFFFFFF  }
0xb5: {  	_ =	strace $0x90000048  }
0xb6: {  	_ =	sfence  }
0xb7: {  	s30 =	sld [smem:$0x0];
	_ =	sdelay $0x2  }
0xb8: {  	s31 =	sshll.u32 s1, $0xD;
	s1 =	sshrl.u32 s1, $0x2  }
0xb9: {  	s3 =	sand.u32 $0x4000, s31;
	s1 =	sadd.s32 s1, s30  }
0xba: {  	s0 =	sor.u32 s3, s0;
	s1 =	sshll.u32 s1, $0x11  }
0xbb: {  	s0 =	sor.u32 s1, s0  }
0xbc: {  	s0 =	sadd.s32 $0x8F2B, s0  }
0xbd: {  	[sflag:s0] =	ssyncadd.remote.s32 $0x1  }
0xbe: {  	_ =	sfence.sel $0xFFFF  }
0xbf: {  	[dreg:$0x0] =	wrdreg $0xFFFFFFFF;
	(pc) =	sbr.abs _section_cstart, $3  }
0xc0: {  	[dreg:$0x1] =	wrdreg $0xFFFFFFFF  }
0xc1: {  	_ =	task.clear_ibuf [dreg:s7], $0x2FFFF;
	_ =	strace $0x9FFFFFFF  }
0xc2: {  	(tm) =	ssettm $0x7FFFFFFF  }
0xc3: {  	_ =	shalt  }
tec
execute0_lowered:
.L_overlay_start_1:
0x0: {  	(tag) =	ssettag $0x1  }
0x1: {  	s0 =	srdreg.scid  }
0x2: {  	s0 =	sand.u32 $0x1, s0  }
0x3: {  	s15 =	stileid.u32;
	s1 =	sshll.u32 s0, $0x4  }
0x4: {  	s3 =	sand.u32 $0x7, s15;
	s1 =	sor.u32 s15, s1  }
0x5: {  	s7 =	rddreg [dreg:$0x0];
	p1 =	sne.s32 s3, $0x0;
	p0 =	seq.s32 s1, $0x0  }
0x6: {  	s2 =	simm.s32 $0x1;
	s9 =	rddreg [dreg:$0x1];
	p0 =	por !p1, !p0  }
0x7: {  	s31 =	simm.s32 $0x2;
	s29 =	sshll.u32 s15, $0x4;
	p0 =	por !p0, !p0  }
0x8: {  	s0 =	ssub.s32 $0x2, s0;
	s4 =	sshrl.u32 s1, $0x3;
	s2 =	simm.s32 @!p0 $0x0  }
0x9: {  	s20 =	sshll.u32 s3, $0xF;
	s3 =	sshll.u32 s3, $0x6;
	s4 =	ssub.s32 s4, s2  }
0xa: {  	s5 =	sshrl.u32 s0, $0x1;
	s6 =	sor.u32 $0x10, s3;
	s4 =	smul.u32 $0xC0000, s4  }
0xb: {  	s0 =	ssub.s32 s0, s5;
	s10 =	sshll.u32 s6, $0x9;
	s2 =	simm.s32 $0x0  }
0xc: {  	s1 =	sshll.u32 s1, $0x4;
	[smem:$0x7FF] =	sst s2;
	s12 =	sadd.s32 $0x900000, s4  }
0xd: {  	s1 =	sand.u32 $0x180, s1;
	_ =	strace $0x80000047;
	s4 =	sor.u32 s20, s12  }
0xe: {  	s10 =	sor.u32 s10, s12;
	s21 =	sshrl.u32 s4, $0x3;
	s4 =	simm.s32 $0x1  }
0xf: {  	s13 =	sshrl.u32 s10, $0x3;
	s10 =	sor.u32 $0x30, s3;
	s5 =	sadd.s32 s7, s21  }
0x10: {  	s24 =	sshll.u32 s10, $0x9;
	s21 =	smax.u32 s0, $0x1;
	s8 =	sadd.s32 $0x8000, s5  }
0x11: {  	s11 =	sadd.s32 $0x10000, s5;
	[dreg:$0x3] =	wrdreg s8;
	s8 =	sor.u32 $0x20, s3  }
0x12: {  	[dreg:$0x4] =	wrdreg s11;
	s11 =	sadd.s32 s7, s13;
	s22 =	sshll.u32 s8, $0x9  }
0x13: {  	s16 =	sadd.s32 $0x8000, s11;
	s25 =	sadd.s32 $0x10000, s11;
	s14 =	sor.u32 s22, s12  }
0x14: {  	[dreg:$0x5] =	wrdreg s16;
	s12 =	sor.u32 s24, s12;
	s23 =	sshrl.u32 s14, $0x3  }
0x15: {  	[dreg:$0x6] =	wrdreg s25;
	s24 =	simm.s32 $0x4;
	s13 =	sadd.s32 s7, s23  }
0x16: {  	s25 =	simm.s32 $0x0;
	s12 =	sshrl.u32 s12, $0x3;
	s26 =	sadd.s32 $0x8000, s13  }
0x17: {  	s17 =	sadd.s32 s7, s12;
	s28 =	sadd.s32 $0x10000, s13;
	[dreg:$0x7] =	wrdreg s26  }
0x18: {  	vm0 =	vmxor vm0, vm0;
	v0 =	vimm.f32 $0.0e+00;
	s7 =	sand.u32 $0x70, s29;
	s12 =	sadd.s32 $0x8000, s17;
	[dreg:$0x8] =	wrdreg s28  }
0x19: {  	vm1 =	vcmask $0x300;
	vm2 =	vcmask $0x704;
	vm3 =	vcmask $0xB08;
	s30 =	sadd.s32 $0x10000, s17;
	s7 =	sadd.s32 s9, s7;
	[dreg:$0x9] =	wrdreg s12  }
0x1a: {  	vm4 =	vcmask $0xF0C;
	vm5 =	vcmask $0x1310;
	vm6 =	vcmask $0x1318;
	[dreg:$0xa] =	wrdreg s30;
	s20 =	sadd.s32 s1, s7;
	s1 =	simm.s32 $0x3  }
.LBB2_1:
0x1b: {  	[tilespmem:s2], [sflag:$0x1] =	stream.linear.gather [hbm4b:s5+s2], $0x2000, $0x38;
	[tilespmem:$0x12080] =	vst v63  }
0x1c: {  	s0 =	rddreg [dreg:$0x3];
	s7 =	simm.s32 $0x2000  }
0x1d: {  	[tilespmem:s7], [sflag:$0x1] =	stream.linear.gather [hbm4b:s0+s2], $0x2000, $0x38;
	[tilespmem:$0x12080] =	vst v63  }
0x1e: {  	s15 =	rddreg [dreg:$0x4];
	s16 =	simm.s32 $0x4000  }
0x1f: {  	[tilespmem:s16], [sflag:$0x1] =	stream.linear.gather [hbm4b:s15+s2], $0x2000, $0x38;
	[tilespmem:$0x12080] =	vst v63  }
0x20: {  	s18 =	simm.s32 $0x6000  }
0x21: {  	[tilespmem:s18], [sflag:$0x2] =	stream.linear.gather [hbm4b:s11+s2], $0x2000, $0x38;
	[tilespmem:$0x12080] =	vst v63  }
0x22: {  	s19 =	rddreg [dreg:$0x5];
	s22 =	simm.s32 $0x8000  }
0x23: {  	[tilespmem:s22], [sflag:$0x2] =	stream.linear.gather [hbm4b:s19+s2], $0x2000, $0x38;
	[tilespmem:$0x12080] =	vst v63  }
0x24: {  	s23 =	rddreg [dreg:$0x6];
	s26 =	simm.s32 $0xA000  }
0x25: {  	[tilespmem:s26], [sflag:$0x2] =	stream.linear.gather [hbm4b:s23+s2], $0x2000, $0x38;
	[tilespmem:$0x12080] =	vst v63  }
0x26: {  	_ =	swait.ge [sflag:s4], $0x2000  }
0x27: {  	[sflag:s4] =	ssyncset.done $0x0  }
0x28: {  	[sflag:s4] =	ssyncadd.s32 $0xFFFFE000  }
0x29: {  	_ =	swait.ge [sflag:s4], $0x2000  }
0x2a: {  	[sflag:s4] =	ssyncset.done $0x0  }
0x2b: {  	[sflag:s4] =	ssyncadd.s32 $0xFFFFE000  }
0x2c: {  	s28 =	simm.f32 $5.120000000e+02;
	_ =	swait.ge [sflag:s4], $0x2000  }
0x2d: {  	s29 =	simm.f32 $-1.000000000e+00;
	s30 =	simm.f32 $5.120000000e+02;
	[sflag:s4] =	ssyncset.done $0x0  }
0x2e: {  	v2 =	vimm.f32 $0.0e+00;
	v1 =	vimm.f32 $0.0e+00;
	s0 =	simm.s32 $0x0;
	s26 =	simm.f32 $-1.000000000e+00;
	[sflag:s4] =	ssyncadd.s32 $0xFFFFE000  }
.LBB2_2:
0x2f: {  	s7 =	sshll.u32 s0, $0x9;
	s9 =	sshll.u32 s0, $0x7  }
0x30: {  	s12 =	simm.s32 $0x0;
	s7 =	sand.u32 $0x1000, s7;
	s9 =	sand.u32 $0x380, s9  }
0x31: {  	s14 =	sand.u32 $0xC00, s12;
	s7 =	sor.u32 s9, s7  }
0x32: {  	s12 =	sand.u32 $0x70, s12;
	s9 =	sor.u32 $0x2000, s7;
	s15 =	sadd.s32 s14, s7  }
0x33: {  	s15 =	sadd.s32 s12, s15;
	s16 =	sadd.s32 s14, s9  }
0x34: {  	s22 =	sor.u32 $0x4000, s7;
	v3 =	vld [tilespmem:s15+$0x0];
	s23 =	sadd.s32 s12, s16  }
0x35: {  	s14 =	sadd.s32 s14, s22;
	v4 =	vld [tilespmem:s23+$0x0]  }
0x36: {  	s12 =	sadd.s32 s12, s14;
	s16 =	simm.s32 $0x80  }
0x37: {  	s18 =	simm.s32 $0x10;
	v5 =	vld [tilespmem:s12+$0x0];
	s12 =	sand.u32 $0xC00, s16  }
0x38: {  	s14 =	sand.u32 $0x70, s18;
	s19 =	sadd.s32 s12, s7  }
0x39: {  	s23 =	sadd.s32 s12, s9;
	s15 =	sadd.s32 s14, s19  }
0x3a: {  	s18 =	sadd.s32 s14, s23;
	v6 =	vld [tilespmem:s15+$0x0];
	v4 =	vsub.f32 v4, v3  }
0x3b: {  	s12 =	sadd.s32 s12, s22;
	v7 =	vld [tilespmem:s18+$0x0]  }
0x3c: {  	s12 =	sadd.s32 s14, s12;
	v3 =	vsub.f32 v5, v3;
	v5 =	vmul.f32 $1.442695020e+00, v4  }
0x3d: {  	s19 =	simm.s32 $0x100;
	v8 =	vld [tilespmem:s12+$0x0]  }
0x3e: {  	s23 =	simm.s32 $0x20;
	s14 =	sand.u32 $0xC00, s19;
	(erf) = vpow2.f32 v5;
	v5 =	vmul.f32 $1.442695020e+00, v3  }
0x3f: {  	s18 =	sand.u32 $0x70, s23;
	s19 =	sadd.s32 s14, s9  }
0x40: {  	s15 =	sadd.s32 s14, s7;
	s23 =	sadd.s32 s18, s19;
	v7 =	vsub.f32 v7, v6;
	(erf) = vpow2.f32 v5  }
0x41: {  	s15 =	sadd.s32 s18, s15;
	v9 =	vld [tilespmem:s23+$0x0]  }
0x42: {  	s14 =	sadd.s32 s14, s22;
	v6 =	vsub.f32 v8, v6;
	v8 =	vmul.f32 $1.442695020e+00, v7;
	v5 =	vld [tilespmem:s15+$0x0]  }
0x43: {  	s12 =	sadd.s32 s18, s14;
	vm7 =	vgt.f32 v4, $0.0e+00;
	vm8 =	vge.f32 v4, v3  }
0x44: {  	v10 =	vld [tilespmem:s12+$0x0];
	vm10 =	vgt.f32 v3, v4;
	v4 =	vmul.f32 $1.442695020e+00, v6;
	s15 =	simm.s32 $0x180;
	(erf) = vpow2.f32 v8  }
0x45: {  	s16 =	simm.s32 $0x30;
	s12 =	sand.u32 $0xC00, s15  }
0x46: {  	s14 =	sand.u32 $0x70, s16;
	vm9 =	vgt.f32 v3, $0.0e+00;
	vm7 =	vmand vm7, vm8;
	s18 =	sadd.s32 s12, s7;
	(erf) = vpow2.f32 v4  }
0x47: {  	vm8 =	vmand vm9, vm10;
	vm7 =	vmor vm0, vm7;
	s19 =	sadd.s32 s12, s9;
	s15 =	sadd.s32 s14, s18;
	v8 =	vsub.f32 v9, v5;
	v3 =	vpop (erf)  }
0x48: {  	vm10 =	vge.f32 v7, v6;
	vm11 =	vgt.f32 v6, $0.0e+00;
	s23 =	sadd.s32 s14, s19;
	v11 =	vld [tilespmem:s15+$0x0];
	v9 =	vadd.f32 $1.000000000e+00, v3  }
0x49: {  	vm12 =	vgt.f32 v6, v7;
	s12 =	sadd.s32 s12, s22;
	v6 =	vld [tilespmem:s23+$0x0];
	v5 =	vsub.f32 v10, v5;
	v12 =	vmul.f32 $1.442695020e+00, v8;
	v4 =	vpop (erf)  }
0x4a: {  	vm8 =	vmor vm0, vm8;
	vm9 =	vgt.f32 v7, $0.0e+00;
	s12 =	sadd.s32 s14, s12;
	v7 =	vadd.f32 v4, v9  }
0x4b: {  	vm9 =	vmand vm9, vm10;
	vm10 =	vmand vm11, vm12;
	(erf) = vpow2.f32 v12;
	v9 =	vld [tilespmem:s12+$0x0]  }
0x4c: {  	s16 =	simm.s32 $0x200;
	vm10 =	vmor vm8, vm10;
	(erf) = vrcp.f32 v7;
	v7 =	vmul.f32 $1.442695020e+00, v5  }
0x4d: {  	s18 =	simm.s32 $0x40;
	vm8 =	vge.f32 v8, v5;
	vm11 =	vgt.f32 v5, $0.0e+00;
	vm12 =	vgt.f32 v5, v8;
	s12 =	sand.u32 $0xC00, s16;
	v5 =	vpop (erf)  }
0x4e: {  	s15 =	sand.u32 $0x70, s18;
	v10 =	vsub.f32 v6, v11;
	s19 =	sadd.s32 s12, s7;
	(erf) = vpow2.f32 v7;
	v7 =	vadd.f32 $1.000000000e+00, v5  }
0x4f: {  	vm7 =	vmor vm7, vm9;
	vm9 =	vgt.f32 v8, $0.0e+00;
	s23 =	sadd.s32 s12, s9;
	s14 =	sadd.s32 s15, s19;
	v6 =	vpop (erf)  }
0x50: {  	s16 =	sadd.s32 s15, s23;
	v8 =	vld [tilespmem:s14+$0x0];
	v9 =	vsub.f32 v9, v11;
	v11 =	vmul.f32 $1.442695020e+00, v10;
	v7 =	vadd.f32 v6, v7  }
0x51: {  	vm8 =	vmand vm9, vm8;
	s12 =	sadd.s32 s12, s22;
	v63 =	vld [tilespmem:s16+$0x0]  }
0x52: {  	vm9 =	vmand vm11, vm12;
	s12 =	sadd.s32 s15, s12;
	(erf) = vpow2.f32 v11;
	v13 =	vmul.f32 $1.442695020e+00, v9  }
0x53: {  	vm8 =	vmor vm7, vm8;
	vm7 =	vmor vm10, vm9;
	s23 =	simm.s32 $0x280;
	v11 =	vld [tilespmem:s12+$0x0];
	(erf) = vrcp.f32 v7  }
0x54: {  	s18 =	simm.s32 $0x50;
	vm11 =	vgt.f32 v10, $0.0e+00;
	s14 =	sand.u32 $0xC00, s23;
	vm9 =	vge.f32 v10, v9;
	v7 =	vpop (erf);
	(erf) = vpow2.f32 v13  }
0x55: {  	s15 =	sand.u32 $0x70, s18;
	s19 =	sadd.s32 s14, s7;
	vm10 =	vgt.f32 v9, $0.0e+00;
	vm12 =	vgt.f32 v9, v10;
	vm11 =	vmand vm11, vm9  }
0x56: {  	s18 =	sadd.s32 s14, s9;
	s16 =	sadd.s32 s15, s19;
	s12 =	simm.s32 $0x60;
	vm9 =	vmand vm10, vm12;
	v10 =	vsub.f32 v63, v8;
	vm8 =	vmor vm8, vm11;
	v9 =	vpop (erf)  }
.LBB2_3:
0x57: {  	p0 =	sne.s32 s12, $0x1F0;
	s18 =	sadd.s32 s15, s18;
	v12 =	vadd.f32 $1.000000000e+00, v7;
	v13 =	vmul.f32 v9, v3;
	v16 =	vmul.f32 v9, v4;
	v9 =	vmovc v8;
	v8 =	vld [tilespmem:s16+$0x0];
	v4 =	vmovc v6  }
0x58: {  	s14 =	sadd.s32 s14, s22;
	v14 =	vld [tilespmem:s18+$0x0];
	v9 =	vsub.f32 v11, v9;
	v15 =	vmul.f32 $1.442695020e+00, v10;
	vm10 =	vgt.f32 v10, $0.0e+00;
	v6 =	vpop (erf)  }
.Ltmp0:
0x59: {  	vm7 =	vmor vm7, vm9;
	v3 =	vmovc v5;
	v5 =	vmovc v7;
	s14 =	sadd.s32 s15, s14;
	v12 =	vadd.f32 v6, v12;
	v2 =	vadd.f32 v16, v2;
	(pc) =	sbr.rel @p0 .LBB2_3-.Ltmp0, $4  }
0x5a: {  	s23 =	sadd.s32 $0x80, s23;
	v11 =	vld [tilespmem:s14+$0x0];
	vm9 =	vge.f32 v10, v9;
	vm11 =	vgt.f32 v9, $0.0e+00;
	(erf) = vpow2.f32 v15  }
0x5b: {  	s14 =	sand.u32 $0xC00, s23;
	v15 =	vmul.f32 $1.442695020e+00, v9;
	vm12 =	vgt.f32 v9, v10;
	(erf) = vrcp.f32 v12  }
0x5c: {  	s15 =	sand.u32 $0x70, s12;
	v1 =	vadd.f32 v13, v1;
	s16 =	sadd.s32 s14, s7;
	vm10 =	vmand vm10, vm9;
	vm9 =	vmand vm11, vm12;
	v7 =	vpop (erf)  }
0x5d: {  	s12 =	sadd.s32 $0x10, s12;
	s18 =	sadd.s32 s14, s9;
	s16 =	sadd.s32 s15, s16;
	vm8 =	vmor vm8, vm10;
	v10 =	vsub.f32 v14, v8;
	(erf) = vpow2.f32 v15;
	v9 =	vpop (erf)  }
0x5e: {  	v12 =	vld [tilespmem:s16+$0x0];
	s7 =	sadd.s32 s15, s18;
	s9 =	sadd.s32 s14, s22  }
0x5f: {  	v13 =	vld [tilespmem:s7+$0x0];
	s18 =	sadd.s32 s15, s9  }
0x60: {  	v14 =	vld [tilespmem:s18+$0x0];
	_ =	sdelay $0x2  }
0x61: {  	v8 =	vsub.f32 v11, v8  }
0x62: {  	vm10 =	vgt.f32 v10, $0.0e+00  }
0x63: {  	vm12 =	vge.f32 v10, v8;
	v13 =	vsub.f32 v13, v12;
	v12 =	vsub.f32 v14, v12  }
0x64: {  	v15 =	vadd.f32 $1.000000000e+00, v7;
	vm7 =	vmor vm7, vm9;
	vm9 =	vmand vm10, vm12  }
0x65: {  	vm8 =	vmor vm8, vm9;
	vm9 =	vgt.f32 v13, $0.0e+00;
	vm10 =	vge.f32 v13, v12  }
0x66: {  	v16 =	vpop (erf);
	v42 =	vmul.f32 $1.442695020e+00, v10;
	vm9 =	vmand vm9, vm10  }
0x67: {  	v15 =	vadd.f32 v16, v15;
	vm11 =	vgt.f32 v8, $0.0e+00;
	vm8 =	vmor vm8, vm9  }
0x68: {  	(erf) = vpow2.f32 v42;
	vm12 =	vgt.f32 v8, v10;
	v47 =	vsel vm8, $0x3F800000, v0  }
0x69: {  	v43 =	vmul.f32 $1.442695020e+00, v8;
	(erf) = vrcp.f32 v15;
	v44 =	vpop (erf);
	vm13 =	vmand vm11, vm12;
	(xrf0) =	vmax.scan.msk.f32 $0xffff, v47  }
0x6a: {  	v45 =	vadd.f32 $1.000000000e+00, v44;
	v46 =	vpop (erf);
	vm14 =	vgt.f32 v12, $0.0e+00;
	vm15 =	vgt.f32 v12, v13  }
0x6b: {  	vm7 =	vmor vm7, vm13;
	v17 =	vpop (erf);
	v13 =	vmul.f32 $1.442695020e+00, v13;
	vm8 =	vmand vm14, vm15  }
0x6c: {  	(erf) = vpow2.f32 v43;
	v10 =	vadd.f32 v17, v45;
	vm7 =	vmor vm7, vm8  }
0x6d: {  	v48 =	vmul.f32 $1.442695020e+00, v12;
	(erf) = vpow2.f32 v13;
	v49 =	vsel vm7, $0x3F800000, v0  }
0x6e: {  	(erf) = vrcp.f32 v10;
	(xrf0) =	vmax.scan.msk.f32 $0xffff, v49  }
0x6f: {  	(erf) = vpow2.f32 v48;
	v50, _, _ =	vpop (xrf0)  }
0x70: {  	(v2sf) =	vpush v50, $0xF;
	_ =	sdelay $0x1  }
0x71: {  	v51 =	vpop (erf)  }
0x72: {  	v52 =	vpop (erf)  }
0x73: {  	v53 =	vadd.f32 $1.000000000e+00, v51;
	v54, _, _ =	vpop (xrf0)  }
0x74: {  	v55 =	vpop (erf);
	(v2sf) =	vpush v54, $0xF  }
0x75: {  	v10 =	vadd.f32 v55, v53;
	v56 =	vpop (erf)  }
0x76: {  	v18 =	vpop (erf);
	v19 =	vadd.f32 $1.000000000e+00, v56  }
0x77: {  	(erf) = vrcp.f32 v10;
	v57 =	vpop (erf)  }
0x78: {  	v19 =	vadd.f32 v57, v19  }
0x79: {  	v4 =	vmul.f32 v9, v4  }
0x7a: {  	v3 =	vmul.f32 v9, v3;
	(erf) = vrcp.f32 v19  }
0x7b: {  	v2 =	vadd.f32 v4, v2;
	v58 =	vmul.f32 v46, v6  }
0x7c: {  	v1 =	vadd.f32 v3, v1;
	v3 =	vmul.f32 v46, v5  }
0x7d: {  	s19 =	sor.u32 s3, s0;
	v2 =	vadd.f32 v58, v2;
	v59 =	vmul.f32 v52, v16  }
0x7e: {  	s7 =	scvt.s32.f32 s19;
	v1 =	vadd.f32 v3, v1;
	v3 =	vmul.f32 v52, v7;
	s22 =	spop (v2sf)  }
0x7f: {  	v2 =	vadd.f32 v59, v2;
	v60 =	vmul.f32 v18, v17;
	p0 =	sgt.f32 s22, $0.0e+00  }
0x80: {  	s0 =	sadd.s32 $0x1, s0;
	s12 =	smin.f32 s30, s7;
	v1 =	vadd.f32 v3, v1;
	v3 =	vmul.f32 v18, v44;
	v61 =	vpop (erf)  }
0x81: {  	v2 =	vadd.f32 v60, v2;
	v62 =	vmul.f32 v61, v55;
	s30 =	smov.u32 @p0 s12;
	s29 =	smov.u32 @p0 s7;
	p0 =	sne.s32 s0, $0x10  }
.Ltmp1:
0x82: {  	v1 =	vadd.f32 v3, v1;
	v3 =	vmul.f32 v61, v51;
	(pc) =	sbr.rel @p0 .LBB2_2-.Ltmp1, $4  }
0x83: {  	v2 =	vadd.f32 v62, v2;
	v63 =	vpop (erf);
	s23 =	spop (v2sf)  }
0x84: {  	v1 =	vadd.f32 v3, v1;
	v3 =	vmul.f32 v63, v56;
	v4 =	vmul.f32 v63, v57;
	p1 =	sgt.f32 s23, $0.0e+00  }
0x85: {  	s9 =	smin.f32 s28, s7  }
0x86: {  	v2 =	vadd.f32 v4, v2;
	v1 =	vadd.f32 v3, v1;
	s28 =	smov.u32 @p1 s9;
	s26 =	smov.u32 @p1 s7  }
0x87: {  	s0 =	simm.s32 $0x0;
	s7 =	simm.s32 $0xC000  }
0x88: {  	[tilespmem:s7], [sflag:$0x3] =	stream.linear.gather [hbm4b:s13+s0], $0x2000, $0x38;
	[tilespmem:$0x12080] =	vst v63  }
0x89: {  	s19 =	rddreg [dreg:$0x7];
	s9 =	simm.s32 $0xE000  }
0x8a: {  	[tilespmem:s9], [sflag:$0x3] =	stream.linear.gather [hbm4b:s19+s0], $0x2000, $0x38;
	[tilespmem:$0x12080] =	vst v63  }
0x8b: {  	s22 =	rddreg [dreg:$0x8];
	s23 =	simm.s32 $0x10000  }
0x8c: {  	[tilespmem:s23], [sflag:$0x3] =	stream.linear.gather [hbm4b:s22+s0], $0x2000, $0x38;
	[tilespmem:$0x12080] =	vst v63  }
0x8d: {  	_ =	swait.ge [sflag:s31], $0x2000  }
0x8e: {  	[sflag:s31] =	ssyncset.done $0x0  }
0x8f: {  	[sflag:s31] =	ssyncadd.s32 $0xFFFFE000  }
0x90: {  	_ =	swait.ge [sflag:s31], $0x2000  }
0x91: {  	[sflag:s31] =	ssyncset.done $0x0  }
0x92: {  	[sflag:s31] =	ssyncadd.s32 $0xFFFFE000  }
0x93: {  	_ =	swait.ge [sflag:s31], $0x2000  }
0x94: {  	[sflag:s31] =	ssyncset.done $0x0  }
0x95: {  	s7 =	simm.s32 $0x0;
	[sflag:s31] =	ssyncadd.s32 $0xFFFFE000  }
.LBB2_6:
0x96: {  	s9 =	sshll.u32 s7, $0x9;
	s12 =	sshll.u32 s7, $0x7  }
0x97: {  	s9 =	sand.u32 $0x1000, s9;
	s12 =	sand.u32 $0x380, s12  }
0x98: {  	s12 =	sor.u32 s12, s9  }
0x99: {  	s14 =	sand.u32 $0xC00, s0;
	s9 =	sor.u32 $0x6000, s12  }
0x9a: {  	s15 =	sand.u32 $0x70, s0;
	s22 =	sor.u32 $0x8000, s12;
	s16 =	sadd.s32 s14, s9  }
0x9b: {  	s18 =	sadd.s32 s14, s22;
	s16 =	sadd.s32 s15, s16  }
0x9c: {  	s23 =	sor.u32 $0xA000, s12;
	s19 =	sadd.s32 s15, s18;
	v3 =	vld [tilespmem:s16+$0x0]  }
0x9d: {  	s14 =	sadd.s32 s14, s23;
	v4 =	vld [tilespmem:s19+$0x0]  }
0x9e: {  	s12 =	sadd.s32 s15, s14;
	s15 =	simm.s32 $0x80  }
0x9f: {  	v5 =	vld [tilespmem:s12+$0x0];
	s16 =	simm.s32 $0x10;
	s12 =	sand.u32 $0xC00, s15  }
0xa0: {  	s14 =	sand.u32 $0x70, s16;
	s18 =	sadd.s32 s12, s9  }
0xa1: {  	s19 =	sadd.s32 s12, s22;
	s15 =	sadd.s32 s14, s18  }
0xa2: {  	s16 =	sadd.s32 s14, s19;
	v6 =	vld [tilespmem:s15+$0x0];
	v4 =	vsub.f32 v4, v3  }
0xa3: {  	s12 =	sadd.s32 s12, s23;
	v7 =	vld [tilespmem:s16+$0x0]  }
0xa4: {  	s12 =	sadd.s32 s14, s12;
	v3 =	vsub.f32 v5, v3;
	v5 =	vmul.f32 $1.442695020e+00, v4  }
0xa5: {  	s18 =	simm.s32 $0x100;
	v8 =	vld [tilespmem:s12+$0x0]  }
0xa6: {  	s19 =	simm.s32 $0x20;
	s14 =	sand.u32 $0xC00, s18;
	(erf) = vpow2.f32 v5;
	v5 =	vmul.f32 $1.442695020e+00, v3  }
0xa7: {  	s18 =	sand.u32 $0x70, s19;
	s19 =	sadd.s32 s14, s22  }
0xa8: {  	s15 =	sadd.s32 s14, s9;
	s16 =	sadd.s32 s18, s19;
	v7 =	vsub.f32 v7, v6;
	(erf) = vpow2.f32 v5  }
0xa9: {  	s15 =	sadd.s32 s18, s15;
	v9 =	vld [tilespmem:s16+$0x0]  }
0xaa: {  	s14 =	sadd.s32 s14, s23;
	v6 =	vsub.f32 v8, v6;
	v8 =	vmul.f32 $1.442695020e+00, v7;
	v5 =	vld [tilespmem:s15+$0x0]  }
0xab: {  	s12 =	sadd.s32 s18, s14;
	vm7 =	vgt.f32 v4, $0.0e+00;
	vm8 =	vge.f32 v4, v3  }
0xac: {  	s18 =	simm.s32 $0x180;
	v10 =	vld [tilespmem:s12+$0x0];
	vm10 =	vgt.f32 v3, v4;
	v4 =	vmul.f32 $1.442695020e+00, v6;
	(erf) = vpow2.f32 v8  }
0xad: {  	s19 =	simm.s32 $0x30;
	s12 =	sand.u32 $0xC00, s18  }
0xae: {  	s14 =	sand.u32 $0x70, s19;
	vm9 =	vgt.f32 v3, $0.0e+00;
	s18 =	sadd.s32 s12, s22;
	vm7 =	vmand vm7, vm8;
	(erf) = vpow2.f32 v4  }
0xaf: {  	s16 =	sadd.s32 s12, s9;
	vm8 =	vmand vm9, vm10;
	s19 =	sadd.s32 s14, s18;
	vm10 =	vge.f32 v7, v6;
	v8 =	vsub.f32 v9, v5;
	v3 =	vpop (erf)  }
0xb0: {  	vm11 =	vgt.f32 v6, $0.0e+00;
	vm12 =	vgt.f32 v6, v7;
	v6 =	vld [tilespmem:s19+$0x0];
	s15 =	sadd.s32 s14, s16;
	v9 =	vadd.f32 $1.000000000e+00, v3  }
0xb1: {  	s12 =	sadd.s32 s12, s23;
	vm7 =	vmor vm0, vm7;
	v11 =	vld [tilespmem:s15+$0x0];
	v5 =	vsub.f32 v10, v5;
	v12 =	vmul.f32 $1.442695020e+00, v8;
	v4 =	vpop (erf)  }
0xb2: {  	s12 =	sadd.s32 s14, s12;
	vm8 =	vmor vm0, vm8;
	vm9 =	vgt.f32 v7, $0.0e+00;
	v7 =	vadd.f32 v4, v9  }
0xb3: {  	vm9 =	vmand vm9, vm10;
	vm10 =	vmand vm11, vm12;
	(erf) = vpow2.f32 v12;
	v9 =	vld [tilespmem:s12+$0x0]  }
0xb4: {  	s16 =	simm.s32 $0x200;
	vm10 =	vmor vm8, vm10;
	(erf) = vrcp.f32 v7;
	v7 =	vmul.f32 $1.442695020e+00, v5  }
0xb5: {  	s18 =	simm.s32 $0x40;
	s15 =	sand.u32 $0xC00, s16;
	vm8 =	vge.f32 v8, v5;
	vm11 =	vgt.f32 v5, $0.0e+00;
	vm12 =	vgt.f32 v5, v8;
	v5 =	vpop (erf)  }
0xb6: {  	s14 =	sand.u32 $0x70, s18;
	s19 =	sadd.s32 s15, s22;
	v10 =	vsub.f32 v6, v11;
	(erf) = vpow2.f32 v7;
	v7 =	vadd.f32 $1.000000000e+00, v5  }
0xb7: {  	vm7 =	vmor vm7, vm9;
	s18 =	sadd.s32 s14, s19;
	vm9 =	vgt.f32 v8, $0.0e+00;
	s12 =	sadd.s32 s15, s9;
	v6 =	vpop (erf)  }
0xb8: {  	v63 =	vld [tilespmem:s18+$0x0];
	s12 =	sadd.s32 s14, s12;
	v9 =	vsub.f32 v9, v11;
	v11 =	vmul.f32 $1.442695020e+00, v10;
	v7 =	vadd.f32 v6, v7  }
0xb9: {  	s19 =	sadd.s32 s15, s23;
	vm8 =	vmand vm9, vm8;
	v8 =	vld [tilespmem:s12+$0x0]  }
0xba: {  	vm9 =	vmand vm11, vm12;
	s14 =	sadd.s32 s14, s19;
	(erf) = vpow2.f32 v11;
	v13 =	vmul.f32 $1.442695020e+00, v9  }
0xbb: {  	vm11 =	vgt.f32 v10, $0.0e+00;
	vm8 =	vmor vm7, vm8;
	s12 =	simm.s32 $0x280;
	v11 =	vld [tilespmem:s14+$0x0];
	(erf) = vrcp.f32 v7  }
0xbc: {  	s16 =	simm.s32 $0x50;
	vm7 =	vmor vm10, vm9;
	s15 =	sand.u32 $0xC00, s12;
	vm9 =	vge.f32 v10, v9;
	v7 =	vpop (erf);
	(erf) = vpow2.f32 v13  }
0xbd: {  	s16 =	sand.u32 $0x70, s16;
	s19 =	sadd.s32 s15, s9;
	vm10 =	vgt.f32 v9, $0.0e+00;
	vm12 =	vgt.f32 v9, v10;
	vm11 =	vmand vm11, vm9  }
0xbe: {  	s18 =	sadd.s32 s16, s19;
	s19 =	sadd.s32 s15, s22;
	s14 =	simm.s32 $0x60;
	v10 =	vsub.f32 v63, v8;
	vm9 =	vmand vm10, vm12;
	vm8 =	vmor vm8, vm11;
	v9 =	vpop (erf)  }
.LBB2_7:
0xbf: {  	p0 =	sne.s32 s14, $0x1F0;
	s19 =	sadd.s32 s16, s19;
	v12 =	vadd.f32 $1.000000000e+00, v7;
	v13 =	vmul.f32 v9, v3;
	v16 =	vmul.f32 v9, v4;
	v9 =	vmovc v8;
	v8 =	vld [tilespmem:s18+$0x0];
	v4 =	vmovc v6  }
0xc0: {  	s15 =	sadd.s32 s15, s23;
	v14 =	vld [tilespmem:s19+$0x0];
	v9 =	vsub.f32 v11, v9;
	v15 =	vmul.f32 $1.442695020e+00, v10;
	vm10 =	vgt.f32 v10, $0.0e+00;
	v6 =	vpop (erf)  }
.Ltmp2:
0xc1: {  	vm7 =	vmor vm7, vm9;
	v3 =	vmovc v5;
	v5 =	vmovc v7;
	s15 =	sadd.s32 s16, s15;
	v12 =	vadd.f32 v6, v12;
	v2 =	vadd.f32 v16, v2;
	(pc) =	sbr.rel @p0 .LBB2_7-.Ltmp2, $4  }
0xc2: {  	s12 =	sadd.s32 $0x80, s12;
	v11 =	vld [tilespmem:s15+$0x0];
	vm9 =	vge.f32 v10, v9;
	vm11 =	vgt.f32 v9, $0.0e+00;
	(erf) = vpow2.f32 v15  }
0xc3: {  	s15 =	sand.u32 $0xC00, s12;
	v15 =	vmul.f32 $1.442695020e+00, v9;
	vm12 =	vgt.f32 v9, v10;
	(erf) = vrcp.f32 v12  }
0xc4: {  	s16 =	sand.u32 $0x70, s14;
	v1 =	vadd.f32 v13, v1;
	s18 =	sadd.s32 s15, s9;
	vm10 =	vmand vm10, vm9;
	vm9 =	vmand vm11, vm12;
	v7 =	vpop (erf)  }
0xc5: {  	s14 =	sadd.s32 $0x10, s14;
	s19 =	sadd.s32 s15, s22;
	s18 =	sadd.s32 s16, s18;
	vm8 =	vmor vm8, vm10;
	v10 =	vsub.f32 v14, v8;
	(erf) = vpow2.f32 v15;
	v9 =	vpop (erf)  }
0xc6: {  	v12 =	vld [tilespmem:s18+$0x0];
	s9 =	sadd.s32 s16, s19;
	s12 =	sadd.s32 s15, s23  }
0xc7: {  	v13 =	vld [tilespmem:s9+$0x0];
	s18 =	sadd.s32 s16, s12  }
0xc8: {  	v14 =	vld [tilespmem:s18+$0x0];
	_ =	sdelay $0x2  }
0xc9: {  	v8 =	vsub.f32 v11, v8  }
0xca: {  	vm10 =	vgt.f32 v10, $0.0e+00  }
0xcb: {  	vm12 =	vge.f32 v10, v8;
	v13 =	vsub.f32 v13, v12;
	v12 =	vsub.f32 v14, v12  }
0xcc: {  	v15 =	vadd.f32 $1.000000000e+00, v7;
	vm7 =	vmor vm7, vm9;
	vm9 =	vmand vm10, vm12  }
0xcd: {  	vm8 =	vmor vm8, vm9;
	vm9 =	vgt.f32 v13, $0.0e+00;
	vm10 =	vge.f32 v13, v12  }
0xce: {  	v16 =	vpop (erf);
	v42 =	vmul.f32 $1.442695020e+00, v10;
	vm9 =	vmand vm9, vm10  }
0xcf: {  	v15 =	vadd.f32 v16, v15;
	vm11 =	vgt.f32 v8, $0.0e+00;
	vm8 =	vmor vm8, vm9  }
0xd0: {  	(erf) = vpow2.f32 v42;
	vm12 =	vgt.f32 v8, v10;
	v47 =	vsel vm8, $0x3F800000, v0  }
0xd1: {  	v43 =	vmul.f32 $1.442695020e+00, v8;
	(erf) = vrcp.f32 v15;
	v44 =	vpop (erf);
	vm13 =	vmand vm11, vm12;
	(xrf0) =	vmax.scan.msk.f32 $0xffff, v47  }
0xd2: {  	v45 =	vadd.f32 $1.000000000e+00, v44;
	v46 =	vpop (erf);
	vm14 =	vgt.f32 v12, $0.0e+00;
	vm15 =	vgt.f32 v12, v13  }
0xd3: {  	vm7 =	vmor vm7, vm13;
	v17 =	vpop (erf);
	v13 =	vmul.f32 $1.442695020e+00, v13;
	vm8 =	vmand vm14, vm15  }
0xd4: {  	(erf) = vpow2.f32 v43;
	v10 =	vadd.f32 v17, v45;
	vm7 =	vmor vm7, vm8  }
0xd5: {  	v48 =	vmul.f32 $1.442695020e+00, v12;
	(erf) = vpow2.f32 v13;
	v49 =	vsel vm7, $0x3F800000, v0  }
0xd6: {  	(erf) = vrcp.f32 v10;
	(xrf0) =	vmax.scan.msk.f32 $0xffff, v49  }
0xd7: {  	(erf) = vpow2.f32 v48;
	v50, _, _ =	vpop (xrf0)  }
0xd8: {  	(v2sf) =	vpush v50, $0xF;
	_ =	sdelay $0x1  }
0xd9: {  	v51 =	vpop (erf)  }
0xda: {  	v52 =	vpop (erf)  }
0xdb: {  	v53 =	vadd.f32 $1.000000000e+00, v51;
	v54, _, _ =	vpop (xrf0)  }
0xdc: {  	v55 =	vpop (erf);
	(v2sf) =	vpush v54, $0xF  }
0xdd: {  	v10 =	vadd.f32 v55, v53;
	v56 =	vpop (erf)  }
0xde: {  	v18 =	vpop (erf);
	v19 =	vadd.f32 $1.000000000e+00, v56  }
0xdf: {  	(erf) = vrcp.f32 v10;
	v57 =	vpop (erf)  }
0xe0: {  	v19 =	vadd.f32 v57, v19  }
0xe1: {  	v4 =	vmul.f32 v9, v4  }
0xe2: {  	v3 =	vmul.f32 v9, v3;
	(erf) = vrcp.f32 v19  }
0xe3: {  	v2 =	vadd.f32 v4, v2;
	v58 =	vmul.f32 v46, v6  }
0xe4: {  	v1 =	vadd.f32 v3, v1;
	v3 =	vmul.f32 v46, v5  }
0xe5: {  	s19 =	sor.u32 s6, s7;
	v2 =	vadd.f32 v58, v2;
	v59 =	vmul.f32 v52, v16  }
0xe6: {  	s9 =	scvt.s32.f32 s19;
	v1 =	vadd.f32 v3, v1;
	v3 =	vmul.f32 v52, v7;
	s22 =	spop (v2sf)  }
0xe7: {  	v2 =	vadd.f32 v59, v2;
	v60 =	vmul.f32 v18, v17;
	p0 =	sgt.f32 s22, $0.0e+00  }
0xe8: {  	s7 =	sadd.s32 $0x1, s7;
	s14 =	smin.f32 s30, s9;
	v1 =	vadd.f32 v3, v1;
	v3 =	vmul.f32 v18, v44;
	v61 =	vpop (erf)  }
0xe9: {  	v2 =	vadd.f32 v60, v2;
	v62 =	vmul.f32 v61, v55;
	s30 =	smov.u32 @p0 s14;
	s29 =	smov.u32 @p0 s9;
	p0 =	sne.s32 s7, $0x10  }
.Ltmp3:
0xea: {  	v1 =	vadd.f32 v3, v1;
	v3 =	vmul.f32 v61, v51;
	(pc) =	sbr.rel @p0 .LBB2_6-.Ltmp3, $4  }
0xeb: {  	v2 =	vadd.f32 v62, v2;
	v63 =	vpop (erf);
	s23 =	spop (v2sf)  }
0xec: {  	v1 =	vadd.f32 v3, v1;
	v3 =	vmul.f32 v63, v56;
	v4 =	vmul.f32 v63, v57;
	p1 =	sgt.f32 s23, $0.0e+00  }
0xed: {  	s12 =	smin.f32 s28, s9  }
0xee: {  	v2 =	vadd.f32 v4, v2;
	v1 =	vadd.f32 v3, v1;
	s28 =	smov.u32 @p1 s12;
	s26 =	smov.u32 @p1 s9  }
0xef: {  	s0 =	simm.s32 $0x0  }
0xf0: {  	[tilespmem:s0], [sflag:$0x1] =	stream.linear.gather [hbm4b:s17+s0], $0x2000, $0x38;
	[tilespmem:$0x12080] =	vst v63  }
0xf1: {  	s7 =	rddreg [dreg:$0x9];
	s9 =	simm.s32 $0x2000  }
0xf2: {  	[tilespmem:s9], [sflag:$0x1] =	stream.linear.gather [hbm4b:s7+s0], $0x2000, $0x38;
	[tilespmem:$0x12080] =	vst v63  }
0xf3: {  	s22 =	rddreg [dreg:$0xa];
	s23 =	simm.s32 $0x4000  }
0xf4: {  	[tilespmem:s23], [sflag:$0x1] =	stream.linear.gather [hbm4b:s22+s0], $0x2000, $0x38;
	[tilespmem:$0x12080] =	vst v63  }
0xf5: {  	_ =	swait.ge [sflag:s1], $0x2000  }
0xf6: {  	[sflag:s1] =	ssyncset.done $0x0  }
0xf7: {  	[sflag:s1] =	ssyncadd.s32 $0xFFFFE000  }
0xf8: {  	_ =	swait.ge [sflag:s1], $0x2000  }
0xf9: {  	[sflag:s1] =	ssyncset.done $0x0  }
0xfa: {  	[sflag:s1] =	ssyncadd.s32 $0xFFFFE000  }
0xfb: {  	_ =	swait.ge [sflag:s1], $0x2000  }
0xfc: {  	[sflag:s1] =	ssyncset.done $0x0  }
0xfd: {  	s7 =	simm.s32 $0x0;
	[sflag:s1] =	ssyncadd.s32 $0xFFFFE000  }
.LBB2_10:
0xfe: {  	s9 =	sshll.u32 s7, $0x9;
	s12 =	sshll.u32 s7, $0x7  }
0xff: {  	s9 =	sand.u32 $0x1000, s9;
	s12 =	sand.u32 $0x380, s12  }
0x100: {  	s12 =	sor.u32 s12, s9  }
0x101: {  	s14 =	sand.u32 $0xC00, s0;
	s9 =	sor.u32 $0xC000, s12  }
0x102: {  	s15 =	sand.u32 $0x70, s0;
	s22 =	sor.u32 $0xE000, s12;
	s16 =	sadd.s32 s14, s9  }
0x103: {  	s18 =	sadd.s32 s14, s22;
	s16 =	sadd.s32 s15, s16  }
0x104: {  	s23 =	sor.u32 $0x10000, s12;
	s19 =	sadd.s32 s15, s18;
	v3 =	vld [tilespmem:s16+$0x0]  }
0x105: {  	s14 =	sadd.s32 s14, s23;
	v4 =	vld [tilespmem:s19+$0x0]  }
0x106: {  	s12 =	sadd.s32 s15, s14;
	s15 =	simm.s32 $0x80  }
0x107: {  	v5 =	vld [tilespmem:s12+$0x0];
	s16 =	simm.s32 $0x10;
	s12 =	sand.u32 $0xC00, s15  }
0x108: {  	s14 =	sand.u32 $0x70, s16;
	s18 =	sadd.s32 s12, s9  }
0x109: {  	s19 =	sadd.s32 s12, s22;
	s15 =	sadd.s32 s14, s18  }
0x10a: {  	s16 =	sadd.s32 s14, s19;
	v6 =	vld [tilespmem:s15+$0x0];
	v4 =	vsub.f32 v4, v3  }
0x10b: {  	s12 =	sadd.s32 s12, s23;
	v7 =	vld [tilespmem:s16+$0x0]  }
0x10c: {  	s12 =	sadd.s32 s14, s12;
	v3 =	vsub.f32 v5, v3;
	v5 =	vmul.f32 $1.442695020e+00, v4  }
0x10d: {  	s18 =	simm.s32 $0x100;
	v8 =	vld [tilespmem:s12+$0x0]  }
0x10e: {  	s19 =	simm.s32 $0x20;
	s14 =	sand.u32 $0xC00, s18;
	(erf) = vpow2.f32 v5;
	v5 =	vmul.f32 $1.442695020e+00, v3  }
0x10f: {  	s18 =	sand.u32 $0x70, s19;
	s19 =	sadd.s32 s14, s22  }
0x110: {  	s15 =	sadd.s32 s14, s9;
	s16 =	sadd.s32 s18, s19;
	v7 =	vsub.f32 v7, v6;
	(erf) = vpow2.f32 v5  }
0x111: {  	s15 =	sadd.s32 s18, s15;
	v9 =	vld [tilespmem:s16+$0x0]  }
0x112: {  	s14 =	sadd.s32 s14, s23;
	v6 =	vsub.f32 v8, v6;
	v8 =	vmul.f32 $1.442695020e+00, v7;
	v5 =	vld [tilespmem:s15+$0x0]  }
0x113: {  	s12 =	sadd.s32 s18, s14;
	vm7 =	vgt.f32 v4, $0.0e+00;
	vm8 =	vge.f32 v4, v3  }
0x114: {  	s18 =	simm.s32 $0x180;
	v10 =	vld [tilespmem:s12+$0x0];
	vm10 =	vgt.f32 v3, v4;
	v4 =	vmul.f32 $1.442695020e+00, v6;
	(erf) = vpow2.f32 v8  }
0x115: {  	s19 =	simm.s32 $0x30;
	s12 =	sand.u32 $0xC00, s18  }
0x116: {  	s14 =	sand.u32 $0x70, s19;
	vm9 =	vgt.f32 v3, $0.0e+00;
	s18 =	sadd.s32 s12, s22;
	vm7 =	vmand vm7, vm8;
	(erf) = vpow2.f32 v4  }
0x117: {  	s16 =	sadd.s32 s12, s9;
	vm8 =	vmand vm9, vm10;
	s19 =	sadd.s32 s14, s18;
	vm10 =	vge.f32 v7, v6;
	v8 =	vsub.f32 v9, v5;
	v3 =	vpop (erf)  }
0x118: {  	vm11 =	vgt.f32 v6, $0.0e+00;
	vm12 =	vgt.f32 v6, v7;
	v6 =	vld [tilespmem:s19+$0x0];
	s15 =	sadd.s32 s14, s16;
	v9 =	vadd.f32 $1.000000000e+00, v3  }
0x119: {  	s12 =	sadd.s32 s12, s23;
	vm7 =	vmor vm0, vm7;
	v11 =	vld [tilespmem:s15+$0x0];
	v5 =	vsub.f32 v10, v5;
	v12 =	vmul.f32 $1.442695020e+00, v8;
	v4 =	vpop (erf)  }
0x11a: {  	s12 =	sadd.s32 s14, s12;
	vm8 =	vmor vm0, vm8;
	vm9 =	vgt.f32 v7, $0.0e+00;
	v7 =	vadd.f32 v4, v9  }
0x11b: {  	vm9 =	vmand vm9, vm10;
	vm10 =	vmand vm11, vm12;
	(erf) = vpow2.f32 v12;
	v9 =	vld [tilespmem:s12+$0x0]  }
0x11c: {  	s16 =	simm.s32 $0x200;
	vm10 =	vmor vm8, vm10;
	(erf) = vrcp.f32 v7;
	v7 =	vmul.f32 $1.442695020e+00, v5  }
0x11d: {  	s18 =	simm.s32 $0x40;
	s15 =	sand.u32 $0xC00, s16;
	vm8 =	vge.f32 v8, v5;
	vm11 =	vgt.f32 v5, $0.0e+00;
	vm12 =	vgt.f32 v5, v8;
	v5 =	vpop (erf)  }
0x11e: {  	s14 =	sand.u32 $0x70, s18;
	s19 =	sadd.s32 s15, s22;
	v10 =	vsub.f32 v6, v11;
	(erf) = vpow2.f32 v7;
	v7 =	vadd.f32 $1.000000000e+00, v5  }
0x11f: {  	vm7 =	vmor vm7, vm9;
	s18 =	sadd.s32 s14, s19;
	vm9 =	vgt.f32 v8, $0.0e+00;
	s12 =	sadd.s32 s15, s9;
	v6 =	vpop (erf)  }
0x120: {  	v63 =	vld [tilespmem:s18+$0x0];
	s12 =	sadd.s32 s14, s12;
	v9 =	vsub.f32 v9, v11;
	v11 =	vmul.f32 $1.442695020e+00, v10;
	v7 =	vadd.f32 v6, v7  }
0x121: {  	s19 =	sadd.s32 s15, s23;
	vm8 =	vmand vm9, vm8;
	v8 =	vld [tilespmem:s12+$0x0]  }
0x122: {  	vm9 =	vmand vm11, vm12;
	s14 =	sadd.s32 s14, s19;
	(erf) = vpow2.f32 v11;
	v13 =	vmul.f32 $1.442695020e+00, v9  }
0x123: {  	vm11 =	vgt.f32 v10, $0.0e+00;
	vm8 =	vmor vm7, vm8;
	s12 =	simm.s32 $0x280;
	v11 =	vld [tilespmem:s14+$0x0];
	(erf) = vrcp.f32 v7  }
0x124: {  	s16 =	simm.s32 $0x50;
	vm7 =	vmor vm10, vm9;
	s15 =	sand.u32 $0xC00, s12;
	vm9 =	vge.f32 v10, v9;
	v7 =	vpop (erf);
	(erf) = vpow2.f32 v13  }
0x125: {  	s16 =	sand.u32 $0x70, s16;
	s19 =	sadd.s32 s15, s9;
	vm10 =	vgt.f32 v9, $0.0e+00;
	vm12 =	vgt.f32 v9, v10;
	vm11 =	vmand vm11, vm9  }
0x126: {  	s18 =	sadd.s32 s16, s19;
	s19 =	sadd.s32 s15, s22;
	s14 =	simm.s32 $0x60;
	v10 =	vsub.f32 v63, v8;
	vm9 =	vmand vm10, vm12;
	vm8 =	vmor vm8, vm11;
	v9 =	vpop (erf)  }
.LBB2_11:
0x127: {  	p0 =	sne.s32 s14, $0x1F0;
	s19 =	sadd.s32 s16, s19;
	v12 =	vadd.f32 $1.000000000e+00, v7;
	v13 =	vmul.f32 v9, v3;
	v16 =	vmul.f32 v9, v4;
	v9 =	vmovc v8;
	v8 =	vld [tilespmem:s18+$0x0];
	v4 =	vmovc v6  }
0x128: {  	s15 =	sadd.s32 s15, s23;
	v14 =	vld [tilespmem:s19+$0x0];
	v9 =	vsub.f32 v11, v9;
	v15 =	vmul.f32 $1.442695020e+00, v10;
	vm10 =	vgt.f32 v10, $0.0e+00;
	v6 =	vpop (erf)  }
.Ltmp4:
0x129: {  	vm7 =	vmor vm7, vm9;
	v3 =	vmovc v5;
	v5 =	vmovc v7;
	s15 =	sadd.s32 s16, s15;
	v12 =	vadd.f32 v6, v12;
	v2 =	vadd.f32 v16, v2;
	(pc) =	sbr.rel @p0 .LBB2_11-.Ltmp4, $4  }
0x12a: {  	s12 =	sadd.s32 $0x80, s12;
	v11 =	vld [tilespmem:s15+$0x0];
	vm9 =	vge.f32 v10, v9;
	vm11 =	vgt.f32 v9, $0.0e+00;
	(erf) = vpow2.f32 v15  }
0x12b: {  	s15 =	sand.u32 $0xC00, s12;
	v15 =	vmul.f32 $1.442695020e+00, v9;
	vm12 =	vgt.f32 v9, v10;
	(erf) = vrcp.f32 v12  }
0x12c: {  	s16 =	sand.u32 $0x70, s14;
	v1 =	vadd.f32 v13, v1;
	s18 =	sadd.s32 s15, s9;
	vm10 =	vmand vm10, vm9;
	vm9 =	vmand vm11, vm12;
	v7 =	vpop (erf)  }
0x12d: {  	s14 =	sadd.s32 $0x10, s14;
	s19 =	sadd.s32 s15, s22;
	s18 =	sadd.s32 s16, s18;
	vm8 =	vmor vm8, vm10;
	v10 =	vsub.f32 v14, v8;
	(erf) = vpow2.f32 v15;
	v9 =	vpop (erf)  }
0x12e: {  	v12 =	vld [tilespmem:s18+$0x0];
	s9 =	sadd.s32 s16, s19;
	s12 =	sadd.s32 s15, s23  }
0x12f: {  	v13 =	vld [tilespmem:s9+$0x0];
	s18 =	sadd.s32 s16, s12  }
0x130: {  	v14 =	vld [tilespmem:s18+$0x0];
	_ =	sdelay $0x2  }
0x131: {  	v8 =	vsub.f32 v11, v8  }
0x132: {  	vm10 =	vgt.f32 v10, $0.0e+00  }
0x133: {  	vm12 =	vge.f32 v10, v8;
	v13 =	vsub.f32 v13, v12;
	v12 =	vsub.f32 v14, v12  }
0x134: {  	v15 =	vadd.f32 $1.000000000e+00, v7;
	vm7 =	vmor vm7, vm9;
	vm9 =	vmand vm10, vm12  }
0x135: {  	vm8 =	vmor vm8, vm9;
	vm9 =	vgt.f32 v13, $0.0e+00;
	vm10 =	vge.f32 v13, v12  }
0x136: {  	v16 =	vpop (erf);
	v42 =	vmul.f32 $1.442695020e+00, v10;
	vm9 =	vmand vm9, vm10  }
0x137: {  	v15 =	vadd.f32 v16, v15;
	vm11 =	vgt.f32 v8, $0.0e+00;
	vm8 =	vmor vm8, vm9  }
0x138: {  	(erf) = vpow2.f32 v42;
	vm12 =	vgt.f32 v8, v10;
	v47 =	vsel vm8, $0x3F800000, v0  }
0x139: {  	v43 =	vmul.f32 $1.442695020e+00, v8;
	(erf) = vrcp.f32 v15;
	v44 =	vpop (erf);
	vm13 =	vmand vm11, vm12;
	(xrf0) =	vmax.scan.msk.f32 $0xffff, v47  }
0x13a: {  	v45 =	vadd.f32 $1.000000000e+00, v44;
	v46 =	vpop (erf);
	vm14 =	vgt.f32 v12, $0.0e+00;
	vm15 =	vgt.f32 v12, v13  }
0x13b: {  	vm7 =	vmor vm7, vm13;
	v17 =	vpop (erf);
	v13 =	vmul.f32 $1.442695020e+00, v13;
	vm8 =	vmand vm14, vm15  }
0x13c: {  	(erf) = vpow2.f32 v43;
	v10 =	vadd.f32 v17, v45;
	vm7 =	vmor vm7, vm8  }
0x13d: {  	v48 =	vmul.f32 $1.442695020e+00, v12;
	(erf) = vpow2.f32 v13;
	v49 =	vsel vm7, $0x3F800000, v0  }
0x13e: {  	(erf) = vrcp.f32 v10;
	(xrf0) =	vmax.scan.msk.f32 $0xffff, v49  }
0x13f: {  	(erf) = vpow2.f32 v48;
	v50, _, _ =	vpop (xrf0)  }
0x140: {  	(v2sf) =	vpush v50, $0xF;
	_ =	sdelay $0x1  }
0x141: {  	v51 =	vpop (erf)  }
0x142: {  	v52 =	vpop (erf)  }
0x143: {  	v53 =	vadd.f32 $1.000000000e+00, v51;
	v54, _, _ =	vpop (xrf0)  }
0x144: {  	v55 =	vpop (erf);
	(v2sf) =	vpush v54, $0xF  }
0x145: {  	v10 =	vadd.f32 v55, v53;
	v56 =	vpop (erf)  }
0x146: {  	v18 =	vpop (erf);
	v19 =	vadd.f32 $1.000000000e+00, v56  }
0x147: {  	(erf) = vrcp.f32 v10;
	v57 =	vpop (erf)  }
0x148: {  	v19 =	vadd.f32 v57, v19  }
0x149: {  	v4 =	vmul.f32 v9, v4  }
0x14a: {  	v3 =	vmul.f32 v9, v3;
	(erf) = vrcp.f32 v19  }
0x14b: {  	v2 =	vadd.f32 v4, v2;
	v58 =	vmul.f32 v46, v6  }
0x14c: {  	v1 =	vadd.f32 v3, v1;
	v3 =	vmul.f32 v46, v5  }
0x14d: {  	s19 =	sor.u32 s8, s7;
	v2 =	vadd.f32 v58, v2;
	v59 =	vmul.f32 v52, v16  }
0x14e: {  	s9 =	scvt.s32.f32 s19;
	v1 =	vadd.f32 v3, v1;
	v3 =	vmul.f32 v52, v7;
	s22 =	spop (v2sf)  }
0x14f: {  	v2 =	vadd.f32 v59, v2;
	v60 =	vmul.f32 v18, v17;
	p0 =	sgt.f32 s22, $0.0e+00  }
0x150: {  	s7 =	sadd.s32 $0x1, s7;
	s14 =	smin.f32 s30, s9;
	v1 =	vadd.f32 v3, v1;
	v3 =	vmul.f32 v18, v44;
	v61 =	vpop (erf)  }
0x151: {  	v2 =	vadd.f32 v60, v2;
	v62 =	vmul.f32 v61, v55;
	s30 =	smov.u32 @p0 s14;
	s29 =	smov.u32 @p0 s9;
	p0 =	sne.s32 s7, $0x10  }
.Ltmp5:
0x152: {  	v1 =	vadd.f32 v3, v1;
	v3 =	vmul.f32 v61, v51;
	(pc) =	sbr.rel @p0 .LBB2_10-.Ltmp5, $4  }
0x153: {  	v2 =	vadd.f32 v62, v2;
	v63 =	vpop (erf);
	s23 =	spop (v2sf)  }
0x154: {  	v1 =	vadd.f32 v3, v1;
	v3 =	vmul.f32 v63, v56;
	v4 =	vmul.f32 v63, v57;
	p1 =	sgt.f32 s23, $0.0e+00  }
0x155: {  	s12 =	smin.f32 s28, s9  }
0x156: {  	v2 =	vadd.f32 v4, v2;
	v1 =	vadd.f32 v3, v1;
	s28 =	smov.u32 @p1 s12;
	s26 =	smov.u32 @p1 s9  }
0x157: {  	_ =	swait.ge [sflag:s4], $0x2000  }
0x158: {  	[sflag:s4] =	ssyncset.done $0x0  }
0x159: {  	[sflag:s4] =	ssyncadd.s32 $0xFFFFE000  }
0x15a: {  	_ =	swait.ge [sflag:s4], $0x2000  }
0x15b: {  	[sflag:s4] =	ssyncset.done $0x0  }
0x15c: {  	[sflag:s4] =	ssyncadd.s32 $0xFFFFE000  }
0x15d: {  	_ =	swait.ge [sflag:s4], $0x2000  }
0x15e: {  	[sflag:s4] =	ssyncset.done $0x0  }
0x15f: {  	s0 =	simm.s32 $0x0;
	s7 =	simm.s32 $0x0;
	[sflag:s4] =	ssyncadd.s32 $0xFFFFE000  }
.LBB2_14:
0x160: {  	s9 =	sshll.u32 s7, $0x9;
	s12 =	sshll.u32 s7, $0x7  }
0x161: {  	s9 =	sand.u32 $0x1000, s9;
	s12 =	sand.u32 $0x380, s12  }
0x162: {  	s18 =	sand.u32 $0xC00, s0;
	s9 =	sor.u32 s12, s9  }
0x163: {  	s14 =	sand.u32 $0x70, s0;
	s22 =	sor.u32 $0x2000, s9;
	s15 =	sadd.s32 s18, s9  }
0x164: {  	s15 =	sadd.s32 s14, s15;
	s16 =	sadd.s32 s18, s22  }
0x165: {  	s23 =	sor.u32 $0x4000, s9;
	v3 =	vld [tilespmem:s15+$0x0];
	s19 =	sadd.s32 s14, s16  }
0x166: {  	s12 =	sadd.s32 s18, s23;
	v4 =	vld [tilespmem:s19+$0x0]  }
0x167: {  	s12 =	sadd.s32 s14, s12;
	s15 =	simm.s32 $0x80  }
0x168: {  	s16 =	simm.s32 $0x10;
	v5 =	vld [tilespmem:s12+$0x0];
	s12 =	sand.u32 $0xC00, s15  }
0x169: {  	s14 =	sand.u32 $0x70, s16;
	s18 =	sadd.s32 s12, s9  }
0x16a: {  	s19 =	sadd.s32 s12, s22;
	s15 =	sadd.s32 s14, s18  }
0x16b: {  	s16 =	sadd.s32 s14, s19;
	v6 =	vld [tilespmem:s15+$0x0];
	v4 =	vsub.f32 v4, v3  }
0x16c: {  	s12 =	sadd.s32 s12, s23;
	v7 =	vld [tilespmem:s16+$0x0]  }
0x16d: {  	s12 =	sadd.s32 s14, s12;
	v3 =	vsub.f32 v5, v3;
	v5 =	vmul.f32 $1.442695020e+00, v4  }
0x16e: {  	s18 =	simm.s32 $0x100;
	v8 =	vld [tilespmem:s12+$0x0]  }
0x16f: {  	s19 =	simm.s32 $0x20;
	s14 =	sand.u32 $0xC00, s18;
	(erf) = vpow2.f32 v5;
	v5 =	vmul.f32 $1.442695020e+00, v3  }
0x170: {  	s18 =	sand.u32 $0x70, s19;
	s19 =	sadd.s32 s14, s22  }
0x171: {  	s15 =	sadd.s32 s14, s9;
	s16 =	sadd.s32 s18, s19;
	v7 =	vsub.f32 v7, v6;
	(erf) = vpow2.f32 v5  }
0x172: {  	s15 =	sadd.s32 s18, s15;
	v9 =	vld [tilespmem:s16+$0x0]  }
0x173: {  	s14 =	sadd.s32 s14, s23;
	v6 =	vsub.f32 v8, v6;
	v8 =	vmul.f32 $1.442695020e+00, v7;
	v5 =	vld [tilespmem:s15+$0x0]  }
0x174: {  	s12 =	sadd.s32 s18, s14;
	vm7 =	vgt.f32 v4, $0.0e+00;
	vm8 =	vge.f32 v4, v3  }
0x175: {  	s18 =	simm.s32 $0x180;
	v10 =	vld [tilespmem:s12+$0x0];
	vm10 =	vgt.f32 v3, v4;
	v4 =	vmul.f32 $1.442695020e+00, v6;
	(erf) = vpow2.f32 v8  }
0x176: {  	s19 =	simm.s32 $0x30;
	s12 =	sand.u32 $0xC00, s18  }
0x177: {  	s14 =	sand.u32 $0x70, s19;
	vm9 =	vgt.f32 v3, $0.0e+00;
	s18 =	sadd.s32 s12, s22;
	vm7 =	vmand vm7, vm8;
	(erf) = vpow2.f32 v4  }
0x178: {  	s16 =	sadd.s32 s12, s9;
	vm8 =	vmand vm9, vm10;
	s19 =	sadd.s32 s14, s18;
	vm10 =	vge.f32 v7, v6;
	v8 =	vsub.f32 v9, v5;
	v3 =	vpop (erf)  }
0x179: {  	vm11 =	vgt.f32 v6, $0.0e+00;
	vm12 =	vgt.f32 v6, v7;
	v6 =	vld [tilespmem:s19+$0x0];
	s15 =	sadd.s32 s14, s16;
	v9 =	vadd.f32 $1.000000000e+00, v3  }
0x17a: {  	s12 =	sadd.s32 s12, s23;
	vm7 =	vmor vm0, vm7;
	v11 =	vld [tilespmem:s15+$0x0];
	v5 =	vsub.f32 v10, v5;
	v12 =	vmul.f32 $1.442695020e+00, v8;
	v4 =	vpop (erf)  }
0x17b: {  	s12 =	sadd.s32 s14, s12;
	vm8 =	vmor vm0, vm8;
	vm9 =	vgt.f32 v7, $0.0e+00;
	v7 =	vadd.f32 v4, v9  }
0x17c: {  	vm9 =	vmand vm9, vm10;
	vm10 =	vmand vm11, vm12;
	(erf) = vpow2.f32 v12;
	v9 =	vld [tilespmem:s12+$0x0]  }
0x17d: {  	s16 =	simm.s32 $0x200;
	vm10 =	vmor vm8, vm10;
	(erf) = vrcp.f32 v7;
	v7 =	vmul.f32 $1.442695020e+00, v5  }
0x17e: {  	s18 =	simm.s32 $0x40;
	s15 =	sand.u32 $0xC00, s16;
	vm8 =	vge.f32 v8, v5;
	vm11 =	vgt.f32 v5, $0.0e+00;
	vm12 =	vgt.f32 v5, v8;
	v5 =	vpop (erf)  }
0x17f: {  	s14 =	sand.u32 $0x70, s18;
	s19 =	sadd.s32 s15, s22;
	v10 =	vsub.f32 v6, v11;
	(erf) = vpow2.f32 v7;
	v7 =	vadd.f32 $1.000000000e+00, v5  }
0x180: {  	vm7 =	vmor vm7, vm9;
	s18 =	sadd.s32 s14, s19;
	vm9 =	vgt.f32 v8, $0.0e+00;
	s12 =	sadd.s32 s15, s9;
	v6 =	vpop (erf)  }
0x181: {  	v63 =	vld [tilespmem:s18+$0x0];
	s12 =	sadd.s32 s14, s12;
	v9 =	vsub.f32 v9, v11;
	v11 =	vmul.f32 $1.442695020e+00, v10;
	v7 =	vadd.f32 v6, v7  }
0x182: {  	s18 =	sadd.s32 s15, s23;
	vm8 =	vmand vm9, vm8;
	v8 =	vld [tilespmem:s12+$0x0]  }
0x183: {  	vm9 =	vmand vm11, vm12;
	s14 =	sadd.s32 s14, s18;
	(erf) = vpow2.f32 v11;
	v13 =	vmul.f32 $1.442695020e+00, v9  }
0x184: {  	vm11 =	vgt.f32 v10, $0.0e+00;
	vm8 =	vmor vm7, vm8;
	s12 =	simm.s32 $0x280;
	v11 =	vld [tilespmem:s14+$0x0];
	(erf) = vrcp.f32 v7  }
0x185: {  	s19 =	simm.s32 $0x50;
	vm7 =	vmor vm10, vm9;
	s15 =	sand.u32 $0xC00, s12;
	vm9 =	vge.f32 v10, v9;
	v7 =	vpop (erf);
	(erf) = vpow2.f32 v13  }
0x186: {  	s16 =	sand.u32 $0x70, s19;
	s19 =	sadd.s32 s15, s9;
	vm10 =	vgt.f32 v9, $0.0e+00;
	vm12 =	vgt.f32 v9, v10;
	vm11 =	vmand vm11, vm9  }
0x187: {  	s18 =	sadd.s32 s16, s19;
	s19 =	sadd.s32 s15, s22;
	s14 =	simm.s32 $0x60;
	v10 =	vsub.f32 v63, v8;
	vm9 =	vmand vm10, vm12;
	vm8 =	vmor vm8, vm11;
	v9 =	vpop (erf)  }
.LBB2_15:
0x188: {  	p0 =	sne.s32 s14, $0x1F0;
	s19 =	sadd.s32 s16, s19;
	v12 =	vadd.f32 $1.000000000e+00, v7;
	v13 =	vmul.f32 v9, v3;
	v16 =	vmul.f32 v9, v4;
	v9 =	vmovc v8;
	v8 =	vld [tilespmem:s18+$0x0];
	v4 =	vmovc v6  }
0x189: {  	s15 =	sadd.s32 s15, s23;
	v14 =	vld [tilespmem:s19+$0x0];
	v9 =	vsub.f32 v11, v9;
	v15 =	vmul.f32 $1.442695020e+00, v10;
	vm10 =	vgt.f32 v10, $0.0e+00;
	v6 =	vpop (erf)  }
.Ltmp6:
0x18a: {  	vm7 =	vmor vm7, vm9;
	v3 =	vmovc v5;
	v5 =	vmovc v7;
	s15 =	sadd.s32 s16, s15;
	v12 =	vadd.f32 v6, v12;
	v2 =	vadd.f32 v16, v2;
	(pc) =	sbr.rel @p0 .LBB2_15-.Ltmp6, $4  }
0x18b: {  	s12 =	sadd.s32 $0x80, s12;
	v11 =	vld [tilespmem:s15+$0x0];
	vm9 =	vge.f32 v10, v9;
	vm11 =	vgt.f32 v9, $0.0e+00;
	(erf) = vpow2.f32 v15  }
0x18c: {  	s15 =	sand.u32 $0xC00, s12;
	v15 =	vmul.f32 $1.442695020e+00, v9;
	vm12 =	vgt.f32 v9, v10;
	(erf) = vrcp.f32 v12  }
0x18d: {  	s16 =	sand.u32 $0x70, s14;
	v1 =	vadd.f32 v13, v1;
	s18 =	sadd.s32 s15, s9;
	vm10 =	vmand vm10, vm9;
	vm9 =	vmand vm11, vm12;
	v7 =	vpop (erf)  }
0x18e: {  	s14 =	sadd.s32 $0x10, s14;
	s19 =	sadd.s32 s15, s22;
	s18 =	sadd.s32 s16, s18;
	vm8 =	vmor vm8, vm10;
	v10 =	vsub.f32 v14, v8;
	(erf) = vpow2.f32 v15;
	v9 =	vpop (erf)  }
0x18f: {  	v12 =	vld [tilespmem:s18+$0x0];
	s9 =	sadd.s32 s16, s19;
	s12 =	sadd.s32 s15, s23  }
0x190: {  	v13 =	vld [tilespmem:s9+$0x0];
	s18 =	sadd.s32 s16, s12  }
0x191: {  	v14 =	vld [tilespmem:s18+$0x0];
	_ =	sdelay $0x2  }
0x192: {  	v8 =	vsub.f32 v11, v8  }
0x193: {  	vm10 =	vgt.f32 v10, $0.0e+00  }
0x194: {  	vm12 =	vge.f32 v10, v8;
	v13 =	vsub.f32 v13, v12;
	v12 =	vsub.f32 v14, v12  }
0x195: {  	v15 =	vadd.f32 $1.000000000e+00, v7;
	vm7 =	vmor vm7, vm9;
	vm9 =	vmand vm10, vm12  }
0x196: {  	vm8 =	vmor vm8, vm9;
	vm9 =	vgt.f32 v13, $0.0e+00;
	vm10 =	vge.f32 v13, v12  }
0x197: {  	v16 =	vpop (erf);
	v42 =	vmul.f32 $1.442695020e+00, v10;
	vm9 =	vmand vm9, vm10  }
0x198: {  	v15 =	vadd.f32 v16, v15;
	vm11 =	vgt.f32 v8, $0.0e+00;
	vm8 =	vmor vm8, vm9  }
0x199: {  	(erf) = vpow2.f32 v42;
	vm12 =	vgt.f32 v8, v10;
	v47 =	vsel vm8, $0x3F800000, v0  }
0x19a: {  	v43 =	vmul.f32 $1.442695020e+00, v8;
	(erf) = vrcp.f32 v15;
	v44 =	vpop (erf);
	vm13 =	vmand vm11, vm12;
	(xrf0) =	vmax.scan.msk.f32 $0xffff, v47  }
0x19b: {  	v45 =	vadd.f32 $1.000000000e+00, v44;
	v46 =	vpop (erf);
	vm14 =	vgt.f32 v12, $0.0e+00;
	vm15 =	vgt.f32 v12, v13  }
0x19c: {  	vm7 =	vmor vm7, vm13;
	v17 =	vpop (erf);
	v13 =	vmul.f32 $1.442695020e+00, v13;
	vm8 =	vmand vm14, vm15  }
0x19d: {  	(erf) = vpow2.f32 v43;
	v10 =	vadd.f32 v17, v45;
	vm7 =	vmor vm7, vm8  }
0x19e: {  	v48 =	vmul.f32 $1.442695020e+00, v12;
	(erf) = vpow2.f32 v13;
	v49 =	vsel vm7, $0x3F800000, v0  }
0x19f: {  	(erf) = vrcp.f32 v10;
	(xrf0) =	vmax.scan.msk.f32 $0xffff, v49  }
0x1a0: {  	(erf) = vpow2.f32 v48;
	v50, _, _ =	vpop (xrf0)  }
0x1a1: {  	(v2sf) =	vpush v50, $0xF;
	_ =	sdelay $0x1  }
0x1a2: {  	v51 =	vpop (erf)  }
0x1a3: {  	v52 =	vpop (erf)  }
0x1a4: {  	v53 =	vadd.f32 $1.000000000e+00, v51;
	v54, _, _ =	vpop (xrf0)  }
0x1a5: {  	v55 =	vpop (erf);
	(v2sf) =	vpush v54, $0xF  }
0x1a6: {  	v10 =	vadd.f32 v55, v53;
	v56 =	vpop (erf)  }
0x1a7: {  	v18 =	vpop (erf);
	v19 =	vadd.f32 $1.000000000e+00, v56  }
0x1a8: {  	(erf) = vrcp.f32 v10;
	v57 =	vpop (erf)  }
0x1a9: {  	v19 =	vadd.f32 v57, v19  }
0x1aa: {  	v4 =	vmul.f32 v9, v4  }
0x1ab: {  	v3 =	vmul.f32 v9, v3;
	(erf) = vrcp.f32 v19  }
0x1ac: {  	v2 =	vadd.f32 v4, v2;
	v58 =	vmul.f32 v46, v6  }
0x1ad: {  	v1 =	vadd.f32 v3, v1;
	v3 =	vmul.f32 v46, v5  }
0x1ae: {  	s19 =	sor.u32 s10, s7;
	v2 =	vadd.f32 v58, v2;
	v59 =	vmul.f32 v52, v16  }
0x1af: {  	s9 =	scvt.s32.f32 s19;
	v1 =	vadd.f32 v3, v1;
	v3 =	vmul.f32 v52, v7;
	s22 =	spop (v2sf)  }
0x1b0: {  	v2 =	vadd.f32 v59, v2;
	v60 =	vmul.f32 v18, v17;
	p0 =	sgt.f32 s22, $0.0e+00  }
0x1b1: {  	s7 =	sadd.s32 $0x1, s7;
	s14 =	smin.f32 s30, s9;
	v1 =	vadd.f32 v3, v1;
	v3 =	vmul.f32 v18, v44;
	v61 =	vpop (erf)  }
0x1b2: {  	v2 =	vadd.f32 v60, v2;
	v62 =	vmul.f32 v61, v55;
	s30 =	smov.u32 @p0 s14;
	s29 =	smov.u32 @p0 s9;
	p0 =	sne.s32 s7, $0x10  }
.Ltmp7:
0x1b3: {  	v1 =	vadd.f32 v3, v1;
	v3 =	vmul.f32 v61, v51;
	(pc) =	sbr.rel @p0 .LBB2_14-.Ltmp7, $4  }
0x1b4: {  	v2 =	vadd.f32 v62, v2;
	v63 =	vpop (erf);
	s23 =	spop (v2sf)  }
0x1b5: {  	v1 =	vadd.f32 v3, v1;
	v3 =	vmul.f32 v63, v56;
	v4 =	vmul.f32 v63, v57;
	p1 =	sgt.f32 s23, $0.0e+00  }
0x1b6: {  	s12 =	smin.f32 s28, s9  }
0x1b7: {  	v2 =	vadd.f32 v4, v2;
	v1 =	vadd.f32 v3, v1;
	s28 =	smov.u32 @p1 s12;
	s26 =	smov.u32 @p1 s9  }
0x1b8: {  	_ = 	snop  }
0x1b9: {  	(xrf2) =	vadd.scan.msk.f32 $0xffff, v1  }
0x1ba: {  	(xrf2) =	vadd.scan.msk.f32 $0xffff, v2;
	_ =	sdelay $0x6  }
0x1bb: {  	v1 =	vmov s30  }
0x1bc: {  	v1 =	vnsel vm1, $0x0, v1  }
0x1bd: {  	v1 =	vsel vm2, s29, v1;
	v2, _, _ =	vpop (xrf2)  }
0x1be: {  	v1 =	vsel vm3, s28, v1;
	v2 =	vbroadcast v2, $0xF;
	v3, _, _ =	vpop (xrf2)  }
0x1bf: {  	v1 =	vsel vm4, s26, v1;
	v3 =	vbroadcast v3, $0xF  }
0x1c0: {  	s25 =	sadd.s32 $0x1, s25;
	v1 =	vsel vm5, v2, v1  }
0x1c1: {  	p0 =	sne.s32 s25, s21;
	v1 =	vsel vm6, v1, v3  }
.Ltmp8:
0x1c2: {  	s0 =	simm.s32 $0x12000;
	[tilespmem:$0x12000] =	vst v1;
	(pc) =	sbr.rel @p0 .LBB2_1-.Ltmp8, $4  }
0x1c3: {  	[hbm4b:s20+s2] =	stream.linear.scatter [tilespmem:s0], [sflag:$0x4], $0x80, $0x38;
	[tilespmem:$0x12080] =	vst v63  }
0x1c4: {  	_ =	swait.ge [sflag:s24], $0x80  }
0x1c5: {  	[sflag:s24] =	ssyncset.done $0x0  }
0x1c6: {  	[sflag:s24] =	ssyncadd.s32 $0xFFFFFF80  }
0x1c7: {  	_ =	sfence.sel $0x180000  }
0x1c8: {  	[bflag:$0x0] =	sbarrier.arrive $0xFFFF  }
0x1c9: {  	_ =	strace $0x90000047  }
0x1ca: {  	s0 =	stileid.u32;
	[bflag:$0x2] =	sbarrier.arrive $0xFFFF  }
0x1cb: {  	p0 =	sne.s32 s0, $0x0;
	s0 =	rddreg [dreg:$0x2]  }
0x1cc: {  	s0 =	sadd.s32 @!p0 $0x100000, s0  }
0x1cd: {  	[sflag:s0] =	ssyncadd.tile.s32 @!p0 $0x1;
	_ =	shalt  }
.Lfunc_end2:
_tile_overlayer_lowered:
.L_overlay_start_2:
0x1ce: {  	(tag) =	ssettag $0x2  }
0x1cf: {  	s0 =	rddreg [dreg:$0x0];
	s2 =	stileid.u32  }
0x1d0: {  	s1 =	rddreg [dreg:$0x1];
	p0 =	sne.s32 s2, $0x0  }
0x1d1: {  	s3 =	rddreg [dreg:$0x2];
	[bflag:$0x3] =	sbarrier.arrive $0xFFFF;
	s2 =	simm.s32 @!p0 $0x1C04  }
0x1d2: {  	[timem:s3], [sflag:s2] =	dma.local @!p0 [hbm:s0], s1  }
0x1d3: {  	s0 =	simm.s32 @!p0 $0x4  }
0x1d4: {  	_ =	swait.ge @!p0 [sflag:s0], s1  }
0x1d5: {  	s1 =	ssub.s32 @!p0 $0x0, s1;
	[sflag:s0] =	ssyncset.done @!p0 $0x0  }
0x1d6: {  	[sflag:s0] =	ssyncadd.s32 @!p0 s1  }
0x1d7: {  	[bflag:$0x3] =	sbarrier.arrive $0xFFFF  }
0x1d8: {  	_ =	shalt  }

</sc_bundles>
